<compile_context>
chip_gen: v7x
topology: tpu7x:2x2x1
jax: 0.10.2.dev20260603
libtpu: 0.0.44.dev20260713+nightly
codegen_flags: <defaults>
</compile_context>

<pallas_src>
import functools

import jax
import jax.numpy as jnp
from jax import lax
from jax.experimental import pallas as pl
from jax.experimental.pallas import tpu as pltpu
from jax.experimental.pallas import tpu_sc as plsc

_B = 4096
_L = 50
_HID = 128

_NC = 2
_NS = 16
_NW = _NC * _NS
_BPW = _B // _NW
_HC = 2
_CHUNK = _BPW // _HC
_NCH = _L * _HC
_NB = 10
_NGRP = _NCH // _NB

_mesh = plsc.VectorSubcoreMesh(core_axis_name="c", subcore_axis_name="s")


@functools.partial(
    pl.kernel,
    mesh=_mesh,
    out_type=jax.ShapeDtypeStruct((_L, _B, _HID), jnp.float32),
    scratch_types=[
        pltpu.VMEM((_L, _BPW), jnp.int32),
        pltpu.VMEM((_NB, _CHUNK, _HID), jnp.float32),
        pltpu.SemaphoreType.DMA((_NB,)),
        pltpu.SemaphoreType.DMA((_NB,)),
    ],
)
def _gather_kernel(src_hbm, table_hbm, out_hbm, idx_v, rows_v, gsem, wsem):
    wid = lax.axis_index("s") * _NC + lax.axis_index("c")
    base = wid * _BPW
    pltpu.sync_copy(src_hbm.at[wid], idx_v)

    def idx_slice(c):
        return idx_v.at[c // _HC, pl.ds((c % _HC) * _CHUNK, _CHUNK)]

    def gather(c, b):
        return (table_hbm.at[idx_slice(c)], rows_v.at[b], gsem.at[b])

    def writeback(c, b):
        return (
            rows_v.at[b],
            out_hbm.at[c // _HC, pl.ds(base + (c % _HC) * _CHUNK, _CHUNK)],
            wsem.at[b],
        )

    for b in range(_NB):
        pltpu.async_copy(*gather(b, b))

    def group(o, carry):
        for b in range(_NB):
            pltpu.make_async_copy(*gather(o * _NB + b, b)).wait()
            pltpu.async_copy(*writeback(o * _NB + b, b))
        for b in range(_NB):
            pltpu.make_async_copy(*writeback(o * _NB + b, b)).wait()
            pltpu.async_copy(*gather((o + 1) * _NB + b, b))
        return carry

    lax.fori_loop(0, _NGRP - 1, group, 0)

    for b in range(_NB):
        pltpu.make_async_copy(*gather((_NGRP - 1) * _NB + b, b)).wait()
        pltpu.async_copy(*writeback((_NGRP - 1) * _NB + b, b))
    for b in range(_NB):
        pltpu.make_async_copy(*writeback((_NGRP - 1) * _NB + b, b)).wait()


def kernel(source, table):
    src = (
        source.astype(jnp.int32)
        .T.reshape(_L, _NW, _BPW)
        .transpose(1, 0, 2)
    )
    out = _gather_kernel(src, table)
    return out.transpose(1, 0, 2)

# --- scband reference (transcript-rebuilt; emitter-appended) ---
"""Pipeline reference for scband-encoder-31645319037696 (READ-ONLY COPY).

The authoritative reference and input builder live on the scoring server;
editing this copy changes nothing except your own understanding.
"""

import jax, jax.numpy as jnp
import numpy as np

VOCAB = 100000
HID = 128
B = 4096
L = 50


def setup_inputs(seed: int = 0) -> dict:
    key = jax.random.key(seed)
    k1, k2 = jax.random.split(key)
    source = jax.random.randint(k1, (B, L), 0, VOCAB)
    table = jax.random.normal(k2, (VOCAB, HID), dtype=jnp.float32)
    # padding_idx=0: row 0 of the embedding table is zero
    table = table.at[0].set(0.0)
    return {"source": source, "table": table}


def reference(source, table):
    # nn.Embedding(vocab, hidden, padding_idx=0): gather rows, row 0 forced to zero
    t = table.at[0].set(0.0)
    embedded = jnp.take(t, source, axis=0)  # [B, L, HID]
    return embedded

if __name__ == "__main__":
    import jax
    _d = setup_inputs()
    print(jax.jit(kernel)(*tuple(_d.values())))

</pallas_src>

<mosaic_0001>
#map = affine_map<(d0, d1) -> (0, 0, 0)>
#map1 = affine_map<(d0, d1) -> (0, 0)>
module attributes {stable_mosaic.version = 14 : i64} {
  func.func @_gather_kernel(%arg0: i32, %arg1: i32, %arg2: memref<32x50x128xi32, #tpu.memory_space<hbm>>, %arg3: memref<100000x128xf32, #tpu.memory_space<hbm>>, %arg4: memref<50x4096x128xf32, #tpu.memory_space<hbm>>, %arg5: memref<50x128xi32, #tpu.memory_space<vmem>>, %arg6: memref<10x64x128xf32, #tpu.memory_space<vmem>>, %arg7: memref<10x!tpu.dma_semaphore, #tpu.memory_space<semaphore_mem>>, %arg8: memref<10x!tpu.dma_semaphore, #tpu.memory_space<semaphore_mem>>) attributes {dimension_semantics = [#tpu.dimension_semantics<core_parallel>, #tpu.dimension_semantics<subcore_parallel>], iteration_bounds = array<i64: 2, 16>, scalar_prefetch = 0 : i64, scratch_operands = 4 : i64, tpu.core_type = #tpu.core_type<sc_vector_subcore>, window_params = [{transform_indices = #map}, {transform_indices = #map1}, {transform_indices = #map}]} {
    %mul3A = arith.constant 2 : i32
    %mul3A_0 = arith.muli %arg1, %mul3A : i32
    %add3A = arith.addi %mul3A_0, %arg0 : i32
    %mul3A_1 = arith.constant 128 : i32
    %mul3A_2 = arith.muli %add3A, %mul3A_1 : i32
    "tpu.region"() ({
      %run_scoped3A = tpu.sem_alloc : memref<!tpu.dma_semaphore, #tpu.memory_space<semaphore_mem>>
      %dma_start3A_726 = arith.constant 0 : i32
      %dma_start3A_727 = arith.constant 0 : i32
      %dma_start3A_728 = tpu.memref_slice %arg2[%add3A, %dma_start3A_726, %dma_start3A_727] : memref<32x50x128xi32, #tpu.memory_space<hbm>> -> memref<1x50x128xi32, #tpu.memory_space<hbm>>
      %dma_start3A_729 = tpu.memref_squeeze %dma_start3A_728 : memref<1x50x128xi32, #tpu.memory_space<hbm>> -> memref<50x128xi32, #tpu.memory_space<hbm>>
      %dma_start3A_730 = arith.constant 0 : i32
      %dma_start3A_731 = arith.constant 0 : i32
      %dma_start3A_732 = tpu.memref_slice %arg2[%add3A, %dma_start3A_730, %dma_start3A_731] : memref<32x50x128xi32, #tpu.memory_space<hbm>> -> memref<1x50x128xi32, #tpu.memory_space<hbm>>
      %dma_start3A_733 = tpu.memref_squeeze %dma_start3A_732 : memref<1x50x128xi32, #tpu.memory_space<hbm>> -> memref<50x128xi32, #tpu.memory_space<hbm>>
      tpu.enqueue_dma source(%dma_start3A_733 : memref<50x128xi32, #tpu.memory_space<hbm>>) target(%arg5 : memref<50x128xi32, #tpu.memory_space<vmem>>) target_semaphore(%run_scoped3A : memref<!tpu.dma_semaphore, #tpu.memory_space<semaphore_mem>>)
      %dma_wait3A_734 = arith.constant 0 : i32
      %dma_wait3A_735 = arith.constant 0 : i32
      %dma_wait3A_736 = tpu.memref_slice %arg2[%add3A, %dma_wait3A_734, %dma_wait3A_735] : memref<32x50x128xi32, #tpu.memory_space<hbm>> -> memref<1x50x128xi32, #tpu.memory_space<hbm>>
      %dma_wait3A_737 = tpu.memref_squeeze %dma_wait3A_736 : memref<1x50x128xi32, #tpu.memory_space<hbm>> -> memref<50x128xi32, #tpu.memory_space<hbm>>
      %dma_wait3A_738 = arith.constant 0 : i32
      %dma_wait3A_739 = arith.constant 0 : i32
      %dma_wait3A_740 = tpu.memref_slice %arg2[%add3A, %dma_wait3A_738, %dma_wait3A_739] : memref<32x50x128xi32, #tpu.memory_space<hbm>> -> memref<1x50x128xi32, #tpu.memory_space<hbm>>
      %dma_wait3A_741 = tpu.memref_squeeze %dma_wait3A_740 : memref<1x50x128xi32, #tpu.memory_space<hbm>> -> memref<50x128xi32, #tpu.memory_space<hbm>>
      tpu.wait_dma2 semaphore(%run_scoped3A : memref<!tpu.dma_semaphore, #tpu.memory_space<semaphore_mem>>) src(%dma_wait3A_741 : memref<50x128xi32, #tpu.memory_space<hbm>>) dst(%arg5 : memref<50x128xi32, #tpu.memory_space<vmem>>)
      tpu.yield
    }) : () -> ()
    %dma_start3A = arith.constant 0 : i32
    %dma_start3A_3 = arith.constant 0 : i32
    %dma_start3A_4 = arith.constant 0 : i32
    %dma_start3A_5 = arith.constant 0 : i32
    %dma_start3A_6 = arith.constant 0 : i32
    %dma_start3A_7 = tpu.memref_slice %arg6[%dma_start3A_3, %dma_start3A_5, %dma_start3A_6] : memref<10x64x128xf32, #tpu.memory_space<vmem>> -> memref<1x64x128xf32, #tpu.memory_space<vmem>>
    %dma_start3A_8 = tpu.memref_squeeze %dma_start3A_7 : memref<1x64x128xf32, #tpu.memory_space<vmem>> -> memref<64x128xf32, #tpu.memory_space<vmem>>
    %dma_start3A_9 = arith.constant 0 : i32
    %dma_start3A_10 = tpu.memref_slice %arg5[%dma_start3A, %dma_start3A_9] : memref<50x128xi32, #tpu.memory_space<vmem>> -> memref<1x64xi32, #tpu.memory_space<vmem>>
    %dma_start3A_11 = tpu.memref_squeeze %dma_start3A_10 : memref<1x64xi32, #tpu.memory_space<vmem>> -> memref<64xi32, #tpu.memory_space<vmem>>
    %dma_start3A_12 = arith.constant 0 : i32
    %dma_start3A_13 = arith.constant 0 : i32
    %dma_start3A_14 = tpu.memref_slice %arg3[%dma_start3A_12, %dma_start3A_13] : memref<100000x128xf32, #tpu.memory_space<hbm>> -> memref<100000x128xf32, #tpu.memory_space<hbm>>
    %dma_start3A_15 = tpu.memref_slice %arg7[%dma_start3A_4] : memref<10x!tpu.dma_semaphore, #tpu.memory_space<semaphore_mem>> -> memref<1x!tpu.dma_semaphore, #tpu.memory_space<semaphore_mem>>
    %dma_start3A_16 = tpu.memref_squeeze %dma_start3A_15 : memref<1x!tpu.dma_semaphore, #tpu.memory_space<semaphore_mem>> -> memref<!tpu.dma_semaphore, #tpu.memory_space<semaphore_mem>>
    tpu.enqueue_indirect_dma source(%dma_start3A_14 : memref<100000x128xf32, #tpu.memory_space<hbm>>) target(%dma_start3A_8 : memref<64x128xf32, #tpu.memory_space<vmem>>) offsets(%dma_start3A_11 : memref<64xi32, #tpu.memory_space<vmem>>) semaphore(%dma_start3A_16 : memref<!tpu.dma_semaphore, #tpu.memory_space<semaphore_mem>>)
    %dma_start3A_17 = arith.constant 0 : i32
    %dma_start3A_18 = arith.constant 1 : i32
    %dma_start3A_19 = arith.constant 1 : i32
    %dma_start3A_20 = arith.constant 0 : i32
    %dma_start3A_21 = arith.constant 0 : i32
    %dma_start3A_22 = tpu.memref_slice %arg6[%dma_start3A_18, %dma_start3A_20, %dma_start3A_21] : memref<10x64x128xf32, #tpu.memory_space<vmem>> -> memref<1x64x128xf32, #tpu.memory_space<vmem>>
    %dma_start3A_23 = tpu.memref_squeeze %dma_start3A_22 : memref<1x64x128xf32, #tpu.memory_space<vmem>> -> memref<64x128xf32, #tpu.memory_space<vmem>>
    %dma_start3A_24 = arith.constant 64 : i32
    %dma_start3A_25 = tpu.memref_slice %arg5[%dma_start3A_17, %dma_start3A_24] : memref<50x128xi32, #tpu.memory_space<vmem>> -> memref<1x64xi32, #tpu.memory_space<vmem>>
    %dma_start3A_26 = tpu.memref_squeeze %dma_start3A_25 : memref<1x64xi32, #tpu.memory_space<vmem>> -> memref<64xi32, #tpu.memory_space<vmem>>
    %dma_start3A_27 = arith.constant 0 : i32
    %dma_start3A_28 = arith.constant 0 : i32
    %dma_start3A_29 = tpu.memref_slice %arg3[%dma_start3A_27, %dma_start3A_28] : memref<100000x128xf32, #tpu.memory_space<hbm>> -> memref<100000x128xf32, #tpu.memory_space<hbm>>
    %dma_start3A_30 = tpu.memref_slice %arg7[%dma_start3A_19] : memref<10x!tpu.dma_semaphore, #tpu.memory_space<semaphore_mem>> -> memref<1x!tpu.dma_semaphore, #tpu.memory_space<semaphore_mem>>
    %dma_start3A_31 = tpu.memref_squeeze %dma_start3A_30 : memref<1x!tpu.dma_semaphore, #tpu.memory_space<semaphore_mem>> -> memref<!tpu.dma_semaphore, #tpu.memory_space<semaphore_mem>>
    tpu.enqueue_indirect_dma source(%dma_start3A_29 : memref<100000x128xf32, #tpu.memory_space<hbm>>) target(%dma_start3A_23 : memref<64x128xf32, #tpu.memory_space<vmem>>) offsets(%dma_start3A_26 : memref<64xi32, #tpu.memory_space<vmem>>) semaphore(%dma_start3A_31 : memref<!tpu.dma_semaphore, #tpu.memory_space<semaphore_mem>>)
    %dma_start3A_32 = arith.constant 1 : i32
    %dma_start3A_33 = arith.constant 2 : i32
    %dma_start3A_34 = arith.constant 2 : i32
    %dma_start3A_35 = arith.constant 0 : i32
    %dma_start3A_36 = arith.constant 0 : i32
    %dma_start3A_37 = tpu.memref_slice %arg6[%dma_start3A_33, %dma_start3A_35, %dma_start3A_36] : memref<10x64x128xf32, #tpu.memory_space<vmem>> -> memref<1x64x128xf32, #tpu.memory_space<vmem>>
    %dma_start3A_38 = tpu.memref_squeeze %dma_start3A_37 : memref<1x64x128xf32, #tpu.memory_space<vmem>> -> memref<64x128xf32, #tpu.memory_space<vmem>>
    %dma_start3A_39 = arith.constant 0 : i32
    %dma_start3A_40 = tpu.memref_slice %arg5[%dma_start3A_32, %dma_start3A_39] : memref<50x128xi32, #tpu.memory_space<vmem>> -> memref<1x64xi32, #tpu.memory_space<vmem>>
    %dma_start3A_41 = tpu.memref_squeeze %dma_start3A_40 : memref<1x64xi32, #tpu.memory_space<vmem>> -> memref<64xi32, #tpu.memory_space<vmem>>
    %dma_start3A_42 = arith.constant 0 : i32
    %dma_start3A_43 = arith.constant 0 : i32
    %dma_start3A_44 = tpu.memref_slice %arg3[%dma_start3A_42, %dma_start3A_43] : memref<100000x128xf32, #tpu.memory_space<hbm>> -> memref<100000x128xf32, #tpu.memory_space<hbm>>
    %dma_start3A_45 = tpu.memref_slice %arg7[%dma_start3A_34] : memref<10x!tpu.dma_semaphore, #tpu.memory_space<semaphore_mem>> -> memref<1x!tpu.dma_semaphore, #tpu.memory_space<semaphore_mem>>
    %dma_start3A_46 = tpu.memref_squeeze %dma_start3A_45 : memref<1x!tpu.dma_semaphore, #tpu.memory_space<semaphore_mem>> -> memref<!tpu.dma_semaphore, #tpu.memory_space<semaphore_mem>>
    tpu.enqueue_indirect_dma source(%dma_start3A_44 : memref<100000x128xf32, #tpu.memory_space<hbm>>) target(%dma_start3A_38 : memref<64x128xf32, #tpu.memory_space<vmem>>) offsets(%dma_start3A_41 : memref<64xi32, #tpu.memory_space<vmem>>) semaphore(%dma_start3A_46 : memref<!tpu.dma_semaphore, #tpu.memory_space<semaphore_mem>>)
    %dma_start3A_47 = arith.constant 1 : i32
    %dma_start3A_48 = arith.constant 3 : i32
    %dma_start3A_49 = arith.constant 3 : i32
    %dma_start3A_50 = arith.constant 0 : i32
    %dma_start3A_51 = arith.constant 0 : i32
    %dma_start3A_52 = tpu.memref_slice %arg6[%dma_start3A_48, %dma_start3A_50, %dma_start3A_51] : memref<10x64x128xf32, #tpu.memory_space<vmem>> -> memref<1x64x128xf32, #tpu.memory_space<vmem>>
    %dma_start3A_53 = tpu.memref_squeeze %dma_start3A_52 : memref<1x64x128xf32, #tpu.memory_space<vmem>> -> memref<64x128xf32, #tpu.memory_space<vmem>>
    %dma_start3A_54 = arith.constant 64 : i32
    %dma_start3A_55 = tpu.memref_slice %arg5[%dma_start3A_47, %dma_start3A_54] : memref<50x128xi32, #tpu.memory_space<vmem>> -> memref<1x64xi32, #tpu.memory_space<vmem>>
    %dma_start3A_56 = tpu.memref_squeeze %dma_start3A_55 : memref<1x64xi32, #tpu.memory_space<vmem>> -> memref<64xi32, #tpu.memory_space<vmem>>
    %dma_start3A_57 = arith.constant 0 : i32
    %dma_start3A_58 = arith.constant 0 : i32
    %dma_start3A_59 = tpu.memref_slice %arg3[%dma_start3A_57, %dma_start3A_58] : memref<100000x128xf32, #tpu.memory_space<hbm>> -> memref<100000x128xf32, #tpu.memory_space<hbm>>
    %dma_start3A_60 = tpu.memref_slice %arg7[%dma_start3A_49] : memref<10x!tpu.dma_semaphore, #tpu.memory_space<semaphore_mem>> -> memref<1x!tpu.dma_semaphore, #tpu.memory_space<semaphore_mem>>
    %dma_start3A_61 = tpu.memref_squeeze %dma_start3A_60 : memref<1x!tpu.dma_semaphore, #tpu.memory_space<semaphore_mem>> -> memref<!tpu.dma_semaphore, #tpu.memory_space<semaphore_mem>>
    tpu.enqueue_indirect_dma source(%dma_start3A_59 : memref<100000x128xf32, #tpu.memory_space<hbm>>) target(%dma_start3A_53 : memref<64x128xf32, #tpu.memory_space<vmem>>) offsets(%dma_start3A_56 : memref<64xi32, #tpu.memory_space<vmem>>) semaphore(%dma_start3A_61 : memref<!tpu.dma_semaphore, #tpu.memory_space<semaphore_mem>>)
    %dma_start3A_62 = arith.constant 2 : i32
    %dma_start3A_63 = arith.constant 4 : i32
    %dma_start3A_64 = arith.constant 4 : i32
    %dma_start3A_65 = arith.constant 0 : i32
    %dma_start3A_66 = arith.constant 0 : i32
    %dma_start3A_67 = tpu.memref_slice %arg6[%dma_start3A_63, %dma_start3A_65, %dma_start3A_66] : memref<10x64x128xf32, #tpu.memory_space<vmem>> -> memref<1x64x128xf32, #tpu.memory_space<vmem>>
    %dma_start3A_68 = tpu.memref_squeeze %dma_start3A_67 : memref<1x64x128xf32, #tpu.memory_space<vmem>> -> memref<64x128xf32, #tpu.memory_space<vmem>>
    %dma_start3A_69 = arith.constant 0 : i32
    %dma_start3A_70 = tpu.memref_slice %arg5[%dma_start3A_62, %dma_start3A_69] : memref<50x128xi32, #tpu.memory_space<vmem>> -> memref<1x64xi32, #tpu.memory_space<vmem>>
    %dma_start3A_71 = tpu.memref_squeeze %dma_start3A_70 : memref<1x64xi32, #tpu.memory_space<vmem>> -> memref<64xi32, #tpu.memory_space<vmem>>
    %dma_start3A_72 = arith.constant 0 : i32
    %dma_start3A_73 = arith.constant 0 : i32
    %dma_start3A_74 = tpu.memref_slice %arg3[%dma_start3A_72, %dma_start3A_73] : memref<100000x128xf32, #tpu.memory_space<hbm>> -> memref<100000x128xf32, #tpu.memory_space<hbm>>
    %dma_start3A_75 = tpu.memref_slice %arg7[%dma_start3A_64] : memref<10x!tpu.dma_semaphore, #tpu.memory_space<semaphore_mem>> -> memref<1x!tpu.dma_semaphore, #tpu.memory_space<semaphore_mem>>
    %dma_start3A_76 = tpu.memref_squeeze %dma_start3A_75 : memref<1x!tpu.dma_semaphore, #tpu.memory_space<semaphore_mem>> -> memref<!tpu.dma_semaphore, #tpu.memory_space<semaphore_mem>>
    tpu.enqueue_indirect_dma source(%dma_start3A_74 : memref<100000x128xf32, #tpu.memory_space<hbm>>) target(%dma_start3A_68 : memref<64x128xf32, #tpu.memory_space<vmem>>) offsets(%dma_start3A_71 : memref<64xi32, #tpu.memory_space<vmem>>) semaphore(%dma_start3A_76 : memref<!tpu.dma_semaphore, #tpu.memory_space<semaphore_mem>>)
    %dma_start3A_77 = arith.constant 2 : i32
    %dma_start3A_78 = arith.constant 5 : i32
    %dma_start3A_79 = arith.constant 5 : i32
    %dma_start3A_80 = arith.constant 0 : i32
    %dma_start3A_81 = arith.constant 0 : i32
    %dma_start3A_82 = tpu.memref_slice %arg6[%dma_start3A_78, %dma_start3A_80, %dma_start3A_81] : memref<10x64x128xf32, #tpu.memory_space<vmem>> -> memref<1x64x128xf32, #tpu.memory_space<vmem>>
    %dma_start3A_83 = tpu.memref_squeeze %dma_start3A_82 : memref<1x64x128xf32, #tpu.memory_space<vmem>> -> memref<64x128xf32, #tpu.memory_space<vmem>>
    %dma_start3A_84 = arith.constant 64 : i32
    %dma_start3A_85 = tpu.memref_slice %arg5[%dma_start3A_77, %dma_start3A_84] : memref<50x128xi32, #tpu.memory_space<vmem>> -> memref<1x64xi32, #tpu.memory_space<vmem>>
    %dma_start3A_86 = tpu.memref_squeeze %dma_start3A_85 : memref<1x64xi32, #tpu.memory_space<vmem>> -> memref<64xi32, #tpu.memory_space<vmem>>
    %dma_start3A_87 = arith.constant 0 : i32
    %dma_start3A_88 = arith.constant 0 : i32
    %dma_start3A_89 = tpu.memref_slice %arg3[%dma_start3A_87, %dma_start3A_88] : memref<100000x128xf32, #tpu.memory_space<hbm>> -> memref<100000x128xf32, #tpu.memory_space<hbm>>
    %dma_start3A_90 = tpu.memref_slice %arg7[%dma_start3A_79] : memref<10x!tpu.dma_semaphore, #tpu.memory_space<semaphore_mem>> -> memref<1x!tpu.dma_semaphore, #tpu.memory_space<semaphore_mem>>
    %dma_start3A_91 = tpu.memref_squeeze %dma_start3A_90 : memref<1x!tpu.dma_semaphore, #tpu.memory_space<semaphore_mem>> -> memref<!tpu.dma_semaphore, #tpu.memory_space<semaphore_mem>>
    tpu.enqueue_indirect_dma source(%dma_start3A_89 : memref<100000x128xf32, #tpu.memory_space<hbm>>) target(%dma_start3A_83 : memref<64x128xf32, #tpu.memory_space<vmem>>) offsets(%dma_start3A_86 : memref<64xi32, #tpu.memory_space<vmem>>) semaphore(%dma_start3A_91 : memref<!tpu.dma_semaphore, #tpu.memory_space<semaphore_mem>>)
    %dma_start3A_92 = arith.constant 3 : i32
    %dma_start3A_93 = arith.constant 6 : i32
    %dma_start3A_94 = arith.constant 6 : i32
    %dma_start3A_95 = arith.constant 0 : i32
    %dma_start3A_96 = arith.constant 0 : i32
    %dma_start3A_97 = tpu.memref_slice %arg6[%dma_start3A_93, %dma_start3A_95, %dma_start3A_96] : memref<10x64x128xf32, #tpu.memory_space<vmem>> -> memref<1x64x128xf32, #tpu.memory_space<vmem>>
    %dma_start3A_98 = tpu.memref_squeeze %dma_start3A_97 : memref<1x64x128xf32, #tpu.memory_space<vmem>> -> memref<64x128xf32, #tpu.memory_space<vmem>>
    %dma_start3A_99 = arith.constant 0 : i32
    %dma_start3A_100 = tpu.memref_slice %arg5[%dma_start3A_92, %dma_start3A_99] : memref<50x128xi32, #tpu.memory_space<vmem>> -> memref<1x64xi32, #tpu.memory_space<vmem>>
    %dma_start3A_101 = tpu.memref_squeeze %dma_start3A_100 : memref<1x64xi32, #tpu.memory_space<vmem>> -> memref<64xi32, #tpu.memory_space<vmem>>
    %dma_start3A_102 = arith.constant 0 : i32
    %dma_start3A_103 = arith.constant 0 : i32
    %dma_start3A_104 = tpu.memref_slice %arg3[%dma_start3A_102, %dma_start3A_103] : memref<100000x128xf32, #tpu.memory_space<hbm>> -> memref<100000x128xf32, #tpu.memory_space<hbm>>
    %dma_start3A_105 = tpu.memref_slice %arg7[%dma_start3A_94] : memref<10x!tpu.dma_semaphore, #tpu.memory_space<semaphore_mem>> -> memref<1x!tpu.dma_semaphore, #tpu.memory_space<semaphore_mem>>
    %dma_start3A_106 = tpu.memref_squeeze %dma_start3A_105 : memref<1x!tpu.dma_semaphore, #tpu.memory_space<semaphore_mem>> -> memref<!tpu.dma_semaphore, #tpu.memory_space<semaphore_mem>>
    tpu.enqueue_indirect_dma source(%dma_start3A_104 : memref<100000x128xf32, #tpu.memory_space<hbm>>) target(%dma_start3A_98 : memref<64x128xf32, #tpu.memory_space<vmem>>) offsets(%dma_start3A_101 : memref<64xi32, #tpu.memory_space<vmem>>) semaphore(%dma_start3A_106 : memref<!tpu.dma_semaphore, #tpu.memory_space<semaphore_mem>>)
    %dma_start3A_107 = arith.constant 3 : i32
    %dma_start3A_108 = arith.constant 7 : i32
    %dma_start3A_109 = arith.constant 7 : i32
    %dma_start3A_110 = arith.constant 0 : i32
    %dma_start3A_111 = arith.constant 0 : i32
    %dma_start3A_112 = tpu.memref_slice %arg6[%dma_start3A_108, %dma_start3A_110, %dma_start3A_111] : memref<10x64x128xf32, #tpu.memory_space<vmem>> -> memref<1x64x128xf32, #tpu.memory_space<vmem>>
    %dma_start3A_113 = tpu.memref_squeeze %dma_start3A_112 : memref<1x64x128xf32, #tpu.memory_space<vmem>> -> memref<64x128xf32, #tpu.memory_space<vmem>>
    %dma_start3A_114 = arith.constant 64 : i32
    %dma_start3A_115 = tpu.memref_slice %arg5[%dma_start3A_107, %dma_start3A_114] : memref<50x128xi32, #tpu.memory_space<vmem>> -> memref<1x64xi32, #tpu.memory_space<vmem>>
    %dma_start3A_116 = tpu.memref_squeeze %dma_start3A_115 : memref<1x64xi32, #tpu.memory_space<vmem>> -> memref<64xi32, #tpu.memory_space<vmem>>
    %dma_start3A_117 = arith.constant 0 : i32
    %dma_start3A_118 = arith.constant 0 : i32
    %dma_start3A_119 = tpu.memref_slice %arg3[%dma_start3A_117, %dma_start3A_118] : memref<100000x128xf32, #tpu.memory_space<hbm>> -> memref<100000x128xf32, #tpu.memory_space<hbm>>
    %dma_start3A_120 = tpu.memref_slice %arg7[%dma_start3A_109] : memref<10x!tpu.dma_semaphore, #tpu.memory_space<semaphore_mem>> -> memref<1x!tpu.dma_semaphore, #tpu.memory_space<semaphore_mem>>
    %dma_start3A_121 = tpu.memref_squeeze %dma_start3A_120 : memref<1x!tpu.dma_semaphore, #tpu.memory_space<semaphore_mem>> -> memref<!tpu.dma_semaphore, #tpu.memory_space<semaphore_mem>>
    tpu.enqueue_indirect_dma source(%dma_start3A_119 : memref<100000x128xf32, #tpu.memory_space<hbm>>) target(%dma_start3A_113 : memref<64x128xf32, #tpu.memory_space<vmem>>) offsets(%dma_start3A_116 : memref<64xi32, #tpu.memory_space<vmem>>) semaphore(%dma_start3A_121 : memref<!tpu.dma_semaphore, #tpu.memory_space<semaphore_mem>>)
    %dma_start3A_122 = arith.constant 4 : i32
    %dma_start3A_123 = arith.constant 8 : i32
    %dma_start3A_124 = arith.constant 8 : i32
    %dma_start3A_125 = arith.constant 0 : i32
    %dma_start3A_126 = arith.constant 0 : i32
    %dma_start3A_127 = tpu.memref_slice %arg6[%dma_start3A_123, %dma_start3A_125, %dma_start3A_126] : memref<10x64x128xf32, #tpu.memory_space<vmem>> -> memref<1x64x128xf32, #tpu.memory_space<vmem>>
    %dma_start3A_128 = tpu.memref_squeeze %dma_start3A_127 : memref<1x64x128xf32, #tpu.memory_space<vmem>> -> memref<64x128xf32, #tpu.memory_space<vmem>>
    %dma_start3A_129 = arith.constant 0 : i32
    %dma_start3A_130 = tpu.memref_slice %arg5[%dma_start3A_122, %dma_start3A_129] : memref<50x128xi32, #tpu.memory_space<vmem>> -> memref<1x64xi32, #tpu.memory_space<vmem>>
    %dma_start3A_131 = tpu.memref_squeeze %dma_start3A_130 : memref<1x64xi32, #tpu.memory_space<vmem>> -> memref<64xi32, #tpu.memory_space<vmem>>
    %dma_start3A_132 = arith.constant 0 : i32
    %dma_start3A_133 = arith.constant 0 : i32
    %dma_start3A_134 = tpu.memref_slice %arg3[%dma_start3A_132, %dma_start3A_133] : memref<100000x128xf32, #tpu.memory_space<hbm>> -> memref<100000x128xf32, #tpu.memory_space<hbm>>
    %dma_start3A_135 = tpu.memref_slice %arg7[%dma_start3A_124] : memref<10x!tpu.dma_semaphore, #tpu.memory_space<semaphore_mem>> -> memref<1x!tpu.dma_semaphore, #tpu.memory_space<semaphore_mem>>
    %dma_start3A_136 = tpu.memref_squeeze %dma_start3A_135 : memref<1x!tpu.dma_semaphore, #tpu.memory_space<semaphore_mem>> -> memref<!tpu.dma_semaphore, #tpu.memory_space<semaphore_mem>>
    tpu.enqueue_indirect_dma source(%dma_start3A_134 : memref<100000x128xf32, #tpu.memory_space<hbm>>) target(%dma_start3A_128 : memref<64x128xf32, #tpu.memory_space<vmem>>) offsets(%dma_start3A_131 : memref<64xi32, #tpu.memory_space<vmem>>) semaphore(%dma_start3A_136 : memref<!tpu.dma_semaphore, #tpu.memory_space<semaphore_mem>>)
    %dma_start3A_137 = arith.constant 4 : i32
    %dma_start3A_138 = arith.constant 9 : i32
    %dma_start3A_139 = arith.constant 9 : i32
    %dma_start3A_140 = arith.constant 0 : i32
    %dma_start3A_141 = arith.constant 0 : i32
    %dma_start3A_142 = tpu.memref_slice %arg6[%dma_start3A_138, %dma_start3A_140, %dma_start3A_141] : memref<10x64x128xf32, #tpu.memory_space<vmem>> -> memref<1x64x128xf32, #tpu.memory_space<vmem>>
    %dma_start3A_143 = tpu.memref_squeeze %dma_start3A_142 : memref<1x64x128xf32, #tpu.memory_space<vmem>> -> memref<64x128xf32, #tpu.memory_space<vmem>>
    %dma_start3A_144 = arith.constant 64 : i32
    %dma_start3A_145 = tpu.memref_slice %arg5[%dma_start3A_137, %dma_start3A_144] : memref<50x128xi32, #tpu.memory_space<vmem>> -> memref<1x64xi32, #tpu.memory_space<vmem>>
    %dma_start3A_146 = tpu.memref_squeeze %dma_start3A_145 : memref<1x64xi32, #tpu.memory_space<vmem>> -> memref<64xi32, #tpu.memory_space<vmem>>
    %dma_start3A_147 = arith.constant 0 : i32
    %dma_start3A_148 = arith.constant 0 : i32
    %dma_start3A_149 = tpu.memref_slice %arg3[%dma_start3A_147, %dma_start3A_148] : memref<100000x128xf32, #tpu.memory_space<hbm>> -> memref<100000x128xf32, #tpu.memory_space<hbm>>
    %dma_start3A_150 = tpu.memref_slice %arg7[%dma_start3A_139] : memref<10x!tpu.dma_semaphore, #tpu.memory_space<semaphore_mem>> -> memref<1x!tpu.dma_semaphore, #tpu.memory_space<semaphore_mem>>
    %dma_start3A_151 = tpu.memref_squeeze %dma_start3A_150 : memref<1x!tpu.dma_semaphore, #tpu.memory_space<semaphore_mem>> -> memref<!tpu.dma_semaphore, #tpu.memory_space<semaphore_mem>>
    tpu.enqueue_indirect_dma source(%dma_start3A_149 : memref<100000x128xf32, #tpu.memory_space<hbm>>) target(%dma_start3A_143 : memref<64x128xf32, #tpu.memory_space<vmem>>) offsets(%dma_start3A_146 : memref<64xi32, #tpu.memory_space<vmem>>) semaphore(%dma_start3A_151 : memref<!tpu.dma_semaphore, #tpu.memory_space<semaphore_mem>>)
    %scan3A = arith.constant 0 : i32
    %scan3A_152 = arith.constant 0 : i32
    %scan3A_153 = arith.constant 9 : i32
    %scan3A_154 = arith.addi %scan3A_152, %scan3A_153 : i32
    %scan3A_155 = arith.constant 1 : i32
    scf.for %scan3A_726 = %scan3A_152 to %scan3A_154 step %scan3A_155  : i32 {
      %mul3A_727 = arith.constant 10 : i32
      %mul3A_728 = arith.muli %scan3A_726, %mul3A_727 : i32
      %add3A_729 = arith.constant 0 : i32
      %add3A_730 = arith.addi %mul3A_728, %add3A_729 : i32
      %jit3A = arith.constant 2 : i32
      %div3A = arith.divsi %add3A_730, %jit3A : i32
      %sign3A = arith.constant 0 : i32
      %sign3A_731 = arith.cmpi sgt, %add3A_730, %sign3A : i32
      %sign3A_732 = arith.extui %sign3A_731 : i1 to i32
      %sign3A_733 = arith.constant 0 : i32
      %sign3A_734 = arith.cmpi slt, %add3A_730, %sign3A_733 : i32
      %sign3A_735 = arith.extui %sign3A_734 : i1 to i32
      %sign3A_736 = arith.subi %sign3A_732, %sign3A_735 : i32
      %sign3A_737 = arith.constant 0 : i32
      %sign3A_738 = arith.cmpi sgt, %jit3A, %sign3A_737 : i32
      %sign3A_739 = arith.extui %sign3A_738 : i1 to i32
      %sign3A_740 = arith.constant 0 : i32
      %sign3A_741 = arith.cmpi slt, %jit3A, %sign3A_740 : i32
      %sign3A_742 = arith.extui %sign3A_741 : i1 to i32
      %sign3A_743 = arith.subi %sign3A_739, %sign3A_742 : i32
      %ne3A = arith.cmpi ne, %sign3A_736, %sign3A_743 : i32
      %rem3A = arith.remsi %add3A_730, %jit3A : i32
      %ne3A_744 = arith.constant 0 : i32
      %ne3A_745 = arith.cmpi ne, %rem3A, %ne3A_744 : i32
      %and3A = arith.andi %ne3A, %ne3A_745 : i1
      %sub3A = arith.constant 1 : i32
      %sub3A_746 = arith.subi %div3A, %sub3A : i32
      %select_n3A = arith.select %and3A, %sub3A_746, %div3A : i32
      %jit3A_747 = arith.constant 2 : i32
      %eq3A = arith.constant 0 : i32
      %eq3A_748 = arith.cmpi eq, %jit3A_747, %eq3A : i32
      %jit3A_749 = arith.constant 1 : i32
      %select_n3A_750 = arith.select %eq3A_748, %jit3A_749, %jit3A_747 : i32
      %rem3A_751 = arith.remsi %add3A_730, %select_n3A_750 : i32
      %ne3A_752 = arith.constant 0 : i32
      %ne3A_753 = arith.cmpi ne, %rem3A_751, %ne3A_752 : i32
      %lt3A = arith.constant 0 : i32
      %lt3A_754 = arith.cmpi slt, %rem3A_751, %lt3A : i32
      %lt3A_755 = arith.constant 0 : i32
      %lt3A_756 = arith.cmpi slt, %select_n3A_750, %lt3A_755 : i32
      %ne3A_757 = arith.xori %lt3A_754, %lt3A_756 : i1
      %and3A_758 = arith.andi %ne3A_757, %ne3A_753 : i1
      %add3A_759 = arith.addi %rem3A_751, %select_n3A_750 : i32
      %select_n3A_760 = arith.select %and3A_758, %add3A_759, %rem3A_751 : i32
      %mul3A_761 = arith.constant 64 : i32
      %mul3A_762 = arith.muli %select_n3A_760, %mul3A_761 : i32
      %dma_wait3A_763 = arith.constant 0 : i32
      %dma_wait3A_764 = arith.constant 0 : i32
      %dma_wait3A_765 = arith.constant 0 : i32
      %dma_wait3A_766 = arith.constant 0 : i32
      %dma_wait3A_767 = tpu.memref_slice %arg6[%dma_wait3A_763, %dma_wait3A_765, %dma_wait3A_766] : memref<10x64x128xf32, #tpu.memory_space<vmem>> -> memref<1x64x128xf32, #tpu.memory_space<vmem>>
      %dma_wait3A_768 = tpu.memref_squeeze %dma_wait3A_767 : memref<1x64x128xf32, #tpu.memory_space<vmem>> -> memref<64x128xf32, #tpu.memory_space<vmem>>
      %dma_wait3A_769 = tpu.memref_slice %arg5[%select_n3A, %mul3A_762] : memref<50x128xi32, #tpu.memory_space<vmem>> -> memref<1x64xi32, #tpu.memory_space<vmem>>
      %dma_wait3A_770 = tpu.memref_squeeze %dma_wait3A_769 : memref<1x64xi32, #tpu.memory_space<vmem>> -> memref<64xi32, #tpu.memory_space<vmem>>
      %dma_wait3A_771 = arith.constant 0 : i32
      %dma_wait3A_772 = arith.constant 0 : i32
      %dma_wait3A_773 = tpu.memref_slice %arg3[%dma_wait3A_771, %dma_wait3A_772] : memref<100000x128xf32, #tpu.memory_space<hbm>> -> memref<100000x128xf32, #tpu.memory_space<hbm>>
      %dma_wait3A_774 = tpu.memref_slice %arg7[%dma_wait3A_764] : memref<10x!tpu.dma_semaphore, #tpu.memory_space<semaphore_mem>> -> memref<1x!tpu.dma_semaphore, #tpu.memory_space<semaphore_mem>>
      %dma_wait3A_775 = tpu.memref_squeeze %dma_wait3A_774 : memref<1x!tpu.dma_semaphore, #tpu.memory_space<semaphore_mem>> -> memref<!tpu.dma_semaphore, #tpu.memory_space<semaphore_mem>>
      tpu.wait_indirect_dma semaphore(%dma_wait3A_775 : memref<!tpu.dma_semaphore, #tpu.memory_space<semaphore_mem>>) src(%dma_wait3A_773 : memref<100000x128xf32, #tpu.memory_space<hbm>>) dst(%dma_wait3A_768 : memref<64x128xf32, #tpu.memory_space<vmem>>)
      %mul3A_776 = arith.constant 10 : i32
      %mul3A_777 = arith.muli %scan3A_726, %mul3A_776 : i32
      %add3A_778 = arith.constant 0 : i32
      %add3A_779 = arith.addi %mul3A_777, %add3A_778 : i32
      %jit3A_780 = arith.constant 2 : i32
      %div3A_781 = arith.divsi %add3A_779, %jit3A_780 : i32
      %sign3A_782 = arith.constant 0 : i32
      %sign3A_783 = arith.cmpi sgt, %add3A_779, %sign3A_782 : i32
      %sign3A_784 = arith.extui %sign3A_783 : i1 to i32
      %sign3A_785 = arith.constant 0 : i32
      %sign3A_786 = arith.cmpi slt, %add3A_779, %sign3A_785 : i32
      %sign3A_787 = arith.extui %sign3A_786 : i1 to i32
      %sign3A_788 = arith.subi %sign3A_784, %sign3A_787 : i32
      %sign3A_789 = arith.constant 0 : i32
      %sign3A_790 = arith.cmpi sgt, %jit3A_780, %sign3A_789 : i32
      %sign3A_791 = arith.extui %sign3A_790 : i1 to i32
      %sign3A_792 = arith.constant 0 : i32
      %sign3A_793 = arith.cmpi slt, %jit3A_780, %sign3A_792 : i32
      %sign3A_794 = arith.extui %sign3A_793 : i1 to i32
      %sign3A_795 = arith.subi %sign3A_791, %sign3A_794 : i32
      %ne3A_796 = arith.cmpi ne, %sign3A_788, %sign3A_795 : i32
      %rem3A_797 = arith.remsi %add3A_779, %jit3A_780 : i32
      %ne3A_798 = arith.constant 0 : i32
      %ne3A_799 = arith.cmpi ne, %rem3A_797, %ne3A_798 : i32
      %and3A_800 = arith.andi %ne3A_796, %ne3A_799 : i1
      %sub3A_801 = arith.constant 1 : i32
      %sub3A_802 = arith.subi %div3A_781, %sub3A_801 : i32
      %select_n3A_803 = arith.select %and3A_800, %sub3A_802, %div3A_781 : i32
      %jit3A_804 = arith.constant 2 : i32
      %eq3A_805 = arith.constant 0 : i32
      %eq3A_806 = arith.cmpi eq, %jit3A_804, %eq3A_805 : i32
      %jit3A_807 = arith.constant 1 : i32
      %select_n3A_808 = arith.select %eq3A_806, %jit3A_807, %jit3A_804 : i32
      %rem3A_809 = arith.remsi %add3A_779, %select_n3A_808 : i32
      %ne3A_810 = arith.constant 0 : i32
      %ne3A_811 = arith.cmpi ne, %rem3A_809, %ne3A_810 : i32
      %lt3A_812 = arith.constant 0 : i32
      %lt3A_813 = arith.cmpi slt, %rem3A_809, %lt3A_812 : i32
      %lt3A_814 = arith.constant 0 : i32
      %lt3A_815 = arith.cmpi slt, %select_n3A_808, %lt3A_814 : i32
      %ne3A_816 = arith.xori %lt3A_813, %lt3A_815 : i1
      %and3A_817 = arith.andi %ne3A_816, %ne3A_811 : i1
      %add3A_818 = arith.addi %rem3A_809, %select_n3A_808 : i32
      %select_n3A_819 = arith.select %and3A_817, %add3A_818, %rem3A_809 : i32
      %mul3A_820 = arith.constant 64 : i32
      %mul3A_821 = arith.muli %select_n3A_819, %mul3A_820 : i32
      %add3A_822 = arith.addi %mul3A_2, %mul3A_821 : i32
      %dma_start3A_823 = arith.constant 0 : i32
      %dma_start3A_824 = arith.constant 0 : i32
      %dma_start3A_825 = arith.constant 0 : i32
      %dma_start3A_826 = arith.constant 0 : i32
      %dma_start3A_827 = tpu.memref_slice %arg6[%dma_start3A_823, %dma_start3A_825, %dma_start3A_826] : memref<10x64x128xf32, #tpu.memory_space<vmem>> -> memref<1x64x128xf32, #tpu.memory_space<vmem>>
      %dma_start3A_828 = tpu.memref_squeeze %dma_start3A_827 : memref<1x64x128xf32, #tpu.memory_space<vmem>> -> memref<64x128xf32, #tpu.memory_space<vmem>>
      %dma_start3A_829 = arith.constant 0 : i32
      %dma_start3A_830 = tpu.memref_slice %arg4[%select_n3A_803, %add3A_822, %dma_start3A_829] : memref<50x4096x128xf32, #tpu.memory_space<hbm>> -> memref<1x64x128xf32, #tpu.memory_space<hbm>>
      %dma_start3A_831 = tpu.memref_squeeze %dma_start3A_830 : memref<1x64x128xf32, #tpu.memory_space<hbm>> -> memref<64x128xf32, #tpu.memory_space<hbm>>
      %dma_start3A_832 = tpu.memref_slice %arg8[%dma_start3A_824] : memref<10x!tpu.dma_semaphore, #tpu.memory_space<semaphore_mem>> -> memref<1x!tpu.dma_semaphore, #tpu.memory_space<semaphore_mem>>
      %dma_start3A_833 = tpu.memref_squeeze %dma_start3A_832 : memref<1x!tpu.dma_semaphore, #tpu.memory_space<semaphore_mem>> -> memref<!tpu.dma_semaphore, #tpu.memory_space<semaphore_mem>>
      %dma_start3A_834 = arith.constant 0 : i32
      %dma_start3A_835 = tpu.memref_slice %arg4[%select_n3A_803, %add3A_822, %dma_start3A_834] : memref<50x4096x128xf32, #tpu.memory_space<hbm>> -> memref<1x64x128xf32, #tpu.memory_space<hbm>>
      %dma_start3A_836 = tpu.memref_squeeze %dma_start3A_835 : memref<1x64x128xf32, #tpu.memory_space<hbm>> -> memref<64x128xf32, #tpu.memory_space<hbm>>
      %dma_start3A_837 = arith.constant 0 : i32
      %dma_start3A_838 = arith.constant 0 : i32
      %dma_start3A_839 = tpu.memref_slice %arg6[%dma_start3A_823, %dma_start3A_837, %dma_start3A_838] : memref<10x64x128xf32, #tpu.memory_space<vmem>> -> memref<1x64x128xf32, #tpu.memory_space<vmem>>
      %dma_start3A_840 = tpu.memref_squeeze %dma_start3A_839 : memref<1x64x128xf32, #tpu.memory_space<vmem>> -> memref<64x128xf32, #tpu.memory_space<vmem>>
      tpu.enqueue_dma source(%dma_start3A_840 : memref<64x128xf32, #tpu.memory_space<vmem>>) target(%dma_start3A_836 : memref<64x128xf32, #tpu.memory_space<hbm>>) target_semaphore(%dma_start3A_833 : memref<!tpu.dma_semaphore, #tpu.memory_space<semaphore_mem>>)
      %mul3A_841 = arith.constant 10 : i32
      %mul3A_842 = arith.muli %scan3A_726, %mul3A_841 : i32
      %add3A_843 = arith.constant 1 : i32
      %add3A_844 = arith.addi %mul3A_842, %add3A_843 : i32
      %jit3A_845 = arith.constant 2 : i32
      %div3A_846 = arith.divsi %add3A_844, %jit3A_845 : i32
      %sign3A_847 = arith.constant 0 : i32
      %sign3A_848 = arith.cmpi sgt, %add3A_844, %sign3A_847 : i32
      %sign3A_849 = arith.extui %sign3A_848 : i1 to i32
      %sign3A_850 = arith.constant 0 : i32
      %sign3A_851 = arith.cmpi slt, %add3A_844, %sign3A_850 : i32
      %sign3A_852 = arith.extui %sign3A_851 : i1 to i32
      %sign3A_853 = arith.subi %sign3A_849, %sign3A_852 : i32
      %sign3A_854 = arith.constant 0 : i32
      %sign3A_855 = arith.cmpi sgt, %jit3A_845, %sign3A_854 : i32
      %sign3A_856 = arith.extui %sign3A_855 : i1 to i32
      %sign3A_857 = arith.constant 0 : i32
      %sign3A_858 = arith.cmpi slt, %jit3A_845, %sign3A_857 : i32
      %sign3A_859 = arith.extui %sign3A_858 : i1 to i32
      %sign3A_860 = arith.subi %sign3A_856, %sign3A_859 : i32
      %ne3A_861 = arith.cmpi ne, %sign3A_853, %sign3A_860 : i32
      %rem3A_862 = arith.remsi %add3A_844, %jit3A_845 : i32
      %ne3A_863 = arith.constant 0 : i32
      %ne3A_864 = arith.cmpi ne, %rem3A_862, %ne3A_863 : i32
      %and3A_865 = arith.andi %ne3A_861, %ne3A_864 : i1
      %sub3A_866 = arith.constant 1 : i32
      %sub3A_867 = arith.subi %div3A_846, %sub3A_866 : i32
      %select_n3A_868 = arith.select %and3A_865, %sub3A_867, %div3A_846 : i32
      %jit3A_869 = arith.constant 2 : i32
      %eq3A_870 = arith.constant 0 : i32
      %eq3A_871 = arith.cmpi eq, %jit3A_869, %eq3A_870 : i32
      %jit3A_872 = arith.constant 1 : i32
      %select_n3A_873 = arith.select %eq3A_871, %jit3A_872, %jit3A_869 : i32
      %rem3A_874 = arith.remsi %add3A_844, %select_n3A_873 : i32
      %ne3A_875 = arith.constant 0 : i32
      %ne3A_876 = arith.cmpi ne, %rem3A_874, %ne3A_875 : i32
      %lt3A_877 = arith.constant 0 : i32
      %lt3A_878 = arith.cmpi slt, %rem3A_874, %lt3A_877 : i32
      %lt3A_879 = arith.constant 0 : i32
      %lt3A_880 = arith.cmpi slt, %select_n3A_873, %lt3A_879 : i32
      %ne3A_881 = arith.xori %lt3A_878, %lt3A_880 : i1
      %and3A_882 = arith.andi %ne3A_881, %ne3A_876 : i1
      %add3A_883 = arith.addi %rem3A_874, %select_n3A_873 : i32
      %select_n3A_884 = arith.select %and3A_882, %add3A_883, %rem3A_874 : i32
      %mul3A_885 = arith.constant 64 : i32
      %mul3A_886 = arith.muli %select_n3A_884, %mul3A_885 : i32
      %dma_wait3A_887 = arith.constant 1 : i32
      %dma_wait3A_888 = arith.constant 1 : i32
      %dma_wait3A_889 = arith.constant 0 : i32
      %dma_wait3A_890 = arith.constant 0 : i32
      %dma_wait3A_891 = tpu.memref_slice %arg6[%dma_wait3A_887, %dma_wait3A_889, %dma_wait3A_890] : memref<10x64x128xf32, #tpu.memory_space<vmem>> -> memref<1x64x128xf32, #tpu.memory_space<vmem>>
      %dma_wait3A_892 = tpu.memref_squeeze %dma_wait3A_891 : memref<1x64x128xf32, #tpu.memory_space<vmem>> -> memref<64x128xf32, #tpu.memory_space<vmem>>
      %dma_wait3A_893 = tpu.memref_slice %arg5[%select_n3A_868, %mul3A_886] : memref<50x128xi32, #tpu.memory_space<vmem>> -> memref<1x64xi32, #tpu.memory_space<vmem>>
      %dma_wait3A_894 = tpu.memref_squeeze %dma_wait3A_893 : memref<1x64xi32, #tpu.memory_space<vmem>> -> memref<64xi32, #tpu.memory_space<vmem>>
      %dma_wait3A_895 = arith.constant 0 : i32
      %dma_wait3A_896 = arith.constant 0 : i32
      %dma_wait3A_897 = tpu.memref_slice %arg3[%dma_wait3A_895, %dma_wait3A_896] : memref<100000x128xf32, #tpu.memory_space<hbm>> -> memref<100000x128xf32, #tpu.memory_space<hbm>>
      %dma_wait3A_898 = tpu.memref_slice %arg7[%dma_wait3A_888] : memref<10x!tpu.dma_semaphore, #tpu.memory_space<semaphore_mem>> -> memref<1x!tpu.dma_semaphore, #tpu.memory_space<semaphore_mem>>
      %dma_wait3A_899 = tpu.memref_squeeze %dma_wait3A_898 : memref<1x!tpu.dma_semaphore, #tpu.memory_space<semaphore_mem>> -> memref<!tpu.dma_semaphore, #tpu.memory_space<semaphore_mem>>
      tpu.wait_indirect_dma semaphore(%dma_wait3A_899 : memref<!tpu.dma_semaphore, #tpu.memory_space<semaphore_mem>>) src(%dma_wait3A_897 : memref<100000x128xf32, #tpu.memory_space<hbm>>) dst(%dma_wait3A_892 : memref<64x128xf32, #tpu.memory_space<vmem>>)
      %mul3A_900 = arith.constant 10 : i32
      %mul3A_901 = arith.muli %scan3A_726, %mul3A_900 : i32
      %add3A_902 = arith.constant 1 : i32
      %add3A_903 = arith.addi %mul3A_901, %add3A_902 : i32
      %jit3A_904 = arith.constant 2 : i32
      %div3A_905 = arith.divsi %add3A_903, %jit3A_904 : i32
      %sign3A_906 = arith.constant 0 : i32
      %sign3A_907 = arith.cmpi sgt, %add3A_903, %sign3A_906 : i32
      %sign3A_908 = arith.extui %sign3A_907 : i1 to i32
      %sign3A_909 = arith.constant 0 : i32
      %sign3A_910 = arith.cmpi slt, %add3A_903, %sign3A_909 : i32
      %sign3A_911 = arith.extui %sign3A_910 : i1 to i32
      %sign3A_912 = arith.subi %sign3A_908, %sign3A_911 : i32
      %sign3A_913 = arith.constant 0 : i32
      %sign3A_914 = arith.cmpi sgt, %jit3A_904, %sign3A_913 : i32
      %sign3A_915 = arith.extui %sign3A_914 : i1 to i32
      %sign3A_916 = arith.constant 0 : i32
      %sign3A_917 = arith.cmpi slt, %jit3A_904, %sign3A_916 : i32
      %sign3A_918 = arith.extui %sign3A_917 : i1 to i32
      %sign3A_919 = arith.subi %sign3A_915, %sign3A_918 : i32
      %ne3A_920 = arith.cmpi ne, %sign3A_912, %sign3A_919 : i32
      %rem3A_921 = arith.remsi %add3A_903, %jit3A_904 : i32
      %ne3A_922 = arith.constant 0 : i32
      %ne3A_923 = arith.cmpi ne, %rem3A_921, %ne3A_922 : i32
      %and3A_924 = arith.andi %ne3A_920, %ne3A_923 : i1
      %sub3A_925 = arith.constant 1 : i32
      %sub3A_926 = arith.subi %div3A_905, %sub3A_925 : i32
      %select_n3A_927 = arith.select %and3A_924, %sub3A_926, %div3A_905 : i32
      %jit3A_928 = arith.constant 2 : i32
      %eq3A_929 = arith.constant 0 : i32
      %eq3A_930 = arith.cmpi eq, %jit3A_928, %eq3A_929 : i32
      %jit3A_931 = arith.constant 1 : i32
      %select_n3A_932 = arith.select %eq3A_930, %jit3A_931, %jit3A_928 : i32
      %rem3A_933 = arith.remsi %add3A_903, %select_n3A_932 : i32
      %ne3A_934 = arith.constant 0 : i32
      %ne3A_935 = arith.cmpi ne, %rem3A_933, %ne3A_934 : i32
      %lt3A_936 = arith.constant 0 : i32
      %lt3A_937 = arith.cmpi slt, %rem3A_933, %lt3A_936 : i32
      %lt3A_938 = arith.constant 0 : i32
      %lt3A_939 = arith.cmpi slt, %select_n3A_932, %lt3A_938 : i32
      %ne3A_940 = arith.xori %lt3A_937, %lt3A_939 : i1
      %and3A_941 = arith.andi %ne3A_940, %ne3A_935 : i1
      %add3A_942 = arith.addi %rem3A_933, %select_n3A_932 : i32
      %select_n3A_943 = arith.select %and3A_941, %add3A_942, %rem3A_933 : i32
      %mul3A_944 = arith.constant 64 : i32
      %mul3A_945 = arith.muli %select_n3A_943, %mul3A_944 : i32
      %add3A_946 = arith.addi %mul3A_2, %mul3A_945 : i32
      %dma_start3A_947 = arith.constant 1 : i32
      %dma_start3A_948 = arith.constant 1 : i32
      %dma_start3A_949 = arith.constant 0 : i32
      %dma_start3A_950 = arith.constant 0 : i32
      %dma_start3A_951 = tpu.memref_slice %arg6[%dma_start3A_947, %dma_start3A_949, %dma_start3A_950] : memref<10x64x128xf32, #tpu.memory_space<vmem>> -> memref<1x64x128xf32, #tpu.memory_space<vmem>>
      %dma_start3A_952 = tpu.memref_squeeze %dma_start3A_951 : memref<1x64x128xf32, #tpu.memory_space<vmem>> -> memref<64x128xf32, #tpu.memory_space<vmem>>
      %dma_start3A_953 = arith.constant 0 : i32
      %dma_start3A_954 = tpu.memref_slice %arg4[%select_n3A_927, %add3A_946, %dma_start3A_953] : memref<50x4096x128xf32, #tpu.memory_space<hbm>> -> memref<1x64x128xf32, #tpu.memory_space<hbm>>
      %dma_start3A_955 = tpu.memref_squeeze %dma_start3A_954 : memref<1x64x128xf32, #tpu.memory_space<hbm>> -> memref<64x128xf32, #tpu.memory_space<hbm>>
      %dma_start3A_956 = tpu.memref_slice %arg8[%dma_start3A_948] : memref<10x!tpu.dma_semaphore, #tpu.memory_space<semaphore_mem>> -> memref<1x!tpu.dma_semaphore, #tpu.memory_space<semaphore_mem>>
      %dma_start3A_957 = tpu.memref_squeeze %dma_start3A_956 : memref<1x!tpu.dma_semaphore, #tpu.memory_space<semaphore_mem>> -> memref<!tpu.dma_semaphore, #tpu.memory_space<semaphore_mem>>
      %dma_start3A_958 = arith.constant 0 : i32
      %dma_start3A_959 = tpu.memref_slice %arg4[%select_n3A_927, %add3A_946, %dma_start3A_958] : memref<50x4096x128xf32, #tpu.memory_space<hbm>> -> memref<1x64x128xf32, #tpu.memory_space<hbm>>
      %dma_start3A_960 = tpu.memref_squeeze %dma_start3A_959 : memref<1x64x128xf32, #tpu.memory_space<hbm>> -> memref<64x128xf32, #tpu.memory_space<hbm>>
      %dma_start3A_961 = arith.constant 0 : i32
      %dma_start3A_962 = arith.constant 0 : i32
      %dma_start3A_963 = tpu.memref_slice %arg6[%dma_start3A_947, %dma_start3A_961, %dma_start3A_962] : memref<10x64x128xf32, #tpu.memory_space<vmem>> -> memref<1x64x128xf32, #tpu.memory_space<vmem>>
      %dma_start3A_964 = tpu.memref_squeeze %dma_start3A_963 : memref<1x64x128xf32, #tpu.memory_space<vmem>> -> memref<64x128xf32, #tpu.memory_space<vmem>>
      tpu.enqueue_dma source(%dma_start3A_964 : memref<64x128xf32, #tpu.memory_space<vmem>>) target(%dma_start3A_960 : memref<64x128xf32, #tpu.memory_space<hbm>>) target_semaphore(%dma_start3A_957 : memref<!tpu.dma_semaphore, #tpu.memory_space<semaphore_mem>>)
      %mul3A_965 = arith.constant 10 : i32
      %mul3A_966 = arith.muli %scan3A_726, %mul3A_965 : i32
      %add3A_967 = arith.constant 2 : i32
      %add3A_968 = arith.addi %mul3A_966, %add3A_967 : i32
      %jit3A_969 = arith.constant 2 : i32
      %div3A_970 = arith.divsi %add3A_968, %jit3A_969 : i32
      %sign3A_971 = arith.constant 0 : i32
      %sign3A_972 = arith.cmpi sgt, %add3A_968, %sign3A_971 : i32
      %sign3A_973 = arith.extui %sign3A_972 : i1 to i32
      %sign3A_974 = arith.constant 0 : i32
      %sign3A_975 = arith.cmpi slt, %add3A_968, %sign3A_974 : i32
      %sign3A_976 = arith.extui %sign3A_975 : i1 to i32
      %sign3A_977 = arith.subi %sign3A_973, %sign3A_976 : i32
      %sign3A_978 = arith.constant 0 : i32
      %sign3A_979 = arith.cmpi sgt, %jit3A_969, %sign3A_978 : i32
      %sign3A_980 = arith.extui %sign3A_979 : i1 to i32
      %sign3A_981 = arith.constant 0 : i32
      %sign3A_982 = arith.cmpi slt, %jit3A_969, %sign3A_981 : i32
      %sign3A_983 = arith.extui %sign3A_982 : i1 to i32
      %sign3A_984 = arith.subi %sign3A_980, %sign3A_983 : i32
      %ne3A_985 = arith.cmpi ne, %sign3A_977, %sign3A_984 : i32
      %rem3A_986 = arith.remsi %add3A_968, %jit3A_969 : i32
      %ne3A_987 = arith.constant 0 : i32
      %ne3A_988 = arith.cmpi ne, %rem3A_986, %ne3A_987 : i32
      %and3A_989 = arith.andi %ne3A_985, %ne3A_988 : i1
      %sub3A_990 = arith.constant 1 : i32
      %sub3A_991 = arith.subi %div3A_970, %sub3A_990 : i32
      %select_n3A_992 = arith.select %and3A_989, %sub3A_991, %div3A_970 : i32
      %jit3A_993 = arith.constant 2 : i32
      %eq3A_994 = arith.constant 0 : i32
      %eq3A_995 = arith.cmpi eq, %jit3A_993, %eq3A_994 : i32
      %jit3A_996 = arith.constant 1 : i32
      %select_n3A_997 = arith.select %eq3A_995, %jit3A_996, %jit3A_993 : i32
      %rem3A_998 = arith.remsi %add3A_968, %select_n3A_997 : i32
      %ne3A_999 = arith.constant 0 : i32
      %ne3A_1000 = arith.cmpi ne, %rem3A_998, %ne3A_999 : i32
      %lt3A_1001 = arith.constant 0 : i32
      %lt3A_1002 = arith.cmpi slt, %rem3A_998, %lt3A_1001 : i32
      %lt3A_1003 = arith.constant 0 : i32
      %lt3A_1004 = arith.cmpi slt, %select_n3A_997, %lt3A_1003 : i32
      %ne3A_1005 = arith.xori %lt3A_1002, %lt3A_1004 : i1
      %and3A_1006 = arith.andi %ne3A_1005, %ne3A_1000 : i1
      %add3A_1007 = arith.addi %rem3A_998, %select_n3A_997 : i32
      %select_n3A_1008 = arith.select %and3A_1006, %add3A_1007, %rem3A_998 : i32
      %mul3A_1009 = arith.constant 64 : i32
      %mul3A_1010 = arith.muli %select_n3A_1008, %mul3A_1009 : i32
      %dma_wait3A_1011 = arith.constant 2 : i32
      %dma_wait3A_1012 = arith.constant 2 : i32
      %dma_wait3A_1013 = arith.constant 0 : i32
      %dma_wait3A_1014 = arith.constant 0 : i32
      %dma_wait3A_1015 = tpu.memref_slice %arg6[%dma_wait3A_1011, %dma_wait3A_1013, %dma_wait3A_1014] : memref<10x64x128xf32, #tpu.memory_space<vmem>> -> memref<1x64x128xf32, #tpu.memory_space<vmem>>
      %dma_wait3A_1016 = tpu.memref_squeeze %dma_wait3A_1015 : memref<1x64x128xf32, #tpu.memory_space<vmem>> -> memref<64x128xf32, #tpu.memory_space<vmem>>
      %dma_wait3A_1017 = tpu.memref_slice %arg5[%select_n3A_992, %mul3A_1010] : memref<50x128xi32, #tpu.memory_space<vmem>> -> memref<1x64xi32, #tpu.memory_space<vmem>>
      %dma_wait3A_1018 = tpu.memref_squeeze %dma_wait3A_1017 : memref<1x64xi32, #tpu.memory_space<vmem>> -> memref<64xi32, #tpu.memory_space<vmem>>
      %dma_wait3A_1019 = arith.constant 0 : i32
      %dma_wait3A_1020 = arith.constant 0 : i32
      %dma_wait3A_1021 = tpu.memref_slice %arg3[%dma_wait3A_1019, %dma_wait3A_1020] : memref<100000x128xf32, #tpu.memory_space<hbm>> -> memref<100000x128xf32, #tpu.memory_space<hbm>>
      %dma_wait3A_1022 = tpu.memref_slice %arg7[%dma_wait3A_1012] : memref<10x!tpu.dma_semaphore, #tpu.memory_space<semaphore_mem>> -> memref<1x!tpu.dma_semaphore, #tpu.memory_space<semaphore_mem>>
      %dma_wait3A_1023 = tpu.memref_squeeze %dma_wait3A_1022 : memref<1x!tpu.dma_semaphore, #tpu.memory_space<semaphore_mem>> -> memref<!tpu.dma_semaphore, #tpu.memory_space<semaphore_mem>>
      tpu.wait_indirect_dma semaphore(%dma_wait3A_1023 : memref<!tpu.dma_semaphore, #tpu.memory_space<semaphore_mem>>) src(%dma_wait3A_1021 : memref<100000x128xf32, #tpu.memory_space<hbm>>) dst(%dma_wait3A_1016 : memref<64x128xf32, #tpu.memory_space<vmem>>)
      %mul3A_1024 = arith.constant 10 : i32
      %mul3A_1025 = arith.muli %scan3A_726, %mul3A_1024 : i32
      %add3A_1026 = arith.constant 2 : i32
      %add3A_1027 = arith.addi %mul3A_1025, %add3A_1026 : i32
      %jit3A_1028 = arith.constant 2 : i32
      %div3A_1029 = arith.divsi %add3A_1027, %jit3A_1028 : i32
      %sign3A_1030 = arith.constant 0 : i32
      %sign3A_1031 = arith.cmpi sgt, %add3A_1027, %sign3A_1030 : i32
      %sign3A_1032 = arith.extui %sign3A_1031 : i1 to i32
      %sign3A_1033 = arith.constant 0 : i32
      %sign3A_1034 = arith.cmpi slt, %add3A_1027, %sign3A_1033 : i32
      %sign3A_1035 = arith.extui %sign3A_1034 : i1 to i32
      %sign3A_1036 = arith.subi %sign3A_1032, %sign3A_1035 : i32
      %sign3A_1037 = arith.constant 0 : i32
      %sign3A_1038 = arith.cmpi sgt, %jit3A_1028, %sign3A_1037 : i32
      %sign3A_1039 = arith.extui %sign3A_1038 : i1 to i32
      %sign3A_1040 = arith.constant 0 : i32
      %sign3A_1041 = arith.cmpi slt, %jit3A_1028, %sign3A_1040 : i32
      %sign3A_1042 = arith.extui %sign3A_1041 : i1 to i32
      %sign3A_1043 = arith.subi %sign3A_1039, %sign3A_1042 : i32
      %ne3A_1044 = arith.cmpi ne, %sign3A_1036, %sign3A_1043 : i32
      %rem3A_1045 = arith.remsi %add3A_1027, %jit3A_1028 : i32
      %ne3A_1046 = arith.constant 0 : i32
      %ne3A_1047 = arith.cmpi ne, %rem3A_1045, %ne3A_1046 : i32
      %and3A_1048 = arith.andi %ne3A_1044, %ne3A_1047 : i1
      %sub3A_1049 = arith.constant 1 : i32
      %sub3A_1050 = arith.subi %div3A_1029, %sub3A_1049 : i32
      %select_n3A_1051 = arith.select %and3A_1048, %sub3A_1050, %div3A_1029 : i32
      %jit3A_1052 = arith.constant 2 : i32
      %eq3A_1053 = arith.constant 0 : i32
      %eq3A_1054 = arith.cmpi eq, %jit3A_1052, %eq3A_1053 : i32
      %jit3A_1055 = arith.constant 1 : i32
      %select_n3A_1056 = arith.select %eq3A_1054, %jit3A_1055, %jit3A_1052 : i32
      %rem3A_1057 = arith.remsi %add3A_1027, %select_n3A_1056 : i32
      %ne3A_1058 = arith.constant 0 : i32
      %ne3A_1059 = arith.cmpi ne, %rem3A_1057, %ne3A_1058 : i32
      %lt3A_1060 = arith.constant 0 : i32
      %lt3A_1061 = arith.cmpi slt, %rem3A_1057, %lt3A_1060 : i32
      %lt3A_1062 = arith.constant 0 : i32
      %lt3A_1063 = arith.cmpi slt, %select_n3A_1056, %lt3A_1062 : i32
      %ne3A_1064 = arith.xori %lt3A_1061, %lt3A_1063 : i1
      %and3A_1065 = arith.andi %ne3A_1064, %ne3A_1059 : i1
      %add3A_1066 = arith.addi %rem3A_1057, %select_n3A_1056 : i32
      %select_n3A_1067 = arith.select %and3A_1065, %add3A_1066, %rem3A_1057 : i32
      %mul3A_1068 = arith.constant 64 : i32
      %mul3A_1069 = arith.muli %select_n3A_1067, %mul3A_1068 : i32
      %add3A_1070 = arith.addi %mul3A_2, %mul3A_1069 : i32
      %dma_start3A_1071 = arith.constant 2 : i32
      %dma_start3A_1072 = arith.constant 2 : i32
      %dma_start3A_1073 = arith.constant 0 : i32
      %dma_start3A_1074 = arith.constant 0 : i32
      %dma_start3A_1075 = tpu.memref_slice %arg6[%dma_start3A_1071, %dma_start3A_1073, %dma_start3A_1074] : memref<10x64x128xf32, #tpu.memory_space<vmem>> -> memref<1x64x128xf32, #tpu.memory_space<vmem>>
      %dma_start3A_1076 = tpu.memref_squeeze %dma_start3A_1075 : memref<1x64x128xf32, #tpu.memory_space<vmem>> -> memref<64x128xf32, #tpu.memory_space<vmem>>
      %dma_start3A_1077 = arith.constant 0 : i32
      %dma_start3A_1078 = tpu.memref_slice %arg4[%select_n3A_1051, %add3A_1070, %dma_start3A_1077] : memref<50x4096x128xf32, #tpu.memory_space<hbm>> -> memref<1x64x128xf32, #tpu.memory_space<hbm>>
      %dma_start3A_1079 = tpu.memref_squeeze %dma_start3A_1078 : memref<1x64x128xf32, #tpu.memory_space<hbm>> -> memref<64x128xf32, #tpu.memory_space<hbm>>
      %dma_start3A_1080 = tpu.memref_slice %arg8[%dma_start3A_1072] : memref<10x!tpu.dma_semaphore, #tpu.memory_space<semaphore_mem>> -> memref<1x!tpu.dma_semaphore, #tpu.memory_space<semaphore_mem>>
      %dma_start3A_1081 = tpu.memref_squeeze %dma_start3A_1080 : memref<1x!tpu.dma_semaphore, #tpu.memory_space<semaphore_mem>> -> memref<!tpu.dma_semaphore, #tpu.memory_space<semaphore_mem>>
      %dma_start3A_1082 = arith.constant 0 : i32
      %dma_start3A_1083 = tpu.memref_slice %arg4[%select_n3A_1051, %add3A_1070, %dma_start3A_1082] : memref<50x4096x128xf32, #tpu.memory_space<hbm>> -> memref<1x64x128xf32, #tpu.memory_space<hbm>>
      %dma_start3A_1084 = tpu.memref_squeeze %dma_start3A_1083 : memref<1x64x128xf32, #tpu.memory_space<hbm>> -> memref<64x128xf32, #tpu.memory_space<hbm>>
      %dma_start3A_1085 = arith.constant 0 : i32
      %dma_start3A_1086 = arith.constant 0 : i32
      %dma_start3A_1087 = tpu.memref_slice %arg6[%dma_start3A_1071, %dma_start3A_1085, %dma_start3A_1086] : memref<10x64x128xf32, #tpu.memory_space<vmem>> -> memref<1x64x128xf32, #tpu.memory_space<vmem>>
      %dma_start3A_1088 = tpu.memref_squeeze %dma_start3A_1087 : memref<1x64x128xf32, #tpu.memory_space<vmem>> -> memref<64x128xf32, #tpu.memory_space<vmem>>
      tpu.enqueue_dma source(%dma_start3A_1088 : memref<64x128xf32, #tpu.memory_space<vmem>>) target(%dma_start3A_1084 : memref<64x128xf32, #tpu.memory_space<hbm>>) target_semaphore(%dma_start3A_1081 : memref<!tpu.dma_semaphore, #tpu.memory_space<semaphore_mem>>)
      %mul3A_1089 = arith.constant 10 : i32
      %mul3A_1090 = arith.muli %scan3A_726, %mul3A_1089 : i32
      %add3A_1091 = arith.constant 3 : i32
      %add3A_1092 = arith.addi %mul3A_1090, %add3A_1091 : i32
      %jit3A_1093 = arith.constant 2 : i32
      %div3A_1094 = arith.divsi %add3A_1092, %jit3A_1093 : i32
      %sign3A_1095 = arith.constant 0 : i32
      %sign3A_1096 = arith.cmpi sgt, %add3A_1092, %sign3A_1095 : i32
      %sign3A_1097 = arith.extui %sign3A_1096 : i1 to i32
      %sign3A_1098 = arith.constant 0 : i32
      %sign3A_1099 = arith.cmpi slt, %add3A_1092, %sign3A_1098 : i32
      %sign3A_1100 = arith.extui %sign3A_1099 : i1 to i32
      %sign3A_1101 = arith.subi %sign3A_1097, %sign3A_1100 : i32
      %sign3A_1102 = arith.constant 0 : i32
      %sign3A_1103 = arith.cmpi sgt, %jit3A_1093, %sign3A_1102 : i32
      %sign3A_1104 = arith.extui %sign3A_1103 : i1 to i32
      %sign3A_1105 = arith.constant 0 : i32
      %sign3A_1106 = arith.cmpi slt, %jit3A_1093, %sign3A_1105 : i32
      %sign3A_1107 = arith.extui %sign3A_1106 : i1 to i32
      %sign3A_1108 = arith.subi %sign3A_1104, %sign3A_1107 : i32
      %ne3A_1109 = arith.cmpi ne, %sign3A_1101, %sign3A_1108 : i32
      %rem3A_1110 = arith.remsi %add3A_1092, %jit3A_1093 : i32
      %ne3A_1111 = arith.constant 0 : i32
      %ne3A_1112 = arith.cmpi ne, %rem3A_1110, %ne3A_1111 : i32
      %and3A_1113 = arith.andi %ne3A_1109, %ne3A_1112 : i1
      %sub3A_1114 = arith.constant 1 : i32
      %sub3A_1115 = arith.subi %div3A_1094, %sub3A_1114 : i32
      %select_n3A_1116 = arith.select %and3A_1113, %sub3A_1115, %div3A_1094 : i32
      %jit3A_1117 = arith.constant 2 : i32
      %eq3A_1118 = arith.constant 0 : i32
      %eq3A_1119 = arith.cmpi eq, %jit3A_1117, %eq3A_1118 : i32
      %jit3A_1120 = arith.constant 1 : i32
      %select_n3A_1121 = arith.select %eq3A_1119, %jit3A_1120, %jit3A_1117 : i32
      %rem3A_1122 = arith.remsi %add3A_1092, %select_n3A_1121 : i32
      %ne3A_1123 = arith.constant 0 : i32
      %ne3A_1124 = arith.cmpi ne, %rem3A_1122, %ne3A_1123 : i32
      %lt3A_1125 = arith.constant 0 : i32
      %lt3A_1126 = arith.cmpi slt, %rem3A_1122, %lt3A_1125 : i32
      %lt3A_1127 = arith.constant 0 : i32
      %lt3A_1128 = arith.cmpi slt, %select_n3A_1121, %lt3A_1127 : i32
      %ne3A_1129 = arith.xori %lt3A_1126, %lt3A_1128 : i1
      %and3A_1130 = arith.andi %ne3A_1129, %ne3A_1124 : i1
      %add3A_1131 = arith.addi %rem3A_1122, %select_n3A_1121 : i32
      %select_n3A_1132 = arith.select %and3A_1130, %add3A_1131, %rem3A_1122 : i32
      %mul3A_1133 = arith.constant 64 : i32
      %mul3A_1134 = arith.muli %select_n3A_1132, %mul3A_1133 : i32
      %dma_wait3A_1135 = arith.constant 3 : i32
      %dma_wait3A_1136 = arith.constant 3 : i32
      %dma_wait3A_1137 = arith.constant 0 : i32
      %dma_wait3A_1138 = arith.constant 0 : i32
      %dma_wait3A_1139 = tpu.memref_slice %arg6[%dma_wait3A_1135, %dma_wait3A_1137, %dma_wait3A_1138] : memref<10x64x128xf32, #tpu.memory_space<vmem>> -> memref<1x64x128xf32, #tpu.memory_space<vmem>>
      %dma_wait3A_1140 = tpu.memref_squeeze %dma_wait3A_1139 : memref<1x64x128xf32, #tpu.memory_space<vmem>> -> memref<64x128xf32, #tpu.memory_space<vmem>>
      %dma_wait3A_1141 = tpu.memref_slice %arg5[%select_n3A_1116, %mul3A_1134] : memref<50x128xi32, #tpu.memory_space<vmem>> -> memref<1x64xi32, #tpu.memory_space<vmem>>
      %dma_wait3A_1142 = tpu.memref_squeeze %dma_wait3A_1141 : memref<1x64xi32, #tpu.memory_space<vmem>> -> memref<64xi32, #tpu.memory_space<vmem>>
      %dma_wait3A_1143 = arith.constant 0 : i32
      %dma_wait3A_1144 = arith.constant 0 : i32
      %dma_wait3A_1145 = tpu.memref_slice %arg3[%dma_wait3A_1143, %dma_wait3A_1144] : memref<100000x128xf32, #tpu.memory_space<hbm>> -> memref<100000x128xf32, #tpu.memory_space<hbm>>
      %dma_wait3A_1146 = tpu.memref_slice %arg7[%dma_wait3A_1136] : memref<10x!tpu.dma_semaphore, #tpu.memory_space<semaphore_mem>> -> memref<1x!tpu.dma_semaphore, #tpu.memory_space<semaphore_mem>>
      %dma_wait3A_1147 = tpu.memref_squeeze %dma_wait3A_1146 : memref<1x!tpu.dma_semaphore, #tpu.memory_space<semaphore_mem>> -> memref<!tpu.dma_semaphore, #tpu.memory_space<semaphore_mem>>
      tpu.wait_indirect_dma semaphore(%dma_wait3A_1147 : memref<!tpu.dma_semaphore, #tpu.memory_space<semaphore_mem>>) src(%dma_wait3A_1145 : memref<100000x128xf32, #tpu.memory_space<hbm>>) dst(%dma_wait3A_1140 : memref<64x128xf32, #tpu.memory_space<vmem>>)
      %mul3A_1148 = arith.constant 10 : i32
      %mul3A_1149 = arith.muli %scan3A_726, %mul3A_1148 : i32
      %add3A_1150 = arith.constant 3 : i32
      %add3A_1151 = arith.addi %mul3A_1149, %add3A_1150 : i32
      %jit3A_1152 = arith.constant 2 : i32
      %div3A_1153 = arith.divsi %add3A_1151, %jit3A_1152 : i32
      %sign3A_1154 = arith.constant 0 : i32
      %sign3A_1155 = arith.cmpi sgt, %add3A_1151, %sign3A_1154 : i32
      %sign3A_1156 = arith.extui %sign3A_1155 : i1 to i32
      %sign3A_1157 = arith.constant 0 : i32
      %sign3A_1158 = arith.cmpi slt, %add3A_1151, %sign3A_1157 : i32
      %sign3A_1159 = arith.extui %sign3A_1158 : i1 to i32
      %sign3A_1160 = arith.subi %sign3A_1156, %sign3A_1159 : i32
      %sign3A_1161 = arith.constant 0 : i32
      %sign3A_1162 = arith.cmpi sgt, %jit3A_1152, %sign3A_1161 : i32
      %sign3A_1163 = arith.extui %sign3A_1162 : i1 to i32
      %sign3A_1164 = arith.constant 0 : i32
      %sign3A_1165 = arith.cmpi slt, %jit3A_1152, %sign3A_1164 : i32
      %sign3A_1166 = arith.extui %sign3A_1165 : i1 to i32
      %sign3A_1167 = arith.subi %sign3A_1163, %sign3A_1166 : i32
      %ne3A_1168 = arith.cmpi ne, %sign3A_1160, %sign3A_1167 : i32
      %rem3A_1169 = arith.remsi %add3A_1151, %jit3A_1152 : i32
      %ne3A_1170 = arith.constant 0 : i32
      %ne3A_1171 = arith.cmpi ne, %rem3A_1169, %ne3A_1170 : i32
      %and3A_1172 = arith.andi %ne3A_1168, %ne3A_1171 : i1
      %sub3A_1173 = arith.constant 1 : i32
      %sub3A_1174 = arith.subi %div3A_1153, %sub3A_1173 : i32
      %select_n3A_1175 = arith.select %and3A_1172, %sub3A_1174, %div3A_1153 : i32
      %jit3A_1176 = arith.constant 2 : i32
      %eq3A_1177 = arith.constant 0 : i32
      %eq3A_1178 = arith.cmpi eq, %jit3A_1176, %eq3A_1177 : i32
      %jit3A_1179 = arith.constant 1 : i32
      %select_n3A_1180 = arith.select %eq3A_1178, %jit3A_1179, %jit3A_1176 : i32
      %rem3A_1181 = arith.remsi %add3A_1151, %select_n3A_1180 : i32
      %ne3A_1182 = arith.constant 0 : i32
      %ne3A_1183 = arith.cmpi ne, %rem3A_1181, %ne3A_1182 : i32
      %lt3A_1184 = arith.constant 0 : i32
      %lt3A_1185 = arith.cmpi slt, %rem3A_1181, %lt3A_1184 : i32
      %lt3A_1186 = arith.constant 0 : i32
      %lt3A_1187 = arith.cmpi slt, %select_n3A_1180, %lt3A_1186 : i32
      %ne3A_1188 = arith.xori %lt3A_1185, %lt3A_1187 : i1
      %and3A_1189 = arith.andi %ne3A_1188, %ne3A_1183 : i1
      %add3A_1190 = arith.addi %rem3A_1181, %select_n3A_1180 : i32
      %select_n3A_1191 = arith.select %and3A_1189, %add3A_1190, %rem3A_1181 : i32
      %mul3A_1192 = arith.constant 64 : i32
      %mul3A_1193 = arith.muli %select_n3A_1191, %mul3A_1192 : i32
      %add3A_1194 = arith.addi %mul3A_2, %mul3A_1193 : i32
      %dma_start3A_1195 = arith.constant 3 : i32
      %dma_start3A_1196 = arith.constant 3 : i32
      %dma_start3A_1197 = arith.constant 0 : i32
      %dma_start3A_1198 = arith.constant 0 : i32
      %dma_start3A_1199 = tpu.memref_slice %arg6[%dma_start3A_1195, %dma_start3A_1197, %dma_start3A_1198] : memref<10x64x128xf32, #tpu.memory_space<vmem>> -> memref<1x64x128xf32, #tpu.memory_space<vmem>>
      %dma_start3A_1200 = tpu.memref_squeeze %dma_start3A_1199 : memref<1x64x128xf32, #tpu.memory_space<vmem>> -> memref<64x128xf32, #tpu.memory_space<vmem>>
      %dma_start3A_1201 = arith.constant 0 : i32
      %dma_start3A_1202 = tpu.memref_slice %arg4[%select_n3A_1175, %add3A_1194, %dma_start3A_1201] : memref<50x4096x128xf32, #tpu.memory_space<hbm>> -> memref<1x64x128xf32, #tpu.memory_space<hbm>>
      %dma_start3A_1203 = tpu.memref_squeeze %dma_start3A_1202 : memref<1x64x128xf32, #tpu.memory_space<hbm>> -> memref<64x128xf32, #tpu.memory_space<hbm>>
      %dma_start3A_1204 = tpu.memref_slice %arg8[%dma_start3A_1196] : memref<10x!tpu.dma_semaphore, #tpu.memory_space<semaphore_mem>> -> memref<1x!tpu.dma_semaphore, #tpu.memory_space<semaphore_mem>>
      %dma_start3A_1205 = tpu.memref_squeeze %dma_start3A_1204 : memref<1x!tpu.dma_semaphore, #tpu.memory_space<semaphore_mem>> -> memref<!tpu.dma_semaphore, #tpu.memory_space<semaphore_mem>>
      %dma_start3A_1206 = arith.constant 0 : i32
      %dma_start3A_1207 = tpu.memref_slice %arg4[%select_n3A_1175, %add3A_1194, %dma_start3A_1206] : memref<50x4096x128xf32, #tpu.memory_space<hbm>> -> memref<1x64x128xf32, #tpu.memory_space<hbm>>
      %dma_start3A_1208 = tpu.memref_squeeze %dma_start3A_1207 : memref<1x64x128xf32, #tpu.memory_space<hbm>> -> memref<64x128xf32, #tpu.memory_space<hbm>>
      %dma_start3A_1209 = arith.constant 0 : i32
      %dma_start3A_1210 = arith.constant 0 : i32
      %dma_start3A_1211 = tpu.memref_slice %arg6[%dma_start3A_1195, %dma_start3A_1209, %dma_start3A_1210] : memref<10x64x128xf32, #tpu.memory_space<vmem>> -> memref<1x64x128xf32, #tpu.memory_space<vmem>>
      %dma_start3A_1212 = tpu.memref_squeeze %dma_start3A_1211 : memref<1x64x128xf32, #tpu.memory_space<vmem>> -> memref<64x128xf32, #tpu.memory_space<vmem>>
      tpu.enqueue_dma source(%dma_start3A_1212 : memref<64x128xf32, #tpu.memory_space<vmem>>) target(%dma_start3A_1208 : memref<64x128xf32, #tpu.memory_space<hbm>>) target_semaphore(%dma_start3A_1205 : memref<!tpu.dma_semaphore, #tpu.memory_space<semaphore_mem>>)
      %mul3A_1213 = arith.constant 10 : i32
      %mul3A_1214 = arith.muli %scan3A_726, %mul3A_1213 : i32
      %add3A_1215 = arith.constant 4 : i32
      %add3A_1216 = arith.addi %mul3A_1214, %add3A_1215 : i32
      %jit3A_1217 = arith.constant 2 : i32
      %div3A_1218 = arith.divsi %add3A_1216, %jit3A_1217 : i32
      %sign3A_1219 = arith.constant 0 : i32
      %sign3A_1220 = arith.cmpi sgt, %add3A_1216, %sign3A_1219 : i32
      %sign3A_1221 = arith.extui %sign3A_1220 : i1 to i32
      %sign3A_1222 = arith.constant 0 : i32
      %sign3A_1223 = arith.cmpi slt, %add3A_1216, %sign3A_1222 : i32
      %sign3A_1224 = arith.extui %sign3A_1223 : i1 to i32
      %sign3A_1225 = arith.subi %sign3A_1221, %sign3A_1224 : i32
      %sign3A_1226 = arith.constant 0 : i32
      %sign3A_1227 = arith.cmpi sgt, %jit3A_1217, %sign3A_1226 : i32
      %sign3A_1228 = arith.extui %sign3A_1227 : i1 to i32
      %sign3A_1229 = arith.constant 0 : i32
      %sign3A_1230 = arith.cmpi slt, %jit3A_1217, %sign3A_1229 : i32
      %sign3A_1231 = arith.extui %sign3A_1230 : i1 to i32
      %sign3A_1232 = arith.subi %sign3A_1228, %sign3A_1231 : i32
      %ne3A_1233 = arith.cmpi ne, %sign3A_1225, %sign3A_1232 : i32
      %rem3A_1234 = arith.remsi %add3A_1216, %jit3A_1217 : i32
      %ne3A_1235 = arith.constant 0 : i32
      %ne3A_1236 = arith.cmpi ne, %rem3A_1234, %ne3A_1235 : i32
      %and3A_1237 = arith.andi %ne3A_1233, %ne3A_1236 : i1
      %sub3A_1238 = arith.constant 1 : i32
      %sub3A_1239 = arith.subi %div3A_1218, %sub3A_1238 : i32
      %select_n3A_1240 = arith.select %and3A_1237, %sub3A_1239, %div3A_1218 : i32
      %jit3A_1241 = arith.constant 2 : i32
      %eq3A_1242 = arith.constant 0 : i32
      %eq3A_1243 = arith.cmpi eq, %jit3A_1241, %eq3A_1242 : i32
      %jit3A_1244 = arith.constant 1 : i32
      %select_n3A_1245 = arith.select %eq3A_1243, %jit3A_1244, %jit3A_1241 : i32
      %rem3A_1246 = arith.remsi %add3A_1216, %select_n3A_1245 : i32
      %ne3A_1247 = arith.constant 0 : i32
      %ne3A_1248 = arith.cmpi ne, %rem3A_1246, %ne3A_1247 : i32
      %lt3A_1249 = arith.constant 0 : i32
      %lt3A_1250 = arith.cmpi slt, %rem3A_1246, %lt3A_1249 : i32
      %lt3A_1251 = arith.constant 0 : i32
      %lt3A_1252 = arith.cmpi slt, %select_n3A_1245, %lt3A_1251 : i32
      %ne3A_1253 = arith.xori %lt3A_1250, %lt3A_1252 : i1
      %and3A_1254 = arith.andi %ne3A_1253, %ne3A_1248 : i1
      %add3A_1255 = arith.addi %rem3A_1246, %select_n3A_1245 : i32
      %select_n3A_1256 = arith.select %and3A_1254, %add3A_1255, %rem3A_1246 : i32
      %mul3A_1257 = arith.constant 64 : i32
      %mul3A_1258 = arith.muli %select_n3A_1256, %mul3A_1257 : i32
      %dma_wait3A_1259 = arith.constant 4 : i32
      %dma_wait3A_1260 = arith.constant 4 : i32
      %dma_wait3A_1261 = arith.constant 0 : i32
      %dma_wait3A_1262 = arith.constant 0 : i32
      %dma_wait3A_1263 = tpu.memref_slice %arg6[%dma_wait3A_1259, %dma_wait3A_1261, %dma_wait3A_1262] : memref<10x64x128xf32, #tpu.memory_space<vmem>> -> memref<1x64x128xf32, #tpu.memory_space<vmem>>
      %dma_wait3A_1264 = tpu.memref_squeeze %dma_wait3A_1263 : memref<1x64x128xf32, #tpu.memory_space<vmem>> -> memref<64x128xf32, #tpu.memory_space<vmem>>
      %dma_wait3A_1265 = tpu.memref_slice %arg5[%select_n3A_1240, %mul3A_1258] : memref<50x128xi32, #tpu.memory_space<vmem>> -> memref<1x64xi32, #tpu.memory_space<vmem>>
      %dma_wait3A_1266 = tpu.memref_squeeze %dma_wait3A_1265 : memref<1x64xi32, #tpu.memory_space<vmem>> -> memref<64xi32, #tpu.memory_space<vmem>>
      %dma_wait3A_1267 = arith.constant 0 : i32
      %dma_wait3A_1268 = arith.constant 0 : i32
      %dma_wait3A_1269 = tpu.memref_slice %arg3[%dma_wait3A_1267, %dma_wait3A_1268] : memref<100000x128xf32, #tpu.memory_space<hbm>> -> memref<100000x128xf32, #tpu.memory_space<hbm>>
      %dma_wait3A_1270 = tpu.memref_slice %arg7[%dma_wait3A_1260] : memref<10x!tpu.dma_semaphore, #tpu.memory_space<semaphore_mem>> -> memref<1x!tpu.dma_semaphore, #tpu.memory_space<semaphore_mem>>
      %dma_wait3A_1271 = tpu.memref_squeeze %dma_wait3A_1270 : memref<1x!tpu.dma_semaphore, #tpu.memory_space<semaphore_mem>> -> memref<!tpu.dma_semaphore, #tpu.memory_space<semaphore_mem>>
      tpu.wait_indirect_dma semaphore(%dma_wait3A_1271 : memref<!tpu.dma_semaphore, #tpu.memory_space<semaphore_mem>>) src(%dma_wait3A_1269 : memref<100000x128xf32, #tpu.memory_space<hbm>>) dst(%dma_wait3A_1264 : memref<64x128xf32, #tpu.memory_space<vmem>>)
      %mul3A_1272 = arith.constant 10 : i32
      %mul3A_1273 = arith.muli %scan3A_726, %mul3A_1272 : i32
      %add3A_1274 = arith.constant 4 : i32
      %add3A_1275 = arith.addi %mul3A_1273, %add3A_1274 : i32
      %jit3A_1276 = arith.constant 2 : i32
      %div3A_1277 = arith.divsi %add3A_1275, %jit3A_1276 : i32
      %sign3A_1278 = arith.constant 0 : i32
      %sign3A_1279 = arith.cmpi sgt, %add3A_1275, %sign3A_1278 : i32
      %sign3A_1280 = arith.extui %sign3A_1279 : i1 to i32
      %sign3A_1281 = arith.constant 0 : i32
      %sign3A_1282 = arith.cmpi slt, %add3A_1275, %sign3A_1281 : i32
      %sign3A_1283 = arith.extui %sign3A_1282 : i1 to i32
      %sign3A_1284 = arith.subi %sign3A_1280, %sign3A_1283 : i32
      %sign3A_1285 = arith.constant 0 : i32
      %sign3A_1286 = arith.cmpi sgt, %jit3A_1276, %sign3A_1285 : i32
      %sign3A_1287 = arith.extui %sign3A_1286 : i1 to i32
      %sign3A_1288 = arith.constant 0 : i32
      %sign3A_1289 = arith.cmpi slt, %jit3A_1276, %sign3A_1288 : i32
      %sign3A_1290 = arith.extui %sign3A_1289 : i1 to i32
      %sign3A_1291 = arith.subi %sign3A_1287, %sign3A_1290 : i32
      %ne3A_1292 = arith.cmpi ne, %sign3A_1284, %sign3A_1291 : i32
      %rem3A_1293 = arith.remsi %add3A_1275, %jit3A_1276 : i32
      %ne3A_1294 = arith.constant 0 : i32
      %ne3A_1295 = arith.cmpi ne, %rem3A_1293, %ne3A_1294 : i32
      %and3A_1296 = arith.andi %ne3A_1292, %ne3A_1295 : i1
      %sub3A_1297 = arith.constant 1 : i32
      %sub3A_1298 = arith.subi %div3A_1277, %sub3A_1297 : i32
      %select_n3A_1299 = arith.select %and3A_1296, %sub3A_1298, %div3A_1277 : i32
      %jit3A_1300 = arith.constant 2 : i32
      %eq3A_1301 = arith.constant 0 : i32
      %eq3A_1302 = arith.cmpi eq, %jit3A_1300, %eq3A_1301 : i32
      %jit3A_1303 = arith.constant 1 : i32
      %select_n3A_1304 = arith.select %eq3A_1302, %jit3A_1303, %jit3A_1300 : i32
      %rem3A_1305 = arith.remsi %add3A_1275, %select_n3A_1304 : i32
      %ne3A_1306 = arith.constant 0 : i32
      %ne3A_1307 = arith.cmpi ne, %rem3A_1305, %ne3A_1306 : i32
      %lt3A_1308 = arith.constant 0 : i32
      %lt3A_1309 = arith.cmpi slt, %rem3A_1305, %lt3A_1308 : i32
      %lt3A_1310 = arith.constant 0 : i32
      %lt3A_1311 = arith.cmpi slt, %select_n3A_1304, %lt3A_1310 : i32
      %ne3A_1312 = arith.xori %lt3A_1309, %lt3A_1311 : i1
      %and3A_1313 = arith.andi %ne3A_1312, %ne3A_1307 : i1
      %add3A_1314 = arith.addi %rem3A_1305, %select_n3A_1304 : i32
      %select_n3A_1315 = arith.select %and3A_1313, %add3A_1314, %rem3A_1305 : i32
      %mul3A_1316 = arith.constant 64 : i32
      %mul3A_1317 = arith.muli %select_n3A_1315, %mul3A_1316 : i32
      %add3A_1318 = arith.addi %mul3A_2, %mul3A_1317 : i32
      %dma_start3A_1319 = arith.constant 4 : i32
      %dma_start3A_1320 = arith.constant 4 : i32
      %dma_start3A_1321 = arith.constant 0 : i32
      %dma_start3A_1322 = arith.constant 0 : i32
      %dma_start3A_1323 = tpu.memref_slice %arg6[%dma_start3A_1319, %dma_start3A_1321, %dma_start3A_1322] : memref<10x64x128xf32, #tpu.memory_space<vmem>> -> memref<1x64x128xf32, #tpu.memory_space<vmem>>
      %dma_start3A_1324 = tpu.memref_squeeze %dma_start3A_1323 : memref<1x64x128xf32, #tpu.memory_space<vmem>> -> memref<64x128xf32, #tpu.memory_space<vmem>>
      %dma_start3A_1325 = arith.constant 0 : i32
      %dma_start3A_1326 = tpu.memref_slice %arg4[%select_n3A_1299, %add3A_1318, %dma_start3A_1325] : memref<50x4096x128xf32, #tpu.memory_space<hbm>> -> memref<1x64x128xf32, #tpu.memory_space<hbm>>
      %dma_start3A_1327 = tpu.memref_squeeze %dma_start3A_1326 : memref<1x64x128xf32, #tpu.memory_space<hbm>> -> memref<64x128xf32, #tpu.memory_space<hbm>>
      %dma_start3A_1328 = tpu.memref_slice %arg8[%dma_start3A_1320] : memref<10x!tpu.dma_semaphore, #tpu.memory_space<semaphore_mem>> -> memref<1x!tpu.dma_semaphore, #tpu.memory_space<semaphore_mem>>
      %dma_start3A_1329 = tpu.memref_squeeze %dma_start3A_1328 : memref<1x!tpu.dma_semaphore, #tpu.memory_space<semaphore_mem>> -> memref<!tpu.dma_semaphore, #tpu.memory_space<semaphore_mem>>
      %dma_start3A_1330 = arith.constant 0 : i32
      %dma_start3A_1331 = tpu.memref_slice %arg4[%select_n3A_1299, %add3A_1318, %dma_start3A_1330] : memref<50x4096x128xf32, #tpu.memory_space<hbm>> -> memref<1x64x128xf32, #tpu.memory_space<hbm>>
      %dma_start3A_1332 = tpu.memref_squeeze %dma_start3A_1331 : memref<1x64x128xf32, #tpu.memory_space<hbm>> -> memref<64x128xf32, #tpu.memory_space<hbm>>
      %dma_start3A_1333 = arith.constant 0 : i32
      %dma_start3A_1334 = arith.constant 0 : i32
      %dma_start3A_1335 = tpu.memref_slice %arg6[%dma_start3A_1319, %dma_start3A_1333, %dma_start3A_1334] : memref<10x64x128xf32, #tpu.memory_space<vmem>> -> memref<1x64x128xf32, #tpu.memory_space<vmem>>
      %dma_start3A_1336 = tpu.memref_squeeze %dma_start3A_1335 : memref<1x64x128xf32, #tpu.memory_space<vmem>> -> memref<64x128xf32, #tpu.memory_space<vmem>>
      tpu.enqueue_dma source(%dma_start3A_1336 : memref<64x128xf32, #tpu.memory_space<vmem>>) target(%dma_start3A_1332 : memref<64x128xf32, #tpu.memory_space<hbm>>) target_semaphore(%dma_start3A_1329 : memref<!tpu.dma_semaphore, #tpu.memory_space<semaphore_mem>>)
      %mul3A_1337 = arith.constant 10 : i32
      %mul3A_1338 = arith.muli %scan3A_726, %mul3A_1337 : i32
      %add3A_1339 = arith.constant 5 : i32
      %add3A_1340 = arith.addi %mul3A_1338, %add3A_1339 : i32
      %jit3A_1341 = arith.constant 2 : i32
      %div3A_1342 = arith.divsi %add3A_1340, %jit3A_1341 : i32
      %sign3A_1343 = arith.constant 0 : i32
      %sign3A_1344 = arith.cmpi sgt, %add3A_1340, %sign3A_1343 : i32
      %sign3A_1345 = arith.extui %sign3A_1344 : i1 to i32
      %sign3A_1346 = arith.constant 0 : i32
      %sign3A_1347 = arith.cmpi slt, %add3A_1340, %sign3A_1346 : i32
      %sign3A_1348 = arith.extui %sign3A_1347 : i1 to i32
      %sign3A_1349 = arith.subi %sign3A_1345, %sign3A_1348 : i32
      %sign3A_1350 = arith.constant 0 : i32
      %sign3A_1351 = arith.cmpi sgt, %jit3A_1341, %sign3A_1350 : i32
      %sign3A_1352 = arith.extui %sign3A_1351 : i1 to i32
      %sign3A_1353 = arith.constant 0 : i32
      %sign3A_1354 = arith.cmpi slt, %jit3A_1341, %sign3A_1353 : i32
      %sign3A_1355 = arith.extui %sign3A_1354 : i1 to i32
      %sign3A_1356 = arith.subi %sign3A_1352, %sign3A_1355 : i32
      %ne3A_1357 = arith.cmpi ne, %sign3A_1349, %sign3A_1356 : i32
      %rem3A_1358 = arith.remsi %add3A_1340, %jit3A_1341 : i32
      %ne3A_1359 = arith.constant 0 : i32
      %ne3A_1360 = arith.cmpi ne, %rem3A_1358, %ne3A_1359 : i32
      %and3A_1361 = arith.andi %ne3A_1357, %ne3A_1360 : i1
      %sub3A_1362 = arith.constant 1 : i32
      %sub3A_1363 = arith.subi %div3A_1342, %sub3A_1362 : i32
      %select_n3A_1364 = arith.select %and3A_1361, %sub3A_1363, %div3A_1342 : i32
      %jit3A_1365 = arith.constant 2 : i32
      %eq3A_1366 = arith.constant 0 : i32
      %eq3A_1367 = arith.cmpi eq, %jit3A_1365, %eq3A_1366 : i32
      %jit3A_1368 = arith.constant 1 : i32
      %select_n3A_1369 = arith.select %eq3A_1367, %jit3A_1368, %jit3A_1365 : i32
      %rem3A_1370 = arith.remsi %add3A_1340, %select_n3A_1369 : i32
      %ne3A_1371 = arith.constant 0 : i32
      %ne3A_1372 = arith.cmpi ne, %rem3A_1370, %ne3A_1371 : i32
      %lt3A_1373 = arith.constant 0 : i32
      %lt3A_1374 = arith.cmpi slt, %rem3A_1370, %lt3A_1373 : i32
      %lt3A_1375 = arith.constant 0 : i32
      %lt3A_1376 = arith.cmpi slt, %select_n3A_1369, %lt3A_1375 : i32
      %ne3A_1377 = arith.xori %lt3A_1374, %lt3A_1376 : i1
      %and3A_1378 = arith.andi %ne3A_1377, %ne3A_1372 : i1
      %add3A_1379 = arith.addi %rem3A_1370, %select_n3A_1369 : i32
      %select_n3A_1380 = arith.select %and3A_1378, %add3A_1379, %rem3A_1370 : i32
      %mul3A_1381 = arith.constant 64 : i32
      %mul3A_1382 = arith.muli %select_n3A_1380, %mul3A_1381 : i32
      %dma_wait3A_1383 = arith.constant 5 : i32
      %dma_wait3A_1384 = arith.constant 5 : i32
      %dma_wait3A_1385 = arith.constant 0 : i32
      %dma_wait3A_1386 = arith.constant 0 : i32
      %dma_wait3A_1387 = tpu.memref_slice %arg6[%dma_wait3A_1383, %dma_wait3A_1385, %dma_wait3A_1386] : memref<10x64x128xf32, #tpu.memory_space<vmem>> -> memref<1x64x128xf32, #tpu.memory_space<vmem>>
      %dma_wait3A_1388 = tpu.memref_squeeze %dma_wait3A_1387 : memref<1x64x128xf32, #tpu.memory_space<vmem>> -> memref<64x128xf32, #tpu.memory_space<vmem>>
      %dma_wait3A_1389 = tpu.memref_slice %arg5[%select_n3A_1364, %mul3A_1382] : memref<50x128xi32, #tpu.memory_space<vmem>> -> memref<1x64xi32, #tpu.memory_space<vmem>>
      %dma_wait3A_1390 = tpu.memref_squeeze %dma_wait3A_1389 : memref<1x64xi32, #tpu.memory_space<vmem>> -> memref<64xi32, #tpu.memory_space<vmem>>
      %dma_wait3A_1391 = arith.constant 0 : i32
      %dma_wait3A_1392 = arith.constant 0 : i32
      %dma_wait3A_1393 = tpu.memref_slice %arg3[%dma_wait3A_1391, %dma_wait3A_1392] : memref<100000x128xf32, #tpu.memory_space<hbm>> -> memref<100000x128xf32, #tpu.memory_space<hbm>>
      %dma_wait3A_1394 = tpu.memref_slice %arg7[%dma_wait3A_1384] : memref<10x!tpu.dma_semaphore, #tpu.memory_space<semaphore_mem>> -> memref<1x!tpu.dma_semaphore, #tpu.memory_space<semaphore_mem>>
      %dma_wait3A_1395 = tpu.memref_squeeze %dma_wait3A_1394 : memref<1x!tpu.dma_semaphore, #tpu.memory_space<semaphore_mem>> -> memref<!tpu.dma_semaphore, #tpu.memory_space<semaphore_mem>>
      tpu.wait_indirect_dma semaphore(%dma_wait3A_1395 : memref<!tpu.dma_semaphore, #tpu.memory_space<semaphore_mem>>) src(%dma_wait3A_1393 : memref<100000x128xf32, #tpu.memory_space<hbm>>) dst(%dma_wait3A_1388 : memref<64x128xf32, #tpu.memory_space<vmem>>)
      %mul3A_1396 = arith.constant 10 : i32
      %mul3A_1397 = arith.muli %scan3A_726, %mul3A_1396 : i32
      %add3A_1398 = arith.constant 5 : i32
      %add3A_1399 = arith.addi %mul3A_1397, %add3A_1398 : i32
      %jit3A_1400 = arith.constant 2 : i32
      %div3A_1401 = arith.divsi %add3A_1399, %jit3A_1400 : i32
      %sign3A_1402 = arith.constant 0 : i32
      %sign3A_1403 = arith.cmpi sgt, %add3A_1399, %sign3A_1402 : i32
      %sign3A_1404 = arith.extui %sign3A_1403 : i1 to i32
      %sign3A_1405 = arith.constant 0 : i32
      %sign3A_1406 = arith.cmpi slt, %add3A_1399, %sign3A_1405 : i32
      %sign3A_1407 = arith.extui %sign3A_1406 : i1 to i32
      %sign3A_1408 = arith.subi %sign3A_1404, %sign3A_1407 : i32
      %sign3A_1409 = arith.constant 0 : i32
      %sign3A_1410 = arith.cmpi sgt, %jit3A_1400, %sign3A_1409 : i32
      %sign3A_1411 = arith.extui %sign3A_1410 : i1 to i32
      %sign3A_1412 = arith.constant 0 : i32
      %sign3A_1413 = arith.cmpi slt, %jit3A_1400, %sign3A_1412 : i32
      %sign3A_1414 = arith.extui %sign3A_1413 : i1 to i32
      %sign3A_1415 = arith.subi %sign3A_1411, %sign3A_1414 : i32
      %ne3A_1416 = arith.cmpi ne, %sign3A_1408, %sign3A_1415 : i32
      %rem3A_1417 = arith.remsi %add3A_1399, %jit3A_1400 : i32
      %ne3A_1418 = arith.constant 0 : i32
      %ne3A_1419 = arith.cmpi ne, %rem3A_1417, %ne3A_1418 : i32
      %and3A_1420 = arith.andi %ne3A_1416, %ne3A_1419 : i1
      %sub3A_1421 = arith.constant 1 : i32
      %sub3A_1422 = arith.subi %div3A_1401, %sub3A_1421 : i32
      %select_n3A_1423 = arith.select %and3A_1420, %sub3A_1422, %div3A_1401 : i32
      %jit3A_1424 = arith.constant 2 : i32
      %eq3A_1425 = arith.constant 0 : i32
      %eq3A_1426 = arith.cmpi eq, %jit3A_1424, %eq3A_1425 : i32
      %jit3A_1427 = arith.constant 1 : i32
      %select_n3A_1428 = arith.select %eq3A_1426, %jit3A_1427, %jit3A_1424 : i32
      %rem3A_1429 = arith.remsi %add3A_1399, %select_n3A_1428 : i32
      %ne3A_1430 = arith.constant 0 : i32
      %ne3A_1431 = arith.cmpi ne, %rem3A_1429, %ne3A_1430 : i32
      %lt3A_1432 = arith.constant 0 : i32
      %lt3A_1433 = arith.cmpi slt, %rem3A_1429, %lt3A_1432 : i32
      %lt3A_1434 = arith.constant 0 : i32
      %lt3A_1435 = arith.cmpi slt, %select_n3A_1428, %lt3A_1434 : i32
      %ne3A_1436 = arith.xori %lt3A_1433, %lt3A_1435 : i1
      %and3A_1437 = arith.andi %ne3A_1436, %ne3A_1431 : i1
      %add3A_1438 = arith.addi %rem3A_1429, %select_n3A_1428 : i32
      %select_n3A_1439 = arith.select %and3A_1437, %add3A_1438, %rem3A_1429 : i32
      %mul3A_1440 = arith.constant 64 : i32
      %mul3A_1441 = arith.muli %select_n3A_1439, %mul3A_1440 : i32
      %add3A_1442 = arith.addi %mul3A_2, %mul3A_1441 : i32
      %dma_start3A_1443 = arith.constant 5 : i32
      %dma_start3A_1444 = arith.constant 5 : i32
      %dma_start3A_1445 = arith.constant 0 : i32
      %dma_start3A_1446 = arith.constant 0 : i32
      %dma_start3A_1447 = tpu.memref_slice %arg6[%dma_start3A_1443, %dma_start3A_1445, %dma_start3A_1446] : memref<10x64x128xf32, #tpu.memory_space<vmem>> -> memref<1x64x128xf32, #tpu.memory_space<vmem>>
      %dma_start3A_1448 = tpu.memref_squeeze %dma_start3A_1447 : memref<1x64x128xf32, #tpu.memory_space<vmem>> -> memref<64x128xf32, #tpu.memory_space<vmem>>
      %dma_start3A_1449 = arith.constant 0 : i32
      %dma_start3A_1450 = tpu.memref_slice %arg4[%select_n3A_1423, %add3A_1442, %dma_start3A_1449] : memref<50x4096x128xf32, #tpu.memory_space<hbm>> -> memref<1x64x128xf32, #tpu.memory_space<hbm>>
      %dma_start3A_1451 = tpu.memref_squeeze %dma_start3A_1450 : memref<1x64x128xf32, #tpu.memory_space<hbm>> -> memref<64x128xf32, #tpu.memory_space<hbm>>
      %dma_start3A_1452 = tpu.memref_slice %arg8[%dma_start3A_1444] : memref<10x!tpu.dma_semaphore, #tpu.memory_space<semaphore_mem>> -> memref<1x!tpu.dma_semaphore, #tpu.memory_space<semaphore_mem>>
      %dma_start3A_1453 = tpu.memref_squeeze %dma_start3A_1452 : memref<1x!tpu.dma_semaphore, #tpu.memory_space<semaphore_mem>> -> memref<!tpu.dma_semaphore, #tpu.memory_space<semaphore_mem>>
      %dma_start3A_1454 = arith.constant 0 : i32
      %dma_start3A_1455 = tpu.memref_slice %arg4[%select_n3A_1423, %add3A_1442, %dma_start3A_1454] : memref<50x4096x128xf32, #tpu.memory_space<hbm>> -> memref<1x64x128xf32, #tpu.memory_space<hbm>>
      %dma_start3A_1456 = tpu.memref_squeeze %dma_start3A_1455 : memref<1x64x128xf32, #tpu.memory_space<hbm>> -> memref<64x128xf32, #tpu.memory_space<hbm>>
      %dma_start3A_1457 = arith.constant 0 : i32
      %dma_start3A_1458 = arith.constant 0 : i32
      %dma_start3A_1459 = tpu.memref_slice %arg6[%dma_start3A_1443, %dma_start3A_1457, %dma_start3A_1458] : memref<10x64x128xf32, #tpu.memory_space<vmem>> -> memref<1x64x128xf32, #tpu.memory_space<vmem>>
      %dma_start3A_1460 = tpu.memref_squeeze %dma_start3A_1459 : memref<1x64x128xf32, #tpu.memory_space<vmem>> -> memref<64x128xf32, #tpu.memory_space<vmem>>
      tpu.enqueue_dma source(%dma_start3A_1460 : memref<64x128xf32, #tpu.memory_space<vmem>>) target(%dma_start3A_1456 : memref<64x128xf32, #tpu.memory_space<hbm>>) target_semaphore(%dma_start3A_1453 : memref<!tpu.dma_semaphore, #tpu.memory_space<semaphore_mem>>)
      %mul3A_1461 = arith.constant 10 : i32
      %mul3A_1462 = arith.muli %scan3A_726, %mul3A_1461 : i32
      %add3A_1463 = arith.constant 6 : i32
      %add3A_1464 = arith.addi %mul3A_1462, %add3A_1463 : i32
      %jit3A_1465 = arith.constant 2 : i32
      %div3A_1466 = arith.divsi %add3A_1464, %jit3A_1465 : i32
      %sign3A_1467 = arith.constant 0 : i32
      %sign3A_1468 = arith.cmpi sgt, %add3A_1464, %sign3A_1467 : i32
      %sign3A_1469 = arith.extui %sign3A_1468 : i1 to i32
      %sign3A_1470 = arith.constant 0 : i32
      %sign3A_1471 = arith.cmpi slt, %add3A_1464, %sign3A_1470 : i32
      %sign3A_1472 = arith.extui %sign3A_1471 : i1 to i32
      %sign3A_1473 = arith.subi %sign3A_1469, %sign3A_1472 : i32
      %sign3A_1474 = arith.constant 0 : i32
      %sign3A_1475 = arith.cmpi sgt, %jit3A_1465, %sign3A_1474 : i32
      %sign3A_1476 = arith.extui %sign3A_1475 : i1 to i32
      %sign3A_1477 = arith.constant 0 : i32
      %sign3A_1478 = arith.cmpi slt, %jit3A_1465, %sign3A_1477 : i32
      %sign3A_1479 = arith.extui %sign3A_1478 : i1 to i32
      %sign3A_1480 = arith.subi %sign3A_1476, %sign3A_1479 : i32
      %ne3A_1481 = arith.cmpi ne, %sign3A_1473, %sign3A_1480 : i32
      %rem3A_1482 = arith.remsi %add3A_1464, %jit3A_1465 : i32
      %ne3A_1483 = arith.constant 0 : i32
      %ne3A_1484 = arith.cmpi ne, %rem3A_1482, %ne3A_1483 : i32
      %and3A_1485 = arith.andi %ne3A_1481, %ne3A_1484 : i1
      %sub3A_1486 = arith.constant 1 : i32
      %sub3A_1487 = arith.subi %div3A_1466, %sub3A_1486 : i32
      %select_n3A_1488 = arith.select %and3A_1485, %sub3A_1487, %div3A_1466 : i32
      %jit3A_1489 = arith.constant 2 : i32
      %eq3A_1490 = arith.constant 0 : i32
      %eq3A_1491 = arith.cmpi eq, %jit3A_1489, %eq3A_1490 : i32
      %jit3A_1492 = arith.constant 1 : i32
      %select_n3A_1493 = arith.select %eq3A_1491, %jit3A_1492, %jit3A_1489 : i32
      %rem3A_1494 = arith.remsi %add3A_1464, %select_n3A_1493 : i32
      %ne3A_1495 = arith.constant 0 : i32
      %ne3A_1496 = arith.cmpi ne, %rem3A_1494, %ne3A_1495 : i32
      %lt3A_1497 = arith.constant 0 : i32
      %lt3A_1498 = arith.cmpi slt, %rem3A_1494, %lt3A_1497 : i32
      %lt3A_1499 = arith.constant 0 : i32
      %lt3A_1500 = arith.cmpi slt, %select_n3A_1493, %lt3A_1499 : i32
      %ne3A_1501 = arith.xori %lt3A_1498, %lt3A_1500 : i1
      %and3A_1502 = arith.andi %ne3A_1501, %ne3A_1496 : i1
      %add3A_1503 = arith.addi %rem3A_1494, %select_n3A_1493 : i32
      %select_n3A_1504 = arith.select %and3A_1502, %add3A_1503, %rem3A_1494 : i32
      %mul3A_1505 = arith.constant 64 : i32
      %mul3A_1506 = arith.muli %select_n3A_1504, %mul3A_1505 : i32
      %dma_wait3A_1507 = arith.constant 6 : i32
      %dma_wait3A_1508 = arith.constant 6 : i32
      %dma_wait3A_1509 = arith.constant 0 : i32
      %dma_wait3A_1510 = arith.constant 0 : i32
      %dma_wait3A_1511 = tpu.memref_slice %arg6[%dma_wait3A_1507, %dma_wait3A_1509, %dma_wait3A_1510] : memref<10x64x128xf32, #tpu.memory_space<vmem>> -> memref<1x64x128xf32, #tpu.memory_space<vmem>>
      %dma_wait3A_1512 = tpu.memref_squeeze %dma_wait3A_1511 : memref<1x64x128xf32, #tpu.memory_space<vmem>> -> memref<64x128xf32, #tpu.memory_space<vmem>>
      %dma_wait3A_1513 = tpu.memref_slice %arg5[%select_n3A_1488, %mul3A_1506] : memref<50x128xi32, #tpu.memory_space<vmem>> -> memref<1x64xi32, #tpu.memory_space<vmem>>
      %dma_wait3A_1514 = tpu.memref_squeeze %dma_wait3A_1513 : memref<1x64xi32, #tpu.memory_space<vmem>> -> memref<64xi32, #tpu.memory_space<vmem>>
      %dma_wait3A_1515 = arith.constant 0 : i32
      %dma_wait3A_1516 = arith.constant 0 : i32
      %dma_wait3A_1517 = tpu.memref_slice %arg3[%dma_wait3A_1515, %dma_wait3A_1516] : memref<100000x128xf32, #tpu.memory_space<hbm>> -> memref<100000x128xf32, #tpu.memory_space<hbm>>
      %dma_wait3A_1518 = tpu.memref_slice %arg7[%dma_wait3A_1508] : memref<10x!tpu.dma_semaphore, #tpu.memory_space<semaphore_mem>> -> memref<1x!tpu.dma_semaphore, #tpu.memory_space<semaphore_mem>>
      %dma_wait3A_1519 = tpu.memref_squeeze %dma_wait3A_1518 : memref<1x!tpu.dma_semaphore, #tpu.memory_space<semaphore_mem>> -> memref<!tpu.dma_semaphore, #tpu.memory_space<semaphore_mem>>
      tpu.wait_indirect_dma semaphore(%dma_wait3A_1519 : memref<!tpu.dma_semaphore, #tpu.memory_space<semaphore_mem>>) src(%dma_wait3A_1517 : memref<100000x128xf32, #tpu.memory_space<hbm>>) dst(%dma_wait3A_1512 : memref<64x128xf32, #tpu.memory_space<vmem>>)
      %mul3A_1520 = arith.constant 10 : i32
      %mul3A_1521 = arith.muli %scan3A_726, %mul3A_1520 : i32
      %add3A_1522 = arith.constant 6 : i32
      %add3A_1523 = arith.addi %mul3A_1521, %add3A_1522 : i32
      %jit3A_1524 = arith.constant 2 : i32
      %div3A_1525 = arith.divsi %add3A_1523, %jit3A_1524 : i32
      %sign3A_1526 = arith.constant 0 : i32
      %sign3A_1527 = arith.cmpi sgt, %add3A_1523, %sign3A_1526 : i32
      %sign3A_1528 = arith.extui %sign3A_1527 : i1 to i32
      %sign3A_1529 = arith.constant 0 : i32
      %sign3A_1530 = arith.cmpi slt, %add3A_1523, %sign3A_1529 : i32
      %sign3A_1531 = arith.extui %sign3A_1530 : i1 to i32
      %sign3A_1532 = arith.subi %sign3A_1528, %sign3A_1531 : i32
      %sign3A_1533 = arith.constant 0 : i32
      %sign3A_1534 = arith.cmpi sgt, %jit3A_1524, %sign3A_1533 : i32
      %sign3A_1535 = arith.extui %sign3A_1534 : i1 to i32
      %sign3A_1536 = arith.constant 0 : i32
      %sign3A_1537 = arith.cmpi slt, %jit3A_1524, %sign3A_1536 : i32
      %sign3A_1538 = arith.extui %sign3A_1537 : i1 to i32
      %sign3A_1539 = arith.subi %sign3A_1535, %sign3A_1538 : i32
      %ne3A_1540 = arith.cmpi ne, %sign3A_1532, %sign3A_1539 : i32
      %rem3A_1541 = arith.remsi %add3A_1523, %jit3A_1524 : i32
      %ne3A_1542 = arith.constant 0 : i32
      %ne3A_1543 = arith.cmpi ne, %rem3A_1541, %ne3A_1542 : i32
      %and3A_1544 = arith.andi %ne3A_1540, %ne3A_1543 : i1
      %sub3A_1545 = arith.constant 1 : i32
      %sub3A_1546 = arith.subi %div3A_1525, %sub3A_1545 : i32
      %select_n3A_1547 = arith.select %and3A_1544, %sub3A_1546, %div3A_1525 : i32
      %jit3A_1548 = arith.constant 2 : i32
      %eq3A_1549 = arith.constant 0 : i32
      %eq3A_1550 = arith.cmpi eq, %jit3A_1548, %eq3A_1549 : i32
      %jit3A_1551 = arith.constant 1 : i32
      %select_n3A_1552 = arith.select %eq3A_1550, %jit3A_1551, %jit3A_1548 : i32
      %rem3A_1553 = arith.remsi %add3A_1523, %select_n3A_1552 : i32
      %ne3A_1554 = arith.constant 0 : i32
      %ne3A_1555 = arith.cmpi ne, %rem3A_1553, %ne3A_1554 : i32
      %lt3A_1556 = arith.constant 0 : i32
      %lt3A_1557 = arith.cmpi slt, %rem3A_1553, %lt3A_1556 : i32
      %lt3A_1558 = arith.constant 0 : i32
      %lt3A_1559 = arith.cmpi slt, %select_n3A_1552, %lt3A_1558 : i32
      %ne3A_1560 = arith.xori %lt3A_1557, %lt3A_1559 : i1
      %and3A_1561 = arith.andi %ne3A_1560, %ne3A_1555 : i1
      %add3A_1562 = arith.addi %rem3A_1553, %select_n3A_1552 : i32
      %select_n3A_1563 = arith.select %and3A_1561, %add3A_1562, %rem3A_1553 : i32
      %mul3A_1564 = arith.constant 64 : i32
      %mul3A_1565 = arith.muli %select_n3A_1563, %mul3A_1564 : i32
      %add3A_1566 = arith.addi %mul3A_2, %mul3A_1565 : i32
      %dma_start3A_1567 = arith.constant 6 : i32
      %dma_start3A_1568 = arith.constant 6 : i32
      %dma_start3A_1569 = arith.constant 0 : i32
      %dma_start3A_1570 = arith.constant 0 : i32
      %dma_start3A_1571 = tpu.memref_slice %arg6[%dma_start3A_1567, %dma_start3A_1569, %dma_start3A_1570] : memref<10x64x128xf32, #tpu.memory_space<vmem>> -> memref<1x64x128xf32, #tpu.memory_space<vmem>>
      %dma_start3A_1572 = tpu.memref_squeeze %dma_start3A_1571 : memref<1x64x128xf32, #tpu.memory_space<vmem>> -> memref<64x128xf32, #tpu.memory_space<vmem>>
      %dma_start3A_1573 = arith.constant 0 : i32
      %dma_start3A_1574 = tpu.memref_slice %arg4[%select_n3A_1547, %add3A_1566, %dma_start3A_1573] : memref<50x4096x128xf32, #tpu.memory_space<hbm>> -> memref<1x64x128xf32, #tpu.memory_space<hbm>>
      %dma_start3A_1575 = tpu.memref_squeeze %dma_start3A_1574 : memref<1x64x128xf32, #tpu.memory_space<hbm>> -> memref<64x128xf32, #tpu.memory_space<hbm>>
      %dma_start3A_1576 = tpu.memref_slice %arg8[%dma_start3A_1568] : memref<10x!tpu.dma_semaphore, #tpu.memory_space<semaphore_mem>> -> memref<1x!tpu.dma_semaphore, #tpu.memory_space<semaphore_mem>>
      %dma_start3A_1577 = tpu.memref_squeeze %dma_start3A_1576 : memref<1x!tpu.dma_semaphore, #tpu.memory_space<semaphore_mem>> -> memref<!tpu.dma_semaphore, #tpu.memory_space<semaphore_mem>>
      %dma_start3A_1578 = arith.constant 0 : i32
      %dma_start3A_1579 = tpu.memref_slice %arg4[%select_n3A_1547, %add3A_1566, %dma_start3A_1578] : memref<50x4096x128xf32, #tpu.memory_space<hbm>> -> memref<1x64x128xf32, #tpu.memory_space<hbm>>
      %dma_start3A_1580 = tpu.memref_squeeze %dma_start3A_1579 : memref<1x64x128xf32, #tpu.memory_space<hbm>> -> memref<64x128xf32, #tpu.memory_space<hbm>>
      %dma_start3A_1581 = arith.constant 0 : i32
      %dma_start3A_1582 = arith.constant 0 : i32
      %dma_start3A_1583 = tpu.memref_slice %arg6[%dma_start3A_1567, %dma_start3A_1581, %dma_start3A_1582] : memref<10x64x128xf32, #tpu.memory_space<vmem>> -> memref<1x64x128xf32, #tpu.memory_space<vmem>>
      %dma_start3A_1584 = tpu.memref_squeeze %dma_start3A_1583 : memref<1x64x128xf32, #tpu.memory_space<vmem>> -> memref<64x128xf32, #tpu.memory_space<vmem>>
      tpu.enqueue_dma source(%dma_start3A_1584 : memref<64x128xf32, #tpu.memory_space<vmem>>) target(%dma_start3A_1580 : memref<64x128xf32, #tpu.memory_space<hbm>>) target_semaphore(%dma_start3A_1577 : memref<!tpu.dma_semaphore, #tpu.memory_space<semaphore_mem>>)
      %mul3A_1585 = arith.constant 10 : i32
      %mul3A_1586 = arith.muli %scan3A_726, %mul3A_1585 : i32
      %add3A_1587 = arith.constant 7 : i32
      %add3A_1588 = arith.addi %mul3A_1586, %add3A_1587 : i32
      %jit3A_1589 = arith.constant 2 : i32
      %div3A_1590 = arith.divsi %add3A_1588, %jit3A_1589 : i32
      %sign3A_1591 = arith.constant 0 : i32
      %sign3A_1592 = arith.cmpi sgt, %add3A_1588, %sign3A_1591 : i32
      %sign3A_1593 = arith.extui %sign3A_1592 : i1 to i32
      %sign3A_1594 = arith.constant 0 : i32
      %sign3A_1595 = arith.cmpi slt, %add3A_1588, %sign3A_1594 : i32
      %sign3A_1596 = arith.extui %sign3A_1595 : i1 to i32
      %sign3A_1597 = arith.subi %sign3A_1593, %sign3A_1596 : i32
      %sign3A_1598 = arith.constant 0 : i32
      %sign3A_1599 = arith.cmpi sgt, %jit3A_1589, %sign3A_1598 : i32
      %sign3A_1600 = arith.extui %sign3A_1599 : i1 to i32
      %sign3A_1601 = arith.constant 0 : i32
      %sign3A_1602 = arith.cmpi slt, %jit3A_1589, %sign3A_1601 : i32
      %sign3A_1603 = arith.extui %sign3A_1602 : i1 to i32
      %sign3A_1604 = arith.subi %sign3A_1600, %sign3A_1603 : i32
      %ne3A_1605 = arith.cmpi ne, %sign3A_1597, %sign3A_1604 : i32
      %rem3A_1606 = arith.remsi %add3A_1588, %jit3A_1589 : i32
      %ne3A_1607 = arith.constant 0 : i32
      %ne3A_1608 = arith.cmpi ne, %rem3A_1606, %ne3A_1607 : i32
      %and3A_1609 = arith.andi %ne3A_1605, %ne3A_1608 : i1
      %sub3A_1610 = arith.constant 1 : i32
      %sub3A_1611 = arith.subi %div3A_1590, %sub3A_1610 : i32
      %select_n3A_1612 = arith.select %and3A_1609, %sub3A_1611, %div3A_1590 : i32
      %jit3A_1613 = arith.constant 2 : i32
      %eq3A_1614 = arith.constant 0 : i32
      %eq3A_1615 = arith.cmpi eq, %jit3A_1613, %eq3A_1614 : i32
      %jit3A_1616 = arith.constant 1 : i32
      %select_n3A_1617 = arith.select %eq3A_1615, %jit3A_1616, %jit3A_1613 : i32
      %rem3A_1618 = arith.remsi %add3A_1588, %select_n3A_1617 : i32
      %ne3A_1619 = arith.constant 0 : i32
      %ne3A_1620 = arith.cmpi ne, %rem3A_1618, %ne3A_1619 : i32
      %lt3A_1621 = arith.constant 0 : i32
      %lt3A_1622 = arith.cmpi slt, %rem3A_1618, %lt3A_1621 : i32
      %lt3A_1623 = arith.constant 0 : i32
      %lt3A_1624 = arith.cmpi slt, %select_n3A_1617, %lt3A_1623 : i32
      %ne3A_1625 = arith.xori %lt3A_1622, %lt3A_1624 : i1
      %and3A_1626 = arith.andi %ne3A_1625, %ne3A_1620 : i1
      %add3A_1627 = arith.addi %rem3A_1618, %select_n3A_1617 : i32
      %select_n3A_1628 = arith.select %and3A_1626, %add3A_1627, %rem3A_1618 : i32
      %mul3A_1629 = arith.constant 64 : i32
      %mul3A_1630 = arith.muli %select_n3A_1628, %mul3A_1629 : i32
      %dma_wait3A_1631 = arith.constant 7 : i32
      %dma_wait3A_1632 = arith.constant 7 : i32
      %dma_wait3A_1633 = arith.constant 0 : i32
      %dma_wait3A_1634 = arith.constant 0 : i32
      %dma_wait3A_1635 = tpu.memref_slice %arg6[%dma_wait3A_1631, %dma_wait3A_1633, %dma_wait3A_1634] : memref<10x64x128xf32, #tpu.memory_space<vmem>> -> memref<1x64x128xf32, #tpu.memory_space<vmem>>
      %dma_wait3A_1636 = tpu.memref_squeeze %dma_wait3A_1635 : memref<1x64x128xf32, #tpu.memory_space<vmem>> -> memref<64x128xf32, #tpu.memory_space<vmem>>
      %dma_wait3A_1637 = tpu.memref_slice %arg5[%select_n3A_1612, %mul3A_1630] : memref<50x128xi32, #tpu.memory_space<vmem>> -> memref<1x64xi32, #tpu.memory_space<vmem>>
      %dma_wait3A_1638 = tpu.memref_squeeze %dma_wait3A_1637 : memref<1x64xi32, #tpu.memory_space<vmem>> -> memref<64xi32, #tpu.memory_space<vmem>>
      %dma_wait3A_1639 = arith.constant 0 : i32
      %dma_wait3A_1640 = arith.constant 0 : i32
      %dma_wait3A_1641 = tpu.memref_slice %arg3[%dma_wait3A_1639, %dma_wait3A_1640] : memref<100000x128xf32, #tpu.memory_space<hbm>> -> memref<100000x128xf32, #tpu.memory_space<hbm>>
      %dma_wait3A_1642 = tpu.memref_slice %arg7[%dma_wait3A_1632] : memref<10x!tpu.dma_semaphore, #tpu.memory_space<semaphore_mem>> -> memref<1x!tpu.dma_semaphore, #tpu.memory_space<semaphore_mem>>
      %dma_wait3A_1643 = tpu.memref_squeeze %dma_wait3A_1642 : memref<1x!tpu.dma_semaphore, #tpu.memory_space<semaphore_mem>> -> memref<!tpu.dma_semaphore, #tpu.memory_space<semaphore_mem>>
      tpu.wait_indirect_dma semaphore(%dma_wait3A_1643 : memref<!tpu.dma_semaphore, #tpu.memory_space<semaphore_mem>>) src(%dma_wait3A_1641 : memref<100000x128xf32, #tpu.memory_space<hbm>>) dst(%dma_wait3A_1636 : memref<64x128xf32, #tpu.memory_space<vmem>>)
      %mul3A_1644 = arith.constant 10 : i32
      %mul3A_1645 = arith.muli %scan3A_726, %mul3A_1644 : i32
      %add3A_1646 = arith.constant 7 : i32
      %add3A_1647 = arith.addi %mul3A_1645, %add3A_1646 : i32
      %jit3A_1648 = arith.constant 2 : i32
      %div3A_1649 = arith.divsi %add3A_1647, %jit3A_1648 : i32
      %sign3A_1650 = arith.constant 0 : i32
      %sign3A_1651 = arith.cmpi sgt, %add3A_1647, %sign3A_1650 : i32
      %sign3A_1652 = arith.extui %sign3A_1651 : i1 to i32
      %sign3A_1653 = arith.constant 0 : i32
      %sign3A_1654 = arith.cmpi slt, %add3A_1647, %sign3A_1653 : i32
      %sign3A_1655 = arith.extui %sign3A_1654 : i1 to i32
      %sign3A_1656 = arith.subi %sign3A_1652, %sign3A_1655 : i32
      %sign3A_1657 = arith.constant 0 : i32
      %sign3A_1658 = arith.cmpi sgt, %jit3A_1648, %sign3A_1657 : i32
      %sign3A_1659 = arith.extui %sign3A_1658 : i1 to i32
      %sign3A_1660 = arith.constant 0 : i32
      %sign3A_1661 = arith.cmpi slt, %jit3A_1648, %sign3A_1660 : i32
      %sign3A_1662 = arith.extui %sign3A_1661 : i1 to i32
      %sign3A_1663 = arith.subi %sign3A_1659, %sign3A_1662 : i32
      %ne3A_1664 = arith.cmpi ne, %sign3A_1656, %sign3A_1663 : i32
      %rem3A_1665 = arith.remsi %add3A_1647, %jit3A_1648 : i32
      %ne3A_1666 = arith.constant 0 : i32
      %ne3A_1667 = arith.cmpi ne, %rem3A_1665, %ne3A_1666 : i32
      %and3A_1668 = arith.andi %ne3A_1664, %ne3A_1667 : i1
      %sub3A_1669 = arith.constant 1 : i32
      %sub3A_1670 = arith.subi %div3A_1649, %sub3A_1669 : i32
      %select_n3A_1671 = arith.select %and3A_1668, %sub3A_1670, %div3A_1649 : i32
      %jit3A_1672 = arith.constant 2 : i32
      %eq3A_1673 = arith.constant 0 : i32
      %eq3A_1674 = arith.cmpi eq, %jit3A_1672, %eq3A_1673 : i32
      %jit3A_1675 = arith.constant 1 : i32
      %select_n3A_1676 = arith.select %eq3A_1674, %jit3A_1675, %jit3A_1672 : i32
      %rem3A_1677 = arith.remsi %add3A_1647, %select_n3A_1676 : i32
      %ne3A_1678 = arith.constant 0 : i32
      %ne3A_1679 = arith.cmpi ne, %rem3A_1677, %ne3A_1678 : i32
      %lt3A_1680 = arith.constant 0 : i32
      %lt3A_1681 = arith.cmpi slt, %rem3A_1677, %lt3A_1680 : i32
      %lt3A_1682 = arith.constant 0 : i32
      %lt3A_1683 = arith.cmpi slt, %select_n3A_1676, %lt3A_1682 : i32
      %ne3A_1684 = arith.xori %lt3A_1681, %lt3A_1683 : i1
      %and3A_1685 = arith.andi %ne3A_1684, %ne3A_1679 : i1
      %add3A_1686 = arith.addi %rem3A_1677, %select_n3A_1676 : i32
      %select_n3A_1687 = arith.select %and3A_1685, %add3A_1686, %rem3A_1677 : i32
      %mul3A_1688 = arith.constant 64 : i32
      %mul3A_1689 = arith.muli %select_n3A_1687, %mul3A_1688 : i32
      %add3A_1690 = arith.addi %mul3A_2, %mul3A_1689 : i32
      %dma_start3A_1691 = arith.constant 7 : i32
      %dma_start3A_1692 = arith.constant 7 : i32
      %dma_start3A_1693 = arith.constant 0 : i32
      %dma_start3A_1694 = arith.constant 0 : i32
      %dma_start3A_1695 = tpu.memref_slice %arg6[%dma_start3A_1691, %dma_start3A_1693, %dma_start3A_1694] : memref<10x64x128xf32, #tpu.memory_space<vmem>> -> memref<1x64x128xf32, #tpu.memory_space<vmem>>
      %dma_start3A_1696 = tpu.memref_squeeze %dma_start3A_1695 : memref<1x64x128xf32, #tpu.memory_space<vmem>> -> memref<64x128xf32, #tpu.memory_space<vmem>>
      %dma_start3A_1697 = arith.constant 0 : i32
      %dma_start3A_1698 = tpu.memref_slice %arg4[%select_n3A_1671, %add3A_1690, %dma_start3A_1697] : memref<50x4096x128xf32, #tpu.memory_space<hbm>> -> memref<1x64x128xf32, #tpu.memory_space<hbm>>
      %dma_start3A_1699 = tpu.memref_squeeze %dma_start3A_1698 : memref<1x64x128xf32, #tpu.memory_space<hbm>> -> memref<64x128xf32, #tpu.memory_space<hbm>>
      %dma_start3A_1700 = tpu.memref_slice %arg8[%dma_start3A_1692] : memref<10x!tpu.dma_semaphore, #tpu.memory_space<semaphore_mem>> -> memref<1x!tpu.dma_semaphore, #tpu.memory_space<semaphore_mem>>
      %dma_start3A_1701 = tpu.memref_squeeze %dma_start3A_1700 : memref<1x!tpu.dma_semaphore, #tpu.memory_space<semaphore_mem>> -> memref<!tpu.dma_semaphore, #tpu.memory_space<semaphore_mem>>
      %dma_start3A_1702 = arith.constant 0 : i32
      %dma_start3A_1703 = tpu.memref_slice %arg4[%select_n3A_1671, %add3A_1690, %dma_start3A_1702] : memref<50x4096x128xf32, #tpu.memory_space<hbm>> -> memref<1x64x128xf32, #tpu.memory_space<hbm>>
      %dma_start3A_1704 = tpu.memref_squeeze %dma_start3A_1703 : memref<1x64x128xf32, #tpu.memory_space<hbm>> -> memref<64x128xf32, #tpu.memory_space<hbm>>
      %dma_start3A_1705 = arith.constant 0 : i32
      %dma_start3A_1706 = arith.constant 0 : i32
      %dma_start3A_1707 = tpu.memref_slice %arg6[%dma_start3A_1691, %dma_start3A_1705, %dma_start3A_1706] : memref<10x64x128xf32, #tpu.memory_space<vmem>> -> memref<1x64x128xf32, #tpu.memory_space<vmem>>
      %dma_start3A_1708 = tpu.memref_squeeze %dma_start3A_1707 : memref<1x64x128xf32, #tpu.memory_space<vmem>> -> memref<64x128xf32, #tpu.memory_space<vmem>>
      tpu.enqueue_dma source(%dma_start3A_1708 : memref<64x128xf32, #tpu.memory_space<vmem>>) target(%dma_start3A_1704 : memref<64x128xf32, #tpu.memory_space<hbm>>) target_semaphore(%dma_start3A_1701 : memref<!tpu.dma_semaphore, #tpu.memory_space<semaphore_mem>>)
      %mul3A_1709 = arith.constant 10 : i32
      %mul3A_1710 = arith.muli %scan3A_726, %mul3A_1709 : i32
      %add3A_1711 = arith.constant 8 : i32
      %add3A_1712 = arith.addi %mul3A_1710, %add3A_1711 : i32
      %jit3A_1713 = arith.constant 2 : i32
      %div3A_1714 = arith.divsi %add3A_1712, %jit3A_1713 : i32
      %sign3A_1715 = arith.constant 0 : i32
      %sign3A_1716 = arith.cmpi sgt, %add3A_1712, %sign3A_1715 : i32
      %sign3A_1717 = arith.extui %sign3A_1716 : i1 to i32
      %sign3A_1718 = arith.constant 0 : i32
      %sign3A_1719 = arith.cmpi slt, %add3A_1712, %sign3A_1718 : i32
      %sign3A_1720 = arith.extui %sign3A_1719 : i1 to i32
      %sign3A_1721 = arith.subi %sign3A_1717, %sign3A_1720 : i32
      %sign3A_1722 = arith.constant 0 : i32
      %sign3A_1723 = arith.cmpi sgt, %jit3A_1713, %sign3A_1722 : i32
      %sign3A_1724 = arith.extui %sign3A_1723 : i1 to i32
      %sign3A_1725 = arith.constant 0 : i32
      %sign3A_1726 = arith.cmpi slt, %jit3A_1713, %sign3A_1725 : i32
      %sign3A_1727 = arith.extui %sign3A_1726 : i1 to i32
      %sign3A_1728 = arith.subi %sign3A_1724, %sign3A_1727 : i32
      %ne3A_1729 = arith.cmpi ne, %sign3A_1721, %sign3A_1728 : i32
      %rem3A_1730 = arith.remsi %add3A_1712, %jit3A_1713 : i32
      %ne3A_1731 = arith.constant 0 : i32
      %ne3A_1732 = arith.cmpi ne, %rem3A_1730, %ne3A_1731 : i32
      %and3A_1733 = arith.andi %ne3A_1729, %ne3A_1732 : i1
      %sub3A_1734 = arith.constant 1 : i32
      %sub3A_1735 = arith.subi %div3A_1714, %sub3A_1734 : i32
      %select_n3A_1736 = arith.select %and3A_1733, %sub3A_1735, %div3A_1714 : i32
      %jit3A_1737 = arith.constant 2 : i32
      %eq3A_1738 = arith.constant 0 : i32
      %eq3A_1739 = arith.cmpi eq, %jit3A_1737, %eq3A_1738 : i32
      %jit3A_1740 = arith.constant 1 : i32
      %select_n3A_1741 = arith.select %eq3A_1739, %jit3A_1740, %jit3A_1737 : i32
      %rem3A_1742 = arith.remsi %add3A_1712, %select_n3A_1741 : i32
      %ne3A_1743 = arith.constant 0 : i32
      %ne3A_1744 = arith.cmpi ne, %rem3A_1742, %ne3A_1743 : i32
      %lt3A_1745 = arith.constant 0 : i32
      %lt3A_1746 = arith.cmpi slt, %rem3A_1742, %lt3A_1745 : i32
      %lt3A_1747 = arith.constant 0 : i32
      %lt3A_1748 = arith.cmpi slt, %select_n3A_1741, %lt3A_1747 : i32
      %ne3A_1749 = arith.xori %lt3A_1746, %lt3A_1748 : i1
      %and3A_1750 = arith.andi %ne3A_1749, %ne3A_1744 : i1
      %add3A_1751 = arith.addi %rem3A_1742, %select_n3A_1741 : i32
      %select_n3A_1752 = arith.select %and3A_1750, %add3A_1751, %rem3A_1742 : i32
      %mul3A_1753 = arith.constant 64 : i32
      %mul3A_1754 = arith.muli %select_n3A_1752, %mul3A_1753 : i32
      %dma_wait3A_1755 = arith.constant 8 : i32
      %dma_wait3A_1756 = arith.constant 8 : i32
      %dma_wait3A_1757 = arith.constant 0 : i32
      %dma_wait3A_1758 = arith.constant 0 : i32
      %dma_wait3A_1759 = tpu.memref_slice %arg6[%dma_wait3A_1755, %dma_wait3A_1757, %dma_wait3A_1758] : memref<10x64x128xf32, #tpu.memory_space<vmem>> -> memref<1x64x128xf32, #tpu.memory_space<vmem>>
      %dma_wait3A_1760 = tpu.memref_squeeze %dma_wait3A_1759 : memref<1x64x128xf32, #tpu.memory_space<vmem>> -> memref<64x128xf32, #tpu.memory_space<vmem>>
      %dma_wait3A_1761 = tpu.memref_slice %arg5[%select_n3A_1736, %mul3A_1754] : memref<50x128xi32, #tpu.memory_space<vmem>> -> memref<1x64xi32, #tpu.memory_space<vmem>>
      %dma_wait3A_1762 = tpu.memref_squeeze %dma_wait3A_1761 : memref<1x64xi32, #tpu.memory_space<vmem>> -> memref<64xi32, #tpu.memory_space<vmem>>
      %dma_wait3A_1763 = arith.constant 0 : i32
      %dma_wait3A_1764 = arith.constant 0 : i32
      %dma_wait3A_1765 = tpu.memref_slice %arg3[%dma_wait3A_1763, %dma_wait3A_1764] : memref<100000x128xf32, #tpu.memory_space<hbm>> -> memref<100000x128xf32, #tpu.memory_space<hbm>>
      %dma_wait3A_1766 = tpu.memref_slice %arg7[%dma_wait3A_1756] : memref<10x!tpu.dma_semaphore, #tpu.memory_space<semaphore_mem>> -> memref<1x!tpu.dma_semaphore, #tpu.memory_space<semaphore_mem>>
      %dma_wait3A_1767 = tpu.memref_squeeze %dma_wait3A_1766 : memref<1x!tpu.dma_semaphore, #tpu.memory_space<semaphore_mem>> -> memref<!tpu.dma_semaphore, #tpu.memory_space<semaphore_mem>>
      tpu.wait_indirect_dma semaphore(%dma_wait3A_1767 : memref<!tpu.dma_semaphore, #tpu.memory_space<semaphore_mem>>) src(%dma_wait3A_1765 : memref<100000x128xf32, #tpu.memory_space<hbm>>) dst(%dma_wait3A_1760 : memref<64x128xf32, #tpu.memory_space<vmem>>)
      %mul3A_1768 = arith.constant 10 : i32
      %mul3A_1769 = arith.muli %scan3A_726, %mul3A_1768 : i32
      %add3A_1770 = arith.constant 8 : i32
      %add3A_1771 = arith.addi %mul3A_1769, %add3A_1770 : i32
      %jit3A_1772 = arith.constant 2 : i32
      %div3A_1773 = arith.divsi %add3A_1771, %jit3A_1772 : i32
      %sign3A_1774 = arith.constant 0 : i32
      %sign3A_1775 = arith.cmpi sgt, %add3A_1771, %sign3A_1774 : i32
      %sign3A_1776 = arith.extui %sign3A_1775 : i1 to i32
      %sign3A_1777 = arith.constant 0 : i32
      %sign3A_1778 = arith.cmpi slt, %add3A_1771, %sign3A_1777 : i32
      %sign3A_1779 = arith.extui %sign3A_1778 : i1 to i32
      %sign3A_1780 = arith.subi %sign3A_1776, %sign3A_1779 : i32
      %sign3A_1781 = arith.constant 0 : i32
      %sign3A_1782 = arith.cmpi sgt, %jit3A_1772, %sign3A_1781 : i32
      %sign3A_1783 = arith.extui %sign3A_1782 : i1 to i32
      %sign3A_1784 = arith.constant 0 : i32
      %sign3A_1785 = arith.cmpi slt, %jit3A_1772, %sign3A_1784 : i32
      %sign3A_1786 = arith.extui %sign3A_1785 : i1 to i32
      %sign3A_1787 = arith.subi %sign3A_1783, %sign3A_1786 : i32
      %ne3A_1788 = arith.cmpi ne, %sign3A_1780, %sign3A_1787 : i32
      %rem3A_1789 = arith.remsi %add3A_1771, %jit3A_1772 : i32
      %ne3A_1790 = arith.constant 0 : i32
      %ne3A_1791 = arith.cmpi ne, %rem3A_1789, %ne3A_1790 : i32
      %and3A_1792 = arith.andi %ne3A_1788, %ne3A_1791 : i1
      %sub3A_1793 = arith.constant 1 : i32
      %sub3A_1794 = arith.subi %div3A_1773, %sub3A_1793 : i32
      %select_n3A_1795 = arith.select %and3A_1792, %sub3A_1794, %div3A_1773 : i32
      %jit3A_1796 = arith.constant 2 : i32
      %eq3A_1797 = arith.constant 0 : i32
      %eq3A_1798 = arith.cmpi eq, %jit3A_1796, %eq3A_1797 : i32
      %jit3A_1799 = arith.constant 1 : i32
      %select_n3A_1800 = arith.select %eq3A_1798, %jit3A_1799, %jit3A_1796 : i32
      %rem3A_1801 = arith.remsi %add3A_1771, %select_n3A_1800 : i32
      %ne3A_1802 = arith.constant 0 : i32
      %ne3A_1803 = arith.cmpi ne, %rem3A_1801, %ne3A_1802 : i32
      %lt3A_1804 = arith.constant 0 : i32
      %lt3A_1805 = arith.cmpi slt, %rem3A_1801, %lt3A_1804 : i32
      %lt3A_1806 = arith.constant 0 : i32
      %lt3A_1807 = arith.cmpi slt, %select_n3A_1800, %lt3A_1806 : i32
      %ne3A_1808 = arith.xori %lt3A_1805, %lt3A_1807 : i1
      %and3A_1809 = arith.andi %ne3A_1808, %ne3A_1803 : i1
      %add3A_1810 = arith.addi %rem3A_1801, %select_n3A_1800 : i32
      %select_n3A_1811 = arith.select %and3A_1809, %add3A_1810, %rem3A_1801 : i32
      %mul3A_1812 = arith.constant 64 : i32
      %mul3A_1813 = arith.muli %select_n3A_1811, %mul3A_1812 : i32
      %add3A_1814 = arith.addi %mul3A_2, %mul3A_1813 : i32
      %dma_start3A_1815 = arith.constant 8 : i32
      %dma_start3A_1816 = arith.constant 8 : i32
      %dma_start3A_1817 = arith.constant 0 : i32
      %dma_start3A_1818 = arith.constant 0 : i32
      %dma_start3A_1819 = tpu.memref_slice %arg6[%dma_start3A_1815, %dma_start3A_1817, %dma_start3A_1818] : memref<10x64x128xf32, #tpu.memory_space<vmem>> -> memref<1x64x128xf32, #tpu.memory_space<vmem>>
      %dma_start3A_1820 = tpu.memref_squeeze %dma_start3A_1819 : memref<1x64x128xf32, #tpu.memory_space<vmem>> -> memref<64x128xf32, #tpu.memory_space<vmem>>
      %dma_start3A_1821 = arith.constant 0 : i32
      %dma_start3A_1822 = tpu.memref_slice %arg4[%select_n3A_1795, %add3A_1814, %dma_start3A_1821] : memref<50x4096x128xf32, #tpu.memory_space<hbm>> -> memref<1x64x128xf32, #tpu.memory_space<hbm>>
      %dma_start3A_1823 = tpu.memref_squeeze %dma_start3A_1822 : memref<1x64x128xf32, #tpu.memory_space<hbm>> -> memref<64x128xf32, #tpu.memory_space<hbm>>
      %dma_start3A_1824 = tpu.memref_slice %arg8[%dma_start3A_1816] : memref<10x!tpu.dma_semaphore, #tpu.memory_space<semaphore_mem>> -> memref<1x!tpu.dma_semaphore, #tpu.memory_space<semaphore_mem>>
      %dma_start3A_1825 = tpu.memref_squeeze %dma_start3A_1824 : memref<1x!tpu.dma_semaphore, #tpu.memory_space<semaphore_mem>> -> memref<!tpu.dma_semaphore, #tpu.memory_space<semaphore_mem>>
      %dma_start3A_1826 = arith.constant 0 : i32
      %dma_start3A_1827 = tpu.memref_slice %arg4[%select_n3A_1795, %add3A_1814, %dma_start3A_1826] : memref<50x4096x128xf32, #tpu.memory_space<hbm>> -> memref<1x64x128xf32, #tpu.memory_space<hbm>>
      %dma_start3A_1828 = tpu.memref_squeeze %dma_start3A_1827 : memref<1x64x128xf32, #tpu.memory_space<hbm>> -> memref<64x128xf32, #tpu.memory_space<hbm>>
      %dma_start3A_1829 = arith.constant 0 : i32
      %dma_start3A_1830 = arith.constant 0 : i32
      %dma_start3A_1831 = tpu.memref_slice %arg6[%dma_start3A_1815, %dma_start3A_1829, %dma_start3A_1830] : memref<10x64x128xf32, #tpu.memory_space<vmem>> -> memref<1x64x128xf32, #tpu.memory_space<vmem>>
      %dma_start3A_1832 = tpu.memref_squeeze %dma_start3A_1831 : memref<1x64x128xf32, #tpu.memory_space<vmem>> -> memref<64x128xf32, #tpu.memory_space<vmem>>
      tpu.enqueue_dma source(%dma_start3A_1832 : memref<64x128xf32, #tpu.memory_space<vmem>>) target(%dma_start3A_1828 : memref<64x128xf32, #tpu.memory_space<hbm>>) target_semaphore(%dma_start3A_1825 : memref<!tpu.dma_semaphore, #tpu.memory_space<semaphore_mem>>)
      %mul3A_1833 = arith.constant 10 : i32
      %mul3A_1834 = arith.muli %scan3A_726, %mul3A_1833 : i32
      %add3A_1835 = arith.constant 9 : i32
      %add3A_1836 = arith.addi %mul3A_1834, %add3A_1835 : i32
      %jit3A_1837 = arith.constant 2 : i32
      %div3A_1838 = arith.divsi %add3A_1836, %jit3A_1837 : i32
      %sign3A_1839 = arith.constant 0 : i32
      %sign3A_1840 = arith.cmpi sgt, %add3A_1836, %sign3A_1839 : i32
      %sign3A_1841 = arith.extui %sign3A_1840 : i1 to i32
      %sign3A_1842 = arith.constant 0 : i32
      %sign3A_1843 = arith.cmpi slt, %add3A_1836, %sign3A_1842 : i32
      %sign3A_1844 = arith.extui %sign3A_1843 : i1 to i32
      %sign3A_1845 = arith.subi %sign3A_1841, %sign3A_1844 : i32
      %sign3A_1846 = arith.constant 0 : i32
      %sign3A_1847 = arith.cmpi sgt, %jit3A_1837, %sign3A_1846 : i32
      %sign3A_1848 = arith.extui %sign3A_1847 : i1 to i32
      %sign3A_1849 = arith.constant 0 : i32
      %sign3A_1850 = arith.cmpi slt, %jit3A_1837, %sign3A_1849 : i32
      %sign3A_1851 = arith.extui %sign3A_1850 : i1 to i32
      %sign3A_1852 = arith.subi %sign3A_1848, %sign3A_1851 : i32
      %ne3A_1853 = arith.cmpi ne, %sign3A_1845, %sign3A_1852 : i32
      %rem3A_1854 = arith.remsi %add3A_1836, %jit3A_1837 : i32
      %ne3A_1855 = arith.constant 0 : i32
      %ne3A_1856 = arith.cmpi ne, %rem3A_1854, %ne3A_1855 : i32
      %and3A_1857 = arith.andi %ne3A_1853, %ne3A_1856 : i1
      %sub3A_1858 = arith.constant 1 : i32
      %sub3A_1859 = arith.subi %div3A_1838, %sub3A_1858 : i32
      %select_n3A_1860 = arith.select %and3A_1857, %sub3A_1859, %div3A_1838 : i32
      %jit3A_1861 = arith.constant 2 : i32
      %eq3A_1862 = arith.constant 0 : i32
      %eq3A_1863 = arith.cmpi eq, %jit3A_1861, %eq3A_1862 : i32
      %jit3A_1864 = arith.constant 1 : i32
      %select_n3A_1865 = arith.select %eq3A_1863, %jit3A_1864, %jit3A_1861 : i32
      %rem3A_1866 = arith.remsi %add3A_1836, %select_n3A_1865 : i32
      %ne3A_1867 = arith.constant 0 : i32
      %ne3A_1868 = arith.cmpi ne, %rem3A_1866, %ne3A_1867 : i32
      %lt3A_1869 = arith.constant 0 : i32
      %lt3A_1870 = arith.cmpi slt, %rem3A_1866, %lt3A_1869 : i32
      %lt3A_1871 = arith.constant 0 : i32
      %lt3A_1872 = arith.cmpi slt, %select_n3A_1865, %lt3A_1871 : i32
      %ne3A_1873 = arith.xori %lt3A_1870, %lt3A_1872 : i1
      %and3A_1874 = arith.andi %ne3A_1873, %ne3A_1868 : i1
      %add3A_1875 = arith.addi %rem3A_1866, %select_n3A_1865 : i32
      %select_n3A_1876 = arith.select %and3A_1874, %add3A_1875, %rem3A_1866 : i32
      %mul3A_1877 = arith.constant 64 : i32
      %mul3A_1878 = arith.muli %select_n3A_1876, %mul3A_1877 : i32
      %dma_wait3A_1879 = arith.constant 9 : i32
      %dma_wait3A_1880 = arith.constant 9 : i32
      %dma_wait3A_1881 = arith.constant 0 : i32
      %dma_wait3A_1882 = arith.constant 0 : i32
      %dma_wait3A_1883 = tpu.memref_slice %arg6[%dma_wait3A_1879, %dma_wait3A_1881, %dma_wait3A_1882] : memref<10x64x128xf32, #tpu.memory_space<vmem>> -> memref<1x64x128xf32, #tpu.memory_space<vmem>>
      %dma_wait3A_1884 = tpu.memref_squeeze %dma_wait3A_1883 : memref<1x64x128xf32, #tpu.memory_space<vmem>> -> memref<64x128xf32, #tpu.memory_space<vmem>>
      %dma_wait3A_1885 = tpu.memref_slice %arg5[%select_n3A_1860, %mul3A_1878] : memref<50x128xi32, #tpu.memory_space<vmem>> -> memref<1x64xi32, #tpu.memory_space<vmem>>
      %dma_wait3A_1886 = tpu.memref_squeeze %dma_wait3A_1885 : memref<1x64xi32, #tpu.memory_space<vmem>> -> memref<64xi32, #tpu.memory_space<vmem>>
      %dma_wait3A_1887 = arith.constant 0 : i32
      %dma_wait3A_1888 = arith.constant 0 : i32
      %dma_wait3A_1889 = tpu.memref_slice %arg3[%dma_wait3A_1887, %dma_wait3A_1888] : memref<100000x128xf32, #tpu.memory_space<hbm>> -> memref<100000x128xf32, #tpu.memory_space<hbm>>
      %dma_wait3A_1890 = tpu.memref_slice %arg7[%dma_wait3A_1880] : memref<10x!tpu.dma_semaphore, #tpu.memory_space<semaphore_mem>> -> memref<1x!tpu.dma_semaphore, #tpu.memory_space<semaphore_mem>>
      %dma_wait3A_1891 = tpu.memref_squeeze %dma_wait3A_1890 : memref<1x!tpu.dma_semaphore, #tpu.memory_space<semaphore_mem>> -> memref<!tpu.dma_semaphore, #tpu.memory_space<semaphore_mem>>
      tpu.wait_indirect_dma semaphore(%dma_wait3A_1891 : memref<!tpu.dma_semaphore, #tpu.memory_space<semaphore_mem>>) src(%dma_wait3A_1889 : memref<100000x128xf32, #tpu.memory_space<hbm>>) dst(%dma_wait3A_1884 : memref<64x128xf32, #tpu.memory_space<vmem>>)
      %mul3A_1892 = arith.constant 10 : i32
      %mul3A_1893 = arith.muli %scan3A_726, %mul3A_1892 : i32
      %add3A_1894 = arith.constant 9 : i32
      %add3A_1895 = arith.addi %mul3A_1893, %add3A_1894 : i32
      %jit3A_1896 = arith.constant 2 : i32
      %div3A_1897 = arith.divsi %add3A_1895, %jit3A_1896 : i32
      %sign3A_1898 = arith.constant 0 : i32
      %sign3A_1899 = arith.cmpi sgt, %add3A_1895, %sign3A_1898 : i32
      %sign3A_1900 = arith.extui %sign3A_1899 : i1 to i32
      %sign3A_1901 = arith.constant 0 : i32
      %sign3A_1902 = arith.cmpi slt, %add3A_1895, %sign3A_1901 : i32
      %sign3A_1903 = arith.extui %sign3A_1902 : i1 to i32
      %sign3A_1904 = arith.subi %sign3A_1900, %sign3A_1903 : i32
      %sign3A_1905 = arith.constant 0 : i32
      %sign3A_1906 = arith.cmpi sgt, %jit3A_1896, %sign3A_1905 : i32
      %sign3A_1907 = arith.extui %sign3A_1906 : i1 to i32
      %sign3A_1908 = arith.constant 0 : i32
      %sign3A_1909 = arith.cmpi slt, %jit3A_1896, %sign3A_1908 : i32
      %sign3A_1910 = arith.extui %sign3A_1909 : i1 to i32
      %sign3A_1911 = arith.subi %sign3A_1907, %sign3A_1910 : i32
      %ne3A_1912 = arith.cmpi ne, %sign3A_1904, %sign3A_1911 : i32
      %rem3A_1913 = arith.remsi %add3A_1895, %jit3A_1896 : i32
      %ne3A_1914 = arith.constant 0 : i32
      %ne3A_1915 = arith.cmpi ne, %rem3A_1913, %ne3A_1914 : i32
      %and3A_1916 = arith.andi %ne3A_1912, %ne3A_1915 : i1
      %sub3A_1917 = arith.constant 1 : i32
      %sub3A_1918 = arith.subi %div3A_1897, %sub3A_1917 : i32
      %select_n3A_1919 = arith.select %and3A_1916, %sub3A_1918, %div3A_1897 : i32
      %jit3A_1920 = arith.constant 2 : i32
      %eq3A_1921 = arith.constant 0 : i32
      %eq3A_1922 = arith.cmpi eq, %jit3A_1920, %eq3A_1921 : i32
      %jit3A_1923 = arith.constant 1 : i32
      %select_n3A_1924 = arith.select %eq3A_1922, %jit3A_1923, %jit3A_1920 : i32
      %rem3A_1925 = arith.remsi %add3A_1895, %select_n3A_1924 : i32
      %ne3A_1926 = arith.constant 0 : i32
      %ne3A_1927 = arith.cmpi ne, %rem3A_1925, %ne3A_1926 : i32
      %lt3A_1928 = arith.constant 0 : i32
      %lt3A_1929 = arith.cmpi slt, %rem3A_1925, %lt3A_1928 : i32
      %lt3A_1930 = arith.constant 0 : i32
      %lt3A_1931 = arith.cmpi slt, %select_n3A_1924, %lt3A_1930 : i32
      %ne3A_1932 = arith.xori %lt3A_1929, %lt3A_1931 : i1
      %and3A_1933 = arith.andi %ne3A_1932, %ne3A_1927 : i1
      %add3A_1934 = arith.addi %rem3A_1925, %select_n3A_1924 : i32
      %select_n3A_1935 = arith.select %and3A_1933, %add3A_1934, %rem3A_1925 : i32
      %mul3A_1936 = arith.constant 64 : i32
      %mul3A_1937 = arith.muli %select_n3A_1935, %mul3A_1936 : i32
      %add3A_1938 = arith.addi %mul3A_2, %mul3A_1937 : i32
      %dma_start3A_1939 = arith.constant 9 : i32
      %dma_start3A_1940 = arith.constant 9 : i32
      %dma_start3A_1941 = arith.constant 0 : i32
      %dma_start3A_1942 = arith.constant 0 : i32
      %dma_start3A_1943 = tpu.memref_slice %arg6[%dma_start3A_1939, %dma_start3A_1941, %dma_start3A_1942] : memref<10x64x128xf32, #tpu.memory_space<vmem>> -> memref<1x64x128xf32, #tpu.memory_space<vmem>>
      %dma_start3A_1944 = tpu.memref_squeeze %dma_start3A_1943 : memref<1x64x128xf32, #tpu.memory_space<vmem>> -> memref<64x128xf32, #tpu.memory_space<vmem>>
      %dma_start3A_1945 = arith.constant 0 : i32
      %dma_start3A_1946 = tpu.memref_slice %arg4[%select_n3A_1919, %add3A_1938, %dma_start3A_1945] : memref<50x4096x128xf32, #tpu.memory_space<hbm>> -> memref<1x64x128xf32, #tpu.memory_space<hbm>>
      %dma_start3A_1947 = tpu.memref_squeeze %dma_start3A_1946 : memref<1x64x128xf32, #tpu.memory_space<hbm>> -> memref<64x128xf32, #tpu.memory_space<hbm>>
      %dma_start3A_1948 = tpu.memref_slice %arg8[%dma_start3A_1940] : memref<10x!tpu.dma_semaphore, #tpu.memory_space<semaphore_mem>> -> memref<1x!tpu.dma_semaphore, #tpu.memory_space<semaphore_mem>>
      %dma_start3A_1949 = tpu.memref_squeeze %dma_start3A_1948 : memref<1x!tpu.dma_semaphore, #tpu.memory_space<semaphore_mem>> -> memref<!tpu.dma_semaphore, #tpu.memory_space<semaphore_mem>>
      %dma_start3A_1950 = arith.constant 0 : i32
      %dma_start3A_1951 = tpu.memref_slice %arg4[%select_n3A_1919, %add3A_1938, %dma_start3A_1950] : memref<50x4096x128xf32, #tpu.memory_space<hbm>> -> memref<1x64x128xf32, #tpu.memory_space<hbm>>
      %dma_start3A_1952 = tpu.memref_squeeze %dma_start3A_1951 : memref<1x64x128xf32, #tpu.memory_space<hbm>> -> memref<64x128xf32, #tpu.memory_space<hbm>>
      %dma_start3A_1953 = arith.constant 0 : i32
      %dma_start3A_1954 = arith.constant 0 : i32
      %dma_start3A_1955 = tpu.memref_slice %arg6[%dma_start3A_1939, %dma_start3A_1953, %dma_start3A_1954] : memref<10x64x128xf32, #tpu.memory_space<vmem>> -> memref<1x64x128xf32, #tpu.memory_space<vmem>>
      %dma_start3A_1956 = tpu.memref_squeeze %dma_start3A_1955 : memref<1x64x128xf32, #tpu.memory_space<vmem>> -> memref<64x128xf32, #tpu.memory_space<vmem>>
      tpu.enqueue_dma source(%dma_start3A_1956 : memref<64x128xf32, #tpu.memory_space<vmem>>) target(%dma_start3A_1952 : memref<64x128xf32, #tpu.memory_space<hbm>>) target_semaphore(%dma_start3A_1949 : memref<!tpu.dma_semaphore, #tpu.memory_space<semaphore_mem>>)
      %mul3A_1957 = arith.constant 10 : i32
      %mul3A_1958 = arith.muli %scan3A_726, %mul3A_1957 : i32
      %add3A_1959 = arith.constant 0 : i32
      %add3A_1960 = arith.addi %mul3A_1958, %add3A_1959 : i32
      %jit3A_1961 = arith.constant 2 : i32
      %div3A_1962 = arith.divsi %add3A_1960, %jit3A_1961 : i32
      %sign3A_1963 = arith.constant 0 : i32
      %sign3A_1964 = arith.cmpi sgt, %add3A_1960, %sign3A_1963 : i32
      %sign3A_1965 = arith.extui %sign3A_1964 : i1 to i32
      %sign3A_1966 = arith.constant 0 : i32
      %sign3A_1967 = arith.cmpi slt, %add3A_1960, %sign3A_1966 : i32
      %sign3A_1968 = arith.extui %sign3A_1967 : i1 to i32
      %sign3A_1969 = arith.subi %sign3A_1965, %sign3A_1968 : i32
      %sign3A_1970 = arith.constant 0 : i32
      %sign3A_1971 = arith.cmpi sgt, %jit3A_1961, %sign3A_1970 : i32
      %sign3A_1972 = arith.extui %sign3A_1971 : i1 to i32
      %sign3A_1973 = arith.constant 0 : i32
      %sign3A_1974 = arith.cmpi slt, %jit3A_1961, %sign3A_1973 : i32
      %sign3A_1975 = arith.extui %sign3A_1974 : i1 to i32
      %sign3A_1976 = arith.subi %sign3A_1972, %sign3A_1975 : i32
      %ne3A_1977 = arith.cmpi ne, %sign3A_1969, %sign3A_1976 : i32
      %rem3A_1978 = arith.remsi %add3A_1960, %jit3A_1961 : i32
      %ne3A_1979 = arith.constant 0 : i32
      %ne3A_1980 = arith.cmpi ne, %rem3A_1978, %ne3A_1979 : i32
      %and3A_1981 = arith.andi %ne3A_1977, %ne3A_1980 : i1
      %sub3A_1982 = arith.constant 1 : i32
      %sub3A_1983 = arith.subi %div3A_1962, %sub3A_1982 : i32
      %select_n3A_1984 = arith.select %and3A_1981, %sub3A_1983, %div3A_1962 : i32
      %jit3A_1985 = arith.constant 2 : i32
      %eq3A_1986 = arith.constant 0 : i32
      %eq3A_1987 = arith.cmpi eq, %jit3A_1985, %eq3A_1986 : i32
      %jit3A_1988 = arith.constant 1 : i32
      %select_n3A_1989 = arith.select %eq3A_1987, %jit3A_1988, %jit3A_1985 : i32
      %rem3A_1990 = arith.remsi %add3A_1960, %select_n3A_1989 : i32
      %ne3A_1991 = arith.constant 0 : i32
      %ne3A_1992 = arith.cmpi ne, %rem3A_1990, %ne3A_1991 : i32
      %lt3A_1993 = arith.constant 0 : i32
      %lt3A_1994 = arith.cmpi slt, %rem3A_1990, %lt3A_1993 : i32
      %lt3A_1995 = arith.constant 0 : i32
      %lt3A_1996 = arith.cmpi slt, %select_n3A_1989, %lt3A_1995 : i32
      %ne3A_1997 = arith.xori %lt3A_1994, %lt3A_1996 : i1
      %and3A_1998 = arith.andi %ne3A_1997, %ne3A_1992 : i1
      %add3A_1999 = arith.addi %rem3A_1990, %select_n3A_1989 : i32
      %select_n3A_2000 = arith.select %and3A_1998, %add3A_1999, %rem3A_1990 : i32
      %mul3A_2001 = arith.constant 64 : i32
      %mul3A_2002 = arith.muli %select_n3A_2000, %mul3A_2001 : i32
      %add3A_2003 = arith.addi %mul3A_2, %mul3A_2002 : i32
      %dma_wait3A_2004 = arith.constant 0 : i32
      %dma_wait3A_2005 = arith.constant 0 : i32
      %dma_wait3A_2006 = arith.constant 0 : i32
      %dma_wait3A_2007 = arith.constant 0 : i32
      %dma_wait3A_2008 = tpu.memref_slice %arg6[%dma_wait3A_2004, %dma_wait3A_2006, %dma_wait3A_2007] : memref<10x64x128xf32, #tpu.memory_space<vmem>> -> memref<1x64x128xf32, #tpu.memory_space<vmem>>
      %dma_wait3A_2009 = tpu.memref_squeeze %dma_wait3A_2008 : memref<1x64x128xf32, #tpu.memory_space<vmem>> -> memref<64x128xf32, #tpu.memory_space<vmem>>
      %dma_wait3A_2010 = arith.constant 0 : i32
      %dma_wait3A_2011 = tpu.memref_slice %arg4[%select_n3A_1984, %add3A_2003, %dma_wait3A_2010] : memref<50x4096x128xf32, #tpu.memory_space<hbm>> -> memref<1x64x128xf32, #tpu.memory_space<hbm>>
      %dma_wait3A_2012 = tpu.memref_squeeze %dma_wait3A_2011 : memref<1x64x128xf32, #tpu.memory_space<hbm>> -> memref<64x128xf32, #tpu.memory_space<hbm>>
      %dma_wait3A_2013 = tpu.memref_slice %arg8[%dma_wait3A_2005] : memref<10x!tpu.dma_semaphore, #tpu.memory_space<semaphore_mem>> -> memref<1x!tpu.dma_semaphore, #tpu.memory_space<semaphore_mem>>
      %dma_wait3A_2014 = tpu.memref_squeeze %dma_wait3A_2013 : memref<1x!tpu.dma_semaphore, #tpu.memory_space<semaphore_mem>> -> memref<!tpu.dma_semaphore, #tpu.memory_space<semaphore_mem>>
      %dma_wait3A_2015 = arith.constant 0 : i32
      %dma_wait3A_2016 = tpu.memref_slice %arg4[%select_n3A_1984, %add3A_2003, %dma_wait3A_2015] : memref<50x4096x128xf32, #tpu.memory_space<hbm>> -> memref<1x64x128xf32, #tpu.memory_space<hbm>>
      %dma_wait3A_2017 = tpu.memref_squeeze %dma_wait3A_2016 : memref<1x64x128xf32, #tpu.memory_space<hbm>> -> memref<64x128xf32, #tpu.memory_space<hbm>>
      %dma_wait3A_2018 = arith.constant 0 : i32
      %dma_wait3A_2019 = arith.constant 0 : i32
      %dma_wait3A_2020 = tpu.memref_slice %arg6[%dma_wait3A_2004, %dma_wait3A_2018, %dma_wait3A_2019] : memref<10x64x128xf32, #tpu.memory_space<vmem>> -> memref<1x64x128xf32, #tpu.memory_space<vmem>>
      %dma_wait3A_2021 = tpu.memref_squeeze %dma_wait3A_2020 : memref<1x64x128xf32, #tpu.memory_space<vmem>> -> memref<64x128xf32, #tpu.memory_space<vmem>>
      tpu.wait_dma2 semaphore(%dma_wait3A_2014 : memref<!tpu.dma_semaphore, #tpu.memory_space<semaphore_mem>>) src(%dma_wait3A_2021 : memref<64x128xf32, #tpu.memory_space<vmem>>) dst(%dma_wait3A_2017 : memref<64x128xf32, #tpu.memory_space<hbm>>)
      %add3A_2022 = arith.constant 1 : i32
      %add3A_2023 = arith.addi %scan3A_726, %add3A_2022 : i32
      %mul3A_2024 = arith.constant 10 : i32
      %mul3A_2025 = arith.muli %add3A_2023, %mul3A_2024 : i32
      %add3A_2026 = arith.constant 0 : i32
      %add3A_2027 = arith.addi %mul3A_2025, %add3A_2026 : i32
      %jit3A_2028 = arith.constant 2 : i32
      %div3A_2029 = arith.divsi %add3A_2027, %jit3A_2028 : i32
      %sign3A_2030 = arith.constant 0 : i32
      %sign3A_2031 = arith.cmpi sgt, %add3A_2027, %sign3A_2030 : i32
      %sign3A_2032 = arith.extui %sign3A_2031 : i1 to i32
      %sign3A_2033 = arith.constant 0 : i32
      %sign3A_2034 = arith.cmpi slt, %add3A_2027, %sign3A_2033 : i32
      %sign3A_2035 = arith.extui %sign3A_2034 : i1 to i32
      %sign3A_2036 = arith.subi %sign3A_2032, %sign3A_2035 : i32
      %sign3A_2037 = arith.constant 0 : i32
      %sign3A_2038 = arith.cmpi sgt, %jit3A_2028, %sign3A_2037 : i32
      %sign3A_2039 = arith.extui %sign3A_2038 : i1 to i32
      %sign3A_2040 = arith.constant 0 : i32
      %sign3A_2041 = arith.cmpi slt, %jit3A_2028, %sign3A_2040 : i32
      %sign3A_2042 = arith.extui %sign3A_2041 : i1 to i32
      %sign3A_2043 = arith.subi %sign3A_2039, %sign3A_2042 : i32
      %ne3A_2044 = arith.cmpi ne, %sign3A_2036, %sign3A_2043 : i32
      %rem3A_2045 = arith.remsi %add3A_2027, %jit3A_2028 : i32
      %ne3A_2046 = arith.constant 0 : i32
      %ne3A_2047 = arith.cmpi ne, %rem3A_2045, %ne3A_2046 : i32
      %and3A_2048 = arith.andi %ne3A_2044, %ne3A_2047 : i1
      %sub3A_2049 = arith.constant 1 : i32
      %sub3A_2050 = arith.subi %div3A_2029, %sub3A_2049 : i32
      %select_n3A_2051 = arith.select %and3A_2048, %sub3A_2050, %div3A_2029 : i32
      %jit3A_2052 = arith.constant 2 : i32
      %eq3A_2053 = arith.constant 0 : i32
      %eq3A_2054 = arith.cmpi eq, %jit3A_2052, %eq3A_2053 : i32
      %jit3A_2055 = arith.constant 1 : i32
      %select_n3A_2056 = arith.select %eq3A_2054, %jit3A_2055, %jit3A_2052 : i32
      %rem3A_2057 = arith.remsi %add3A_2027, %select_n3A_2056 : i32
      %ne3A_2058 = arith.constant 0 : i32
      %ne3A_2059 = arith.cmpi ne, %rem3A_2057, %ne3A_2058 : i32
      %lt3A_2060 = arith.constant 0 : i32
      %lt3A_2061 = arith.cmpi slt, %rem3A_2057, %lt3A_2060 : i32
      %lt3A_2062 = arith.constant 0 : i32
      %lt3A_2063 = arith.cmpi slt, %select_n3A_2056, %lt3A_2062 : i32
      %ne3A_2064 = arith.xori %lt3A_2061, %lt3A_2063 : i1
      %and3A_2065 = arith.andi %ne3A_2064, %ne3A_2059 : i1
      %add3A_2066 = arith.addi %rem3A_2057, %select_n3A_2056 : i32
      %select_n3A_2067 = arith.select %and3A_2065, %add3A_2066, %rem3A_2057 : i32
      %mul3A_2068 = arith.constant 64 : i32
      %mul3A_2069 = arith.muli %select_n3A_2067, %mul3A_2068 : i32
      %dma_start3A_2070 = arith.constant 0 : i32
      %dma_start3A_2071 = arith.constant 0 : i32
      %dma_start3A_2072 = arith.constant 0 : i32
      %dma_start3A_2073 = arith.constant 0 : i32
      %dma_start3A_2074 = tpu.memref_slice %arg6[%dma_start3A_2070, %dma_start3A_2072, %dma_start3A_2073] : memref<10x64x128xf32, #tpu.memory_space<vmem>> -> memref<1x64x128xf32, #tpu.memory_space<vmem>>
      %dma_start3A_2075 = tpu.memref_squeeze %dma_start3A_2074 : memref<1x64x128xf32, #tpu.memory_space<vmem>> -> memref<64x128xf32, #tpu.memory_space<vmem>>
      %dma_start3A_2076 = tpu.memref_slice %arg5[%select_n3A_2051, %mul3A_2069] : memref<50x128xi32, #tpu.memory_space<vmem>> -> memref<1x64xi32, #tpu.memory_space<vmem>>
      %dma_start3A_2077 = tpu.memref_squeeze %dma_start3A_2076 : memref<1x64xi32, #tpu.memory_space<vmem>> -> memref<64xi32, #tpu.memory_space<vmem>>
      %dma_start3A_2078 = arith.constant 0 : i32
      %dma_start3A_2079 = arith.constant 0 : i32
      %dma_start3A_2080 = tpu.memref_slice %arg3[%dma_start3A_2078, %dma_start3A_2079] : memref<100000x128xf32, #tpu.memory_space<hbm>> -> memref<100000x128xf32, #tpu.memory_space<hbm>>
      %dma_start3A_2081 = tpu.memref_slice %arg7[%dma_start3A_2071] : memref<10x!tpu.dma_semaphore, #tpu.memory_space<semaphore_mem>> -> memref<1x!tpu.dma_semaphore, #tpu.memory_space<semaphore_mem>>
      %dma_start3A_2082 = tpu.memref_squeeze %dma_start3A_2081 : memref<1x!tpu.dma_semaphore, #tpu.memory_space<semaphore_mem>> -> memref<!tpu.dma_semaphore, #tpu.memory_space<semaphore_mem>>
      tpu.enqueue_indirect_dma source(%dma_start3A_2080 : memref<100000x128xf32, #tpu.memory_space<hbm>>) target(%dma_start3A_2075 : memref<64x128xf32, #tpu.memory_space<vmem>>) offsets(%dma_start3A_2077 : memref<64xi32, #tpu.memory_space<vmem>>) semaphore(%dma_start3A_2082 : memref<!tpu.dma_semaphore, #tpu.memory_space<semaphore_mem>>)
      %mul3A_2083 = arith.constant 10 : i32
      %mul3A_2084 = arith.muli %scan3A_726, %mul3A_2083 : i32
      %add3A_2085 = arith.constant 1 : i32
      %add3A_2086 = arith.addi %mul3A_2084, %add3A_2085 : i32
      %jit3A_2087 = arith.constant 2 : i32
      %div3A_2088 = arith.divsi %add3A_2086, %jit3A_2087 : i32
      %sign3A_2089 = arith.constant 0 : i32
      %sign3A_2090 = arith.cmpi sgt, %add3A_2086, %sign3A_2089 : i32
      %sign3A_2091 = arith.extui %sign3A_2090 : i1 to i32
      %sign3A_2092 = arith.constant 0 : i32
      %sign3A_2093 = arith.cmpi slt, %add3A_2086, %sign3A_2092 : i32
      %sign3A_2094 = arith.extui %sign3A_2093 : i1 to i32
      %sign3A_2095 = arith.subi %sign3A_2091, %sign3A_2094 : i32
      %sign3A_2096 = arith.constant 0 : i32
      %sign3A_2097 = arith.cmpi sgt, %jit3A_2087, %sign3A_2096 : i32
      %sign3A_2098 = arith.extui %sign3A_2097 : i1 to i32
      %sign3A_2099 = arith.constant 0 : i32
      %sign3A_2100 = arith.cmpi slt, %jit3A_2087, %sign3A_2099 : i32
      %sign3A_2101 = arith.extui %sign3A_2100 : i1 to i32
      %sign3A_2102 = arith.subi %sign3A_2098, %sign3A_2101 : i32
      %ne3A_2103 = arith.cmpi ne, %sign3A_2095, %sign3A_2102 : i32
      %rem3A_2104 = arith.remsi %add3A_2086, %jit3A_2087 : i32
      %ne3A_2105 = arith.constant 0 : i32
      %ne3A_2106 = arith.cmpi ne, %rem3A_2104, %ne3A_2105 : i32
      %and3A_2107 = arith.andi %ne3A_2103, %ne3A_2106 : i1
      %sub3A_2108 = arith.constant 1 : i32
      %sub3A_2109 = arith.subi %div3A_2088, %sub3A_2108 : i32
      %select_n3A_2110 = arith.select %and3A_2107, %sub3A_2109, %div3A_2088 : i32
      %jit3A_2111 = arith.constant 2 : i32
      %eq3A_2112 = arith.constant 0 : i32
      %eq3A_2113 = arith.cmpi eq, %jit3A_2111, %eq3A_2112 : i32
      %jit3A_2114 = arith.constant 1 : i32
      %select_n3A_2115 = arith.select %eq3A_2113, %jit3A_2114, %jit3A_2111 : i32
      %rem3A_2116 = arith.remsi %add3A_2086, %select_n3A_2115 : i32
      %ne3A_2117 = arith.constant 0 : i32
      %ne3A_2118 = arith.cmpi ne, %rem3A_2116, %ne3A_2117 : i32
      %lt3A_2119 = arith.constant 0 : i32
      %lt3A_2120 = arith.cmpi slt, %rem3A_2116, %lt3A_2119 : i32
      %lt3A_2121 = arith.constant 0 : i32
      %lt3A_2122 = arith.cmpi slt, %select_n3A_2115, %lt3A_2121 : i32
      %ne3A_2123 = arith.xori %lt3A_2120, %lt3A_2122 : i1
      %and3A_2124 = arith.andi %ne3A_2123, %ne3A_2118 : i1
      %add3A_2125 = arith.addi %rem3A_2116, %select_n3A_2115 : i32
      %select_n3A_2126 = arith.select %and3A_2124, %add3A_2125, %rem3A_2116 : i32
      %mul3A_2127 = arith.constant 64 : i32
      %mul3A_2128 = arith.muli %select_n3A_2126, %mul3A_2127 : i32
      %add3A_2129 = arith.addi %mul3A_2, %mul3A_2128 : i32
      %dma_wait3A_2130 = arith.constant 1 : i32
      %dma_wait3A_2131 = arith.constant 1 : i32
      %dma_wait3A_2132 = arith.constant 0 : i32
      %dma_wait3A_2133 = arith.constant 0 : i32
      %dma_wait3A_2134 = tpu.memref_slice %arg6[%dma_wait3A_2130, %dma_wait3A_2132, %dma_wait3A_2133] : memref<10x64x128xf32, #tpu.memory_space<vmem>> -> memref<1x64x128xf32, #tpu.memory_space<vmem>>
      %dma_wait3A_2135 = tpu.memref_squeeze %dma_wait3A_2134 : memref<1x64x128xf32, #tpu.memory_space<vmem>> -> memref<64x128xf32, #tpu.memory_space<vmem>>
      %dma_wait3A_2136 = arith.constant 0 : i32
      %dma_wait3A_2137 = tpu.memref_slice %arg4[%select_n3A_2110, %add3A_2129, %dma_wait3A_2136] : memref<50x4096x128xf32, #tpu.memory_space<hbm>> -> memref<1x64x128xf32, #tpu.memory_space<hbm>>
      %dma_wait3A_2138 = tpu.memref_squeeze %dma_wait3A_2137 : memref<1x64x128xf32, #tpu.memory_space<hbm>> -> memref<64x128xf32, #tpu.memory_space<hbm>>
      %dma_wait3A_2139 = tpu.memref_slice %arg8[%dma_wait3A_2131] : memref<10x!tpu.dma_semaphore, #tpu.memory_space<semaphore_mem>> -> memref<1x!tpu.dma_semaphore, #tpu.memory_space<semaphore_mem>>
      %dma_wait3A_2140 = tpu.memref_squeeze %dma_wait3A_2139 : memref<1x!tpu.dma_semaphore, #tpu.memory_space<semaphore_mem>> -> memref<!tpu.dma_semaphore, #tpu.memory_space<semaphore_mem>>
      %dma_wait3A_2141 = arith.constant 0 : i32
      %dma_wait3A_2142 = tpu.memref_slice %arg4[%select_n3A_2110, %add3A_2129, %dma_wait3A_2141] : memref<50x4096x128xf32, #tpu.memory_space<hbm>> -> memref<1x64x128xf32, #tpu.memory_space<hbm>>
      %dma_wait3A_2143 = tpu.memref_squeeze %dma_wait3A_2142 : memref<1x64x128xf32, #tpu.memory_space<hbm>> -> memref<64x128xf32, #tpu.memory_space<hbm>>
      %dma_wait3A_2144 = arith.constant 0 : i32
      %dma_wait3A_2145 = arith.constant 0 : i32
      %dma_wait3A_2146 = tpu.memref_slice %arg6[%dma_wait3A_2130, %dma_wait3A_2144, %dma_wait3A_2145] : memref<10x64x128xf32, #tpu.memory_space<vmem>> -> memref<1x64x128xf32, #tpu.memory_space<vmem>>
      %dma_wait3A_2147 = tpu.memref_squeeze %dma_wait3A_2146 : memref<1x64x128xf32, #tpu.memory_space<vmem>> -> memref<64x128xf32, #tpu.memory_space<vmem>>
      tpu.wait_dma2 semaphore(%dma_wait3A_2140 : memref<!tpu.dma_semaphore, #tpu.memory_space<semaphore_mem>>) src(%dma_wait3A_2147 : memref<64x128xf32, #tpu.memory_space<vmem>>) dst(%dma_wait3A_2143 : memref<64x128xf32, #tpu.memory_space<hbm>>)
      %add3A_2148 = arith.constant 1 : i32
      %add3A_2149 = arith.addi %scan3A_726, %add3A_2148 : i32
      %mul3A_2150 = arith.constant 10 : i32
      %mul3A_2151 = arith.muli %add3A_2149, %mul3A_2150 : i32
      %add3A_2152 = arith.constant 1 : i32
      %add3A_2153 = arith.addi %mul3A_2151, %add3A_2152 : i32
      %jit3A_2154 = arith.constant 2 : i32
      %div3A_2155 = arith.divsi %add3A_2153, %jit3A_2154 : i32
      %sign3A_2156 = arith.constant 0 : i32
      %sign3A_2157 = arith.cmpi sgt, %add3A_2153, %sign3A_2156 : i32
      %sign3A_2158 = arith.extui %sign3A_2157 : i1 to i32
      %sign3A_2159 = arith.constant 0 : i32
      %sign3A_2160 = arith.cmpi slt, %add3A_2153, %sign3A_2159 : i32
      %sign3A_2161 = arith.extui %sign3A_2160 : i1 to i32
      %sign3A_2162 = arith.subi %sign3A_2158, %sign3A_2161 : i32
      %sign3A_2163 = arith.constant 0 : i32
      %sign3A_2164 = arith.cmpi sgt, %jit3A_2154, %sign3A_2163 : i32
      %sign3A_2165 = arith.extui %sign3A_2164 : i1 to i32
      %sign3A_2166 = arith.constant 0 : i32
      %sign3A_2167 = arith.cmpi slt, %jit3A_2154, %sign3A_2166 : i32
      %sign3A_2168 = arith.extui %sign3A_2167 : i1 to i32
      %sign3A_2169 = arith.subi %sign3A_2165, %sign3A_2168 : i32
      %ne3A_2170 = arith.cmpi ne, %sign3A_2162, %sign3A_2169 : i32
      %rem3A_2171 = arith.remsi %add3A_2153, %jit3A_2154 : i32
      %ne3A_2172 = arith.constant 0 : i32
      %ne3A_2173 = arith.cmpi ne, %rem3A_2171, %ne3A_2172 : i32
      %and3A_2174 = arith.andi %ne3A_2170, %ne3A_2173 : i1
      %sub3A_2175 = arith.constant 1 : i32
      %sub3A_2176 = arith.subi %div3A_2155, %sub3A_2175 : i32
      %select_n3A_2177 = arith.select %and3A_2174, %sub3A_2176, %div3A_2155 : i32
      %jit3A_2178 = arith.constant 2 : i32
      %eq3A_2179 = arith.constant 0 : i32
      %eq3A_2180 = arith.cmpi eq, %jit3A_2178, %eq3A_2179 : i32
      %jit3A_2181 = arith.constant 1 : i32
      %select_n3A_2182 = arith.select %eq3A_2180, %jit3A_2181, %jit3A_2178 : i32
      %rem3A_2183 = arith.remsi %add3A_2153, %select_n3A_2182 : i32
      %ne3A_2184 = arith.constant 0 : i32
      %ne3A_2185 = arith.cmpi ne, %rem3A_2183, %ne3A_2184 : i32
      %lt3A_2186 = arith.constant 0 : i32
      %lt3A_2187 = arith.cmpi slt, %rem3A_2183, %lt3A_2186 : i32
      %lt3A_2188 = arith.constant 0 : i32
      %lt3A_2189 = arith.cmpi slt, %select_n3A_2182, %lt3A_2188 : i32
      %ne3A_2190 = arith.xori %lt3A_2187, %lt3A_2189 : i1
      %and3A_2191 = arith.andi %ne3A_2190, %ne3A_2185 : i1
      %add3A_2192 = arith.addi %rem3A_2183, %select_n3A_2182 : i32
      %select_n3A_2193 = arith.select %and3A_2191, %add3A_2192, %rem3A_2183 : i32
      %mul3A_2194 = arith.constant 64 : i32
      %mul3A_2195 = arith.muli %select_n3A_2193, %mul3A_2194 : i32
      %dma_start3A_2196 = arith.constant 1 : i32
      %dma_start3A_2197 = arith.constant 1 : i32
      %dma_start3A_2198 = arith.constant 0 : i32
      %dma_start3A_2199 = arith.constant 0 : i32
      %dma_start3A_2200 = tpu.memref_slice %arg6[%dma_start3A_2196, %dma_start3A_2198, %dma_start3A_2199] : memref<10x64x128xf32, #tpu.memory_space<vmem>> -> memref<1x64x128xf32, #tpu.memory_space<vmem>>
      %dma_start3A_2201 = tpu.memref_squeeze %dma_start3A_2200 : memref<1x64x128xf32, #tpu.memory_space<vmem>> -> memref<64x128xf32, #tpu.memory_space<vmem>>
      %dma_start3A_2202 = tpu.memref_slice %arg5[%select_n3A_2177, %mul3A_2195] : memref<50x128xi32, #tpu.memory_space<vmem>> -> memref<1x64xi32, #tpu.memory_space<vmem>>
      %dma_start3A_2203 = tpu.memref_squeeze %dma_start3A_2202 : memref<1x64xi32, #tpu.memory_space<vmem>> -> memref<64xi32, #tpu.memory_space<vmem>>
      %dma_start3A_2204 = arith.constant 0 : i32
      %dma_start3A_2205 = arith.constant 0 : i32
      %dma_start3A_2206 = tpu.memref_slice %arg3[%dma_start3A_2204, %dma_start3A_2205] : memref<100000x128xf32, #tpu.memory_space<hbm>> -> memref<100000x128xf32, #tpu.memory_space<hbm>>
      %dma_start3A_2207 = tpu.memref_slice %arg7[%dma_start3A_2197] : memref<10x!tpu.dma_semaphore, #tpu.memory_space<semaphore_mem>> -> memref<1x!tpu.dma_semaphore, #tpu.memory_space<semaphore_mem>>
      %dma_start3A_2208 = tpu.memref_squeeze %dma_start3A_2207 : memref<1x!tpu.dma_semaphore, #tpu.memory_space<semaphore_mem>> -> memref<!tpu.dma_semaphore, #tpu.memory_space<semaphore_mem>>
      tpu.enqueue_indirect_dma source(%dma_start3A_2206 : memref<100000x128xf32, #tpu.memory_space<hbm>>) target(%dma_start3A_2201 : memref<64x128xf32, #tpu.memory_space<vmem>>) offsets(%dma_start3A_2203 : memref<64xi32, #tpu.memory_space<vmem>>) semaphore(%dma_start3A_2208 : memref<!tpu.dma_semaphore, #tpu.memory_space<semaphore_mem>>)
      %mul3A_2209 = arith.constant 10 : i32
      %mul3A_2210 = arith.muli %scan3A_726, %mul3A_2209 : i32
      %add3A_2211 = arith.constant 2 : i32
      %add3A_2212 = arith.addi %mul3A_2210, %add3A_2211 : i32
      %jit3A_2213 = arith.constant 2 : i32
      %div3A_2214 = arith.divsi %add3A_2212, %jit3A_2213 : i32
      %sign3A_2215 = arith.constant 0 : i32
      %sign3A_2216 = arith.cmpi sgt, %add3A_2212, %sign3A_2215 : i32
      %sign3A_2217 = arith.extui %sign3A_2216 : i1 to i32
      %sign3A_2218 = arith.constant 0 : i32
      %sign3A_2219 = arith.cmpi slt, %add3A_2212, %sign3A_2218 : i32
      %sign3A_2220 = arith.extui %sign3A_2219 : i1 to i32
      %sign3A_2221 = arith.subi %sign3A_2217, %sign3A_2220 : i32
      %sign3A_2222 = arith.constant 0 : i32
      %sign3A_2223 = arith.cmpi sgt, %jit3A_2213, %sign3A_2222 : i32
      %sign3A_2224 = arith.extui %sign3A_2223 : i1 to i32
      %sign3A_2225 = arith.constant 0 : i32
      %sign3A_2226 = arith.cmpi slt, %jit3A_2213, %sign3A_2225 : i32
      %sign3A_2227 = arith.extui %sign3A_2226 : i1 to i32
      %sign3A_2228 = arith.subi %sign3A_2224, %sign3A_2227 : i32
      %ne3A_2229 = arith.cmpi ne, %sign3A_2221, %sign3A_2228 : i32
      %rem3A_2230 = arith.remsi %add3A_2212, %jit3A_2213 : i32
      %ne3A_2231 = arith.constant 0 : i32
      %ne3A_2232 = arith.cmpi ne, %rem3A_2230, %ne3A_2231 : i32
      %and3A_2233 = arith.andi %ne3A_2229, %ne3A_2232 : i1
      %sub3A_2234 = arith.constant 1 : i32
      %sub3A_2235 = arith.subi %div3A_2214, %sub3A_2234 : i32
      %select_n3A_2236 = arith.select %and3A_2233, %sub3A_2235, %div3A_2214 : i32
      %jit3A_2237 = arith.constant 2 : i32
      %eq3A_2238 = arith.constant 0 : i32
      %eq3A_2239 = arith.cmpi eq, %jit3A_2237, %eq3A_2238 : i32
      %jit3A_2240 = arith.constant 1 : i32
      %select_n3A_2241 = arith.select %eq3A_2239, %jit3A_2240, %jit3A_2237 : i32
      %rem3A_2242 = arith.remsi %add3A_2212, %select_n3A_2241 : i32
      %ne3A_2243 = arith.constant 0 : i32
      %ne3A_2244 = arith.cmpi ne, %rem3A_2242, %ne3A_2243 : i32
      %lt3A_2245 = arith.constant 0 : i32
      %lt3A_2246 = arith.cmpi slt, %rem3A_2242, %lt3A_2245 : i32
      %lt3A_2247 = arith.constant 0 : i32
      %lt3A_2248 = arith.cmpi slt, %select_n3A_2241, %lt3A_2247 : i32
      %ne3A_2249 = arith.xori %lt3A_2246, %lt3A_2248 : i1
      %and3A_2250 = arith.andi %ne3A_2249, %ne3A_2244 : i1
      %add3A_2251 = arith.addi %rem3A_2242, %select_n3A_2241 : i32
      %select_n3A_2252 = arith.select %and3A_2250, %add3A_2251, %rem3A_2242 : i32
      %mul3A_2253 = arith.constant 64 : i32
      %mul3A_2254 = arith.muli %select_n3A_2252, %mul3A_2253 : i32
      %add3A_2255 = arith.addi %mul3A_2, %mul3A_2254 : i32
      %dma_wait3A_2256 = arith.constant 2 : i32
      %dma_wait3A_2257 = arith.constant 2 : i32
      %dma_wait3A_2258 = arith.constant 0 : i32
      %dma_wait3A_2259 = arith.constant 0 : i32
      %dma_wait3A_2260 = tpu.memref_slice %arg6[%dma_wait3A_2256, %dma_wait3A_2258, %dma_wait3A_2259] : memref<10x64x128xf32, #tpu.memory_space<vmem>> -> memref<1x64x128xf32, #tpu.memory_space<vmem>>
      %dma_wait3A_2261 = tpu.memref_squeeze %dma_wait3A_2260 : memref<1x64x128xf32, #tpu.memory_space<vmem>> -> memref<64x128xf32, #tpu.memory_space<vmem>>
      %dma_wait3A_2262 = arith.constant 0 : i32
      %dma_wait3A_2263 = tpu.memref_slice %arg4[%select_n3A_2236, %add3A_2255, %dma_wait3A_2262] : memref<50x4096x128xf32, #tpu.memory_space<hbm>> -> memref<1x64x128xf32, #tpu.memory_space<hbm>>
      %dma_wait3A_2264 = tpu.memref_squeeze %dma_wait3A_2263 : memref<1x64x128xf32, #tpu.memory_space<hbm>> -> memref<64x128xf32, #tpu.memory_space<hbm>>
      %dma_wait3A_2265 = tpu.memref_slice %arg8[%dma_wait3A_2257] : memref<10x!tpu.dma_semaphore, #tpu.memory_space<semaphore_mem>> -> memref<1x!tpu.dma_semaphore, #tpu.memory_space<semaphore_mem>>
      %dma_wait3A_2266 = tpu.memref_squeeze %dma_wait3A_2265 : memref<1x!tpu.dma_semaphore, #tpu.memory_space<semaphore_mem>> -> memref<!tpu.dma_semaphore, #tpu.memory_space<semaphore_mem>>
      %dma_wait3A_2267 = arith.constant 0 : i32
      %dma_wait3A_2268 = tpu.memref_slice %arg4[%select_n3A_2236, %add3A_2255, %dma_wait3A_2267] : memref<50x4096x128xf32, #tpu.memory_space<hbm>> -> memref<1x64x128xf32, #tpu.memory_space<hbm>>
      %dma_wait3A_2269 = tpu.memref_squeeze %dma_wait3A_2268 : memref<1x64x128xf32, #tpu.memory_space<hbm>> -> memref<64x128xf32, #tpu.memory_space<hbm>>
      %dma_wait3A_2270 = arith.constant 0 : i32
      %dma_wait3A_2271 = arith.constant 0 : i32
      %dma_wait3A_2272 = tpu.memref_slice %arg6[%dma_wait3A_2256, %dma_wait3A_2270, %dma_wait3A_2271] : memref<10x64x128xf32, #tpu.memory_space<vmem>> -> memref<1x64x128xf32, #tpu.memory_space<vmem>>
      %dma_wait3A_2273 = tpu.memref_squeeze %dma_wait3A_2272 : memref<1x64x128xf32, #tpu.memory_space<vmem>> -> memref<64x128xf32, #tpu.memory_space<vmem>>
      tpu.wait_dma2 semaphore(%dma_wait3A_2266 : memref<!tpu.dma_semaphore, #tpu.memory_space<semaphore_mem>>) src(%dma_wait3A_2273 : memref<64x128xf32, #tpu.memory_space<vmem>>) dst(%dma_wait3A_2269 : memref<64x128xf32, #tpu.memory_space<hbm>>)
      %add3A_2274 = arith.constant 1 : i32
      %add3A_2275 = arith.addi %scan3A_726, %add3A_2274 : i32
      %mul3A_2276 = arith.constant 10 : i32
      %mul3A_2277 = arith.muli %add3A_2275, %mul3A_2276 : i32
      %add3A_2278 = arith.constant 2 : i32
      %add3A_2279 = arith.addi %mul3A_2277, %add3A_2278 : i32
      %jit3A_2280 = arith.constant 2 : i32
      %div3A_2281 = arith.divsi %add3A_2279, %jit3A_2280 : i32
      %sign3A_2282 = arith.constant 0 : i32
      %sign3A_2283 = arith.cmpi sgt, %add3A_2279, %sign3A_2282 : i32
      %sign3A_2284 = arith.extui %sign3A_2283 : i1 to i32
      %sign3A_2285 = arith.constant 0 : i32
      %sign3A_2286 = arith.cmpi slt, %add3A_2279, %sign3A_2285 : i32
      %sign3A_2287 = arith.extui %sign3A_2286 : i1 to i32
      %sign3A_2288 = arith.subi %sign3A_2284, %sign3A_2287 : i32
      %sign3A_2289 = arith.constant 0 : i32
      %sign3A_2290 = arith.cmpi sgt, %jit3A_2280, %sign3A_2289 : i32
      %sign3A_2291 = arith.extui %sign3A_2290 : i1 to i32
      %sign3A_2292 = arith.constant 0 : i32
      %sign3A_2293 = arith.cmpi slt, %jit3A_2280, %sign3A_2292 : i32
      %sign3A_2294 = arith.extui %sign3A_2293 : i1 to i32
      %sign3A_2295 = arith.subi %sign3A_2291, %sign3A_2294 : i32
      %ne3A_2296 = arith.cmpi ne, %sign3A_2288, %sign3A_2295 : i32
      %rem3A_2297 = arith.remsi %add3A_2279, %jit3A_2280 : i32
      %ne3A_2298 = arith.constant 0 : i32
      %ne3A_2299 = arith.cmpi ne, %rem3A_2297, %ne3A_2298 : i32
      %and3A_2300 = arith.andi %ne3A_2296, %ne3A_2299 : i1
      %sub3A_2301 = arith.constant 1 : i32
      %sub3A_2302 = arith.subi %div3A_2281, %sub3A_2301 : i32
      %select_n3A_2303 = arith.select %and3A_2300, %sub3A_2302, %div3A_2281 : i32
      %jit3A_2304 = arith.constant 2 : i32
      %eq3A_2305 = arith.constant 0 : i32
      %eq3A_2306 = arith.cmpi eq, %jit3A_2304, %eq3A_2305 : i32
      %jit3A_2307 = arith.constant 1 : i32
      %select_n3A_2308 = arith.select %eq3A_2306, %jit3A_2307, %jit3A_2304 : i32
      %rem3A_2309 = arith.remsi %add3A_2279, %select_n3A_2308 : i32
      %ne3A_2310 = arith.constant 0 : i32
      %ne3A_2311 = arith.cmpi ne, %rem3A_2309, %ne3A_2310 : i32
      %lt3A_2312 = arith.constant 0 : i32
      %lt3A_2313 = arith.cmpi slt, %rem3A_2309, %lt3A_2312 : i32
      %lt3A_2314 = arith.constant 0 : i32
      %lt3A_2315 = arith.cmpi slt, %select_n3A_2308, %lt3A_2314 : i32
      %ne3A_2316 = arith.xori %lt3A_2313, %lt3A_2315 : i1
      %and3A_2317 = arith.andi %ne3A_2316, %ne3A_2311 : i1
      %add3A_2318 = arith.addi %rem3A_2309, %select_n3A_2308 : i32
      %select_n3A_2319 = arith.select %and3A_2317, %add3A_2318, %rem3A_2309 : i32
      %mul3A_2320 = arith.constant 64 : i32
      %mul3A_2321 = arith.muli %select_n3A_2319, %mul3A_2320 : i32
      %dma_start3A_2322 = arith.constant 2 : i32
      %dma_start3A_2323 = arith.constant 2 : i32
      %dma_start3A_2324 = arith.constant 0 : i32
      %dma_start3A_2325 = arith.constant 0 : i32
      %dma_start3A_2326 = tpu.memref_slice %arg6[%dma_start3A_2322, %dma_start3A_2324, %dma_start3A_2325] : memref<10x64x128xf32, #tpu.memory_space<vmem>> -> memref<1x64x128xf32, #tpu.memory_space<vmem>>
      %dma_start3A_2327 = tpu.memref_squeeze %dma_start3A_2326 : memref<1x64x128xf32, #tpu.memory_space<vmem>> -> memref<64x128xf32, #tpu.memory_space<vmem>>
      %dma_start3A_2328 = tpu.memref_slice %arg5[%select_n3A_2303, %mul3A_2321] : memref<50x128xi32, #tpu.memory_space<vmem>> -> memref<1x64xi32, #tpu.memory_space<vmem>>
      %dma_start3A_2329 = tpu.memref_squeeze %dma_start3A_2328 : memref<1x64xi32, #tpu.memory_space<vmem>> -> memref<64xi32, #tpu.memory_space<vmem>>
      %dma_start3A_2330 = arith.constant 0 : i32
      %dma_start3A_2331 = arith.constant 0 : i32
      %dma_start3A_2332 = tpu.memref_slice %arg3[%dma_start3A_2330, %dma_start3A_2331] : memref<100000x128xf32, #tpu.memory_space<hbm>> -> memref<100000x128xf32, #tpu.memory_space<hbm>>
      %dma_start3A_2333 = tpu.memref_slice %arg7[%dma_start3A_2323] : memref<10x!tpu.dma_semaphore, #tpu.memory_space<semaphore_mem>> -> memref<1x!tpu.dma_semaphore, #tpu.memory_space<semaphore_mem>>
      %dma_start3A_2334 = tpu.memref_squeeze %dma_start3A_2333 : memref<1x!tpu.dma_semaphore, #tpu.memory_space<semaphore_mem>> -> memref<!tpu.dma_semaphore, #tpu.memory_space<semaphore_mem>>
      tpu.enqueue_indirect_dma source(%dma_start3A_2332 : memref<100000x128xf32, #tpu.memory_space<hbm>>) target(%dma_start3A_2327 : memref<64x128xf32, #tpu.memory_space<vmem>>) offsets(%dma_start3A_2329 : memref<64xi32, #tpu.memory_space<vmem>>) semaphore(%dma_start3A_2334 : memref<!tpu.dma_semaphore, #tpu.memory_space<semaphore_mem>>)
      %mul3A_2335 = arith.constant 10 : i32
      %mul3A_2336 = arith.muli %scan3A_726, %mul3A_2335 : i32
      %add3A_2337 = arith.constant 3 : i32
      %add3A_2338 = arith.addi %mul3A_2336, %add3A_2337 : i32
      %jit3A_2339 = arith.constant 2 : i32
      %div3A_2340 = arith.divsi %add3A_2338, %jit3A_2339 : i32
      %sign3A_2341 = arith.constant 0 : i32
      %sign3A_2342 = arith.cmpi sgt, %add3A_2338, %sign3A_2341 : i32
      %sign3A_2343 = arith.extui %sign3A_2342 : i1 to i32
      %sign3A_2344 = arith.constant 0 : i32
      %sign3A_2345 = arith.cmpi slt, %add3A_2338, %sign3A_2344 : i32
      %sign3A_2346 = arith.extui %sign3A_2345 : i1 to i32
      %sign3A_2347 = arith.subi %sign3A_2343, %sign3A_2346 : i32
      %sign3A_2348 = arith.constant 0 : i32
      %sign3A_2349 = arith.cmpi sgt, %jit3A_2339, %sign3A_2348 : i32
      %sign3A_2350 = arith.extui %sign3A_2349 : i1 to i32
      %sign3A_2351 = arith.constant 0 : i32
      %sign3A_2352 = arith.cmpi slt, %jit3A_2339, %sign3A_2351 : i32
      %sign3A_2353 = arith.extui %sign3A_2352 : i1 to i32
      %sign3A_2354 = arith.subi %sign3A_2350, %sign3A_2353 : i32
      %ne3A_2355 = arith.cmpi ne, %sign3A_2347, %sign3A_2354 : i32
      %rem3A_2356 = arith.remsi %add3A_2338, %jit3A_2339 : i32
      %ne3A_2357 = arith.constant 0 : i32
      %ne3A_2358 = arith.cmpi ne, %rem3A_2356, %ne3A_2357 : i32
      %and3A_2359 = arith.andi %ne3A_2355, %ne3A_2358 : i1
      %sub3A_2360 = arith.constant 1 : i32
      %sub3A_2361 = arith.subi %div3A_2340, %sub3A_2360 : i32
      %select_n3A_2362 = arith.select %and3A_2359, %sub3A_2361, %div3A_2340 : i32
      %jit3A_2363 = arith.constant 2 : i32
      %eq3A_2364 = arith.constant 0 : i32
      %eq3A_2365 = arith.cmpi eq, %jit3A_2363, %eq3A_2364 : i32
      %jit3A_2366 = arith.constant 1 : i32
      %select_n3A_2367 = arith.select %eq3A_2365, %jit3A_2366, %jit3A_2363 : i32
      %rem3A_2368 = arith.remsi %add3A_2338, %select_n3A_2367 : i32
      %ne3A_2369 = arith.constant 0 : i32
      %ne3A_2370 = arith.cmpi ne, %rem3A_2368, %ne3A_2369 : i32
      %lt3A_2371 = arith.constant 0 : i32
      %lt3A_2372 = arith.cmpi slt, %rem3A_2368, %lt3A_2371 : i32
      %lt3A_2373 = arith.constant 0 : i32
      %lt3A_2374 = arith.cmpi slt, %select_n3A_2367, %lt3A_2373 : i32
      %ne3A_2375 = arith.xori %lt3A_2372, %lt3A_2374 : i1
      %and3A_2376 = arith.andi %ne3A_2375, %ne3A_2370 : i1
      %add3A_2377 = arith.addi %rem3A_2368, %select_n3A_2367 : i32
      %select_n3A_2378 = arith.select %and3A_2376, %add3A_2377, %rem3A_2368 : i32
      %mul3A_2379 = arith.constant 64 : i32
      %mul3A_2380 = arith.muli %select_n3A_2378, %mul3A_2379 : i32
      %add3A_2381 = arith.addi %mul3A_2, %mul3A_2380 : i32
      %dma_wait3A_2382 = arith.constant 3 : i32
      %dma_wait3A_2383 = arith.constant 3 : i32
      %dma_wait3A_2384 = arith.constant 0 : i32
      %dma_wait3A_2385 = arith.constant 0 : i32
      %dma_wait3A_2386 = tpu.memref_slice %arg6[%dma_wait3A_2382, %dma_wait3A_2384, %dma_wait3A_2385] : memref<10x64x128xf32, #tpu.memory_space<vmem>> -> memref<1x64x128xf32, #tpu.memory_space<vmem>>
      %dma_wait3A_2387 = tpu.memref_squeeze %dma_wait3A_2386 : memref<1x64x128xf32, #tpu.memory_space<vmem>> -> memref<64x128xf32, #tpu.memory_space<vmem>>
      %dma_wait3A_2388 = arith.constant 0 : i32
      %dma_wait3A_2389 = tpu.memref_slice %arg4[%select_n3A_2362, %add3A_2381, %dma_wait3A_2388] : memref<50x4096x128xf32, #tpu.memory_space<hbm>> -> memref<1x64x128xf32, #tpu.memory_space<hbm>>
      %dma_wait3A_2390 = tpu.memref_squeeze %dma_wait3A_2389 : memref<1x64x128xf32, #tpu.memory_space<hbm>> -> memref<64x128xf32, #tpu.memory_space<hbm>>
      %dma_wait3A_2391 = tpu.memref_slice %arg8[%dma_wait3A_2383] : memref<10x!tpu.dma_semaphore, #tpu.memory_space<semaphore_mem>> -> memref<1x!tpu.dma_semaphore, #tpu.memory_space<semaphore_mem>>
      %dma_wait3A_2392 = tpu.memref_squeeze %dma_wait3A_2391 : memref<1x!tpu.dma_semaphore, #tpu.memory_space<semaphore_mem>> -> memref<!tpu.dma_semaphore, #tpu.memory_space<semaphore_mem>>
      %dma_wait3A_2393 = arith.constant 0 : i32
      %dma_wait3A_2394 = tpu.memref_slice %arg4[%select_n3A_2362, %add3A_2381, %dma_wait3A_2393] : memref<50x4096x128xf32, #tpu.memory_space<hbm>> -> memref<1x64x128xf32, #tpu.memory_space<hbm>>
      %dma_wait3A_2395 = tpu.memref_squeeze %dma_wait3A_2394 : memref<1x64x128xf32, #tpu.memory_space<hbm>> -> memref<64x128xf32, #tpu.memory_space<hbm>>
      %dma_wait3A_2396 = arith.constant 0 : i32
      %dma_wait3A_2397 = arith.constant 0 : i32
      %dma_wait3A_2398 = tpu.memref_slice %arg6[%dma_wait3A_2382, %dma_wait3A_2396, %dma_wait3A_2397] : memref<10x64x128xf32, #tpu.memory_space<vmem>> -> memref<1x64x128xf32, #tpu.memory_space<vmem>>
      %dma_wait3A_2399 = tpu.memref_squeeze %dma_wait3A_2398 : memref<1x64x128xf32, #tpu.memory_space<vmem>> -> memref<64x128xf32, #tpu.memory_space<vmem>>
      tpu.wait_dma2 semaphore(%dma_wait3A_2392 : memref<!tpu.dma_semaphore, #tpu.memory_space<semaphore_mem>>) src(%dma_wait3A_2399 : memref<64x128xf32, #tpu.memory_space<vmem>>) dst(%dma_wait3A_2395 : memref<64x128xf32, #tpu.memory_space<hbm>>)
      %add3A_2400 = arith.constant 1 : i32
      %add3A_2401 = arith.addi %scan3A_726, %add3A_2400 : i32
      %mul3A_2402 = arith.constant 10 : i32
      %mul3A_2403 = arith.muli %add3A_2401, %mul3A_2402 : i32
      %add3A_2404 = arith.constant 3 : i32
      %add3A_2405 = arith.addi %mul3A_2403, %add3A_2404 : i32
      %jit3A_2406 = arith.constant 2 : i32
      %div3A_2407 = arith.divsi %add3A_2405, %jit3A_2406 : i32
      %sign3A_2408 = arith.constant 0 : i32
      %sign3A_2409 = arith.cmpi sgt, %add3A_2405, %sign3A_2408 : i32
      %sign3A_2410 = arith.extui %sign3A_2409 : i1 to i32
      %sign3A_2411 = arith.constant 0 : i32
      %sign3A_2412 = arith.cmpi slt, %add3A_2405, %sign3A_2411 : i32
      %sign3A_2413 = arith.extui %sign3A_2412 : i1 to i32
      %sign3A_2414 = arith.subi %sign3A_2410, %sign3A_2413 : i32
      %sign3A_2415 = arith.constant 0 : i32
      %sign3A_2416 = arith.cmpi sgt, %jit3A_2406, %sign3A_2415 : i32
      %sign3A_2417 = arith.extui %sign3A_2416 : i1 to i32
      %sign3A_2418 = arith.constant 0 : i32
      %sign3A_2419 = arith.cmpi slt, %jit3A_2406, %sign3A_2418 : i32
      %sign3A_2420 = arith.extui %sign3A_2419 : i1 to i32
      %sign3A_2421 = arith.subi %sign3A_2417, %sign3A_2420 : i32
      %ne3A_2422 = arith.cmpi ne, %sign3A_2414, %sign3A_2421 : i32
      %rem3A_2423 = arith.remsi %add3A_2405, %jit3A_2406 : i32
      %ne3A_2424 = arith.constant 0 : i32
      %ne3A_2425 = arith.cmpi ne, %rem3A_2423, %ne3A_2424 : i32
      %and3A_2426 = arith.andi %ne3A_2422, %ne3A_2425 : i1
      %sub3A_2427 = arith.constant 1 : i32
      %sub3A_2428 = arith.subi %div3A_2407, %sub3A_2427 : i32
      %select_n3A_2429 = arith.select %and3A_2426, %sub3A_2428, %div3A_2407 : i32
      %jit3A_2430 = arith.constant 2 : i32
      %eq3A_2431 = arith.constant 0 : i32
      %eq3A_2432 = arith.cmpi eq, %jit3A_2430, %eq3A_2431 : i32
      %jit3A_2433 = arith.constant 1 : i32
      %select_n3A_2434 = arith.select %eq3A_2432, %jit3A_2433, %jit3A_2430 : i32
      %rem3A_2435 = arith.remsi %add3A_2405, %select_n3A_2434 : i32
      %ne3A_2436 = arith.constant 0 : i32
      %ne3A_2437 = arith.cmpi ne, %rem3A_2435, %ne3A_2436 : i32
      %lt3A_2438 = arith.constant 0 : i32
      %lt3A_2439 = arith.cmpi slt, %rem3A_2435, %lt3A_2438 : i32
      %lt3A_2440 = arith.constant 0 : i32
      %lt3A_2441 = arith.cmpi slt, %select_n3A_2434, %lt3A_2440 : i32
      %ne3A_2442 = arith.xori %lt3A_2439, %lt3A_2441 : i1
      %and3A_2443 = arith.andi %ne3A_2442, %ne3A_2437 : i1
      %add3A_2444 = arith.addi %rem3A_2435, %select_n3A_2434 : i32
      %select_n3A_2445 = arith.select %and3A_2443, %add3A_2444, %rem3A_2435 : i32
      %mul3A_2446 = arith.constant 64 : i32
      %mul3A_2447 = arith.muli %select_n3A_2445, %mul3A_2446 : i32
      %dma_start3A_2448 = arith.constant 3 : i32
      %dma_start3A_2449 = arith.constant 3 : i32
      %dma_start3A_2450 = arith.constant 0 : i32
      %dma_start3A_2451 = arith.constant 0 : i32
      %dma_start3A_2452 = tpu.memref_slice %arg6[%dma_start3A_2448, %dma_start3A_2450, %dma_start3A_2451] : memref<10x64x128xf32, #tpu.memory_space<vmem>> -> memref<1x64x128xf32, #tpu.memory_space<vmem>>
      %dma_start3A_2453 = tpu.memref_squeeze %dma_start3A_2452 : memref<1x64x128xf32, #tpu.memory_space<vmem>> -> memref<64x128xf32, #tpu.memory_space<vmem>>
      %dma_start3A_2454 = tpu.memref_slice %arg5[%select_n3A_2429, %mul3A_2447] : memref<50x128xi32, #tpu.memory_space<vmem>> -> memref<1x64xi32, #tpu.memory_space<vmem>>
      %dma_start3A_2455 = tpu.memref_squeeze %dma_start3A_2454 : memref<1x64xi32, #tpu.memory_space<vmem>> -> memref<64xi32, #tpu.memory_space<vmem>>
      %dma_start3A_2456 = arith.constant 0 : i32
      %dma_start3A_2457 = arith.constant 0 : i32
      %dma_start3A_2458 = tpu.memref_slice %arg3[%dma_start3A_2456, %dma_start3A_2457] : memref<100000x128xf32, #tpu.memory_space<hbm>> -> memref<100000x128xf32, #tpu.memory_space<hbm>>
      %dma_start3A_2459 = tpu.memref_slice %arg7[%dma_start3A_2449] : memref<10x!tpu.dma_semaphore, #tpu.memory_space<semaphore_mem>> -> memref<1x!tpu.dma_semaphore, #tpu.memory_space<semaphore_mem>>
      %dma_start3A_2460 = tpu.memref_squeeze %dma_start3A_2459 : memref<1x!tpu.dma_semaphore, #tpu.memory_space<semaphore_mem>> -> memref<!tpu.dma_semaphore, #tpu.memory_space<semaphore_mem>>
      tpu.enqueue_indirect_dma source(%dma_start3A_2458 : memref<100000x128xf32, #tpu.memory_space<hbm>>) target(%dma_start3A_2453 : memref<64x128xf32, #tpu.memory_space<vmem>>) offsets(%dma_start3A_2455 : memref<64xi32, #tpu.memory_space<vmem>>) semaphore(%dma_start3A_2460 : memref<!tpu.dma_semaphore, #tpu.memory_space<semaphore_mem>>)
      %mul3A_2461 = arith.constant 10 : i32
      %mul3A_2462 = arith.muli %scan3A_726, %mul3A_2461 : i32
      %add3A_2463 = arith.constant 4 : i32
      %add3A_2464 = arith.addi %mul3A_2462, %add3A_2463 : i32
      %jit3A_2465 = arith.constant 2 : i32
      %div3A_2466 = arith.divsi %add3A_2464, %jit3A_2465 : i32
      %sign3A_2467 = arith.constant 0 : i32
      %sign3A_2468 = arith.cmpi sgt, %add3A_2464, %sign3A_2467 : i32
      %sign3A_2469 = arith.extui %sign3A_2468 : i1 to i32
      %sign3A_2470 = arith.constant 0 : i32
      %sign3A_2471 = arith.cmpi slt, %add3A_2464, %sign3A_2470 : i32
      %sign3A_2472 = arith.extui %sign3A_2471 : i1 to i32
      %sign3A_2473 = arith.subi %sign3A_2469, %sign3A_2472 : i32
      %sign3A_2474 = arith.constant 0 : i32
      %sign3A_2475 = arith.cmpi sgt, %jit3A_2465, %sign3A_2474 : i32
      %sign3A_2476 = arith.extui %sign3A_2475 : i1 to i32
      %sign3A_2477 = arith.constant 0 : i32
      %sign3A_2478 = arith.cmpi slt, %jit3A_2465, %sign3A_2477 : i32
      %sign3A_2479 = arith.extui %sign3A_2478 : i1 to i32
      %sign3A_2480 = arith.subi %sign3A_2476, %sign3A_2479 : i32
      %ne3A_2481 = arith.cmpi ne, %sign3A_2473, %sign3A_2480 : i32
      %rem3A_2482 = arith.remsi %add3A_2464, %jit3A_2465 : i32
      %ne3A_2483 = arith.constant 0 : i32
      %ne3A_2484 = arith.cmpi ne, %rem3A_2482, %ne3A_2483 : i32
      %and3A_2485 = arith.andi %ne3A_2481, %ne3A_2484 : i1
      %sub3A_2486 = arith.constant 1 : i32
      %sub3A_2487 = arith.subi %div3A_2466, %sub3A_2486 : i32
      %select_n3A_2488 = arith.select %and3A_2485, %sub3A_2487, %div3A_2466 : i32
      %jit3A_2489 = arith.constant 2 : i32
      %eq3A_2490 = arith.constant 0 : i32
      %eq3A_2491 = arith.cmpi eq, %jit3A_2489, %eq3A_2490 : i32
      %jit3A_2492 = arith.constant 1 : i32
      %select_n3A_2493 = arith.select %eq3A_2491, %jit3A_2492, %jit3A_2489 : i32
      %rem3A_2494 = arith.remsi %add3A_2464, %select_n3A_2493 : i32
      %ne3A_2495 = arith.constant 0 : i32
      %ne3A_2496 = arith.cmpi ne, %rem3A_2494, %ne3A_2495 : i32
      %lt3A_2497 = arith.constant 0 : i32
      %lt3A_2498 = arith.cmpi slt, %rem3A_2494, %lt3A_2497 : i32
      %lt3A_2499 = arith.constant 0 : i32
      %lt3A_2500 = arith.cmpi slt, %select_n3A_2493, %lt3A_2499 : i32
      %ne3A_2501 = arith.xori %lt3A_2498, %lt3A_2500 : i1
      %and3A_2502 = arith.andi %ne3A_2501, %ne3A_2496 : i1
      %add3A_2503 = arith.addi %rem3A_2494, %select_n3A_2493 : i32
      %select_n3A_2504 = arith.select %and3A_2502, %add3A_2503, %rem3A_2494 : i32
      %mul3A_2505 = arith.constant 64 : i32
      %mul3A_2506 = arith.muli %select_n3A_2504, %mul3A_2505 : i32
      %add3A_2507 = arith.addi %mul3A_2, %mul3A_2506 : i32
      %dma_wait3A_2508 = arith.constant 4 : i32
      %dma_wait3A_2509 = arith.constant 4 : i32
      %dma_wait3A_2510 = arith.constant 0 : i32
      %dma_wait3A_2511 = arith.constant 0 : i32
      %dma_wait3A_2512 = tpu.memref_slice %arg6[%dma_wait3A_2508, %dma_wait3A_2510, %dma_wait3A_2511] : memref<10x64x128xf32, #tpu.memory_space<vmem>> -> memref<1x64x128xf32, #tpu.memory_space<vmem>>
      %dma_wait3A_2513 = tpu.memref_squeeze %dma_wait3A_2512 : memref<1x64x128xf32, #tpu.memory_space<vmem>> -> memref<64x128xf32, #tpu.memory_space<vmem>>
      %dma_wait3A_2514 = arith.constant 0 : i32
      %dma_wait3A_2515 = tpu.memref_slice %arg4[%select_n3A_2488, %add3A_2507, %dma_wait3A_2514] : memref<50x4096x128xf32, #tpu.memory_space<hbm>> -> memref<1x64x128xf32, #tpu.memory_space<hbm>>
      %dma_wait3A_2516 = tpu.memref_squeeze %dma_wait3A_2515 : memref<1x64x128xf32, #tpu.memory_space<hbm>> -> memref<64x128xf32, #tpu.memory_space<hbm>>
      %dma_wait3A_2517 = tpu.memref_slice %arg8[%dma_wait3A_2509] : memref<10x!tpu.dma_semaphore, #tpu.memory_space<semaphore_mem>> -> memref<1x!tpu.dma_semaphore, #tpu.memory_space<semaphore_mem>>
      %dma_wait3A_2518 = tpu.memref_squeeze %dma_wait3A_2517 : memref<1x!tpu.dma_semaphore, #tpu.memory_space<semaphore_mem>> -> memref<!tpu.dma_semaphore, #tpu.memory_space<semaphore_mem>>
      %dma_wait3A_2519 = arith.constant 0 : i32
      %dma_wait3A_2520 = tpu.memref_slice %arg4[%select_n3A_2488, %add3A_2507, %dma_wait3A_2519] : memref<50x4096x128xf32, #tpu.memory_space<hbm>> -> memref<1x64x128xf32, #tpu.memory_space<hbm>>
      %dma_wait3A_2521 = tpu.memref_squeeze %dma_wait3A_2520 : memref<1x64x128xf32, #tpu.memory_space<hbm>> -> memref<64x128xf32, #tpu.memory_space<hbm>>
      %dma_wait3A_2522 = arith.constant 0 : i32
      %dma_wait3A_2523 = arith.constant 0 : i32
      %dma_wait3A_2524 = tpu.memref_slice %arg6[%dma_wait3A_2508, %dma_wait3A_2522, %dma_wait3A_2523] : memref<10x64x128xf32, #tpu.memory_space<vmem>> -> memref<1x64x128xf32, #tpu.memory_space<vmem>>
      %dma_wait3A_2525 = tpu.memref_squeeze %dma_wait3A_2524 : memref<1x64x128xf32, #tpu.memory_space<vmem>> -> memref<64x128xf32, #tpu.memory_space<vmem>>
      tpu.wait_dma2 semaphore(%dma_wait3A_2518 : memref<!tpu.dma_semaphore, #tpu.memory_space<semaphore_mem>>) src(%dma_wait3A_2525 : memref<64x128xf32, #tpu.memory_space<vmem>>) dst(%dma_wait3A_2521 : memref<64x128xf32, #tpu.memory_space<hbm>>)
      %add3A_2526 = arith.constant 1 : i32
      %add3A_2527 = arith.addi %scan3A_726, %add3A_2526 : i32
      %mul3A_2528 = arith.constant 10 : i32
      %mul3A_2529 = arith.muli %add3A_2527, %mul3A_2528 : i32
      %add3A_2530 = arith.constant 4 : i32
      %add3A_2531 = arith.addi %mul3A_2529, %add3A_2530 : i32
      %jit3A_2532 = arith.constant 2 : i32
      %div3A_2533 = arith.divsi %add3A_2531, %jit3A_2532 : i32
      %sign3A_2534 = arith.constant 0 : i32
      %sign3A_2535 = arith.cmpi sgt, %add3A_2531, %sign3A_2534 : i32
      %sign3A_2536 = arith.extui %sign3A_2535 : i1 to i32
      %sign3A_2537 = arith.constant 0 : i32
      %sign3A_2538 = arith.cmpi slt, %add3A_2531, %sign3A_2537 : i32
      %sign3A_2539 = arith.extui %sign3A_2538 : i1 to i32
      %sign3A_2540 = arith.subi %sign3A_2536, %sign3A_2539 : i32
      %sign3A_2541 = arith.constant 0 : i32
      %sign3A_2542 = arith.cmpi sgt, %jit3A_2532, %sign3A_2541 : i32
      %sign3A_2543 = arith.extui %sign3A_2542 : i1 to i32
      %sign3A_2544 = arith.constant 0 : i32
      %sign3A_2545 = arith.cmpi slt, %jit3A_2532, %sign3A_2544 : i32
      %sign3A_2546 = arith.extui %sign3A_2545 : i1 to i32
      %sign3A_2547 = arith.subi %sign3A_2543, %sign3A_2546 : i32
      %ne3A_2548 = arith.cmpi ne, %sign3A_2540, %sign3A_2547 : i32
      %rem3A_2549 = arith.remsi %add3A_2531, %jit3A_2532 : i32
      %ne3A_2550 = arith.constant 0 : i32
      %ne3A_2551 = arith.cmpi ne, %rem3A_2549, %ne3A_2550 : i32
      %and3A_2552 = arith.andi %ne3A_2548, %ne3A_2551 : i1
      %sub3A_2553 = arith.constant 1 : i32
      %sub3A_2554 = arith.subi %div3A_2533, %sub3A_2553 : i32
      %select_n3A_2555 = arith.select %and3A_2552, %sub3A_2554, %div3A_2533 : i32
      %jit3A_2556 = arith.constant 2 : i32
      %eq3A_2557 = arith.constant 0 : i32
      %eq3A_2558 = arith.cmpi eq, %jit3A_2556, %eq3A_2557 : i32
      %jit3A_2559 = arith.constant 1 : i32
      %select_n3A_2560 = arith.select %eq3A_2558, %jit3A_2559, %jit3A_2556 : i32
      %rem3A_2561 = arith.remsi %add3A_2531, %select_n3A_2560 : i32
      %ne3A_2562 = arith.constant 0 : i32
      %ne3A_2563 = arith.cmpi ne, %rem3A_2561, %ne3A_2562 : i32
      %lt3A_2564 = arith.constant 0 : i32
      %lt3A_2565 = arith.cmpi slt, %rem3A_2561, %lt3A_2564 : i32
      %lt3A_2566 = arith.constant 0 : i32
      %lt3A_2567 = arith.cmpi slt, %select_n3A_2560, %lt3A_2566 : i32
      %ne3A_2568 = arith.xori %lt3A_2565, %lt3A_2567 : i1
      %and3A_2569 = arith.andi %ne3A_2568, %ne3A_2563 : i1
      %add3A_2570 = arith.addi %rem3A_2561, %select_n3A_2560 : i32
      %select_n3A_2571 = arith.select %and3A_2569, %add3A_2570, %rem3A_2561 : i32
      %mul3A_2572 = arith.constant 64 : i32
      %mul3A_2573 = arith.muli %select_n3A_2571, %mul3A_2572 : i32
      %dma_start3A_2574 = arith.constant 4 : i32
      %dma_start3A_2575 = arith.constant 4 : i32
      %dma_start3A_2576 = arith.constant 0 : i32
      %dma_start3A_2577 = arith.constant 0 : i32
      %dma_start3A_2578 = tpu.memref_slice %arg6[%dma_start3A_2574, %dma_start3A_2576, %dma_start3A_2577] : memref<10x64x128xf32, #tpu.memory_space<vmem>> -> memref<1x64x128xf32, #tpu.memory_space<vmem>>
      %dma_start3A_2579 = tpu.memref_squeeze %dma_start3A_2578 : memref<1x64x128xf32, #tpu.memory_space<vmem>> -> memref<64x128xf32, #tpu.memory_space<vmem>>
      %dma_start3A_2580 = tpu.memref_slice %arg5[%select_n3A_2555, %mul3A_2573] : memref<50x128xi32, #tpu.memory_space<vmem>> -> memref<1x64xi32, #tpu.memory_space<vmem>>
      %dma_start3A_2581 = tpu.memref_squeeze %dma_start3A_2580 : memref<1x64xi32, #tpu.memory_space<vmem>> -> memref<64xi32, #tpu.memory_space<vmem>>
      %dma_start3A_2582 = arith.constant 0 : i32
      %dma_start3A_2583 = arith.constant 0 : i32
      %dma_start3A_2584 = tpu.memref_slice %arg3[%dma_start3A_2582, %dma_start3A_2583] : memref<100000x128xf32, #tpu.memory_space<hbm>> -> memref<100000x128xf32, #tpu.memory_space<hbm>>
      %dma_start3A_2585 = tpu.memref_slice %arg7[%dma_start3A_2575] : memref<10x!tpu.dma_semaphore, #tpu.memory_space<semaphore_mem>> -> memref<1x!tpu.dma_semaphore, #tpu.memory_space<semaphore_mem>>
      %dma_start3A_2586 = tpu.memref_squeeze %dma_start3A_2585 : memref<1x!tpu.dma_semaphore, #tpu.memory_space<semaphore_mem>> -> memref<!tpu.dma_semaphore, #tpu.memory_space<semaphore_mem>>
      tpu.enqueue_indirect_dma source(%dma_start3A_2584 : memref<100000x128xf32, #tpu.memory_space<hbm>>) target(%dma_start3A_2579 : memref<64x128xf32, #tpu.memory_space<vmem>>) offsets(%dma_start3A_2581 : memref<64xi32, #tpu.memory_space<vmem>>) semaphore(%dma_start3A_2586 : memref<!tpu.dma_semaphore, #tpu.memory_space<semaphore_mem>>)
      %mul3A_2587 = arith.constant 10 : i32
      %mul3A_2588 = arith.muli %scan3A_726, %mul3A_2587 : i32
      %add3A_2589 = arith.constant 5 : i32
      %add3A_2590 = arith.addi %mul3A_2588, %add3A_2589 : i32
      %jit3A_2591 = arith.constant 2 : i32
      %div3A_2592 = arith.divsi %add3A_2590, %jit3A_2591 : i32
      %sign3A_2593 = arith.constant 0 : i32
      %sign3A_2594 = arith.cmpi sgt, %add3A_2590, %sign3A_2593 : i32
      %sign3A_2595 = arith.extui %sign3A_2594 : i1 to i32
      %sign3A_2596 = arith.constant 0 : i32
      %sign3A_2597 = arith.cmpi slt, %add3A_2590, %sign3A_2596 : i32
      %sign3A_2598 = arith.extui %sign3A_2597 : i1 to i32
      %sign3A_2599 = arith.subi %sign3A_2595, %sign3A_2598 : i32
      %sign3A_2600 = arith.constant 0 : i32
      %sign3A_2601 = arith.cmpi sgt, %jit3A_2591, %sign3A_2600 : i32
      %sign3A_2602 = arith.extui %sign3A_2601 : i1 to i32
      %sign3A_2603 = arith.constant 0 : i32
      %sign3A_2604 = arith.cmpi slt, %jit3A_2591, %sign3A_2603 : i32
      %sign3A_2605 = arith.extui %sign3A_2604 : i1 to i32
      %sign3A_2606 = arith.subi %sign3A_2602, %sign3A_2605 : i32
      %ne3A_2607 = arith.cmpi ne, %sign3A_2599, %sign3A_2606 : i32
      %rem3A_2608 = arith.remsi %add3A_2590, %jit3A_2591 : i32
      %ne3A_2609 = arith.constant 0 : i32
      %ne3A_2610 = arith.cmpi ne, %rem3A_2608, %ne3A_2609 : i32
      %and3A_2611 = arith.andi %ne3A_2607, %ne3A_2610 : i1
      %sub3A_2612 = arith.constant 1 : i32
      %sub3A_2613 = arith.subi %div3A_2592, %sub3A_2612 : i32
      %select_n3A_2614 = arith.select %and3A_2611, %sub3A_2613, %div3A_2592 : i32
      %jit3A_2615 = arith.constant 2 : i32
      %eq3A_2616 = arith.constant 0 : i32
      %eq3A_2617 = arith.cmpi eq, %jit3A_2615, %eq3A_2616 : i32
      %jit3A_2618 = arith.constant 1 : i32
      %select_n3A_2619 = arith.select %eq3A_2617, %jit3A_2618, %jit3A_2615 : i32
      %rem3A_2620 = arith.remsi %add3A_2590, %select_n3A_2619 : i32
      %ne3A_2621 = arith.constant 0 : i32
      %ne3A_2622 = arith.cmpi ne, %rem3A_2620, %ne3A_2621 : i32
      %lt3A_2623 = arith.constant 0 : i32
      %lt3A_2624 = arith.cmpi slt, %rem3A_2620, %lt3A_2623 : i32
      %lt3A_2625 = arith.constant 0 : i32
      %lt3A_2626 = arith.cmpi slt, %select_n3A_2619, %lt3A_2625 : i32
      %ne3A_2627 = arith.xori %lt3A_2624, %lt3A_2626 : i1
      %and3A_2628 = arith.andi %ne3A_2627, %ne3A_2622 : i1
      %add3A_2629 = arith.addi %rem3A_2620, %select_n3A_2619 : i32
      %select_n3A_2630 = arith.select %and3A_2628, %add3A_2629, %rem3A_2620 : i32
      %mul3A_2631 = arith.constant 64 : i32
      %mul3A_2632 = arith.muli %select_n3A_2630, %mul3A_2631 : i32
      %add3A_2633 = arith.addi %mul3A_2, %mul3A_2632 : i32
      %dma_wait3A_2634 = arith.constant 5 : i32
      %dma_wait3A_2635 = arith.constant 5 : i32
      %dma_wait3A_2636 = arith.constant 0 : i32
      %dma_wait3A_2637 = arith.constant 0 : i32
      %dma_wait3A_2638 = tpu.memref_slice %arg6[%dma_wait3A_2634, %dma_wait3A_2636, %dma_wait3A_2637] : memref<10x64x128xf32, #tpu.memory_space<vmem>> -> memref<1x64x128xf32, #tpu.memory_space<vmem>>
      %dma_wait3A_2639 = tpu.memref_squeeze %dma_wait3A_2638 : memref<1x64x128xf32, #tpu.memory_space<vmem>> -> memref<64x128xf32, #tpu.memory_space<vmem>>
      %dma_wait3A_2640 = arith.constant 0 : i32
      %dma_wait3A_2641 = tpu.memref_slice %arg4[%select_n3A_2614, %add3A_2633, %dma_wait3A_2640] : memref<50x4096x128xf32, #tpu.memory_space<hbm>> -> memref<1x64x128xf32, #tpu.memory_space<hbm>>
      %dma_wait3A_2642 = tpu.memref_squeeze %dma_wait3A_2641 : memref<1x64x128xf32, #tpu.memory_space<hbm>> -> memref<64x128xf32, #tpu.memory_space<hbm>>
      %dma_wait3A_2643 = tpu.memref_slice %arg8[%dma_wait3A_2635] : memref<10x!tpu.dma_semaphore, #tpu.memory_space<semaphore_mem>> -> memref<1x!tpu.dma_semaphore, #tpu.memory_space<semaphore_mem>>
      %dma_wait3A_2644 = tpu.memref_squeeze %dma_wait3A_2643 : memref<1x!tpu.dma_semaphore, #tpu.memory_space<semaphore_mem>> -> memref<!tpu.dma_semaphore, #tpu.memory_space<semaphore_mem>>
      %dma_wait3A_2645 = arith.constant 0 : i32
      %dma_wait3A_2646 = tpu.memref_slice %arg4[%select_n3A_2614, %add3A_2633, %dma_wait3A_2645] : memref<50x4096x128xf32, #tpu.memory_space<hbm>> -> memref<1x64x128xf32, #tpu.memory_space<hbm>>
      %dma_wait3A_2647 = tpu.memref_squeeze %dma_wait3A_2646 : memref<1x64x128xf32, #tpu.memory_space<hbm>> -> memref<64x128xf32, #tpu.memory_space<hbm>>
      %dma_wait3A_2648 = arith.constant 0 : i32
      %dma_wait3A_2649 = arith.constant 0 : i32
      %dma_wait3A_2650 = tpu.memref_slice %arg6[%dma_wait3A_2634, %dma_wait3A_2648, %dma_wait3A_2649] : memref<10x64x128xf32, #tpu.memory_space<vmem>> -> memref<1x64x128xf32, #tpu.memory_space<vmem>>
      %dma_wait3A_2651 = tpu.memref_squeeze %dma_wait3A_2650 : memref<1x64x128xf32, #tpu.memory_space<vmem>> -> memref<64x128xf32, #tpu.memory_space<vmem>>
      tpu.wait_dma2 semaphore(%dma_wait3A_2644 : memref<!tpu.dma_semaphore, #tpu.memory_space<semaphore_mem>>) src(%dma_wait3A_2651 : memref<64x128xf32, #tpu.memory_space<vmem>>) dst(%dma_wait3A_2647 : memref<64x128xf32, #tpu.memory_space<hbm>>)
      %add3A_2652 = arith.constant 1 : i32
      %add3A_2653 = arith.addi %scan3A_726, %add3A_2652 : i32
      %mul3A_2654 = arith.constant 10 : i32
      %mul3A_2655 = arith.muli %add3A_2653, %mul3A_2654 : i32
      %add3A_2656 = arith.constant 5 : i32
      %add3A_2657 = arith.addi %mul3A_2655, %add3A_2656 : i32
      %jit3A_2658 = arith.constant 2 : i32
      %div3A_2659 = arith.divsi %add3A_2657, %jit3A_2658 : i32
      %sign3A_2660 = arith.constant 0 : i32
      %sign3A_2661 = arith.cmpi sgt, %add3A_2657, %sign3A_2660 : i32
      %sign3A_2662 = arith.extui %sign3A_2661 : i1 to i32
      %sign3A_2663 = arith.constant 0 : i32
      %sign3A_2664 = arith.cmpi slt, %add3A_2657, %sign3A_2663 : i32
      %sign3A_2665 = arith.extui %sign3A_2664 : i1 to i32
      %sign3A_2666 = arith.subi %sign3A_2662, %sign3A_2665 : i32
      %sign3A_2667 = arith.constant 0 : i32
      %sign3A_2668 = arith.cmpi sgt, %jit3A_2658, %sign3A_2667 : i32
      %sign3A_2669 = arith.extui %sign3A_2668 : i1 to i32
      %sign3A_2670 = arith.constant 0 : i32
      %sign3A_2671 = arith.cmpi slt, %jit3A_2658, %sign3A_2670 : i32
      %sign3A_2672 = arith.extui %sign3A_2671 : i1 to i32
      %sign3A_2673 = arith.subi %sign3A_2669, %sign3A_2672 : i32
      %ne3A_2674 = arith.cmpi ne, %sign3A_2666, %sign3A_2673 : i32
      %rem3A_2675 = arith.remsi %add3A_2657, %jit3A_2658 : i32
      %ne3A_2676 = arith.constant 0 : i32
      %ne3A_2677 = arith.cmpi ne, %rem3A_2675, %ne3A_2676 : i32
      %and3A_2678 = arith.andi %ne3A_2674, %ne3A_2677 : i1
      %sub3A_2679 = arith.constant 1 : i32
      %sub3A_2680 = arith.subi %div3A_2659, %sub3A_2679 : i32
      %select_n3A_2681 = arith.select %and3A_2678, %sub3A_2680, %div3A_2659 : i32
      %jit3A_2682 = arith.constant 2 : i32
      %eq3A_2683 = arith.constant 0 : i32
      %eq3A_2684 = arith.cmpi eq, %jit3A_2682, %eq3A_2683 : i32
      %jit3A_2685 = arith.constant 1 : i32
      %select_n3A_2686 = arith.select %eq3A_2684, %jit3A_2685, %jit3A_2682 : i32
      %rem3A_2687 = arith.remsi %add3A_2657, %select_n3A_2686 : i32
      %ne3A_2688 = arith.constant 0 : i32
      %ne3A_2689 = arith.cmpi ne, %rem3A_2687, %ne3A_2688 : i32
      %lt3A_2690 = arith.constant 0 : i32
      %lt3A_2691 = arith.cmpi slt, %rem3A_2687, %lt3A_2690 : i32
      %lt3A_2692 = arith.constant 0 : i32
      %lt3A_2693 = arith.cmpi slt, %select_n3A_2686, %lt3A_2692 : i32
      %ne3A_2694 = arith.xori %lt3A_2691, %lt3A_2693 : i1
      %and3A_2695 = arith.andi %ne3A_2694, %ne3A_2689 : i1
      %add3A_2696 = arith.addi %rem3A_2687, %select_n3A_2686 : i32
      %select_n3A_2697 = arith.select %and3A_2695, %add3A_2696, %rem3A_2687 : i32
      %mul3A_2698 = arith.constant 64 : i32
      %mul3A_2699 = arith.muli %select_n3A_2697, %mul3A_2698 : i32
      %dma_start3A_2700 = arith.constant 5 : i32
      %dma_start3A_2701 = arith.constant 5 : i32
      %dma_start3A_2702 = arith.constant 0 : i32
      %dma_start3A_2703 = arith.constant 0 : i32
      %dma_start3A_2704 = tpu.memref_slice %arg6[%dma_start3A_2700, %dma_start3A_2702, %dma_start3A_2703] : memref<10x64x128xf32, #tpu.memory_space<vmem>> -> memref<1x64x128xf32, #tpu.memory_space<vmem>>
      %dma_start3A_2705 = tpu.memref_squeeze %dma_start3A_2704 : memref<1x64x128xf32, #tpu.memory_space<vmem>> -> memref<64x128xf32, #tpu.memory_space<vmem>>
      %dma_start3A_2706 = tpu.memref_slice %arg5[%select_n3A_2681, %mul3A_2699] : memref<50x128xi32, #tpu.memory_space<vmem>> -> memref<1x64xi32, #tpu.memory_space<vmem>>
      %dma_start3A_2707 = tpu.memref_squeeze %dma_start3A_2706 : memref<1x64xi32, #tpu.memory_space<vmem>> -> memref<64xi32, #tpu.memory_space<vmem>>
      %dma_start3A_2708 = arith.constant 0 : i32
      %dma_start3A_2709 = arith.constant 0 : i32
      %dma_start3A_2710 = tpu.memref_slice %arg3[%dma_start3A_2708, %dma_start3A_2709] : memref<100000x128xf32, #tpu.memory_space<hbm>> -> memref<100000x128xf32, #tpu.memory_space<hbm>>
      %dma_start3A_2711 = tpu.memref_slice %arg7[%dma_start3A_2701] : memref<10x!tpu.dma_semaphore, #tpu.memory_space<semaphore_mem>> -> memref<1x!tpu.dma_semaphore, #tpu.memory_space<semaphore_mem>>
      %dma_start3A_2712 = tpu.memref_squeeze %dma_start3A_2711 : memref<1x!tpu.dma_semaphore, #tpu.memory_space<semaphore_mem>> -> memref<!tpu.dma_semaphore, #tpu.memory_space<semaphore_mem>>
      tpu.enqueue_indirect_dma source(%dma_start3A_2710 : memref<100000x128xf32, #tpu.memory_space<hbm>>) target(%dma_start3A_2705 : memref<64x128xf32, #tpu.memory_space<vmem>>) offsets(%dma_start3A_2707 : memref<64xi32, #tpu.memory_space<vmem>>) semaphore(%dma_start3A_2712 : memref<!tpu.dma_semaphore, #tpu.memory_space<semaphore_mem>>)
      %mul3A_2713 = arith.constant 10 : i32
      %mul3A_2714 = arith.muli %scan3A_726, %mul3A_2713 : i32
      %add3A_2715 = arith.constant 6 : i32
      %add3A_2716 = arith.addi %mul3A_2714, %add3A_2715 : i32
      %jit3A_2717 = arith.constant 2 : i32
      %div3A_2718 = arith.divsi %add3A_2716, %jit3A_2717 : i32
      %sign3A_2719 = arith.constant 0 : i32
      %sign3A_2720 = arith.cmpi sgt, %add3A_2716, %sign3A_2719 : i32
      %sign3A_2721 = arith.extui %sign3A_2720 : i1 to i32
      %sign3A_2722 = arith.constant 0 : i32
      %sign3A_2723 = arith.cmpi slt, %add3A_2716, %sign3A_2722 : i32
      %sign3A_2724 = arith.extui %sign3A_2723 : i1 to i32
      %sign3A_2725 = arith.subi %sign3A_2721, %sign3A_2724 : i32
      %sign3A_2726 = arith.constant 0 : i32
      %sign3A_2727 = arith.cmpi sgt, %jit3A_2717, %sign3A_2726 : i32
      %sign3A_2728 = arith.extui %sign3A_2727 : i1 to i32
      %sign3A_2729 = arith.constant 0 : i32
      %sign3A_2730 = arith.cmpi slt, %jit3A_2717, %sign3A_2729 : i32
      %sign3A_2731 = arith.extui %sign3A_2730 : i1 to i32
      %sign3A_2732 = arith.subi %sign3A_2728, %sign3A_2731 : i32
      %ne3A_2733 = arith.cmpi ne, %sign3A_2725, %sign3A_2732 : i32
      %rem3A_2734 = arith.remsi %add3A_2716, %jit3A_2717 : i32
      %ne3A_2735 = arith.constant 0 : i32
      %ne3A_2736 = arith.cmpi ne, %rem3A_2734, %ne3A_2735 : i32
      %and3A_2737 = arith.andi %ne3A_2733, %ne3A_2736 : i1
      %sub3A_2738 = arith.constant 1 : i32
      %sub3A_2739 = arith.subi %div3A_2718, %sub3A_2738 : i32
      %select_n3A_2740 = arith.select %and3A_2737, %sub3A_2739, %div3A_2718 : i32
      %jit3A_2741 = arith.constant 2 : i32
      %eq3A_2742 = arith.constant 0 : i32
      %eq3A_2743 = arith.cmpi eq, %jit3A_2741, %eq3A_2742 : i32
      %jit3A_2744 = arith.constant 1 : i32
      %select_n3A_2745 = arith.select %eq3A_2743, %jit3A_2744, %jit3A_2741 : i32
      %rem3A_2746 = arith.remsi %add3A_2716, %select_n3A_2745 : i32
      %ne3A_2747 = arith.constant 0 : i32
      %ne3A_2748 = arith.cmpi ne, %rem3A_2746, %ne3A_2747 : i32
      %lt3A_2749 = arith.constant 0 : i32
      %lt3A_2750 = arith.cmpi slt, %rem3A_2746, %lt3A_2749 : i32
      %lt3A_2751 = arith.constant 0 : i32
      %lt3A_2752 = arith.cmpi slt, %select_n3A_2745, %lt3A_2751 : i32
      %ne3A_2753 = arith.xori %lt3A_2750, %lt3A_2752 : i1
      %and3A_2754 = arith.andi %ne3A_2753, %ne3A_2748 : i1
      %add3A_2755 = arith.addi %rem3A_2746, %select_n3A_2745 : i32
      %select_n3A_2756 = arith.select %and3A_2754, %add3A_2755, %rem3A_2746 : i32
      %mul3A_2757 = arith.constant 64 : i32
      %mul3A_2758 = arith.muli %select_n3A_2756, %mul3A_2757 : i32
      %add3A_2759 = arith.addi %mul3A_2, %mul3A_2758 : i32
      %dma_wait3A_2760 = arith.constant 6 : i32
      %dma_wait3A_2761 = arith.constant 6 : i32
      %dma_wait3A_2762 = arith.constant 0 : i32
      %dma_wait3A_2763 = arith.constant 0 : i32
      %dma_wait3A_2764 = tpu.memref_slice %arg6[%dma_wait3A_2760, %dma_wait3A_2762, %dma_wait3A_2763] : memref<10x64x128xf32, #tpu.memory_space<vmem>> -> memref<1x64x128xf32, #tpu.memory_space<vmem>>
      %dma_wait3A_2765 = tpu.memref_squeeze %dma_wait3A_2764 : memref<1x64x128xf32, #tpu.memory_space<vmem>> -> memref<64x128xf32, #tpu.memory_space<vmem>>
      %dma_wait3A_2766 = arith.constant 0 : i32
      %dma_wait3A_2767 = tpu.memref_slice %arg4[%select_n3A_2740, %add3A_2759, %dma_wait3A_2766] : memref<50x4096x128xf32, #tpu.memory_space<hbm>> -> memref<1x64x128xf32, #tpu.memory_space<hbm>>
      %dma_wait3A_2768 = tpu.memref_squeeze %dma_wait3A_2767 : memref<1x64x128xf32, #tpu.memory_space<hbm>> -> memref<64x128xf32, #tpu.memory_space<hbm>>
      %dma_wait3A_2769 = tpu.memref_slice %arg8[%dma_wait3A_2761] : memref<10x!tpu.dma_semaphore, #tpu.memory_space<semaphore_mem>> -> memref<1x!tpu.dma_semaphore, #tpu.memory_space<semaphore_mem>>
      %dma_wait3A_2770 = tpu.memref_squeeze %dma_wait3A_2769 : memref<1x!tpu.dma_semaphore, #tpu.memory_space<semaphore_mem>> -> memref<!tpu.dma_semaphore, #tpu.memory_space<semaphore_mem>>
      %dma_wait3A_2771 = arith.constant 0 : i32
      %dma_wait3A_2772 = tpu.memref_slice %arg4[%select_n3A_2740, %add3A_2759, %dma_wait3A_2771] : memref<50x4096x128xf32, #tpu.memory_space<hbm>> -> memref<1x64x128xf32, #tpu.memory_space<hbm>>
      %dma_wait3A_2773 = tpu.memref_squeeze %dma_wait3A_2772 : memref<1x64x128xf32, #tpu.memory_space<hbm>> -> memref<64x128xf32, #tpu.memory_space<hbm>>
      %dma_wait3A_2774 = arith.constant 0 : i32
      %dma_wait3A_2775 = arith.constant 0 : i32
      %dma_wait3A_2776 = tpu.memref_slice %arg6[%dma_wait3A_2760, %dma_wait3A_2774, %dma_wait3A_2775] : memref<10x64x128xf32, #tpu.memory_space<vmem>> -> memref<1x64x128xf32, #tpu.memory_space<vmem>>
      %dma_wait3A_2777 = tpu.memref_squeeze %dma_wait3A_2776 : memref<1x64x128xf32, #tpu.memory_space<vmem>> -> memref<64x128xf32, #tpu.memory_space<vmem>>
      tpu.wait_dma2 semaphore(%dma_wait3A_2770 : memref<!tpu.dma_semaphore, #tpu.memory_space<semaphore_mem>>) src(%dma_wait3A_2777 : memref<64x128xf32, #tpu.memory_space<vmem>>) dst(%dma_wait3A_2773 : memref<64x128xf32, #tpu.memory_space<hbm>>)
      %add3A_2778 = arith.constant 1 : i32
      %add3A_2779 = arith.addi %scan3A_726, %add3A_2778 : i32
      %mul3A_2780 = arith.constant 10 : i32
      %mul3A_2781 = arith.muli %add3A_2779, %mul3A_2780 : i32
      %add3A_2782 = arith.constant 6 : i32
      %add3A_2783 = arith.addi %mul3A_2781, %add3A_2782 : i32
      %jit3A_2784 = arith.constant 2 : i32
      %div3A_2785 = arith.divsi %add3A_2783, %jit3A_2784 : i32
      %sign3A_2786 = arith.constant 0 : i32
      %sign3A_2787 = arith.cmpi sgt, %add3A_2783, %sign3A_2786 : i32
      %sign3A_2788 = arith.extui %sign3A_2787 : i1 to i32
      %sign3A_2789 = arith.constant 0 : i32
      %sign3A_2790 = arith.cmpi slt, %add3A_2783, %sign3A_2789 : i32
      %sign3A_2791 = arith.extui %sign3A_2790 : i1 to i32
      %sign3A_2792 = arith.subi %sign3A_2788, %sign3A_2791 : i32
      %sign3A_2793 = arith.constant 0 : i32
      %sign3A_2794 = arith.cmpi sgt, %jit3A_2784, %sign3A_2793 : i32
      %sign3A_2795 = arith.extui %sign3A_2794 : i1 to i32
      %sign3A_2796 = arith.constant 0 : i32
      %sign3A_2797 = arith.cmpi slt, %jit3A_2784, %sign3A_2796 : i32
      %sign3A_2798 = arith.extui %sign3A_2797 : i1 to i32
      %sign3A_2799 = arith.subi %sign3A_2795, %sign3A_2798 : i32
      %ne3A_2800 = arith.cmpi ne, %sign3A_2792, %sign3A_2799 : i32
      %rem3A_2801 = arith.remsi %add3A_2783, %jit3A_2784 : i32
      %ne3A_2802 = arith.constant 0 : i32
      %ne3A_2803 = arith.cmpi ne, %rem3A_2801, %ne3A_2802 : i32
      %and3A_2804 = arith.andi %ne3A_2800, %ne3A_2803 : i1
      %sub3A_2805 = arith.constant 1 : i32
      %sub3A_2806 = arith.subi %div3A_2785, %sub3A_2805 : i32
      %select_n3A_2807 = arith.select %and3A_2804, %sub3A_2806, %div3A_2785 : i32
      %jit3A_2808 = arith.constant 2 : i32
      %eq3A_2809 = arith.constant 0 : i32
      %eq3A_2810 = arith.cmpi eq, %jit3A_2808, %eq3A_2809 : i32
      %jit3A_2811 = arith.constant 1 : i32
      %select_n3A_2812 = arith.select %eq3A_2810, %jit3A_2811, %jit3A_2808 : i32
      %rem3A_2813 = arith.remsi %add3A_2783, %select_n3A_2812 : i32
      %ne3A_2814 = arith.constant 0 : i32
      %ne3A_2815 = arith.cmpi ne, %rem3A_2813, %ne3A_2814 : i32
      %lt3A_2816 = arith.constant 0 : i32
      %lt3A_2817 = arith.cmpi slt, %rem3A_2813, %lt3A_2816 : i32
      %lt3A_2818 = arith.constant 0 : i32
      %lt3A_2819 = arith.cmpi slt, %select_n3A_2812, %lt3A_2818 : i32
      %ne3A_2820 = arith.xori %lt3A_2817, %lt3A_2819 : i1
      %and3A_2821 = arith.andi %ne3A_2820, %ne3A_2815 : i1
      %add3A_2822 = arith.addi %rem3A_2813, %select_n3A_2812 : i32
      %select_n3A_2823 = arith.select %and3A_2821, %add3A_2822, %rem3A_2813 : i32
      %mul3A_2824 = arith.constant 64 : i32
      %mul3A_2825 = arith.muli %select_n3A_2823, %mul3A_2824 : i32
      %dma_start3A_2826 = arith.constant 6 : i32
      %dma_start3A_2827 = arith.constant 6 : i32
      %dma_start3A_2828 = arith.constant 0 : i32
      %dma_start3A_2829 = arith.constant 0 : i32
      %dma_start3A_2830 = tpu.memref_slice %arg6[%dma_start3A_2826, %dma_start3A_2828, %dma_start3A_2829] : memref<10x64x128xf32, #tpu.memory_space<vmem>> -> memref<1x64x128xf32, #tpu.memory_space<vmem>>
      %dma_start3A_2831 = tpu.memref_squeeze %dma_start3A_2830 : memref<1x64x128xf32, #tpu.memory_space<vmem>> -> memref<64x128xf32, #tpu.memory_space<vmem>>
      %dma_start3A_2832 = tpu.memref_slice %arg5[%select_n3A_2807, %mul3A_2825] : memref<50x128xi32, #tpu.memory_space<vmem>> -> memref<1x64xi32, #tpu.memory_space<vmem>>
      %dma_start3A_2833 = tpu.memref_squeeze %dma_start3A_2832 : memref<1x64xi32, #tpu.memory_space<vmem>> -> memref<64xi32, #tpu.memory_space<vmem>>
      %dma_start3A_2834 = arith.constant 0 : i32
      %dma_start3A_2835 = arith.constant 0 : i32
      %dma_start3A_2836 = tpu.memref_slice %arg3[%dma_start3A_2834, %dma_start3A_2835] : memref<100000x128xf32, #tpu.memory_space<hbm>> -> memref<100000x128xf32, #tpu.memory_space<hbm>>
      %dma_start3A_2837 = tpu.memref_slice %arg7[%dma_start3A_2827] : memref<10x!tpu.dma_semaphore, #tpu.memory_space<semaphore_mem>> -> memref<1x!tpu.dma_semaphore, #tpu.memory_space<semaphore_mem>>
      %dma_start3A_2838 = tpu.memref_squeeze %dma_start3A_2837 : memref<1x!tpu.dma_semaphore, #tpu.memory_space<semaphore_mem>> -> memref<!tpu.dma_semaphore, #tpu.memory_space<semaphore_mem>>
      tpu.enqueue_indirect_dma source(%dma_start3A_2836 : memref<100000x128xf32, #tpu.memory_space<hbm>>) target(%dma_start3A_2831 : memref<64x128xf32, #tpu.memory_space<vmem>>) offsets(%dma_start3A_2833 : memref<64xi32, #tpu.memory_space<vmem>>) semaphore(%dma_start3A_2838 : memref<!tpu.dma_semaphore, #tpu.memory_space<semaphore_mem>>)
      %mul3A_2839 = arith.constant 10 : i32
      %mul3A_2840 = arith.muli %scan3A_726, %mul3A_2839 : i32
      %add3A_2841 = arith.constant 7 : i32
      %add3A_2842 = arith.addi %mul3A_2840, %add3A_2841 : i32
      %jit3A_2843 = arith.constant 2 : i32
      %div3A_2844 = arith.divsi %add3A_2842, %jit3A_2843 : i32
      %sign3A_2845 = arith.constant 0 : i32
      %sign3A_2846 = arith.cmpi sgt, %add3A_2842, %sign3A_2845 : i32
      %sign3A_2847 = arith.extui %sign3A_2846 : i1 to i32
      %sign3A_2848 = arith.constant 0 : i32
      %sign3A_2849 = arith.cmpi slt, %add3A_2842, %sign3A_2848 : i32
      %sign3A_2850 = arith.extui %sign3A_2849 : i1 to i32
      %sign3A_2851 = arith.subi %sign3A_2847, %sign3A_2850 : i32
      %sign3A_2852 = arith.constant 0 : i32
      %sign3A_2853 = arith.cmpi sgt, %jit3A_2843, %sign3A_2852 : i32
      %sign3A_2854 = arith.extui %sign3A_2853 : i1 to i32
      %sign3A_2855 = arith.constant 0 : i32
      %sign3A_2856 = arith.cmpi slt, %jit3A_2843, %sign3A_2855 : i32
      %sign3A_2857 = arith.extui %sign3A_2856 : i1 to i32
      %sign3A_2858 = arith.subi %sign3A_2854, %sign3A_2857 : i32
      %ne3A_2859 = arith.cmpi ne, %sign3A_2851, %sign3A_2858 : i32
      %rem3A_2860 = arith.remsi %add3A_2842, %jit3A_2843 : i32
      %ne3A_2861 = arith.constant 0 : i32
      %ne3A_2862 = arith.cmpi ne, %rem3A_2860, %ne3A_2861 : i32
      %and3A_2863 = arith.andi %ne3A_2859, %ne3A_2862 : i1
      %sub3A_2864 = arith.constant 1 : i32
      %sub3A_2865 = arith.subi %div3A_2844, %sub3A_2864 : i32
      %select_n3A_2866 = arith.select %and3A_2863, %sub3A_2865, %div3A_2844 : i32
      %jit3A_2867 = arith.constant 2 : i32
      %eq3A_2868 = arith.constant 0 : i32
      %eq3A_2869 = arith.cmpi eq, %jit3A_2867, %eq3A_2868 : i32
      %jit3A_2870 = arith.constant 1 : i32
      %select_n3A_2871 = arith.select %eq3A_2869, %jit3A_2870, %jit3A_2867 : i32
      %rem3A_2872 = arith.remsi %add3A_2842, %select_n3A_2871 : i32
      %ne3A_2873 = arith.constant 0 : i32
      %ne3A_2874 = arith.cmpi ne, %rem3A_2872, %ne3A_2873 : i32
      %lt3A_2875 = arith.constant 0 : i32
      %lt3A_2876 = arith.cmpi slt, %rem3A_2872, %lt3A_2875 : i32
      %lt3A_2877 = arith.constant 0 : i32
      %lt3A_2878 = arith.cmpi slt, %select_n3A_2871, %lt3A_2877 : i32
      %ne3A_2879 = arith.xori %lt3A_2876, %lt3A_2878 : i1
      %and3A_2880 = arith.andi %ne3A_2879, %ne3A_2874 : i1
      %add3A_2881 = arith.addi %rem3A_2872, %select_n3A_2871 : i32
      %select_n3A_2882 = arith.select %and3A_2880, %add3A_2881, %rem3A_2872 : i32
      %mul3A_2883 = arith.constant 64 : i32
      %mul3A_2884 = arith.muli %select_n3A_2882, %mul3A_2883 : i32
      %add3A_2885 = arith.addi %mul3A_2, %mul3A_2884 : i32
      %dma_wait3A_2886 = arith.constant 7 : i32
      %dma_wait3A_2887 = arith.constant 7 : i32
      %dma_wait3A_2888 = arith.constant 0 : i32
      %dma_wait3A_2889 = arith.constant 0 : i32
      %dma_wait3A_2890 = tpu.memref_slice %arg6[%dma_wait3A_2886, %dma_wait3A_2888, %dma_wait3A_2889] : memref<10x64x128xf32, #tpu.memory_space<vmem>> -> memref<1x64x128xf32, #tpu.memory_space<vmem>>
      %dma_wait3A_2891 = tpu.memref_squeeze %dma_wait3A_2890 : memref<1x64x128xf32, #tpu.memory_space<vmem>> -> memref<64x128xf32, #tpu.memory_space<vmem>>
      %dma_wait3A_2892 = arith.constant 0 : i32
      %dma_wait3A_2893 = tpu.memref_slice %arg4[%select_n3A_2866, %add3A_2885, %dma_wait3A_2892] : memref<50x4096x128xf32, #tpu.memory_space<hbm>> -> memref<1x64x128xf32, #tpu.memory_space<hbm>>
      %dma_wait3A_2894 = tpu.memref_squeeze %dma_wait3A_2893 : memref<1x64x128xf32, #tpu.memory_space<hbm>> -> memref<64x128xf32, #tpu.memory_space<hbm>>
      %dma_wait3A_2895 = tpu.memref_slice %arg8[%dma_wait3A_2887] : memref<10x!tpu.dma_semaphore, #tpu.memory_space<semaphore_mem>> -> memref<1x!tpu.dma_semaphore, #tpu.memory_space<semaphore_mem>>
      %dma_wait3A_2896 = tpu.memref_squeeze %dma_wait3A_2895 : memref<1x!tpu.dma_semaphore, #tpu.memory_space<semaphore_mem>> -> memref<!tpu.dma_semaphore, #tpu.memory_space<semaphore_mem>>
      %dma_wait3A_2897 = arith.constant 0 : i32
      %dma_wait3A_2898 = tpu.memref_slice %arg4[%select_n3A_2866, %add3A_2885, %dma_wait3A_2897] : memref<50x4096x128xf32, #tpu.memory_space<hbm>> -> memref<1x64x128xf32, #tpu.memory_space<hbm>>
      %dma_wait3A_2899 = tpu.memref_squeeze %dma_wait3A_2898 : memref<1x64x128xf32, #tpu.memory_space<hbm>> -> memref<64x128xf32, #tpu.memory_space<hbm>>
      %dma_wait3A_2900 = arith.constant 0 : i32
      %dma_wait3A_2901 = arith.constant 0 : i32
      %dma_wait3A_2902 = tpu.memref_slice %arg6[%dma_wait3A_2886, %dma_wait3A_2900, %dma_wait3A_2901] : memref<10x64x128xf32, #tpu.memory_space<vmem>> -> memref<1x64x128xf32, #tpu.memory_space<vmem>>
      %dma_wait3A_2903 = tpu.memref_squeeze %dma_wait3A_2902 : memref<1x64x128xf32, #tpu.memory_space<vmem>> -> memref<64x128xf32, #tpu.memory_space<vmem>>
      tpu.wait_dma2 semaphore(%dma_wait3A_2896 : memref<!tpu.dma_semaphore, #tpu.memory_space<semaphore_mem>>) src(%dma_wait3A_2903 : memref<64x128xf32, #tpu.memory_space<vmem>>) dst(%dma_wait3A_2899 : memref<64x128xf32, #tpu.memory_space<hbm>>)
      %add3A_2904 = arith.constant 1 : i32
      %add3A_2905 = arith.addi %scan3A_726, %add3A_2904 : i32
      %mul3A_2906 = arith.constant 10 : i32
      %mul3A_2907 = arith.muli %add3A_2905, %mul3A_2906 : i32
      %add3A_2908 = arith.constant 7 : i32
      %add3A_2909 = arith.addi %mul3A_2907, %add3A_2908 : i32
      %jit3A_2910 = arith.constant 2 : i32
      %div3A_2911 = arith.divsi %add3A_2909, %jit3A_2910 : i32
      %sign3A_2912 = arith.constant 0 : i32
      %sign3A_2913 = arith.cmpi sgt, %add3A_2909, %sign3A_2912 : i32
      %sign3A_2914 = arith.extui %sign3A_2913 : i1 to i32
      %sign3A_2915 = arith.constant 0 : i32
      %sign3A_2916 = arith.cmpi slt, %add3A_2909, %sign3A_2915 : i32
      %sign3A_2917 = arith.extui %sign3A_2916 : i1 to i32
      %sign3A_2918 = arith.subi %sign3A_2914, %sign3A_2917 : i32
      %sign3A_2919 = arith.constant 0 : i32
      %sign3A_2920 = arith.cmpi sgt, %jit3A_2910, %sign3A_2919 : i32
      %sign3A_2921 = arith.extui %sign3A_2920 : i1 to i32
      %sign3A_2922 = arith.constant 0 : i32
      %sign3A_2923 = arith.cmpi slt, %jit3A_2910, %sign3A_2922 : i32
      %sign3A_2924 = arith.extui %sign3A_2923 : i1 to i32
      %sign3A_2925 = arith.subi %sign3A_2921, %sign3A_2924 : i32
      %ne3A_2926 = arith.cmpi ne, %sign3A_2918, %sign3A_2925 : i32
      %rem3A_2927 = arith.remsi %add3A_2909, %jit3A_2910 : i32
      %ne3A_2928 = arith.constant 0 : i32
      %ne3A_2929 = arith.cmpi ne, %rem3A_2927, %ne3A_2928 : i32
      %and3A_2930 = arith.andi %ne3A_2926, %ne3A_2929 : i1
      %sub3A_2931 = arith.constant 1 : i32
      %sub3A_2932 = arith.subi %div3A_2911, %sub3A_2931 : i32
      %select_n3A_2933 = arith.select %and3A_2930, %sub3A_2932, %div3A_2911 : i32
      %jit3A_2934 = arith.constant 2 : i32
      %eq3A_2935 = arith.constant 0 : i32
      %eq3A_2936 = arith.cmpi eq, %jit3A_2934, %eq3A_2935 : i32
      %jit3A_2937 = arith.constant 1 : i32
      %select_n3A_2938 = arith.select %eq3A_2936, %jit3A_2937, %jit3A_2934 : i32
      %rem3A_2939 = arith.remsi %add3A_2909, %select_n3A_2938 : i32
      %ne3A_2940 = arith.constant 0 : i32
      %ne3A_2941 = arith.cmpi ne, %rem3A_2939, %ne3A_2940 : i32
      %lt3A_2942 = arith.constant 0 : i32
      %lt3A_2943 = arith.cmpi slt, %rem3A_2939, %lt3A_2942 : i32
      %lt3A_2944 = arith.constant 0 : i32
      %lt3A_2945 = arith.cmpi slt, %select_n3A_2938, %lt3A_2944 : i32
      %ne3A_2946 = arith.xori %lt3A_2943, %lt3A_2945 : i1
      %and3A_2947 = arith.andi %ne3A_2946, %ne3A_2941 : i1
      %add3A_2948 = arith.addi %rem3A_2939, %select_n3A_2938 : i32
      %select_n3A_2949 = arith.select %and3A_2947, %add3A_2948, %rem3A_2939 : i32
      %mul3A_2950 = arith.constant 64 : i32
      %mul3A_2951 = arith.muli %select_n3A_2949, %mul3A_2950 : i32
      %dma_start3A_2952 = arith.constant 7 : i32
      %dma_start3A_2953 = arith.constant 7 : i32
      %dma_start3A_2954 = arith.constant 0 : i32
      %dma_start3A_2955 = arith.constant 0 : i32
      %dma_start3A_2956 = tpu.memref_slice %arg6[%dma_start3A_2952, %dma_start3A_2954, %dma_start3A_2955] : memref<10x64x128xf32, #tpu.memory_space<vmem>> -> memref<1x64x128xf32, #tpu.memory_space<vmem>>
      %dma_start3A_2957 = tpu.memref_squeeze %dma_start3A_2956 : memref<1x64x128xf32, #tpu.memory_space<vmem>> -> memref<64x128xf32, #tpu.memory_space<vmem>>
      %dma_start3A_2958 = tpu.memref_slice %arg5[%select_n3A_2933, %mul3A_2951] : memref<50x128xi32, #tpu.memory_space<vmem>> -> memref<1x64xi32, #tpu.memory_space<vmem>>
      %dma_start3A_2959 = tpu.memref_squeeze %dma_start3A_2958 : memref<1x64xi32, #tpu.memory_space<vmem>> -> memref<64xi32, #tpu.memory_space<vmem>>
      %dma_start3A_2960 = arith.constant 0 : i32
      %dma_start3A_2961 = arith.constant 0 : i32
      %dma_start3A_2962 = tpu.memref_slice %arg3[%dma_start3A_2960, %dma_start3A_2961] : memref<100000x128xf32, #tpu.memory_space<hbm>> -> memref<100000x128xf32, #tpu.memory_space<hbm>>
      %dma_start3A_2963 = tpu.memref_slice %arg7[%dma_start3A_2953] : memref<10x!tpu.dma_semaphore, #tpu.memory_space<semaphore_mem>> -> memref<1x!tpu.dma_semaphore, #tpu.memory_space<semaphore_mem>>
      %dma_start3A_2964 = tpu.memref_squeeze %dma_start3A_2963 : memref<1x!tpu.dma_semaphore, #tpu.memory_space<semaphore_mem>> -> memref<!tpu.dma_semaphore, #tpu.memory_space<semaphore_mem>>
      tpu.enqueue_indirect_dma source(%dma_start3A_2962 : memref<100000x128xf32, #tpu.memory_space<hbm>>) target(%dma_start3A_2957 : memref<64x128xf32, #tpu.memory_space<vmem>>) offsets(%dma_start3A_2959 : memref<64xi32, #tpu.memory_space<vmem>>) semaphore(%dma_start3A_2964 : memref<!tpu.dma_semaphore, #tpu.memory_space<semaphore_mem>>)
      %mul3A_2965 = arith.constant 10 : i32
      %mul3A_2966 = arith.muli %scan3A_726, %mul3A_2965 : i32
      %add3A_2967 = arith.constant 8 : i32
      %add3A_2968 = arith.addi %mul3A_2966, %add3A_2967 : i32
      %jit3A_2969 = arith.constant 2 : i32
      %div3A_2970 = arith.divsi %add3A_2968, %jit3A_2969 : i32
      %sign3A_2971 = arith.constant 0 : i32
      %sign3A_2972 = arith.cmpi sgt, %add3A_2968, %sign3A_2971 : i32
      %sign3A_2973 = arith.extui %sign3A_2972 : i1 to i32
      %sign3A_2974 = arith.constant 0 : i32
      %sign3A_2975 = arith.cmpi slt, %add3A_2968, %sign3A_2974 : i32
      %sign3A_2976 = arith.extui %sign3A_2975 : i1 to i32
      %sign3A_2977 = arith.subi %sign3A_2973, %sign3A_2976 : i32
      %sign3A_2978 = arith.constant 0 : i32
      %sign3A_2979 = arith.cmpi sgt, %jit3A_2969, %sign3A_2978 : i32
      %sign3A_2980 = arith.extui %sign3A_2979 : i1 to i32
      %sign3A_2981 = arith.constant 0 : i32
      %sign3A_2982 = arith.cmpi slt, %jit3A_2969, %sign3A_2981 : i32
      %sign3A_2983 = arith.extui %sign3A_2982 : i1 to i32
      %sign3A_2984 = arith.subi %sign3A_2980, %sign3A_2983 : i32
      %ne3A_2985 = arith.cmpi ne, %sign3A_2977, %sign3A_2984 : i32
      %rem3A_2986 = arith.remsi %add3A_2968, %jit3A_2969 : i32
      %ne3A_2987 = arith.constant 0 : i32
      %ne3A_2988 = arith.cmpi ne, %rem3A_2986, %ne3A_2987 : i32
      %and3A_2989 = arith.andi %ne3A_2985, %ne3A_2988 : i1
      %sub3A_2990 = arith.constant 1 : i32
      %sub3A_2991 = arith.subi %div3A_2970, %sub3A_2990 : i32
      %select_n3A_2992 = arith.select %and3A_2989, %sub3A_2991, %div3A_2970 : i32
      %jit3A_2993 = arith.constant 2 : i32
      %eq3A_2994 = arith.constant 0 : i32
      %eq3A_2995 = arith.cmpi eq, %jit3A_2993, %eq3A_2994 : i32
      %jit3A_2996 = arith.constant 1 : i32
      %select_n3A_2997 = arith.select %eq3A_2995, %jit3A_2996, %jit3A_2993 : i32
      %rem3A_2998 = arith.remsi %add3A_2968, %select_n3A_2997 : i32
      %ne3A_2999 = arith.constant 0 : i32
      %ne3A_3000 = arith.cmpi ne, %rem3A_2998, %ne3A_2999 : i32
      %lt3A_3001 = arith.constant 0 : i32
      %lt3A_3002 = arith.cmpi slt, %rem3A_2998, %lt3A_3001 : i32
      %lt3A_3003 = arith.constant 0 : i32
      %lt3A_3004 = arith.cmpi slt, %select_n3A_2997, %lt3A_3003 : i32
      %ne3A_3005 = arith.xori %lt3A_3002, %lt3A_3004 : i1
      %and3A_3006 = arith.andi %ne3A_3005, %ne3A_3000 : i1
      %add3A_3007 = arith.addi %rem3A_2998, %select_n3A_2997 : i32
      %select_n3A_3008 = arith.select %and3A_3006, %add3A_3007, %rem3A_2998 : i32
      %mul3A_3009 = arith.constant 64 : i32
      %mul3A_3010 = arith.muli %select_n3A_3008, %mul3A_3009 : i32
      %add3A_3011 = arith.addi %mul3A_2, %mul3A_3010 : i32
      %dma_wait3A_3012 = arith.constant 8 : i32
      %dma_wait3A_3013 = arith.constant 8 : i32
      %dma_wait3A_3014 = arith.constant 0 : i32
      %dma_wait3A_3015 = arith.constant 0 : i32
      %dma_wait3A_3016 = tpu.memref_slice %arg6[%dma_wait3A_3012, %dma_wait3A_3014, %dma_wait3A_3015] : memref<10x64x128xf32, #tpu.memory_space<vmem>> -> memref<1x64x128xf32, #tpu.memory_space<vmem>>
      %dma_wait3A_3017 = tpu.memref_squeeze %dma_wait3A_3016 : memref<1x64x128xf32, #tpu.memory_space<vmem>> -> memref<64x128xf32, #tpu.memory_space<vmem>>
      %dma_wait3A_3018 = arith.constant 0 : i32
      %dma_wait3A_3019 = tpu.memref_slice %arg4[%select_n3A_2992, %add3A_3011, %dma_wait3A_3018] : memref<50x4096x128xf32, #tpu.memory_space<hbm>> -> memref<1x64x128xf32, #tpu.memory_space<hbm>>
      %dma_wait3A_3020 = tpu.memref_squeeze %dma_wait3A_3019 : memref<1x64x128xf32, #tpu.memory_space<hbm>> -> memref<64x128xf32, #tpu.memory_space<hbm>>
      %dma_wait3A_3021 = tpu.memref_slice %arg8[%dma_wait3A_3013] : memref<10x!tpu.dma_semaphore, #tpu.memory_space<semaphore_mem>> -> memref<1x!tpu.dma_semaphore, #tpu.memory_space<semaphore_mem>>
      %dma_wait3A_3022 = tpu.memref_squeeze %dma_wait3A_3021 : memref<1x!tpu.dma_semaphore, #tpu.memory_space<semaphore_mem>> -> memref<!tpu.dma_semaphore, #tpu.memory_space<semaphore_mem>>
      %dma_wait3A_3023 = arith.constant 0 : i32
      %dma_wait3A_3024 = tpu.memref_slice %arg4[%select_n3A_2992, %add3A_3011, %dma_wait3A_3023] : memref<50x4096x128xf32, #tpu.memory_space<hbm>> -> memref<1x64x128xf32, #tpu.memory_space<hbm>>
      %dma_wait3A_3025 = tpu.memref_squeeze %dma_wait3A_3024 : memref<1x64x128xf32, #tpu.memory_space<hbm>> -> memref<64x128xf32, #tpu.memory_space<hbm>>
      %dma_wait3A_3026 = arith.constant 0 : i32
      %dma_wait3A_3027 = arith.constant 0 : i32
      %dma_wait3A_3028 = tpu.memref_slice %arg6[%dma_wait3A_3012, %dma_wait3A_3026, %dma_wait3A_3027] : memref<10x64x128xf32, #tpu.memory_space<vmem>> -> memref<1x64x128xf32, #tpu.memory_space<vmem>>
      %dma_wait3A_3029 = tpu.memref_squeeze %dma_wait3A_3028 : memref<1x64x128xf32, #tpu.memory_space<vmem>> -> memref<64x128xf32, #tpu.memory_space<vmem>>
      tpu.wait_dma2 semaphore(%dma_wait3A_3022 : memref<!tpu.dma_semaphore, #tpu.memory_space<semaphore_mem>>) src(%dma_wait3A_3029 : memref<64x128xf32, #tpu.memory_space<vmem>>) dst(%dma_wait3A_3025 : memref<64x128xf32, #tpu.memory_space<hbm>>)
      %add3A_3030 = arith.constant 1 : i32
      %add3A_3031 = arith.addi %scan3A_726, %add3A_3030 : i32
      %mul3A_3032 = arith.constant 10 : i32
      %mul3A_3033 = arith.muli %add3A_3031, %mul3A_3032 : i32
      %add3A_3034 = arith.constant 8 : i32
      %add3A_3035 = arith.addi %mul3A_3033, %add3A_3034 : i32
      %jit3A_3036 = arith.constant 2 : i32
      %div3A_3037 = arith.divsi %add3A_3035, %jit3A_3036 : i32
      %sign3A_3038 = arith.constant 0 : i32
      %sign3A_3039 = arith.cmpi sgt, %add3A_3035, %sign3A_3038 : i32
      %sign3A_3040 = arith.extui %sign3A_3039 : i1 to i32
      %sign3A_3041 = arith.constant 0 : i32
      %sign3A_3042 = arith.cmpi slt, %add3A_3035, %sign3A_3041 : i32
      %sign3A_3043 = arith.extui %sign3A_3042 : i1 to i32
      %sign3A_3044 = arith.subi %sign3A_3040, %sign3A_3043 : i32
      %sign3A_3045 = arith.constant 0 : i32
      %sign3A_3046 = arith.cmpi sgt, %jit3A_3036, %sign3A_3045 : i32
      %sign3A_3047 = arith.extui %sign3A_3046 : i1 to i32
      %sign3A_3048 = arith.constant 0 : i32
      %sign3A_3049 = arith.cmpi slt, %jit3A_3036, %sign3A_3048 : i32
      %sign3A_3050 = arith.extui %sign3A_3049 : i1 to i32
      %sign3A_3051 = arith.subi %sign3A_3047, %sign3A_3050 : i32
      %ne3A_3052 = arith.cmpi ne, %sign3A_3044, %sign3A_3051 : i32
      %rem3A_3053 = arith.remsi %add3A_3035, %jit3A_3036 : i32
      %ne3A_3054 = arith.constant 0 : i32
      %ne3A_3055 = arith.cmpi ne, %rem3A_3053, %ne3A_3054 : i32
      %and3A_3056 = arith.andi %ne3A_3052, %ne3A_3055 : i1
      %sub3A_3057 = arith.constant 1 : i32
      %sub3A_3058 = arith.subi %div3A_3037, %sub3A_3057 : i32
      %select_n3A_3059 = arith.select %and3A_3056, %sub3A_3058, %div3A_3037 : i32
      %jit3A_3060 = arith.constant 2 : i32
      %eq3A_3061 = arith.constant 0 : i32
      %eq3A_3062 = arith.cmpi eq, %jit3A_3060, %eq3A_3061 : i32
      %jit3A_3063 = arith.constant 1 : i32
      %select_n3A_3064 = arith.select %eq3A_3062, %jit3A_3063, %jit3A_3060 : i32
      %rem3A_3065 = arith.remsi %add3A_3035, %select_n3A_3064 : i32
      %ne3A_3066 = arith.constant 0 : i32
      %ne3A_3067 = arith.cmpi ne, %rem3A_3065, %ne3A_3066 : i32
      %lt3A_3068 = arith.constant 0 : i32
      %lt3A_3069 = arith.cmpi slt, %rem3A_3065, %lt3A_3068 : i32
      %lt3A_3070 = arith.constant 0 : i32
      %lt3A_3071 = arith.cmpi slt, %select_n3A_3064, %lt3A_3070 : i32
      %ne3A_3072 = arith.xori %lt3A_3069, %lt3A_3071 : i1
      %and3A_3073 = arith.andi %ne3A_3072, %ne3A_3067 : i1
      %add3A_3074 = arith.addi %rem3A_3065, %select_n3A_3064 : i32
      %select_n3A_3075 = arith.select %and3A_3073, %add3A_3074, %rem3A_3065 : i32
      %mul3A_3076 = arith.constant 64 : i32
      %mul3A_3077 = arith.muli %select_n3A_3075, %mul3A_3076 : i32
      %dma_start3A_3078 = arith.constant 8 : i32
      %dma_start3A_3079 = arith.constant 8 : i32
      %dma_start3A_3080 = arith.constant 0 : i32
      %dma_start3A_3081 = arith.constant 0 : i32
      %dma_start3A_3082 = tpu.memref_slice %arg6[%dma_start3A_3078, %dma_start3A_3080, %dma_start3A_3081] : memref<10x64x128xf32, #tpu.memory_space<vmem>> -> memref<1x64x128xf32, #tpu.memory_space<vmem>>
      %dma_start3A_3083 = tpu.memref_squeeze %dma_start3A_3082 : memref<1x64x128xf32, #tpu.memory_space<vmem>> -> memref<64x128xf32, #tpu.memory_space<vmem>>
      %dma_start3A_3084 = tpu.memref_slice %arg5[%select_n3A_3059, %mul3A_3077] : memref<50x128xi32, #tpu.memory_space<vmem>> -> memref<1x64xi32, #tpu.memory_space<vmem>>
      %dma_start3A_3085 = tpu.memref_squeeze %dma_start3A_3084 : memref<1x64xi32, #tpu.memory_space<vmem>> -> memref<64xi32, #tpu.memory_space<vmem>>
      %dma_start3A_3086 = arith.constant 0 : i32
      %dma_start3A_3087 = arith.constant 0 : i32
      %dma_start3A_3088 = tpu.memref_slice %arg3[%dma_start3A_3086, %dma_start3A_3087] : memref<100000x128xf32, #tpu.memory_space<hbm>> -> memref<100000x128xf32, #tpu.memory_space<hbm>>
      %dma_start3A_3089 = tpu.memref_slice %arg7[%dma_start3A_3079] : memref<10x!tpu.dma_semaphore, #tpu.memory_space<semaphore_mem>> -> memref<1x!tpu.dma_semaphore, #tpu.memory_space<semaphore_mem>>
      %dma_start3A_3090 = tpu.memref_squeeze %dma_start3A_3089 : memref<1x!tpu.dma_semaphore, #tpu.memory_space<semaphore_mem>> -> memref<!tpu.dma_semaphore, #tpu.memory_space<semaphore_mem>>
      tpu.enqueue_indirect_dma source(%dma_start3A_3088 : memref<100000x128xf32, #tpu.memory_space<hbm>>) target(%dma_start3A_3083 : memref<64x128xf32, #tpu.memory_space<vmem>>) offsets(%dma_start3A_3085 : memref<64xi32, #tpu.memory_space<vmem>>) semaphore(%dma_start3A_3090 : memref<!tpu.dma_semaphore, #tpu.memory_space<semaphore_mem>>)
      %mul3A_3091 = arith.constant 10 : i32
      %mul3A_3092 = arith.muli %scan3A_726, %mul3A_3091 : i32
      %add3A_3093 = arith.constant 9 : i32
      %add3A_3094 = arith.addi %mul3A_3092, %add3A_3093 : i32
      %jit3A_3095 = arith.constant 2 : i32
      %div3A_3096 = arith.divsi %add3A_3094, %jit3A_3095 : i32
      %sign3A_3097 = arith.constant 0 : i32
      %sign3A_3098 = arith.cmpi sgt, %add3A_3094, %sign3A_3097 : i32
      %sign3A_3099 = arith.extui %sign3A_3098 : i1 to i32
      %sign3A_3100 = arith.constant 0 : i32
      %sign3A_3101 = arith.cmpi slt, %add3A_3094, %sign3A_3100 : i32
      %sign3A_3102 = arith.extui %sign3A_3101 : i1 to i32
      %sign3A_3103 = arith.subi %sign3A_3099, %sign3A_3102 : i32
      %sign3A_3104 = arith.constant 0 : i32
      %sign3A_3105 = arith.cmpi sgt, %jit3A_3095, %sign3A_3104 : i32
      %sign3A_3106 = arith.extui %sign3A_3105 : i1 to i32
      %sign3A_3107 = arith.constant 0 : i32
      %sign3A_3108 = arith.cmpi slt, %jit3A_3095, %sign3A_3107 : i32
      %sign3A_3109 = arith.extui %sign3A_3108 : i1 to i32
      %sign3A_3110 = arith.subi %sign3A_3106, %sign3A_3109 : i32
      %ne3A_3111 = arith.cmpi ne, %sign3A_3103, %sign3A_3110 : i32
      %rem3A_3112 = arith.remsi %add3A_3094, %jit3A_3095 : i32
      %ne3A_3113 = arith.constant 0 : i32
      %ne3A_3114 = arith.cmpi ne, %rem3A_3112, %ne3A_3113 : i32
      %and3A_3115 = arith.andi %ne3A_3111, %ne3A_3114 : i1
      %sub3A_3116 = arith.constant 1 : i32
      %sub3A_3117 = arith.subi %div3A_3096, %sub3A_3116 : i32
      %select_n3A_3118 = arith.select %and3A_3115, %sub3A_3117, %div3A_3096 : i32
      %jit3A_3119 = arith.constant 2 : i32
      %eq3A_3120 = arith.constant 0 : i32
      %eq3A_3121 = arith.cmpi eq, %jit3A_3119, %eq3A_3120 : i32
      %jit3A_3122 = arith.constant 1 : i32
      %select_n3A_3123 = arith.select %eq3A_3121, %jit3A_3122, %jit3A_3119 : i32
      %rem3A_3124 = arith.remsi %add3A_3094, %select_n3A_3123 : i32
      %ne3A_3125 = arith.constant 0 : i32
      %ne3A_3126 = arith.cmpi ne, %rem3A_3124, %ne3A_3125 : i32
      %lt3A_3127 = arith.constant 0 : i32
      %lt3A_3128 = arith.cmpi slt, %rem3A_3124, %lt3A_3127 : i32
      %lt3A_3129 = arith.constant 0 : i32
      %lt3A_3130 = arith.cmpi slt, %select_n3A_3123, %lt3A_3129 : i32
      %ne3A_3131 = arith.xori %lt3A_3128, %lt3A_3130 : i1
      %and3A_3132 = arith.andi %ne3A_3131, %ne3A_3126 : i1
      %add3A_3133 = arith.addi %rem3A_3124, %select_n3A_3123 : i32
      %select_n3A_3134 = arith.select %and3A_3132, %add3A_3133, %rem3A_3124 : i32
      %mul3A_3135 = arith.constant 64 : i32
      %mul3A_3136 = arith.muli %select_n3A_3134, %mul3A_3135 : i32
      %add3A_3137 = arith.addi %mul3A_2, %mul3A_3136 : i32
      %dma_wait3A_3138 = arith.constant 9 : i32
      %dma_wait3A_3139 = arith.constant 9 : i32
      %dma_wait3A_3140 = arith.constant 0 : i32
      %dma_wait3A_3141 = arith.constant 0 : i32
      %dma_wait3A_3142 = tpu.memref_slice %arg6[%dma_wait3A_3138, %dma_wait3A_3140, %dma_wait3A_3141] : memref<10x64x128xf32, #tpu.memory_space<vmem>> -> memref<1x64x128xf32, #tpu.memory_space<vmem>>
      %dma_wait3A_3143 = tpu.memref_squeeze %dma_wait3A_3142 : memref<1x64x128xf32, #tpu.memory_space<vmem>> -> memref<64x128xf32, #tpu.memory_space<vmem>>
      %dma_wait3A_3144 = arith.constant 0 : i32
      %dma_wait3A_3145 = tpu.memref_slice %arg4[%select_n3A_3118, %add3A_3137, %dma_wait3A_3144] : memref<50x4096x128xf32, #tpu.memory_space<hbm>> -> memref<1x64x128xf32, #tpu.memory_space<hbm>>
      %dma_wait3A_3146 = tpu.memref_squeeze %dma_wait3A_3145 : memref<1x64x128xf32, #tpu.memory_space<hbm>> -> memref<64x128xf32, #tpu.memory_space<hbm>>
      %dma_wait3A_3147 = tpu.memref_slice %arg8[%dma_wait3A_3139] : memref<10x!tpu.dma_semaphore, #tpu.memory_space<semaphore_mem>> -> memref<1x!tpu.dma_semaphore, #tpu.memory_space<semaphore_mem>>
      %dma_wait3A_3148 = tpu.memref_squeeze %dma_wait3A_3147 : memref<1x!tpu.dma_semaphore, #tpu.memory_space<semaphore_mem>> -> memref<!tpu.dma_semaphore, #tpu.memory_space<semaphore_mem>>
      %dma_wait3A_3149 = arith.constant 0 : i32
      %dma_wait3A_3150 = tpu.memref_slice %arg4[%select_n3A_3118, %add3A_3137, %dma_wait3A_3149] : memref<50x4096x128xf32, #tpu.memory_space<hbm>> -> memref<1x64x128xf32, #tpu.memory_space<hbm>>
      %dma_wait3A_3151 = tpu.memref_squeeze %dma_wait3A_3150 : memref<1x64x128xf32, #tpu.memory_space<hbm>> -> memref<64x128xf32, #tpu.memory_space<hbm>>
      %dma_wait3A_3152 = arith.constant 0 : i32
      %dma_wait3A_3153 = arith.constant 0 : i32
      %dma_wait3A_3154 = tpu.memref_slice %arg6[%dma_wait3A_3138, %dma_wait3A_3152, %dma_wait3A_3153] : memref<10x64x128xf32, #tpu.memory_space<vmem>> -> memref<1x64x128xf32, #tpu.memory_space<vmem>>
      %dma_wait3A_3155 = tpu.memref_squeeze %dma_wait3A_3154 : memref<1x64x128xf32, #tpu.memory_space<vmem>> -> memref<64x128xf32, #tpu.memory_space<vmem>>
      tpu.wait_dma2 semaphore(%dma_wait3A_3148 : memref<!tpu.dma_semaphore, #tpu.memory_space<semaphore_mem>>) src(%dma_wait3A_3155 : memref<64x128xf32, #tpu.memory_space<vmem>>) dst(%dma_wait3A_3151 : memref<64x128xf32, #tpu.memory_space<hbm>>)
      %add3A_3156 = arith.constant 1 : i32
      %add3A_3157 = arith.addi %scan3A_726, %add3A_3156 : i32
      %mul3A_3158 = arith.constant 10 : i32
      %mul3A_3159 = arith.muli %add3A_3157, %mul3A_3158 : i32
      %add3A_3160 = arith.constant 9 : i32
      %add3A_3161 = arith.addi %mul3A_3159, %add3A_3160 : i32
      %jit3A_3162 = arith.constant 2 : i32
      %div3A_3163 = arith.divsi %add3A_3161, %jit3A_3162 : i32
      %sign3A_3164 = arith.constant 0 : i32
      %sign3A_3165 = arith.cmpi sgt, %add3A_3161, %sign3A_3164 : i32
      %sign3A_3166 = arith.extui %sign3A_3165 : i1 to i32
      %sign3A_3167 = arith.constant 0 : i32
      %sign3A_3168 = arith.cmpi slt, %add3A_3161, %sign3A_3167 : i32
      %sign3A_3169 = arith.extui %sign3A_3168 : i1 to i32
      %sign3A_3170 = arith.subi %sign3A_3166, %sign3A_3169 : i32
      %sign3A_3171 = arith.constant 0 : i32
      %sign3A_3172 = arith.cmpi sgt, %jit3A_3162, %sign3A_3171 : i32
      %sign3A_3173 = arith.extui %sign3A_3172 : i1 to i32
      %sign3A_3174 = arith.constant 0 : i32
      %sign3A_3175 = arith.cmpi slt, %jit3A_3162, %sign3A_3174 : i32
      %sign3A_3176 = arith.extui %sign3A_3175 : i1 to i32
      %sign3A_3177 = arith.subi %sign3A_3173, %sign3A_3176 : i32
      %ne3A_3178 = arith.cmpi ne, %sign3A_3170, %sign3A_3177 : i32
      %rem3A_3179 = arith.remsi %add3A_3161, %jit3A_3162 : i32
      %ne3A_3180 = arith.constant 0 : i32
      %ne3A_3181 = arith.cmpi ne, %rem3A_3179, %ne3A_3180 : i32
      %and3A_3182 = arith.andi %ne3A_3178, %ne3A_3181 : i1
      %sub3A_3183 = arith.constant 1 : i32
      %sub3A_3184 = arith.subi %div3A_3163, %sub3A_3183 : i32
      %select_n3A_3185 = arith.select %and3A_3182, %sub3A_3184, %div3A_3163 : i32
      %jit3A_3186 = arith.constant 2 : i32
      %eq3A_3187 = arith.constant 0 : i32
      %eq3A_3188 = arith.cmpi eq, %jit3A_3186, %eq3A_3187 : i32
      %jit3A_3189 = arith.constant 1 : i32
      %select_n3A_3190 = arith.select %eq3A_3188, %jit3A_3189, %jit3A_3186 : i32
      %rem3A_3191 = arith.remsi %add3A_3161, %select_n3A_3190 : i32
      %ne3A_3192 = arith.constant 0 : i32
      %ne3A_3193 = arith.cmpi ne, %rem3A_3191, %ne3A_3192 : i32
      %lt3A_3194 = arith.constant 0 : i32
      %lt3A_3195 = arith.cmpi slt, %rem3A_3191, %lt3A_3194 : i32
      %lt3A_3196 = arith.constant 0 : i32
      %lt3A_3197 = arith.cmpi slt, %select_n3A_3190, %lt3A_3196 : i32
      %ne3A_3198 = arith.xori %lt3A_3195, %lt3A_3197 : i1
      %and3A_3199 = arith.andi %ne3A_3198, %ne3A_3193 : i1
      %add3A_3200 = arith.addi %rem3A_3191, %select_n3A_3190 : i32
      %select_n3A_3201 = arith.select %and3A_3199, %add3A_3200, %rem3A_3191 : i32
      %mul3A_3202 = arith.constant 64 : i32
      %mul3A_3203 = arith.muli %select_n3A_3201, %mul3A_3202 : i32
      %dma_start3A_3204 = arith.constant 9 : i32
      %dma_start3A_3205 = arith.constant 9 : i32
      %dma_start3A_3206 = arith.constant 0 : i32
      %dma_start3A_3207 = arith.constant 0 : i32
      %dma_start3A_3208 = tpu.memref_slice %arg6[%dma_start3A_3204, %dma_start3A_3206, %dma_start3A_3207] : memref<10x64x128xf32, #tpu.memory_space<vmem>> -> memref<1x64x128xf32, #tpu.memory_space<vmem>>
      %dma_start3A_3209 = tpu.memref_squeeze %dma_start3A_3208 : memref<1x64x128xf32, #tpu.memory_space<vmem>> -> memref<64x128xf32, #tpu.memory_space<vmem>>
      %dma_start3A_3210 = tpu.memref_slice %arg5[%select_n3A_3185, %mul3A_3203] : memref<50x128xi32, #tpu.memory_space<vmem>> -> memref<1x64xi32, #tpu.memory_space<vmem>>
      %dma_start3A_3211 = tpu.memref_squeeze %dma_start3A_3210 : memref<1x64xi32, #tpu.memory_space<vmem>> -> memref<64xi32, #tpu.memory_space<vmem>>
      %dma_start3A_3212 = arith.constant 0 : i32
      %dma_start3A_3213 = arith.constant 0 : i32
      %dma_start3A_3214 = tpu.memref_slice %arg3[%dma_start3A_3212, %dma_start3A_3213] : memref<100000x128xf32, #tpu.memory_space<hbm>> -> memref<100000x128xf32, #tpu.memory_space<hbm>>
      %dma_start3A_3215 = tpu.memref_slice %arg7[%dma_start3A_3205] : memref<10x!tpu.dma_semaphore, #tpu.memory_space<semaphore_mem>> -> memref<1x!tpu.dma_semaphore, #tpu.memory_space<semaphore_mem>>
      %dma_start3A_3216 = tpu.memref_squeeze %dma_start3A_3215 : memref<1x!tpu.dma_semaphore, #tpu.memory_space<semaphore_mem>> -> memref<!tpu.dma_semaphore, #tpu.memory_space<semaphore_mem>>
      tpu.enqueue_indirect_dma source(%dma_start3A_3214 : memref<100000x128xf32, #tpu.memory_space<hbm>>) target(%dma_start3A_3209 : memref<64x128xf32, #tpu.memory_space<vmem>>) offsets(%dma_start3A_3211 : memref<64xi32, #tpu.memory_space<vmem>>) semaphore(%dma_start3A_3216 : memref<!tpu.dma_semaphore, #tpu.memory_space<semaphore_mem>>)
    }
    %scan3A_156 = arith.constant 9 : i32
    %dma_wait3A = arith.constant 45 : i32
    %dma_wait3A_157 = arith.constant 0 : i32
    %dma_wait3A_158 = arith.constant 0 : i32
    %dma_wait3A_159 = arith.constant 0 : i32
    %dma_wait3A_160 = arith.constant 0 : i32
    %dma_wait3A_161 = tpu.memref_slice %arg6[%dma_wait3A_157, %dma_wait3A_159, %dma_wait3A_160] : memref<10x64x128xf32, #tpu.memory_space<vmem>> -> memref<1x64x128xf32, #tpu.memory_space<vmem>>
    %dma_wait3A_162 = tpu.memref_squeeze %dma_wait3A_161 : memref<1x64x128xf32, #tpu.memory_space<vmem>> -> memref<64x128xf32, #tpu.memory_space<vmem>>
    %dma_wait3A_163 = arith.constant 0 : i32
    %dma_wait3A_164 = tpu.memref_slice %arg5[%dma_wait3A, %dma_wait3A_163] : memref<50x128xi32, #tpu.memory_space<vmem>> -> memref<1x64xi32, #tpu.memory_space<vmem>>
    %dma_wait3A_165 = tpu.memref_squeeze %dma_wait3A_164 : memref<1x64xi32, #tpu.memory_space<vmem>> -> memref<64xi32, #tpu.memory_space<vmem>>
    %dma_wait3A_166 = arith.constant 0 : i32
    %dma_wait3A_167 = arith.constant 0 : i32
    %dma_wait3A_168 = tpu.memref_slice %arg3[%dma_wait3A_166, %dma_wait3A_167] : memref<100000x128xf32, #tpu.memory_space<hbm>> -> memref<100000x128xf32, #tpu.memory_space<hbm>>
    %dma_wait3A_169 = tpu.memref_slice %arg7[%dma_wait3A_158] : memref<10x!tpu.dma_semaphore, #tpu.memory_space<semaphore_mem>> -> memref<1x!tpu.dma_semaphore, #tpu.memory_space<semaphore_mem>>
    %dma_wait3A_170 = tpu.memref_squeeze %dma_wait3A_169 : memref<1x!tpu.dma_semaphore, #tpu.memory_space<semaphore_mem>> -> memref<!tpu.dma_semaphore, #tpu.memory_space<semaphore_mem>>
    tpu.wait_indirect_dma semaphore(%dma_wait3A_170 : memref<!tpu.dma_semaphore, #tpu.memory_space<semaphore_mem>>) src(%dma_wait3A_168 : memref<100000x128xf32, #tpu.memory_space<hbm>>) dst(%dma_wait3A_162 : memref<64x128xf32, #tpu.memory_space<vmem>>)
    %add3A_171 = arith.constant 0 : i32
    %add3A_172 = arith.addi %mul3A_2, %add3A_171 : i32
    %dma_start3A_173 = arith.constant 0 : i32
    %dma_start3A_174 = arith.constant 45 : i32
    %dma_start3A_175 = arith.constant 0 : i32
    %dma_start3A_176 = arith.constant 0 : i32
    %dma_start3A_177 = arith.constant 0 : i32
    %dma_start3A_178 = tpu.memref_slice %arg6[%dma_start3A_173, %dma_start3A_176, %dma_start3A_177] : memref<10x64x128xf32, #tpu.memory_space<vmem>> -> memref<1x64x128xf32, #tpu.memory_space<vmem>>
    %dma_start3A_179 = tpu.memref_squeeze %dma_start3A_178 : memref<1x64x128xf32, #tpu.memory_space<vmem>> -> memref<64x128xf32, #tpu.memory_space<vmem>>
    %dma_start3A_180 = arith.constant 0 : i32
    %dma_start3A_181 = tpu.memref_slice %arg4[%dma_start3A_174, %add3A_172, %dma_start3A_180] : memref<50x4096x128xf32, #tpu.memory_space<hbm>> -> memref<1x64x128xf32, #tpu.memory_space<hbm>>
    %dma_start3A_182 = tpu.memref_squeeze %dma_start3A_181 : memref<1x64x128xf32, #tpu.memory_space<hbm>> -> memref<64x128xf32, #tpu.memory_space<hbm>>
    %dma_start3A_183 = tpu.memref_slice %arg8[%dma_start3A_175] : memref<10x!tpu.dma_semaphore, #tpu.memory_space<semaphore_mem>> -> memref<1x!tpu.dma_semaphore, #tpu.memory_space<semaphore_mem>>
    %dma_start3A_184 = tpu.memref_squeeze %dma_start3A_183 : memref<1x!tpu.dma_semaphore, #tpu.memory_space<semaphore_mem>> -> memref<!tpu.dma_semaphore, #tpu.memory_space<semaphore_mem>>
    %dma_start3A_185 = arith.constant 0 : i32
    %dma_start3A_186 = tpu.memref_slice %arg4[%dma_start3A_174, %add3A_172, %dma_start3A_185] : memref<50x4096x128xf32, #tpu.memory_space<hbm>> -> memref<1x64x128xf32, #tpu.memory_space<hbm>>
    %dma_start3A_187 = tpu.memref_squeeze %dma_start3A_186 : memref<1x64x128xf32, #tpu.memory_space<hbm>> -> memref<64x128xf32, #tpu.memory_space<hbm>>
    %dma_start3A_188 = arith.constant 0 : i32
    %dma_start3A_189 = arith.constant 0 : i32
    %dma_start3A_190 = tpu.memref_slice %arg6[%dma_start3A_173, %dma_start3A_188, %dma_start3A_189] : memref<10x64x128xf32, #tpu.memory_space<vmem>> -> memref<1x64x128xf32, #tpu.memory_space<vmem>>
    %dma_start3A_191 = tpu.memref_squeeze %dma_start3A_190 : memref<1x64x128xf32, #tpu.memory_space<vmem>> -> memref<64x128xf32, #tpu.memory_space<vmem>>
    tpu.enqueue_dma source(%dma_start3A_191 : memref<64x128xf32, #tpu.memory_space<vmem>>) target(%dma_start3A_187 : memref<64x128xf32, #tpu.memory_space<hbm>>) target_semaphore(%dma_start3A_184 : memref<!tpu.dma_semaphore, #tpu.memory_space<semaphore_mem>>)
    %dma_wait3A_192 = arith.constant 45 : i32
    %dma_wait3A_193 = arith.constant 1 : i32
    %dma_wait3A_194 = arith.constant 1 : i32
    %dma_wait3A_195 = arith.constant 0 : i32
    %dma_wait3A_196 = arith.constant 0 : i32
    %dma_wait3A_197 = tpu.memref_slice %arg6[%dma_wait3A_193, %dma_wait3A_195, %dma_wait3A_196] : memref<10x64x128xf32, #tpu.memory_space<vmem>> -> memref<1x64x128xf32, #tpu.memory_space<vmem>>
    %dma_wait3A_198 = tpu.memref_squeeze %dma_wait3A_197 : memref<1x64x128xf32, #tpu.memory_space<vmem>> -> memref<64x128xf32, #tpu.memory_space<vmem>>
    %dma_wait3A_199 = arith.constant 64 : i32
    %dma_wait3A_200 = tpu.memref_slice %arg5[%dma_wait3A_192, %dma_wait3A_199] : memref<50x128xi32, #tpu.memory_space<vmem>> -> memref<1x64xi32, #tpu.memory_space<vmem>>
    %dma_wait3A_201 = tpu.memref_squeeze %dma_wait3A_200 : memref<1x64xi32, #tpu.memory_space<vmem>> -> memref<64xi32, #tpu.memory_space<vmem>>
    %dma_wait3A_202 = arith.constant 0 : i32
    %dma_wait3A_203 = arith.constant 0 : i32
    %dma_wait3A_204 = tpu.memref_slice %arg3[%dma_wait3A_202, %dma_wait3A_203] : memref<100000x128xf32, #tpu.memory_space<hbm>> -> memref<100000x128xf32, #tpu.memory_space<hbm>>
    %dma_wait3A_205 = tpu.memref_slice %arg7[%dma_wait3A_194] : memref<10x!tpu.dma_semaphore, #tpu.memory_space<semaphore_mem>> -> memref<1x!tpu.dma_semaphore, #tpu.memory_space<semaphore_mem>>
    %dma_wait3A_206 = tpu.memref_squeeze %dma_wait3A_205 : memref<1x!tpu.dma_semaphore, #tpu.memory_space<semaphore_mem>> -> memref<!tpu.dma_semaphore, #tpu.memory_space<semaphore_mem>>
    tpu.wait_indirect_dma semaphore(%dma_wait3A_206 : memref<!tpu.dma_semaphore, #tpu.memory_space<semaphore_mem>>) src(%dma_wait3A_204 : memref<100000x128xf32, #tpu.memory_space<hbm>>) dst(%dma_wait3A_198 : memref<64x128xf32, #tpu.memory_space<vmem>>)
    %add3A_207 = arith.constant 64 : i32
    %add3A_208 = arith.addi %mul3A_2, %add3A_207 : i32
    %dma_start3A_209 = arith.constant 1 : i32
    %dma_start3A_210 = arith.constant 45 : i32
    %dma_start3A_211 = arith.constant 1 : i32
    %dma_start3A_212 = arith.constant 0 : i32
    %dma_start3A_213 = arith.constant 0 : i32
    %dma_start3A_214 = tpu.memref_slice %arg6[%dma_start3A_209, %dma_start3A_212, %dma_start3A_213] : memref<10x64x128xf32, #tpu.memory_space<vmem>> -> memref<1x64x128xf32, #tpu.memory_space<vmem>>
    %dma_start3A_215 = tpu.memref_squeeze %dma_start3A_214 : memref<1x64x128xf32, #tpu.memory_space<vmem>> -> memref<64x128xf32, #tpu.memory_space<vmem>>
    %dma_start3A_216 = arith.constant 0 : i32
    %dma_start3A_217 = tpu.memref_slice %arg4[%dma_start3A_210, %add3A_208, %dma_start3A_216] : memref<50x4096x128xf32, #tpu.memory_space<hbm>> -> memref<1x64x128xf32, #tpu.memory_space<hbm>>
    %dma_start3A_218 = tpu.memref_squeeze %dma_start3A_217 : memref<1x64x128xf32, #tpu.memory_space<hbm>> -> memref<64x128xf32, #tpu.memory_space<hbm>>
    %dma_start3A_219 = tpu.memref_slice %arg8[%dma_start3A_211] : memref<10x!tpu.dma_semaphore, #tpu.memory_space<semaphore_mem>> -> memref<1x!tpu.dma_semaphore, #tpu.memory_space<semaphore_mem>>
    %dma_start3A_220 = tpu.memref_squeeze %dma_start3A_219 : memref<1x!tpu.dma_semaphore, #tpu.memory_space<semaphore_mem>> -> memref<!tpu.dma_semaphore, #tpu.memory_space<semaphore_mem>>
    %dma_start3A_221 = arith.constant 0 : i32
    %dma_start3A_222 = tpu.memref_slice %arg4[%dma_start3A_210, %add3A_208, %dma_start3A_221] : memref<50x4096x128xf32, #tpu.memory_space<hbm>> -> memref<1x64x128xf32, #tpu.memory_space<hbm>>
    %dma_start3A_223 = tpu.memref_squeeze %dma_start3A_222 : memref<1x64x128xf32, #tpu.memory_space<hbm>> -> memref<64x128xf32, #tpu.memory_space<hbm>>
    %dma_start3A_224 = arith.constant 0 : i32
    %dma_start3A_225 = arith.constant 0 : i32
    %dma_start3A_226 = tpu.memref_slice %arg6[%dma_start3A_209, %dma_start3A_224, %dma_start3A_225] : memref<10x64x128xf32, #tpu.memory_space<vmem>> -> memref<1x64x128xf32, #tpu.memory_space<vmem>>
    %dma_start3A_227 = tpu.memref_squeeze %dma_start3A_226 : memref<1x64x128xf32, #tpu.memory_space<vmem>> -> memref<64x128xf32, #tpu.memory_space<vmem>>
    tpu.enqueue_dma source(%dma_start3A_227 : memref<64x128xf32, #tpu.memory_space<vmem>>) target(%dma_start3A_223 : memref<64x128xf32, #tpu.memory_space<hbm>>) target_semaphore(%dma_start3A_220 : memref<!tpu.dma_semaphore, #tpu.memory_space<semaphore_mem>>)
    %dma_wait3A_228 = arith.constant 46 : i32
    %dma_wait3A_229 = arith.constant 2 : i32
    %dma_wait3A_230 = arith.constant 2 : i32
    %dma_wait3A_231 = arith.constant 0 : i32
    %dma_wait3A_232 = arith.constant 0 : i32
    %dma_wait3A_233 = tpu.memref_slice %arg6[%dma_wait3A_229, %dma_wait3A_231, %dma_wait3A_232] : memref<10x64x128xf32, #tpu.memory_space<vmem>> -> memref<1x64x128xf32, #tpu.memory_space<vmem>>
    %dma_wait3A_234 = tpu.memref_squeeze %dma_wait3A_233 : memref<1x64x128xf32, #tpu.memory_space<vmem>> -> memref<64x128xf32, #tpu.memory_space<vmem>>
    %dma_wait3A_235 = arith.constant 0 : i32
    %dma_wait3A_236 = tpu.memref_slice %arg5[%dma_wait3A_228, %dma_wait3A_235] : memref<50x128xi32, #tpu.memory_space<vmem>> -> memref<1x64xi32, #tpu.memory_space<vmem>>
    %dma_wait3A_237 = tpu.memref_squeeze %dma_wait3A_236 : memref<1x64xi32, #tpu.memory_space<vmem>> -> memref<64xi32, #tpu.memory_space<vmem>>
    %dma_wait3A_238 = arith.constant 0 : i32
    %dma_wait3A_239 = arith.constant 0 : i32
    %dma_wait3A_240 = tpu.memref_slice %arg3[%dma_wait3A_238, %dma_wait3A_239] : memref<100000x128xf32, #tpu.memory_space<hbm>> -> memref<100000x128xf32, #tpu.memory_space<hbm>>
    %dma_wait3A_241 = tpu.memref_slice %arg7[%dma_wait3A_230] : memref<10x!tpu.dma_semaphore, #tpu.memory_space<semaphore_mem>> -> memref<1x!tpu.dma_semaphore, #tpu.memory_space<semaphore_mem>>
    %dma_wait3A_242 = tpu.memref_squeeze %dma_wait3A_241 : memref<1x!tpu.dma_semaphore, #tpu.memory_space<semaphore_mem>> -> memref<!tpu.dma_semaphore, #tpu.memory_space<semaphore_mem>>
    tpu.wait_indirect_dma semaphore(%dma_wait3A_242 : memref<!tpu.dma_semaphore, #tpu.memory_space<semaphore_mem>>) src(%dma_wait3A_240 : memref<100000x128xf32, #tpu.memory_space<hbm>>) dst(%dma_wait3A_234 : memref<64x128xf32, #tpu.memory_space<vmem>>)
    %add3A_243 = arith.constant 0 : i32
    %add3A_244 = arith.addi %mul3A_2, %add3A_243 : i32
    %dma_start3A_245 = arith.constant 2 : i32
    %dma_start3A_246 = arith.constant 46 : i32
    %dma_start3A_247 = arith.constant 2 : i32
    %dma_start3A_248 = arith.constant 0 : i32
    %dma_start3A_249 = arith.constant 0 : i32
    %dma_start3A_250 = tpu.memref_slice %arg6[%dma_start3A_245, %dma_start3A_248, %dma_start3A_249] : memref<10x64x128xf32, #tpu.memory_space<vmem>> -> memref<1x64x128xf32, #tpu.memory_space<vmem>>
    %dma_start3A_251 = tpu.memref_squeeze %dma_start3A_250 : memref<1x64x128xf32, #tpu.memory_space<vmem>> -> memref<64x128xf32, #tpu.memory_space<vmem>>
    %dma_start3A_252 = arith.constant 0 : i32
    %dma_start3A_253 = tpu.memref_slice %arg4[%dma_start3A_246, %add3A_244, %dma_start3A_252] : memref<50x4096x128xf32, #tpu.memory_space<hbm>> -> memref<1x64x128xf32, #tpu.memory_space<hbm>>
    %dma_start3A_254 = tpu.memref_squeeze %dma_start3A_253 : memref<1x64x128xf32, #tpu.memory_space<hbm>> -> memref<64x128xf32, #tpu.memory_space<hbm>>
    %dma_start3A_255 = tpu.memref_slice %arg8[%dma_start3A_247] : memref<10x!tpu.dma_semaphore, #tpu.memory_space<semaphore_mem>> -> memref<1x!tpu.dma_semaphore, #tpu.memory_space<semaphore_mem>>
    %dma_start3A_256 = tpu.memref_squeeze %dma_start3A_255 : memref<1x!tpu.dma_semaphore, #tpu.memory_space<semaphore_mem>> -> memref<!tpu.dma_semaphore, #tpu.memory_space<semaphore_mem>>
    %dma_start3A_257 = arith.constant 0 : i32
    %dma_start3A_258 = tpu.memref_slice %arg4[%dma_start3A_246, %add3A_244, %dma_start3A_257] : memref<50x4096x128xf32, #tpu.memory_space<hbm>> -> memref<1x64x128xf32, #tpu.memory_space<hbm>>
    %dma_start3A_259 = tpu.memref_squeeze %dma_start3A_258 : memref<1x64x128xf32, #tpu.memory_space<hbm>> -> memref<64x128xf32, #tpu.memory_space<hbm>>
    %dma_start3A_260 = arith.constant 0 : i32
    %dma_start3A_261 = arith.constant 0 : i32
    %dma_start3A_262 = tpu.memref_slice %arg6[%dma_start3A_245, %dma_start3A_260, %dma_start3A_261] : memref<10x64x128xf32, #tpu.memory_space<vmem>> -> memref<1x64x128xf32, #tpu.memory_space<vmem>>
    %dma_start3A_263 = tpu.memref_squeeze %dma_start3A_262 : memref<1x64x128xf32, #tpu.memory_space<vmem>> -> memref<64x128xf32, #tpu.memory_space<vmem>>
    tpu.enqueue_dma source(%dma_start3A_263 : memref<64x128xf32, #tpu.memory_space<vmem>>) target(%dma_start3A_259 : memref<64x128xf32, #tpu.memory_space<hbm>>) target_semaphore(%dma_start3A_256 : memref<!tpu.dma_semaphore, #tpu.memory_space<semaphore_mem>>)
    %dma_wait3A_264 = arith.constant 46 : i32
    %dma_wait3A_265 = arith.constant 3 : i32
    %dma_wait3A_266 = arith.constant 3 : i32
    %dma_wait3A_267 = arith.constant 0 : i32
    %dma_wait3A_268 = arith.constant 0 : i32
    %dma_wait3A_269 = tpu.memref_slice %arg6[%dma_wait3A_265, %dma_wait3A_267, %dma_wait3A_268] : memref<10x64x128xf32, #tpu.memory_space<vmem>> -> memref<1x64x128xf32, #tpu.memory_space<vmem>>
    %dma_wait3A_270 = tpu.memref_squeeze %dma_wait3A_269 : memref<1x64x128xf32, #tpu.memory_space<vmem>> -> memref<64x128xf32, #tpu.memory_space<vmem>>
    %dma_wait3A_271 = arith.constant 64 : i32
    %dma_wait3A_272 = tpu.memref_slice %arg5[%dma_wait3A_264, %dma_wait3A_271] : memref<50x128xi32, #tpu.memory_space<vmem>> -> memref<1x64xi32, #tpu.memory_space<vmem>>
    %dma_wait3A_273 = tpu.memref_squeeze %dma_wait3A_272 : memref<1x64xi32, #tpu.memory_space<vmem>> -> memref<64xi32, #tpu.memory_space<vmem>>
    %dma_wait3A_274 = arith.constant 0 : i32
    %dma_wait3A_275 = arith.constant 0 : i32
    %dma_wait3A_276 = tpu.memref_slice %arg3[%dma_wait3A_274, %dma_wait3A_275] : memref<100000x128xf32, #tpu.memory_space<hbm>> -> memref<100000x128xf32, #tpu.memory_space<hbm>>
    %dma_wait3A_277 = tpu.memref_slice %arg7[%dma_wait3A_266] : memref<10x!tpu.dma_semaphore, #tpu.memory_space<semaphore_mem>> -> memref<1x!tpu.dma_semaphore, #tpu.memory_space<semaphore_mem>>
    %dma_wait3A_278 = tpu.memref_squeeze %dma_wait3A_277 : memref<1x!tpu.dma_semaphore, #tpu.memory_space<semaphore_mem>> -> memref<!tpu.dma_semaphore, #tpu.memory_space<semaphore_mem>>
    tpu.wait_indirect_dma semaphore(%dma_wait3A_278 : memref<!tpu.dma_semaphore, #tpu.memory_space<semaphore_mem>>) src(%dma_wait3A_276 : memref<100000x128xf32, #tpu.memory_space<hbm>>) dst(%dma_wait3A_270 : memref<64x128xf32, #tpu.memory_space<vmem>>)
    %add3A_279 = arith.constant 64 : i32
    %add3A_280 = arith.addi %mul3A_2, %add3A_279 : i32
    %dma_start3A_281 = arith.constant 3 : i32
    %dma_start3A_282 = arith.constant 46 : i32
    %dma_start3A_283 = arith.constant 3 : i32
    %dma_start3A_284 = arith.constant 0 : i32
    %dma_start3A_285 = arith.constant 0 : i32
    %dma_start3A_286 = tpu.memref_slice %arg6[%dma_start3A_281, %dma_start3A_284, %dma_start3A_285] : memref<10x64x128xf32, #tpu.memory_space<vmem>> -> memref<1x64x128xf32, #tpu.memory_space<vmem>>
    %dma_start3A_287 = tpu.memref_squeeze %dma_start3A_286 : memref<1x64x128xf32, #tpu.memory_space<vmem>> -> memref<64x128xf32, #tpu.memory_space<vmem>>
    %dma_start3A_288 = arith.constant 0 : i32
    %dma_start3A_289 = tpu.memref_slice %arg4[%dma_start3A_282, %add3A_280, %dma_start3A_288] : memref<50x4096x128xf32, #tpu.memory_space<hbm>> -> memref<1x64x128xf32, #tpu.memory_space<hbm>>
    %dma_start3A_290 = tpu.memref_squeeze %dma_start3A_289 : memref<1x64x128xf32, #tpu.memory_space<hbm>> -> memref<64x128xf32, #tpu.memory_space<hbm>>
    %dma_start3A_291 = tpu.memref_slice %arg8[%dma_start3A_283] : memref<10x!tpu.dma_semaphore, #tpu.memory_space<semaphore_mem>> -> memref<1x!tpu.dma_semaphore, #tpu.memory_space<semaphore_mem>>
    %dma_start3A_292 = tpu.memref_squeeze %dma_start3A_291 : memref<1x!tpu.dma_semaphore, #tpu.memory_space<semaphore_mem>> -> memref<!tpu.dma_semaphore, #tpu.memory_space<semaphore_mem>>
    %dma_start3A_293 = arith.constant 0 : i32
    %dma_start3A_294 = tpu.memref_slice %arg4[%dma_start3A_282, %add3A_280, %dma_start3A_293] : memref<50x4096x128xf32, #tpu.memory_space<hbm>> -> memref<1x64x128xf32, #tpu.memory_space<hbm>>
    %dma_start3A_295 = tpu.memref_squeeze %dma_start3A_294 : memref<1x64x128xf32, #tpu.memory_space<hbm>> -> memref<64x128xf32, #tpu.memory_space<hbm>>
    %dma_start3A_296 = arith.constant 0 : i32
    %dma_start3A_297 = arith.constant 0 : i32
    %dma_start3A_298 = tpu.memref_slice %arg6[%dma_start3A_281, %dma_start3A_296, %dma_start3A_297] : memref<10x64x128xf32, #tpu.memory_space<vmem>> -> memref<1x64x128xf32, #tpu.memory_space<vmem>>
    %dma_start3A_299 = tpu.memref_squeeze %dma_start3A_298 : memref<1x64x128xf32, #tpu.memory_space<vmem>> -> memref<64x128xf32, #tpu.memory_space<vmem>>
    tpu.enqueue_dma source(%dma_start3A_299 : memref<64x128xf32, #tpu.memory_space<vmem>>) target(%dma_start3A_295 : memref<64x128xf32, #tpu.memory_space<hbm>>) target_semaphore(%dma_start3A_292 : memref<!tpu.dma_semaphore, #tpu.memory_space<semaphore_mem>>)
    %dma_wait3A_300 = arith.constant 47 : i32
    %dma_wait3A_301 = arith.constant 4 : i32
    %dma_wait3A_302 = arith.constant 4 : i32
    %dma_wait3A_303 = arith.constant 0 : i32
    %dma_wait3A_304 = arith.constant 0 : i32
    %dma_wait3A_305 = tpu.memref_slice %arg6[%dma_wait3A_301, %dma_wait3A_303, %dma_wait3A_304] : memref<10x64x128xf32, #tpu.memory_space<vmem>> -> memref<1x64x128xf32, #tpu.memory_space<vmem>>
    %dma_wait3A_306 = tpu.memref_squeeze %dma_wait3A_305 : memref<1x64x128xf32, #tpu.memory_space<vmem>> -> memref<64x128xf32, #tpu.memory_space<vmem>>
    %dma_wait3A_307 = arith.constant 0 : i32
    %dma_wait3A_308 = tpu.memref_slice %arg5[%dma_wait3A_300, %dma_wait3A_307] : memref<50x128xi32, #tpu.memory_space<vmem>> -> memref<1x64xi32, #tpu.memory_space<vmem>>
    %dma_wait3A_309 = tpu.memref_squeeze %dma_wait3A_308 : memref<1x64xi32, #tpu.memory_space<vmem>> -> memref<64xi32, #tpu.memory_space<vmem>>
    %dma_wait3A_310 = arith.constant 0 : i32
    %dma_wait3A_311 = arith.constant 0 : i32
    %dma_wait3A_312 = tpu.memref_slice %arg3[%dma_wait3A_310, %dma_wait3A_311] : memref<100000x128xf32, #tpu.memory_space<hbm>> -> memref<100000x128xf32, #tpu.memory_space<hbm>>
    %dma_wait3A_313 = tpu.memref_slice %arg7[%dma_wait3A_302] : memref<10x!tpu.dma_semaphore, #tpu.memory_space<semaphore_mem>> -> memref<1x!tpu.dma_semaphore, #tpu.memory_space<semaphore_mem>>
    %dma_wait3A_314 = tpu.memref_squeeze %dma_wait3A_313 : memref<1x!tpu.dma_semaphore, #tpu.memory_space<semaphore_mem>> -> memref<!tpu.dma_semaphore, #tpu.memory_space<semaphore_mem>>
    tpu.wait_indirect_dma semaphore(%dma_wait3A_314 : memref<!tpu.dma_semaphore, #tpu.memory_space<semaphore_mem>>) src(%dma_wait3A_312 : memref<100000x128xf32, #tpu.memory_space<hbm>>) dst(%dma_wait3A_306 : memref<64x128xf32, #tpu.memory_space<vmem>>)
    %add3A_315 = arith.constant 0 : i32
    %add3A_316 = arith.addi %mul3A_2, %add3A_315 : i32
    %dma_start3A_317 = arith.constant 4 : i32
    %dma_start3A_318 = arith.constant 47 : i32
    %dma_start3A_319 = arith.constant 4 : i32
    %dma_start3A_320 = arith.constant 0 : i32
    %dma_start3A_321 = arith.constant 0 : i32
    %dma_start3A_322 = tpu.memref_slice %arg6[%dma_start3A_317, %dma_start3A_320, %dma_start3A_321] : memref<10x64x128xf32, #tpu.memory_space<vmem>> -> memref<1x64x128xf32, #tpu.memory_space<vmem>>
    %dma_start3A_323 = tpu.memref_squeeze %dma_start3A_322 : memref<1x64x128xf32, #tpu.memory_space<vmem>> -> memref<64x128xf32, #tpu.memory_space<vmem>>
    %dma_start3A_324 = arith.constant 0 : i32
    %dma_start3A_325 = tpu.memref_slice %arg4[%dma_start3A_318, %add3A_316, %dma_start3A_324] : memref<50x4096x128xf32, #tpu.memory_space<hbm>> -> memref<1x64x128xf32, #tpu.memory_space<hbm>>
    %dma_start3A_326 = tpu.memref_squeeze %dma_start3A_325 : memref<1x64x128xf32, #tpu.memory_space<hbm>> -> memref<64x128xf32, #tpu.memory_space<hbm>>
    %dma_start3A_327 = tpu.memref_slice %arg8[%dma_start3A_319] : memref<10x!tpu.dma_semaphore, #tpu.memory_space<semaphore_mem>> -> memref<1x!tpu.dma_semaphore, #tpu.memory_space<semaphore_mem>>
    %dma_start3A_328 = tpu.memref_squeeze %dma_start3A_327 : memref<1x!tpu.dma_semaphore, #tpu.memory_space<semaphore_mem>> -> memref<!tpu.dma_semaphore, #tpu.memory_space<semaphore_mem>>
    %dma_start3A_329 = arith.constant 0 : i32
    %dma_start3A_330 = tpu.memref_slice %arg4[%dma_start3A_318, %add3A_316, %dma_start3A_329] : memref<50x4096x128xf32, #tpu.memory_space<hbm>> -> memref<1x64x128xf32, #tpu.memory_space<hbm>>
    %dma_start3A_331 = tpu.memref_squeeze %dma_start3A_330 : memref<1x64x128xf32, #tpu.memory_space<hbm>> -> memref<64x128xf32, #tpu.memory_space<hbm>>
    %dma_start3A_332 = arith.constant 0 : i32
    %dma_start3A_333 = arith.constant 0 : i32
    %dma_start3A_334 = tpu.memref_slice %arg6[%dma_start3A_317, %dma_start3A_332, %dma_start3A_333] : memref<10x64x128xf32, #tpu.memory_space<vmem>> -> memref<1x64x128xf32, #tpu.memory_space<vmem>>
    %dma_start3A_335 = tpu.memref_squeeze %dma_start3A_334 : memref<1x64x128xf32, #tpu.memory_space<vmem>> -> memref<64x128xf32, #tpu.memory_space<vmem>>
    tpu.enqueue_dma source(%dma_start3A_335 : memref<64x128xf32, #tpu.memory_space<vmem>>) target(%dma_start3A_331 : memref<64x128xf32, #tpu.memory_space<hbm>>) target_semaphore(%dma_start3A_328 : memref<!tpu.dma_semaphore, #tpu.memory_space<semaphore_mem>>)
    %dma_wait3A_336 = arith.constant 47 : i32
    %dma_wait3A_337 = arith.constant 5 : i32
    %dma_wait3A_338 = arith.constant 5 : i32
    %dma_wait3A_339 = arith.constant 0 : i32
    %dma_wait3A_340 = arith.constant 0 : i32
    %dma_wait3A_341 = tpu.memref_slice %arg6[%dma_wait3A_337, %dma_wait3A_339, %dma_wait3A_340] : memref<10x64x128xf32, #tpu.memory_space<vmem>> -> memref<1x64x128xf32, #tpu.memory_space<vmem>>
    %dma_wait3A_342 = tpu.memref_squeeze %dma_wait3A_341 : memref<1x64x128xf32, #tpu.memory_space<vmem>> -> memref<64x128xf32, #tpu.memory_space<vmem>>
    %dma_wait3A_343 = arith.constant 64 : i32
    %dma_wait3A_344 = tpu.memref_slice %arg5[%dma_wait3A_336, %dma_wait3A_343] : memref<50x128xi32, #tpu.memory_space<vmem>> -> memref<1x64xi32, #tpu.memory_space<vmem>>
    %dma_wait3A_345 = tpu.memref_squeeze %dma_wait3A_344 : memref<1x64xi32, #tpu.memory_space<vmem>> -> memref<64xi32, #tpu.memory_space<vmem>>
    %dma_wait3A_346 = arith.constant 0 : i32
    %dma_wait3A_347 = arith.constant 0 : i32
    %dma_wait3A_348 = tpu.memref_slice %arg3[%dma_wait3A_346, %dma_wait3A_347] : memref<100000x128xf32, #tpu.memory_space<hbm>> -> memref<100000x128xf32, #tpu.memory_space<hbm>>
    %dma_wait3A_349 = tpu.memref_slice %arg7[%dma_wait3A_338] : memref<10x!tpu.dma_semaphore, #tpu.memory_space<semaphore_mem>> -> memref<1x!tpu.dma_semaphore, #tpu.memory_space<semaphore_mem>>
    %dma_wait3A_350 = tpu.memref_squeeze %dma_wait3A_349 : memref<1x!tpu.dma_semaphore, #tpu.memory_space<semaphore_mem>> -> memref<!tpu.dma_semaphore, #tpu.memory_space<semaphore_mem>>
    tpu.wait_indirect_dma semaphore(%dma_wait3A_350 : memref<!tpu.dma_semaphore, #tpu.memory_space<semaphore_mem>>) src(%dma_wait3A_348 : memref<100000x128xf32, #tpu.memory_space<hbm>>) dst(%dma_wait3A_342 : memref<64x128xf32, #tpu.memory_space<vmem>>)
    %add3A_351 = arith.constant 64 : i32
    %add3A_352 = arith.addi %mul3A_2, %add3A_351 : i32
    %dma_start3A_353 = arith.constant 5 : i32
    %dma_start3A_354 = arith.constant 47 : i32
    %dma_start3A_355 = arith.constant 5 : i32
    %dma_start3A_356 = arith.constant 0 : i32
    %dma_start3A_357 = arith.constant 0 : i32
    %dma_start3A_358 = tpu.memref_slice %arg6[%dma_start3A_353, %dma_start3A_356, %dma_start3A_357] : memref<10x64x128xf32, #tpu.memory_space<vmem>> -> memref<1x64x128xf32, #tpu.memory_space<vmem>>
    %dma_start3A_359 = tpu.memref_squeeze %dma_start3A_358 : memref<1x64x128xf32, #tpu.memory_space<vmem>> -> memref<64x128xf32, #tpu.memory_space<vmem>>
    %dma_start3A_360 = arith.constant 0 : i32
    %dma_start3A_361 = tpu.memref_slice %arg4[%dma_start3A_354, %add3A_352, %dma_start3A_360] : memref<50x4096x128xf32, #tpu.memory_space<hbm>> -> memref<1x64x128xf32, #tpu.memory_space<hbm>>
    %dma_start3A_362 = tpu.memref_squeeze %dma_start3A_361 : memref<1x64x128xf32, #tpu.memory_space<hbm>> -> memref<64x128xf32, #tpu.memory_space<hbm>>
    %dma_start3A_363 = tpu.memref_slice %arg8[%dma_start3A_355] : memref<10x!tpu.dma_semaphore, #tpu.memory_space<semaphore_mem>> -> memref<1x!tpu.dma_semaphore, #tpu.memory_space<semaphore_mem>>
    %dma_start3A_364 = tpu.memref_squeeze %dma_start3A_363 : memref<1x!tpu.dma_semaphore, #tpu.memory_space<semaphore_mem>> -> memref<!tpu.dma_semaphore, #tpu.memory_space<semaphore_mem>>
    %dma_start3A_365 = arith.constant 0 : i32
    %dma_start3A_366 = tpu.memref_slice %arg4[%dma_start3A_354, %add3A_352, %dma_start3A_365] : memref<50x4096x128xf32, #tpu.memory_space<hbm>> -> memref<1x64x128xf32, #tpu.memory_space<hbm>>
    %dma_start3A_367 = tpu.memref_squeeze %dma_start3A_366 : memref<1x64x128xf32, #tpu.memory_space<hbm>> -> memref<64x128xf32, #tpu.memory_space<hbm>>
    %dma_start3A_368 = arith.constant 0 : i32
    %dma_start3A_369 = arith.constant 0 : i32
    %dma_start3A_370 = tpu.memref_slice %arg6[%dma_start3A_353, %dma_start3A_368, %dma_start3A_369] : memref<10x64x128xf32, #tpu.memory_space<vmem>> -> memref<1x64x128xf32, #tpu.memory_space<vmem>>
    %dma_start3A_371 = tpu.memref_squeeze %dma_start3A_370 : memref<1x64x128xf32, #tpu.memory_space<vmem>> -> memref<64x128xf32, #tpu.memory_space<vmem>>
    tpu.enqueue_dma source(%dma_start3A_371 : memref<64x128xf32, #tpu.memory_space<vmem>>) target(%dma_start3A_367 : memref<64x128xf32, #tpu.memory_space<hbm>>) target_semaphore(%dma_start3A_364 : memref<!tpu.dma_semaphore, #tpu.memory_space<semaphore_mem>>)
    %dma_wait3A_372 = arith.constant 48 : i32
    %dma_wait3A_373 = arith.constant 6 : i32
    %dma_wait3A_374 = arith.constant 6 : i32
    %dma_wait3A_375 = arith.constant 0 : i32
    %dma_wait3A_376 = arith.constant 0 : i32
    %dma_wait3A_377 = tpu.memref_slice %arg6[%dma_wait3A_373, %dma_wait3A_375, %dma_wait3A_376] : memref<10x64x128xf32, #tpu.memory_space<vmem>> -> memref<1x64x128xf32, #tpu.memory_space<vmem>>
    %dma_wait3A_378 = tpu.memref_squeeze %dma_wait3A_377 : memref<1x64x128xf32, #tpu.memory_space<vmem>> -> memref<64x128xf32, #tpu.memory_space<vmem>>
    %dma_wait3A_379 = arith.constant 0 : i32
    %dma_wait3A_380 = tpu.memref_slice %arg5[%dma_wait3A_372, %dma_wait3A_379] : memref<50x128xi32, #tpu.memory_space<vmem>> -> memref<1x64xi32, #tpu.memory_space<vmem>>
    %dma_wait3A_381 = tpu.memref_squeeze %dma_wait3A_380 : memref<1x64xi32, #tpu.memory_space<vmem>> -> memref<64xi32, #tpu.memory_space<vmem>>
    %dma_wait3A_382 = arith.constant 0 : i32
    %dma_wait3A_383 = arith.constant 0 : i32
    %dma_wait3A_384 = tpu.memref_slice %arg3[%dma_wait3A_382, %dma_wait3A_383] : memref<100000x128xf32, #tpu.memory_space<hbm>> -> memref<100000x128xf32, #tpu.memory_space<hbm>>
    %dma_wait3A_385 = tpu.memref_slice %arg7[%dma_wait3A_374] : memref<10x!tpu.dma_semaphore, #tpu.memory_space<semaphore_mem>> -> memref<1x!tpu.dma_semaphore, #tpu.memory_space<semaphore_mem>>
    %dma_wait3A_386 = tpu.memref_squeeze %dma_wait3A_385 : memref<1x!tpu.dma_semaphore, #tpu.memory_space<semaphore_mem>> -> memref<!tpu.dma_semaphore, #tpu.memory_space<semaphore_mem>>
    tpu.wait_indirect_dma semaphore(%dma_wait3A_386 : memref<!tpu.dma_semaphore, #tpu.memory_space<semaphore_mem>>) src(%dma_wait3A_384 : memref<100000x128xf32, #tpu.memory_space<hbm>>) dst(%dma_wait3A_378 : memref<64x128xf32, #tpu.memory_space<vmem>>)
    %add3A_387 = arith.constant 0 : i32
    %add3A_388 = arith.addi %mul3A_2, %add3A_387 : i32
    %dma_start3A_389 = arith.constant 6 : i32
    %dma_start3A_390 = arith.constant 48 : i32
    %dma_start3A_391 = arith.constant 6 : i32
    %dma_start3A_392 = arith.constant 0 : i32
    %dma_start3A_393 = arith.constant 0 : i32
    %dma_start3A_394 = tpu.memref_slice %arg6[%dma_start3A_389, %dma_start3A_392, %dma_start3A_393] : memref<10x64x128xf32, #tpu.memory_space<vmem>> -> memref<1x64x128xf32, #tpu.memory_space<vmem>>
    %dma_start3A_395 = tpu.memref_squeeze %dma_start3A_394 : memref<1x64x128xf32, #tpu.memory_space<vmem>> -> memref<64x128xf32, #tpu.memory_space<vmem>>
    %dma_start3A_396 = arith.constant 0 : i32
    %dma_start3A_397 = tpu.memref_slice %arg4[%dma_start3A_390, %add3A_388, %dma_start3A_396] : memref<50x4096x128xf32, #tpu.memory_space<hbm>> -> memref<1x64x128xf32, #tpu.memory_space<hbm>>
    %dma_start3A_398 = tpu.memref_squeeze %dma_start3A_397 : memref<1x64x128xf32, #tpu.memory_space<hbm>> -> memref<64x128xf32, #tpu.memory_space<hbm>>
    %dma_start3A_399 = tpu.memref_slice %arg8[%dma_start3A_391] : memref<10x!tpu.dma_semaphore, #tpu.memory_space<semaphore_mem>> -> memref<1x!tpu.dma_semaphore, #tpu.memory_space<semaphore_mem>>
    %dma_start3A_400 = tpu.memref_squeeze %dma_start3A_399 : memref<1x!tpu.dma_semaphore, #tpu.memory_space<semaphore_mem>> -> memref<!tpu.dma_semaphore, #tpu.memory_space<semaphore_mem>>
    %dma_start3A_401 = arith.constant 0 : i32
    %dma_start3A_402 = tpu.memref_slice %arg4[%dma_start3A_390, %add3A_388, %dma_start3A_401] : memref<50x4096x128xf32, #tpu.memory_space<hbm>> -> memref<1x64x128xf32, #tpu.memory_space<hbm>>
    %dma_start3A_403 = tpu.memref_squeeze %dma_start3A_402 : memref<1x64x128xf32, #tpu.memory_space<hbm>> -> memref<64x128xf32, #tpu.memory_space<hbm>>
    %dma_start3A_404 = arith.constant 0 : i32
    %dma_start3A_405 = arith.constant 0 : i32
    %dma_start3A_406 = tpu.memref_slice %arg6[%dma_start3A_389, %dma_start3A_404, %dma_start3A_405] : memref<10x64x128xf32, #tpu.memory_space<vmem>> -> memref<1x64x128xf32, #tpu.memory_space<vmem>>
    %dma_start3A_407 = tpu.memref_squeeze %dma_start3A_406 : memref<1x64x128xf32, #tpu.memory_space<vmem>> -> memref<64x128xf32, #tpu.memory_space<vmem>>
    tpu.enqueue_dma source(%dma_start3A_407 : memref<64x128xf32, #tpu.memory_space<vmem>>) target(%dma_start3A_403 : memref<64x128xf32, #tpu.memory_space<hbm>>) target_semaphore(%dma_start3A_400 : memref<!tpu.dma_semaphore, #tpu.memory_space<semaphore_mem>>)
    %dma_wait3A_408 = arith.constant 48 : i32
    %dma_wait3A_409 = arith.constant 7 : i32
    %dma_wait3A_410 = arith.constant 7 : i32
    %dma_wait3A_411 = arith.constant 0 : i32
    %dma_wait3A_412 = arith.constant 0 : i32
    %dma_wait3A_413 = tpu.memref_slice %arg6[%dma_wait3A_409, %dma_wait3A_411, %dma_wait3A_412] : memref<10x64x128xf32, #tpu.memory_space<vmem>> -> memref<1x64x128xf32, #tpu.memory_space<vmem>>
    %dma_wait3A_414 = tpu.memref_squeeze %dma_wait3A_413 : memref<1x64x128xf32, #tpu.memory_space<vmem>> -> memref<64x128xf32, #tpu.memory_space<vmem>>
    %dma_wait3A_415 = arith.constant 64 : i32
    %dma_wait3A_416 = tpu.memref_slice %arg5[%dma_wait3A_408, %dma_wait3A_415] : memref<50x128xi32, #tpu.memory_space<vmem>> -> memref<1x64xi32, #tpu.memory_space<vmem>>
    %dma_wait3A_417 = tpu.memref_squeeze %dma_wait3A_416 : memref<1x64xi32, #tpu.memory_space<vmem>> -> memref<64xi32, #tpu.memory_space<vmem>>
    %dma_wait3A_418 = arith.constant 0 : i32
    %dma_wait3A_419 = arith.constant 0 : i32
    %dma_wait3A_420 = tpu.memref_slice %arg3[%dma_wait3A_418, %dma_wait3A_419] : memref<100000x128xf32, #tpu.memory_space<hbm>> -> memref<100000x128xf32, #tpu.memory_space<hbm>>
    %dma_wait3A_421 = tpu.memref_slice %arg7[%dma_wait3A_410] : memref<10x!tpu.dma_semaphore, #tpu.memory_space<semaphore_mem>> -> memref<1x!tpu.dma_semaphore, #tpu.memory_space<semaphore_mem>>
    %dma_wait3A_422 = tpu.memref_squeeze %dma_wait3A_421 : memref<1x!tpu.dma_semaphore, #tpu.memory_space<semaphore_mem>> -> memref<!tpu.dma_semaphore, #tpu.memory_space<semaphore_mem>>
    tpu.wait_indirect_dma semaphore(%dma_wait3A_422 : memref<!tpu.dma_semaphore, #tpu.memory_space<semaphore_mem>>) src(%dma_wait3A_420 : memref<100000x128xf32, #tpu.memory_space<hbm>>) dst(%dma_wait3A_414 : memref<64x128xf32, #tpu.memory_space<vmem>>)
    %add3A_423 = arith.constant 64 : i32
    %add3A_424 = arith.addi %mul3A_2, %add3A_423 : i32
    %dma_start3A_425 = arith.constant 7 : i32
    %dma_start3A_426 = arith.constant 48 : i32
    %dma_start3A_427 = arith.constant 7 : i32
    %dma_start3A_428 = arith.constant 0 : i32
    %dma_start3A_429 = arith.constant 0 : i32
    %dma_start3A_430 = tpu.memref_slice %arg6[%dma_start3A_425, %dma_start3A_428, %dma_start3A_429] : memref<10x64x128xf32, #tpu.memory_space<vmem>> -> memref<1x64x128xf32, #tpu.memory_space<vmem>>
    %dma_start3A_431 = tpu.memref_squeeze %dma_start3A_430 : memref<1x64x128xf32, #tpu.memory_space<vmem>> -> memref<64x128xf32, #tpu.memory_space<vmem>>
    %dma_start3A_432 = arith.constant 0 : i32
    %dma_start3A_433 = tpu.memref_slice %arg4[%dma_start3A_426, %add3A_424, %dma_start3A_432] : memref<50x4096x128xf32, #tpu.memory_space<hbm>> -> memref<1x64x128xf32, #tpu.memory_space<hbm>>
    %dma_start3A_434 = tpu.memref_squeeze %dma_start3A_433 : memref<1x64x128xf32, #tpu.memory_space<hbm>> -> memref<64x128xf32, #tpu.memory_space<hbm>>
    %dma_start3A_435 = tpu.memref_slice %arg8[%dma_start3A_427] : memref<10x!tpu.dma_semaphore, #tpu.memory_space<semaphore_mem>> -> memref<1x!tpu.dma_semaphore, #tpu.memory_space<semaphore_mem>>
    %dma_start3A_436 = tpu.memref_squeeze %dma_start3A_435 : memref<1x!tpu.dma_semaphore, #tpu.memory_space<semaphore_mem>> -> memref<!tpu.dma_semaphore, #tpu.memory_space<semaphore_mem>>
    %dma_start3A_437 = arith.constant 0 : i32
    %dma_start3A_438 = tpu.memref_slice %arg4[%dma_start3A_426, %add3A_424, %dma_start3A_437] : memref<50x4096x128xf32, #tpu.memory_space<hbm>> -> memref<1x64x128xf32, #tpu.memory_space<hbm>>
    %dma_start3A_439 = tpu.memref_squeeze %dma_start3A_438 : memref<1x64x128xf32, #tpu.memory_space<hbm>> -> memref<64x128xf32, #tpu.memory_space<hbm>>
    %dma_start3A_440 = arith.constant 0 : i32
    %dma_start3A_441 = arith.constant 0 : i32
    %dma_start3A_442 = tpu.memref_slice %arg6[%dma_start3A_425, %dma_start3A_440, %dma_start3A_441] : memref<10x64x128xf32, #tpu.memory_space<vmem>> -> memref<1x64x128xf32, #tpu.memory_space<vmem>>
    %dma_start3A_443 = tpu.memref_squeeze %dma_start3A_442 : memref<1x64x128xf32, #tpu.memory_space<vmem>> -> memref<64x128xf32, #tpu.memory_space<vmem>>
    tpu.enqueue_dma source(%dma_start3A_443 : memref<64x128xf32, #tpu.memory_space<vmem>>) target(%dma_start3A_439 : memref<64x128xf32, #tpu.memory_space<hbm>>) target_semaphore(%dma_start3A_436 : memref<!tpu.dma_semaphore, #tpu.memory_space<semaphore_mem>>)
    %dma_wait3A_444 = arith.constant 49 : i32
    %dma_wait3A_445 = arith.constant 8 : i32
    %dma_wait3A_446 = arith.constant 8 : i32
    %dma_wait3A_447 = arith.constant 0 : i32
    %dma_wait3A_448 = arith.constant 0 : i32
    %dma_wait3A_449 = tpu.memref_slice %arg6[%dma_wait3A_445, %dma_wait3A_447, %dma_wait3A_448] : memref<10x64x128xf32, #tpu.memory_space<vmem>> -> memref<1x64x128xf32, #tpu.memory_space<vmem>>
    %dma_wait3A_450 = tpu.memref_squeeze %dma_wait3A_449 : memref<1x64x128xf32, #tpu.memory_space<vmem>> -> memref<64x128xf32, #tpu.memory_space<vmem>>
    %dma_wait3A_451 = arith.constant 0 : i32
    %dma_wait3A_452 = tpu.memref_slice %arg5[%dma_wait3A_444, %dma_wait3A_451] : memref<50x128xi32, #tpu.memory_space<vmem>> -> memref<1x64xi32, #tpu.memory_space<vmem>>
    %dma_wait3A_453 = tpu.memref_squeeze %dma_wait3A_452 : memref<1x64xi32, #tpu.memory_space<vmem>> -> memref<64xi32, #tpu.memory_space<vmem>>
    %dma_wait3A_454 = arith.constant 0 : i32
    %dma_wait3A_455 = arith.constant 0 : i32
    %dma_wait3A_456 = tpu.memref_slice %arg3[%dma_wait3A_454, %dma_wait3A_455] : memref<100000x128xf32, #tpu.memory_space<hbm>> -> memref<100000x128xf32, #tpu.memory_space<hbm>>
    %dma_wait3A_457 = tpu.memref_slice %arg7[%dma_wait3A_446] : memref<10x!tpu.dma_semaphore, #tpu.memory_space<semaphore_mem>> -> memref<1x!tpu.dma_semaphore, #tpu.memory_space<semaphore_mem>>
    %dma_wait3A_458 = tpu.memref_squeeze %dma_wait3A_457 : memref<1x!tpu.dma_semaphore, #tpu.memory_space<semaphore_mem>> -> memref<!tpu.dma_semaphore, #tpu.memory_space<semaphore_mem>>
    tpu.wait_indirect_dma semaphore(%dma_wait3A_458 : memref<!tpu.dma_semaphore, #tpu.memory_space<semaphore_mem>>) src(%dma_wait3A_456 : memref<100000x128xf32, #tpu.memory_space<hbm>>) dst(%dma_wait3A_450 : memref<64x128xf32, #tpu.memory_space<vmem>>)
    %add3A_459 = arith.constant 0 : i32
    %add3A_460 = arith.addi %mul3A_2, %add3A_459 : i32
    %dma_start3A_461 = arith.constant 8 : i32
    %dma_start3A_462 = arith.constant 49 : i32
    %dma_start3A_463 = arith.constant 8 : i32
    %dma_start3A_464 = arith.constant 0 : i32
    %dma_start3A_465 = arith.constant 0 : i32
    %dma_start3A_466 = tpu.memref_slice %arg6[%dma_start3A_461, %dma_start3A_464, %dma_start3A_465] : memref<10x64x128xf32, #tpu.memory_space<vmem>> -> memref<1x64x128xf32, #tpu.memory_space<vmem>>
    %dma_start3A_467 = tpu.memref_squeeze %dma_start3A_466 : memref<1x64x128xf32, #tpu.memory_space<vmem>> -> memref<64x128xf32, #tpu.memory_space<vmem>>
    %dma_start3A_468 = arith.constant 0 : i32
    %dma_start3A_469 = tpu.memref_slice %arg4[%dma_start3A_462, %add3A_460, %dma_start3A_468] : memref<50x4096x128xf32, #tpu.memory_space<hbm>> -> memref<1x64x128xf32, #tpu.memory_space<hbm>>
    %dma_start3A_470 = tpu.memref_squeeze %dma_start3A_469 : memref<1x64x128xf32, #tpu.memory_space<hbm>> -> memref<64x128xf32, #tpu.memory_space<hbm>>
    %dma_start3A_471 = tpu.memref_slice %arg8[%dma_start3A_463] : memref<10x!tpu.dma_semaphore, #tpu.memory_space<semaphore_mem>> -> memref<1x!tpu.dma_semaphore, #tpu.memory_space<semaphore_mem>>
    %dma_start3A_472 = tpu.memref_squeeze %dma_start3A_471 : memref<1x!tpu.dma_semaphore, #tpu.memory_space<semaphore_mem>> -> memref<!tpu.dma_semaphore, #tpu.memory_space<semaphore_mem>>
    %dma_start3A_473 = arith.constant 0 : i32
    %dma_start3A_474 = tpu.memref_slice %arg4[%dma_start3A_462, %add3A_460, %dma_start3A_473] : memref<50x4096x128xf32, #tpu.memory_space<hbm>> -> memref<1x64x128xf32, #tpu.memory_space<hbm>>
    %dma_start3A_475 = tpu.memref_squeeze %dma_start3A_474 : memref<1x64x128xf32, #tpu.memory_space<hbm>> -> memref<64x128xf32, #tpu.memory_space<hbm>>
    %dma_start3A_476 = arith.constant 0 : i32
    %dma_start3A_477 = arith.constant 0 : i32
    %dma_start3A_478 = tpu.memref_slice %arg6[%dma_start3A_461, %dma_start3A_476, %dma_start3A_477] : memref<10x64x128xf32, #tpu.memory_space<vmem>> -> memref<1x64x128xf32, #tpu.memory_space<vmem>>
    %dma_start3A_479 = tpu.memref_squeeze %dma_start3A_478 : memref<1x64x128xf32, #tpu.memory_space<vmem>> -> memref<64x128xf32, #tpu.memory_space<vmem>>
    tpu.enqueue_dma source(%dma_start3A_479 : memref<64x128xf32, #tpu.memory_space<vmem>>) target(%dma_start3A_475 : memref<64x128xf32, #tpu.memory_space<hbm>>) target_semaphore(%dma_start3A_472 : memref<!tpu.dma_semaphore, #tpu.memory_space<semaphore_mem>>)
    %dma_wait3A_480 = arith.constant 49 : i32
    %dma_wait3A_481 = arith.constant 9 : i32
    %dma_wait3A_482 = arith.constant 9 : i32
    %dma_wait3A_483 = arith.constant 0 : i32
    %dma_wait3A_484 = arith.constant 0 : i32
    %dma_wait3A_485 = tpu.memref_slice %arg6[%dma_wait3A_481, %dma_wait3A_483, %dma_wait3A_484] : memref<10x64x128xf32, #tpu.memory_space<vmem>> -> memref<1x64x128xf32, #tpu.memory_space<vmem>>
    %dma_wait3A_486 = tpu.memref_squeeze %dma_wait3A_485 : memref<1x64x128xf32, #tpu.memory_space<vmem>> -> memref<64x128xf32, #tpu.memory_space<vmem>>
    %dma_wait3A_487 = arith.constant 64 : i32
    %dma_wait3A_488 = tpu.memref_slice %arg5[%dma_wait3A_480, %dma_wait3A_487] : memref<50x128xi32, #tpu.memory_space<vmem>> -> memref<1x64xi32, #tpu.memory_space<vmem>>
    %dma_wait3A_489 = tpu.memref_squeeze %dma_wait3A_488 : memref<1x64xi32, #tpu.memory_space<vmem>> -> memref<64xi32, #tpu.memory_space<vmem>>
    %dma_wait3A_490 = arith.constant 0 : i32
    %dma_wait3A_491 = arith.constant 0 : i32
    %dma_wait3A_492 = tpu.memref_slice %arg3[%dma_wait3A_490, %dma_wait3A_491] : memref<100000x128xf32, #tpu.memory_space<hbm>> -> memref<100000x128xf32, #tpu.memory_space<hbm>>
    %dma_wait3A_493 = tpu.memref_slice %arg7[%dma_wait3A_482] : memref<10x!tpu.dma_semaphore, #tpu.memory_space<semaphore_mem>> -> memref<1x!tpu.dma_semaphore, #tpu.memory_space<semaphore_mem>>
    %dma_wait3A_494 = tpu.memref_squeeze %dma_wait3A_493 : memref<1x!tpu.dma_semaphore, #tpu.memory_space<semaphore_mem>> -> memref<!tpu.dma_semaphore, #tpu.memory_space<semaphore_mem>>
    tpu.wait_indirect_dma semaphore(%dma_wait3A_494 : memref<!tpu.dma_semaphore, #tpu.memory_space<semaphore_mem>>) src(%dma_wait3A_492 : memref<100000x128xf32, #tpu.memory_space<hbm>>) dst(%dma_wait3A_486 : memref<64x128xf32, #tpu.memory_space<vmem>>)
    %add3A_495 = arith.constant 64 : i32
    %add3A_496 = arith.addi %mul3A_2, %add3A_495 : i32
    %dma_start3A_497 = arith.constant 9 : i32
    %dma_start3A_498 = arith.constant 49 : i32
    %dma_start3A_499 = arith.constant 9 : i32
    %dma_start3A_500 = arith.constant 0 : i32
    %dma_start3A_501 = arith.constant 0 : i32
    %dma_start3A_502 = tpu.memref_slice %arg6[%dma_start3A_497, %dma_start3A_500, %dma_start3A_501] : memref<10x64x128xf32, #tpu.memory_space<vmem>> -> memref<1x64x128xf32, #tpu.memory_space<vmem>>
    %dma_start3A_503 = tpu.memref_squeeze %dma_start3A_502 : memref<1x64x128xf32, #tpu.memory_space<vmem>> -> memref<64x128xf32, #tpu.memory_space<vmem>>
    %dma_start3A_504 = arith.constant 0 : i32
    %dma_start3A_505 = tpu.memref_slice %arg4[%dma_start3A_498, %add3A_496, %dma_start3A_504] : memref<50x4096x128xf32, #tpu.memory_space<hbm>> -> memref<1x64x128xf32, #tpu.memory_space<hbm>>
    %dma_start3A_506 = tpu.memref_squeeze %dma_start3A_505 : memref<1x64x128xf32, #tpu.memory_space<hbm>> -> memref<64x128xf32, #tpu.memory_space<hbm>>
    %dma_start3A_507 = tpu.memref_slice %arg8[%dma_start3A_499] : memref<10x!tpu.dma_semaphore, #tpu.memory_space<semaphore_mem>> -> memref<1x!tpu.dma_semaphore, #tpu.memory_space<semaphore_mem>>
    %dma_start3A_508 = tpu.memref_squeeze %dma_start3A_507 : memref<1x!tpu.dma_semaphore, #tpu.memory_space<semaphore_mem>> -> memref<!tpu.dma_semaphore, #tpu.memory_space<semaphore_mem>>
    %dma_start3A_509 = arith.constant 0 : i32
    %dma_start3A_510 = tpu.memref_slice %arg4[%dma_start3A_498, %add3A_496, %dma_start3A_509] : memref<50x4096x128xf32, #tpu.memory_space<hbm>> -> memref<1x64x128xf32, #tpu.memory_space<hbm>>
    %dma_start3A_511 = tpu.memref_squeeze %dma_start3A_510 : memref<1x64x128xf32, #tpu.memory_space<hbm>> -> memref<64x128xf32, #tpu.memory_space<hbm>>
    %dma_start3A_512 = arith.constant 0 : i32
    %dma_start3A_513 = arith.constant 0 : i32
    %dma_start3A_514 = tpu.memref_slice %arg6[%dma_start3A_497, %dma_start3A_512, %dma_start3A_513] : memref<10x64x128xf32, #tpu.memory_space<vmem>> -> memref<1x64x128xf32, #tpu.memory_space<vmem>>
    %dma_start3A_515 = tpu.memref_squeeze %dma_start3A_514 : memref<1x64x128xf32, #tpu.memory_space<vmem>> -> memref<64x128xf32, #tpu.memory_space<vmem>>
    tpu.enqueue_dma source(%dma_start3A_515 : memref<64x128xf32, #tpu.memory_space<vmem>>) target(%dma_start3A_511 : memref<64x128xf32, #tpu.memory_space<hbm>>) target_semaphore(%dma_start3A_508 : memref<!tpu.dma_semaphore, #tpu.memory_space<semaphore_mem>>)
    %add3A_516 = arith.constant 0 : i32
    %add3A_517 = arith.addi %mul3A_2, %add3A_516 : i32
    %dma_wait3A_518 = arith.constant 0 : i32
    %dma_wait3A_519 = arith.constant 45 : i32
    %dma_wait3A_520 = arith.constant 0 : i32
    %dma_wait3A_521 = arith.constant 0 : i32
    %dma_wait3A_522 = arith.constant 0 : i32
    %dma_wait3A_523 = tpu.memref_slice %arg6[%dma_wait3A_518, %dma_wait3A_521, %dma_wait3A_522] : memref<10x64x128xf32, #tpu.memory_space<vmem>> -> memref<1x64x128xf32, #tpu.memory_space<vmem>>
    %dma_wait3A_524 = tpu.memref_squeeze %dma_wait3A_523 : memref<1x64x128xf32, #tpu.memory_space<vmem>> -> memref<64x128xf32, #tpu.memory_space<vmem>>
    %dma_wait3A_525 = arith.constant 0 : i32
    %dma_wait3A_526 = tpu.memref_slice %arg4[%dma_wait3A_519, %add3A_517, %dma_wait3A_525] : memref<50x4096x128xf32, #tpu.memory_space<hbm>> -> memref<1x64x128xf32, #tpu.memory_space<hbm>>
    %dma_wait3A_527 = tpu.memref_squeeze %dma_wait3A_526 : memref<1x64x128xf32, #tpu.memory_space<hbm>> -> memref<64x128xf32, #tpu.memory_space<hbm>>
    %dma_wait3A_528 = tpu.memref_slice %arg8[%dma_wait3A_520] : memref<10x!tpu.dma_semaphore, #tpu.memory_space<semaphore_mem>> -> memref<1x!tpu.dma_semaphore, #tpu.memory_space<semaphore_mem>>
    %dma_wait3A_529 = tpu.memref_squeeze %dma_wait3A_528 : memref<1x!tpu.dma_semaphore, #tpu.memory_space<semaphore_mem>> -> memref<!tpu.dma_semaphore, #tpu.memory_space<semaphore_mem>>
    %dma_wait3A_530 = arith.constant 0 : i32
    %dma_wait3A_531 = tpu.memref_slice %arg4[%dma_wait3A_519, %add3A_517, %dma_wait3A_530] : memref<50x4096x128xf32, #tpu.memory_space<hbm>> -> memref<1x64x128xf32, #tpu.memory_space<hbm>>
    %dma_wait3A_532 = tpu.memref_squeeze %dma_wait3A_531 : memref<1x64x128xf32, #tpu.memory_space<hbm>> -> memref<64x128xf32, #tpu.memory_space<hbm>>
    %dma_wait3A_533 = arith.constant 0 : i32
    %dma_wait3A_534 = arith.constant 0 : i32
    %dma_wait3A_535 = tpu.memref_slice %arg6[%dma_wait3A_518, %dma_wait3A_533, %dma_wait3A_534] : memref<10x64x128xf32, #tpu.memory_space<vmem>> -> memref<1x64x128xf32, #tpu.memory_space<vmem>>
    %dma_wait3A_536 = tpu.memref_squeeze %dma_wait3A_535 : memref<1x64x128xf32, #tpu.memory_space<vmem>> -> memref<64x128xf32, #tpu.memory_space<vmem>>
    tpu.wait_dma2 semaphore(%dma_wait3A_529 : memref<!tpu.dma_semaphore, #tpu.memory_space<semaphore_mem>>) src(%dma_wait3A_536 : memref<64x128xf32, #tpu.memory_space<vmem>>) dst(%dma_wait3A_532 : memref<64x128xf32, #tpu.memory_space<hbm>>)
    %add3A_537 = arith.constant 64 : i32
    %add3A_538 = arith.addi %mul3A_2, %add3A_537 : i32
    %dma_wait3A_539 = arith.constant 1 : i32
    %dma_wait3A_540 = arith.constant 45 : i32
    %dma_wait3A_541 = arith.constant 1 : i32
    %dma_wait3A_542 = arith.constant 0 : i32
    %dma_wait3A_543 = arith.constant 0 : i32
    %dma_wait3A_544 = tpu.memref_slice %arg6[%dma_wait3A_539, %dma_wait3A_542, %dma_wait3A_543] : memref<10x64x128xf32, #tpu.memory_space<vmem>> -> memref<1x64x128xf32, #tpu.memory_space<vmem>>
    %dma_wait3A_545 = tpu.memref_squeeze %dma_wait3A_544 : memref<1x64x128xf32, #tpu.memory_space<vmem>> -> memref<64x128xf32, #tpu.memory_space<vmem>>
    %dma_wait3A_546 = arith.constant 0 : i32
    %dma_wait3A_547 = tpu.memref_slice %arg4[%dma_wait3A_540, %add3A_538, %dma_wait3A_546] : memref<50x4096x128xf32, #tpu.memory_space<hbm>> -> memref<1x64x128xf32, #tpu.memory_space<hbm>>
    %dma_wait3A_548 = tpu.memref_squeeze %dma_wait3A_547 : memref<1x64x128xf32, #tpu.memory_space<hbm>> -> memref<64x128xf32, #tpu.memory_space<hbm>>
    %dma_wait3A_549 = tpu.memref_slice %arg8[%dma_wait3A_541] : memref<10x!tpu.dma_semaphore, #tpu.memory_space<semaphore_mem>> -> memref<1x!tpu.dma_semaphore, #tpu.memory_space<semaphore_mem>>
    %dma_wait3A_550 = tpu.memref_squeeze %dma_wait3A_549 : memref<1x!tpu.dma_semaphore, #tpu.memory_space<semaphore_mem>> -> memref<!tpu.dma_semaphore, #tpu.memory_space<semaphore_mem>>
    %dma_wait3A_551 = arith.constant 0 : i32
    %dma_wait3A_552 = tpu.memref_slice %arg4[%dma_wait3A_540, %add3A_538, %dma_wait3A_551] : memref<50x4096x128xf32, #tpu.memory_space<hbm>> -> memref<1x64x128xf32, #tpu.memory_space<hbm>>
    %dma_wait3A_553 = tpu.memref_squeeze %dma_wait3A_552 : memref<1x64x128xf32, #tpu.memory_space<hbm>> -> memref<64x128xf32, #tpu.memory_space<hbm>>
    %dma_wait3A_554 = arith.constant 0 : i32
    %dma_wait3A_555 = arith.constant 0 : i32
    %dma_wait3A_556 = tpu.memref_slice %arg6[%dma_wait3A_539, %dma_wait3A_554, %dma_wait3A_555] : memref<10x64x128xf32, #tpu.memory_space<vmem>> -> memref<1x64x128xf32, #tpu.memory_space<vmem>>
    %dma_wait3A_557 = tpu.memref_squeeze %dma_wait3A_556 : memref<1x64x128xf32, #tpu.memory_space<vmem>> -> memref<64x128xf32, #tpu.memory_space<vmem>>
    tpu.wait_dma2 semaphore(%dma_wait3A_550 : memref<!tpu.dma_semaphore, #tpu.memory_space<semaphore_mem>>) src(%dma_wait3A_557 : memref<64x128xf32, #tpu.memory_space<vmem>>) dst(%dma_wait3A_553 : memref<64x128xf32, #tpu.memory_space<hbm>>)
    %add3A_558 = arith.constant 0 : i32
    %add3A_559 = arith.addi %mul3A_2, %add3A_558 : i32
    %dma_wait3A_560 = arith.constant 2 : i32
    %dma_wait3A_561 = arith.constant 46 : i32
    %dma_wait3A_562 = arith.constant 2 : i32
    %dma_wait3A_563 = arith.constant 0 : i32
    %dma_wait3A_564 = arith.constant 0 : i32
    %dma_wait3A_565 = tpu.memref_slice %arg6[%dma_wait3A_560, %dma_wait3A_563, %dma_wait3A_564] : memref<10x64x128xf32, #tpu.memory_space<vmem>> -> memref<1x64x128xf32, #tpu.memory_space<vmem>>
    %dma_wait3A_566 = tpu.memref_squeeze %dma_wait3A_565 : memref<1x64x128xf32, #tpu.memory_space<vmem>> -> memref<64x128xf32, #tpu.memory_space<vmem>>
    %dma_wait3A_567 = arith.constant 0 : i32
    %dma_wait3A_568 = tpu.memref_slice %arg4[%dma_wait3A_561, %add3A_559, %dma_wait3A_567] : memref<50x4096x128xf32, #tpu.memory_space<hbm>> -> memref<1x64x128xf32, #tpu.memory_space<hbm>>
    %dma_wait3A_569 = tpu.memref_squeeze %dma_wait3A_568 : memref<1x64x128xf32, #tpu.memory_space<hbm>> -> memref<64x128xf32, #tpu.memory_space<hbm>>
    %dma_wait3A_570 = tpu.memref_slice %arg8[%dma_wait3A_562] : memref<10x!tpu.dma_semaphore, #tpu.memory_space<semaphore_mem>> -> memref<1x!tpu.dma_semaphore, #tpu.memory_space<semaphore_mem>>
    %dma_wait3A_571 = tpu.memref_squeeze %dma_wait3A_570 : memref<1x!tpu.dma_semaphore, #tpu.memory_space<semaphore_mem>> -> memref<!tpu.dma_semaphore, #tpu.memory_space<semaphore_mem>>
    %dma_wait3A_572 = arith.constant 0 : i32
    %dma_wait3A_573 = tpu.memref_slice %arg4[%dma_wait3A_561, %add3A_559, %dma_wait3A_572] : memref<50x4096x128xf32, #tpu.memory_space<hbm>> -> memref<1x64x128xf32, #tpu.memory_space<hbm>>
    %dma_wait3A_574 = tpu.memref_squeeze %dma_wait3A_573 : memref<1x64x128xf32, #tpu.memory_space<hbm>> -> memref<64x128xf32, #tpu.memory_space<hbm>>
    %dma_wait3A_575 = arith.constant 0 : i32
    %dma_wait3A_576 = arith.constant 0 : i32
    %dma_wait3A_577 = tpu.memref_slice %arg6[%dma_wait3A_560, %dma_wait3A_575, %dma_wait3A_576] : memref<10x64x128xf32, #tpu.memory_space<vmem>> -> memref<1x64x128xf32, #tpu.memory_space<vmem>>
    %dma_wait3A_578 = tpu.memref_squeeze %dma_wait3A_577 : memref<1x64x128xf32, #tpu.memory_space<vmem>> -> memref<64x128xf32, #tpu.memory_space<vmem>>
    tpu.wait_dma2 semaphore(%dma_wait3A_571 : memref<!tpu.dma_semaphore, #tpu.memory_space<semaphore_mem>>) src(%dma_wait3A_578 : memref<64x128xf32, #tpu.memory_space<vmem>>) dst(%dma_wait3A_574 : memref<64x128xf32, #tpu.memory_space<hbm>>)
    %add3A_579 = arith.constant 64 : i32
    %add3A_580 = arith.addi %mul3A_2, %add3A_579 : i32
    %dma_wait3A_581 = arith.constant 3 : i32
    %dma_wait3A_582 = arith.constant 46 : i32
    %dma_wait3A_583 = arith.constant 3 : i32
    %dma_wait3A_584 = arith.constant 0 : i32
    %dma_wait3A_585 = arith.constant 0 : i32
    %dma_wait3A_586 = tpu.memref_slice %arg6[%dma_wait3A_581, %dma_wait3A_584, %dma_wait3A_585] : memref<10x64x128xf32, #tpu.memory_space<vmem>> -> memref<1x64x128xf32, #tpu.memory_space<vmem>>
    %dma_wait3A_587 = tpu.memref_squeeze %dma_wait3A_586 : memref<1x64x128xf32, #tpu.memory_space<vmem>> -> memref<64x128xf32, #tpu.memory_space<vmem>>
    %dma_wait3A_588 = arith.constant 0 : i32
    %dma_wait3A_589 = tpu.memref_slice %arg4[%dma_wait3A_582, %add3A_580, %dma_wait3A_588] : memref<50x4096x128xf32, #tpu.memory_space<hbm>> -> memref<1x64x128xf32, #tpu.memory_space<hbm>>
    %dma_wait3A_590 = tpu.memref_squeeze %dma_wait3A_589 : memref<1x64x128xf32, #tpu.memory_space<hbm>> -> memref<64x128xf32, #tpu.memory_space<hbm>>
    %dma_wait3A_591 = tpu.memref_slice %arg8[%dma_wait3A_583] : memref<10x!tpu.dma_semaphore, #tpu.memory_space<semaphore_mem>> -> memref<1x!tpu.dma_semaphore, #tpu.memory_space<semaphore_mem>>
    %dma_wait3A_592 = tpu.memref_squeeze %dma_wait3A_591 : memref<1x!tpu.dma_semaphore, #tpu.memory_space<semaphore_mem>> -> memref<!tpu.dma_semaphore, #tpu.memory_space<semaphore_mem>>
    %dma_wait3A_593 = arith.constant 0 : i32
    %dma_wait3A_594 = tpu.memref_slice %arg4[%dma_wait3A_582, %add3A_580, %dma_wait3A_593] : memref<50x4096x128xf32, #tpu.memory_space<hbm>> -> memref<1x64x128xf32, #tpu.memory_space<hbm>>
    %dma_wait3A_595 = tpu.memref_squeeze %dma_wait3A_594 : memref<1x64x128xf32, #tpu.memory_space<hbm>> -> memref<64x128xf32, #tpu.memory_space<hbm>>
    %dma_wait3A_596 = arith.constant 0 : i32
    %dma_wait3A_597 = arith.constant 0 : i32
    %dma_wait3A_598 = tpu.memref_slice %arg6[%dma_wait3A_581, %dma_wait3A_596, %dma_wait3A_597] : memref<10x64x128xf32, #tpu.memory_space<vmem>> -> memref<1x64x128xf32, #tpu.memory_space<vmem>>
    %dma_wait3A_599 = tpu.memref_squeeze %dma_wait3A_598 : memref<1x64x128xf32, #tpu.memory_space<vmem>> -> memref<64x128xf32, #tpu.memory_space<vmem>>
    tpu.wait_dma2 semaphore(%dma_wait3A_592 : memref<!tpu.dma_semaphore, #tpu.memory_space<semaphore_mem>>) src(%dma_wait3A_599 : memref<64x128xf32, #tpu.memory_space<vmem>>) dst(%dma_wait3A_595 : memref<64x128xf32, #tpu.memory_space<hbm>>)
    %add3A_600 = arith.constant 0 : i32
    %add3A_601 = arith.addi %mul3A_2, %add3A_600 : i32
    %dma_wait3A_602 = arith.constant 4 : i32
    %dma_wait3A_603 = arith.constant 47 : i32
    %dma_wait3A_604 = arith.constant 4 : i32
    %dma_wait3A_605 = arith.constant 0 : i32
    %dma_wait3A_606 = arith.constant 0 : i32
    %dma_wait3A_607 = tpu.memref_slice %arg6[%dma_wait3A_602, %dma_wait3A_605, %dma_wait3A_606] : memref<10x64x128xf32, #tpu.memory_space<vmem>> -> memref<1x64x128xf32, #tpu.memory_space<vmem>>
    %dma_wait3A_608 = tpu.memref_squeeze %dma_wait3A_607 : memref<1x64x128xf32, #tpu.memory_space<vmem>> -> memref<64x128xf32, #tpu.memory_space<vmem>>
    %dma_wait3A_609 = arith.constant 0 : i32
    %dma_wait3A_610 = tpu.memref_slice %arg4[%dma_wait3A_603, %add3A_601, %dma_wait3A_609] : memref<50x4096x128xf32, #tpu.memory_space<hbm>> -> memref<1x64x128xf32, #tpu.memory_space<hbm>>
    %dma_wait3A_611 = tpu.memref_squeeze %dma_wait3A_610 : memref<1x64x128xf32, #tpu.memory_space<hbm>> -> memref<64x128xf32, #tpu.memory_space<hbm>>
    %dma_wait3A_612 = tpu.memref_slice %arg8[%dma_wait3A_604] : memref<10x!tpu.dma_semaphore, #tpu.memory_space<semaphore_mem>> -> memref<1x!tpu.dma_semaphore, #tpu.memory_space<semaphore_mem>>
    %dma_wait3A_613 = tpu.memref_squeeze %dma_wait3A_612 : memref<1x!tpu.dma_semaphore, #tpu.memory_space<semaphore_mem>> -> memref<!tpu.dma_semaphore, #tpu.memory_space<semaphore_mem>>
    %dma_wait3A_614 = arith.constant 0 : i32
    %dma_wait3A_615 = tpu.memref_slice %arg4[%dma_wait3A_603, %add3A_601, %dma_wait3A_614] : memref<50x4096x128xf32, #tpu.memory_space<hbm>> -> memref<1x64x128xf32, #tpu.memory_space<hbm>>
    %dma_wait3A_616 = tpu.memref_squeeze %dma_wait3A_615 : memref<1x64x128xf32, #tpu.memory_space<hbm>> -> memref<64x128xf32, #tpu.memory_space<hbm>>
    %dma_wait3A_617 = arith.constant 0 : i32
    %dma_wait3A_618 = arith.constant 0 : i32
    %dma_wait3A_619 = tpu.memref_slice %arg6[%dma_wait3A_602, %dma_wait3A_617, %dma_wait3A_618] : memref<10x64x128xf32, #tpu.memory_space<vmem>> -> memref<1x64x128xf32, #tpu.memory_space<vmem>>
    %dma_wait3A_620 = tpu.memref_squeeze %dma_wait3A_619 : memref<1x64x128xf32, #tpu.memory_space<vmem>> -> memref<64x128xf32, #tpu.memory_space<vmem>>
    tpu.wait_dma2 semaphore(%dma_wait3A_613 : memref<!tpu.dma_semaphore, #tpu.memory_space<semaphore_mem>>) src(%dma_wait3A_620 : memref<64x128xf32, #tpu.memory_space<vmem>>) dst(%dma_wait3A_616 : memref<64x128xf32, #tpu.memory_space<hbm>>)
    %add3A_621 = arith.constant 64 : i32
    %add3A_622 = arith.addi %mul3A_2, %add3A_621 : i32
    %dma_wait3A_623 = arith.constant 5 : i32
    %dma_wait3A_624 = arith.constant 47 : i32
    %dma_wait3A_625 = arith.constant 5 : i32
    %dma_wait3A_626 = arith.constant 0 : i32
    %dma_wait3A_627 = arith.constant 0 : i32
    %dma_wait3A_628 = tpu.memref_slice %arg6[%dma_wait3A_623, %dma_wait3A_626, %dma_wait3A_627] : memref<10x64x128xf32, #tpu.memory_space<vmem>> -> memref<1x64x128xf32, #tpu.memory_space<vmem>>
    %dma_wait3A_629 = tpu.memref_squeeze %dma_wait3A_628 : memref<1x64x128xf32, #tpu.memory_space<vmem>> -> memref<64x128xf32, #tpu.memory_space<vmem>>
    %dma_wait3A_630 = arith.constant 0 : i32
    %dma_wait3A_631 = tpu.memref_slice %arg4[%dma_wait3A_624, %add3A_622, %dma_wait3A_630] : memref<50x4096x128xf32, #tpu.memory_space<hbm>> -> memref<1x64x128xf32, #tpu.memory_space<hbm>>
    %dma_wait3A_632 = tpu.memref_squeeze %dma_wait3A_631 : memref<1x64x128xf32, #tpu.memory_space<hbm>> -> memref<64x128xf32, #tpu.memory_space<hbm>>
    %dma_wait3A_633 = tpu.memref_slice %arg8[%dma_wait3A_625] : memref<10x!tpu.dma_semaphore, #tpu.memory_space<semaphore_mem>> -> memref<1x!tpu.dma_semaphore, #tpu.memory_space<semaphore_mem>>
    %dma_wait3A_634 = tpu.memref_squeeze %dma_wait3A_633 : memref<1x!tpu.dma_semaphore, #tpu.memory_space<semaphore_mem>> -> memref<!tpu.dma_semaphore, #tpu.memory_space<semaphore_mem>>
    %dma_wait3A_635 = arith.constant 0 : i32
    %dma_wait3A_636 = tpu.memref_slice %arg4[%dma_wait3A_624, %add3A_622, %dma_wait3A_635] : memref<50x4096x128xf32, #tpu.memory_space<hbm>> -> memref<1x64x128xf32, #tpu.memory_space<hbm>>
    %dma_wait3A_637 = tpu.memref_squeeze %dma_wait3A_636 : memref<1x64x128xf32, #tpu.memory_space<hbm>> -> memref<64x128xf32, #tpu.memory_space<hbm>>
    %dma_wait3A_638 = arith.constant 0 : i32
    %dma_wait3A_639 = arith.constant 0 : i32
    %dma_wait3A_640 = tpu.memref_slice %arg6[%dma_wait3A_623, %dma_wait3A_638, %dma_wait3A_639] : memref<10x64x128xf32, #tpu.memory_space<vmem>> -> memref<1x64x128xf32, #tpu.memory_space<vmem>>
    %dma_wait3A_641 = tpu.memref_squeeze %dma_wait3A_640 : memref<1x64x128xf32, #tpu.memory_space<vmem>> -> memref<64x128xf32, #tpu.memory_space<vmem>>
    tpu.wait_dma2 semaphore(%dma_wait3A_634 : memref<!tpu.dma_semaphore, #tpu.memory_space<semaphore_mem>>) src(%dma_wait3A_641 : memref<64x128xf32, #tpu.memory_space<vmem>>) dst(%dma_wait3A_637 : memref<64x128xf32, #tpu.memory_space<hbm>>)
    %add3A_642 = arith.constant 0 : i32
    %add3A_643 = arith.addi %mul3A_2, %add3A_642 : i32
    %dma_wait3A_644 = arith.constant 6 : i32
    %dma_wait3A_645 = arith.constant 48 : i32
    %dma_wait3A_646 = arith.constant 6 : i32
    %dma_wait3A_647 = arith.constant 0 : i32
    %dma_wait3A_648 = arith.constant 0 : i32
    %dma_wait3A_649 = tpu.memref_slice %arg6[%dma_wait3A_644, %dma_wait3A_647, %dma_wait3A_648] : memref<10x64x128xf32, #tpu.memory_space<vmem>> -> memref<1x64x128xf32, #tpu.memory_space<vmem>>
    %dma_wait3A_650 = tpu.memref_squeeze %dma_wait3A_649 : memref<1x64x128xf32, #tpu.memory_space<vmem>> -> memref<64x128xf32, #tpu.memory_space<vmem>>
    %dma_wait3A_651 = arith.constant 0 : i32
    %dma_wait3A_652 = tpu.memref_slice %arg4[%dma_wait3A_645, %add3A_643, %dma_wait3A_651] : memref<50x4096x128xf32, #tpu.memory_space<hbm>> -> memref<1x64x128xf32, #tpu.memory_space<hbm>>
    %dma_wait3A_653 = tpu.memref_squeeze %dma_wait3A_652 : memref<1x64x128xf32, #tpu.memory_space<hbm>> -> memref<64x128xf32, #tpu.memory_space<hbm>>
    %dma_wait3A_654 = tpu.memref_slice %arg8[%dma_wait3A_646] : memref<10x!tpu.dma_semaphore, #tpu.memory_space<semaphore_mem>> -> memref<1x!tpu.dma_semaphore, #tpu.memory_space<semaphore_mem>>
    %dma_wait3A_655 = tpu.memref_squeeze %dma_wait3A_654 : memref<1x!tpu.dma_semaphore, #tpu.memory_space<semaphore_mem>> -> memref<!tpu.dma_semaphore, #tpu.memory_space<semaphore_mem>>
    %dma_wait3A_656 = arith.constant 0 : i32
    %dma_wait3A_657 = tpu.memref_slice %arg4[%dma_wait3A_645, %add3A_643, %dma_wait3A_656] : memref<50x4096x128xf32, #tpu.memory_space<hbm>> -> memref<1x64x128xf32, #tpu.memory_space<hbm>>
    %dma_wait3A_658 = tpu.memref_squeeze %dma_wait3A_657 : memref<1x64x128xf32, #tpu.memory_space<hbm>> -> memref<64x128xf32, #tpu.memory_space<hbm>>
    %dma_wait3A_659 = arith.constant 0 : i32
    %dma_wait3A_660 = arith.constant 0 : i32
    %dma_wait3A_661 = tpu.memref_slice %arg6[%dma_wait3A_644, %dma_wait3A_659, %dma_wait3A_660] : memref<10x64x128xf32, #tpu.memory_space<vmem>> -> memref<1x64x128xf32, #tpu.memory_space<vmem>>
    %dma_wait3A_662 = tpu.memref_squeeze %dma_wait3A_661 : memref<1x64x128xf32, #tpu.memory_space<vmem>> -> memref<64x128xf32, #tpu.memory_space<vmem>>
    tpu.wait_dma2 semaphore(%dma_wait3A_655 : memref<!tpu.dma_semaphore, #tpu.memory_space<semaphore_mem>>) src(%dma_wait3A_662 : memref<64x128xf32, #tpu.memory_space<vmem>>) dst(%dma_wait3A_658 : memref<64x128xf32, #tpu.memory_space<hbm>>)
    %add3A_663 = arith.constant 64 : i32
    %add3A_664 = arith.addi %mul3A_2, %add3A_663 : i32
    %dma_wait3A_665 = arith.constant 7 : i32
    %dma_wait3A_666 = arith.constant 48 : i32
    %dma_wait3A_667 = arith.constant 7 : i32
    %dma_wait3A_668 = arith.constant 0 : i32
    %dma_wait3A_669 = arith.constant 0 : i32
    %dma_wait3A_670 = tpu.memref_slice %arg6[%dma_wait3A_665, %dma_wait3A_668, %dma_wait3A_669] : memref<10x64x128xf32, #tpu.memory_space<vmem>> -> memref<1x64x128xf32, #tpu.memory_space<vmem>>
    %dma_wait3A_671 = tpu.memref_squeeze %dma_wait3A_670 : memref<1x64x128xf32, #tpu.memory_space<vmem>> -> memref<64x128xf32, #tpu.memory_space<vmem>>
    %dma_wait3A_672 = arith.constant 0 : i32
    %dma_wait3A_673 = tpu.memref_slice %arg4[%dma_wait3A_666, %add3A_664, %dma_wait3A_672] : memref<50x4096x128xf32, #tpu.memory_space<hbm>> -> memref<1x64x128xf32, #tpu.memory_space<hbm>>
    %dma_wait3A_674 = tpu.memref_squeeze %dma_wait3A_673 : memref<1x64x128xf32, #tpu.memory_space<hbm>> -> memref<64x128xf32, #tpu.memory_space<hbm>>
    %dma_wait3A_675 = tpu.memref_slice %arg8[%dma_wait3A_667] : memref<10x!tpu.dma_semaphore, #tpu.memory_space<semaphore_mem>> -> memref<1x!tpu.dma_semaphore, #tpu.memory_space<semaphore_mem>>
    %dma_wait3A_676 = tpu.memref_squeeze %dma_wait3A_675 : memref<1x!tpu.dma_semaphore, #tpu.memory_space<semaphore_mem>> -> memref<!tpu.dma_semaphore, #tpu.memory_space<semaphore_mem>>
    %dma_wait3A_677 = arith.constant 0 : i32
    %dma_wait3A_678 = tpu.memref_slice %arg4[%dma_wait3A_666, %add3A_664, %dma_wait3A_677] : memref<50x4096x128xf32, #tpu.memory_space<hbm>> -> memref<1x64x128xf32, #tpu.memory_space<hbm>>
    %dma_wait3A_679 = tpu.memref_squeeze %dma_wait3A_678 : memref<1x64x128xf32, #tpu.memory_space<hbm>> -> memref<64x128xf32, #tpu.memory_space<hbm>>
    %dma_wait3A_680 = arith.constant 0 : i32
    %dma_wait3A_681 = arith.constant 0 : i32
    %dma_wait3A_682 = tpu.memref_slice %arg6[%dma_wait3A_665, %dma_wait3A_680, %dma_wait3A_681] : memref<10x64x128xf32, #tpu.memory_space<vmem>> -> memref<1x64x128xf32, #tpu.memory_space<vmem>>
    %dma_wait3A_683 = tpu.memref_squeeze %dma_wait3A_682 : memref<1x64x128xf32, #tpu.memory_space<vmem>> -> memref<64x128xf32, #tpu.memory_space<vmem>>
    tpu.wait_dma2 semaphore(%dma_wait3A_676 : memref<!tpu.dma_semaphore, #tpu.memory_space<semaphore_mem>>) src(%dma_wait3A_683 : memref<64x128xf32, #tpu.memory_space<vmem>>) dst(%dma_wait3A_679 : memref<64x128xf32, #tpu.memory_space<hbm>>)
    %add3A_684 = arith.constant 0 : i32
    %add3A_685 = arith.addi %mul3A_2, %add3A_684 : i32
    %dma_wait3A_686 = arith.constant 8 : i32
    %dma_wait3A_687 = arith.constant 49 : i32
    %dma_wait3A_688 = arith.constant 8 : i32
    %dma_wait3A_689 = arith.constant 0 : i32
    %dma_wait3A_690 = arith.constant 0 : i32
    %dma_wait3A_691 = tpu.memref_slice %arg6[%dma_wait3A_686, %dma_wait3A_689, %dma_wait3A_690] : memref<10x64x128xf32, #tpu.memory_space<vmem>> -> memref<1x64x128xf32, #tpu.memory_space<vmem>>
    %dma_wait3A_692 = tpu.memref_squeeze %dma_wait3A_691 : memref<1x64x128xf32, #tpu.memory_space<vmem>> -> memref<64x128xf32, #tpu.memory_space<vmem>>
    %dma_wait3A_693 = arith.constant 0 : i32
    %dma_wait3A_694 = tpu.memref_slice %arg4[%dma_wait3A_687, %add3A_685, %dma_wait3A_693] : memref<50x4096x128xf32, #tpu.memory_space<hbm>> -> memref<1x64x128xf32, #tpu.memory_space<hbm>>
    %dma_wait3A_695 = tpu.memref_squeeze %dma_wait3A_694 : memref<1x64x128xf32, #tpu.memory_space<hbm>> -> memref<64x128xf32, #tpu.memory_space<hbm>>
    %dma_wait3A_696 = tpu.memref_slice %arg8[%dma_wait3A_688] : memref<10x!tpu.dma_semaphore, #tpu.memory_space<semaphore_mem>> -> memref<1x!tpu.dma_semaphore, #tpu.memory_space<semaphore_mem>>
    %dma_wait3A_697 = tpu.memref_squeeze %dma_wait3A_696 : memref<1x!tpu.dma_semaphore, #tpu.memory_space<semaphore_mem>> -> memref<!tpu.dma_semaphore, #tpu.memory_space<semaphore_mem>>
    %dma_wait3A_698 = arith.constant 0 : i32
    %dma_wait3A_699 = tpu.memref_slice %arg4[%dma_wait3A_687, %add3A_685, %dma_wait3A_698] : memref<50x4096x128xf32, #tpu.memory_space<hbm>> -> memref<1x64x128xf32, #tpu.memory_space<hbm>>
    %dma_wait3A_700 = tpu.memref_squeeze %dma_wait3A_699 : memref<1x64x128xf32, #tpu.memory_space<hbm>> -> memref<64x128xf32, #tpu.memory_space<hbm>>
    %dma_wait3A_701 = arith.constant 0 : i32
    %dma_wait3A_702 = arith.constant 0 : i32
    %dma_wait3A_703 = tpu.memref_slice %arg6[%dma_wait3A_686, %dma_wait3A_701, %dma_wait3A_702] : memref<10x64x128xf32, #tpu.memory_space<vmem>> -> memref<1x64x128xf32, #tpu.memory_space<vmem>>
    %dma_wait3A_704 = tpu.memref_squeeze %dma_wait3A_703 : memref<1x64x128xf32, #tpu.memory_space<vmem>> -> memref<64x128xf32, #tpu.memory_space<vmem>>
    tpu.wait_dma2 semaphore(%dma_wait3A_697 : memref<!tpu.dma_semaphore, #tpu.memory_space<semaphore_mem>>) src(%dma_wait3A_704 : memref<64x128xf32, #tpu.memory_space<vmem>>) dst(%dma_wait3A_700 : memref<64x128xf32, #tpu.memory_space<hbm>>)
    %add3A_705 = arith.constant 64 : i32
    %add3A_706 = arith.addi %mul3A_2, %add3A_705 : i32
    %dma_wait3A_707 = arith.constant 9 : i32
    %dma_wait3A_708 = arith.constant 49 : i32
    %dma_wait3A_709 = arith.constant 9 : i32
    %dma_wait3A_710 = arith.constant 0 : i32
    %dma_wait3A_711 = arith.constant 0 : i32
    %dma_wait3A_712 = tpu.memref_slice %arg6[%dma_wait3A_707, %dma_wait3A_710, %dma_wait3A_711] : memref<10x64x128xf32, #tpu.memory_space<vmem>> -> memref<1x64x128xf32, #tpu.memory_space<vmem>>
    %dma_wait3A_713 = tpu.memref_squeeze %dma_wait3A_712 : memref<1x64x128xf32, #tpu.memory_space<vmem>> -> memref<64x128xf32, #tpu.memory_space<vmem>>
    %dma_wait3A_714 = arith.constant 0 : i32
    %dma_wait3A_715 = tpu.memref_slice %arg4[%dma_wait3A_708, %add3A_706, %dma_wait3A_714] : memref<50x4096x128xf32, #tpu.memory_space<hbm>> -> memref<1x64x128xf32, #tpu.memory_space<hbm>>
    %dma_wait3A_716 = tpu.memref_squeeze %dma_wait3A_715 : memref<1x64x128xf32, #tpu.memory_space<hbm>> -> memref<64x128xf32, #tpu.memory_space<hbm>>
    %dma_wait3A_717 = tpu.memref_slice %arg8[%dma_wait3A_709] : memref<10x!tpu.dma_semaphore, #tpu.memory_space<semaphore_mem>> -> memref<1x!tpu.dma_semaphore, #tpu.memory_space<semaphore_mem>>
    %dma_wait3A_718 = tpu.memref_squeeze %dma_wait3A_717 : memref<1x!tpu.dma_semaphore, #tpu.memory_space<semaphore_mem>> -> memref<!tpu.dma_semaphore, #tpu.memory_space<semaphore_mem>>
    %dma_wait3A_719 = arith.constant 0 : i32
    %dma_wait3A_720 = tpu.memref_slice %arg4[%dma_wait3A_708, %add3A_706, %dma_wait3A_719] : memref<50x4096x128xf32, #tpu.memory_space<hbm>> -> memref<1x64x128xf32, #tpu.memory_space<hbm>>
    %dma_wait3A_721 = tpu.memref_squeeze %dma_wait3A_720 : memref<1x64x128xf32, #tpu.memory_space<hbm>> -> memref<64x128xf32, #tpu.memory_space<hbm>>
    %dma_wait3A_722 = arith.constant 0 : i32
    %dma_wait3A_723 = arith.constant 0 : i32
    %dma_wait3A_724 = tpu.memref_slice %arg6[%dma_wait3A_707, %dma_wait3A_722, %dma_wait3A_723] : memref<10x64x128xf32, #tpu.memory_space<vmem>> -> memref<1x64x128xf32, #tpu.memory_space<vmem>>
    %dma_wait3A_725 = tpu.memref_squeeze %dma_wait3A_724 : memref<1x64x128xf32, #tpu.memory_space<vmem>> -> memref<64x128xf32, #tpu.memory_space<vmem>>
    tpu.wait_dma2 semaphore(%dma_wait3A_718 : memref<!tpu.dma_semaphore, #tpu.memory_space<semaphore_mem>>) src(%dma_wait3A_725 : memref<64x128xf32, #tpu.memory_space<vmem>>) dst(%dma_wait3A_721 : memref<64x128xf32, #tpu.memory_space<hbm>>)
    return
  }
}

</mosaic_0001>

<sc_bundles>
// kernel: kernel.3.cloned.1.call-start
scs
__scs_entry_jumppad:
0x0: {  	(pc) =	sbr.rel $0x88, $3  }
0x1: {  	(tag) =	ssettag $0x0;
	lr =	simm.s32 $0x1  }
0x2: {  	[smem:$0x3F9F] =	sst lr;
	_ =	strace $0xD0000000  }
0x3: {  	_ = 	snop  }
0x4: {  	_ = 	snop  }
0x5: {  	_ = 	snop  }
0x6: {  	_ = 	snop  }
0x7: {  	_ = 	snop  }
__scs_overlays_trampoline_lowered:
0x8: {  	[smem:$0x3FAE] =	sst s0  }
0x9: {  	[smem:$0x3FAF] =	sst s1  }
0xa: {  	[smem:$0x3FB0] =	sst s2  }
0xb: {  	[smem:$0x3FB1] =	sst s3  }
0xc: {  	[smem:$0x3FB2] =	sst s4  }
0xd: {  	[smem:$0x3FB3] =	sst s5  }
0xe: {  	[smem:$0x3FB4] =	sst s6  }
0xf: {  	[smem:$0x3FB5] =	sst s7  }
0x10: {  	[smem:$0x3FB6] =	sst s8  }
0x11: {  	[smem:$0x3FB7] =	sst s9;
	s0 =	simm.s32 @!p0 $0x0  }
0x12: {  	s1 =	sld [smem:$0x3F9D];
	s0 =	simm.s32 @p0 $0x1  }
0x13: {  	[smem:$0x3FB8] =	sst s0;
	s0 =	simm.s32 @!p1 $0x0  }
0x14: {  	s2 =	sld [smem:$0x3F9C];
	s0 =	simm.s32 @p1 $0x1  }
0x15: {  	[smem:$0x3FB9] =	sst s0;
	s0 =	simm.s32 @!p2 $0x0  }
0x16: {  	s3 =	sld [smem:$0x3FDB];
	s0 =	simm.s32 @p2 $0x1  }
0x17: {  	s4 =	simm.s32 $0x1BF5;
	[smem:$0x3FBB] =	sst s0  }
0x18: {  	s0 =	sld [smem:$0x3F9E];
	_ =	swait.ge [sflag:s4], $0x0  }
0x19: {  	s7 =	sld [smem:$0x3F9F]  }
0x1a: {  	s8 =	sadd.s32 $0xFFFFE003, lr  }
0x1b: {  	s9 =	sadd.s32 $0xFFFFFEF7, lr;
	s5 =	simm.s32 $0xFFFFFFFF;
	p2 =	slt.u32 s8, $0xFFFFF086  }
0x1c: {  	p1 =	slt.u32 s9, $0xF7A;
	s5 =	simm.s32 @!p2 $0x0  }
0x1d: {  	s5 =	simm.s32 @p1 $0x1;
	p0 =	seq.s32 s7, s2  }
0x1e: {  	s7 =	smul.u32 @!p0 $0xF7A, s2;
	p2 =	seq.s32 @!p0 s5, $0x0  }
0x1f: {  	s9 =	smul.u32 $0xF7A, s1;
	s8 =	simm.s32 @!p0 $0x1BF5;
	p2 =	por !p2, p0  }
0x20: {  	[sflag:s8] =	ssyncset.s32 @!p0 $0xFFFFF086;
	s6 =	sadd.s32 @!p0 s3, s7;
	s7 =	simm.s32 @!p0 $0x108  }
0x21: {  	s3 =	sadd.s32 s3, s9;
	s6 =	sadd.s32 @!p0 $0x88, s6;
	s7 =	simm.s32 @p2 $0x1082  }
0x22: {  	[simem:s7], [sflag:s8] =	dma.local @!p0 [hbm:s6], $0xF7A  }
0x23: {  	s9 =	sor.u32 $0xD0000000, s2;
	s6 =	simm.s32 $0x108;
	_ =	swait.ge @!p0 [sflag:s8], $0x0  }
0x24: {  	s3 =	sadd.s32 $0x88, s3;
	s6 =	simm.s32 @!p1 $0x1082;
	[sflag:s4] =	ssyncset.s32 $0xFFFFF086  }
0x25: {  	[simem:s6], [sflag:s4] =	dma.local [hbm:s3], $0xF7A  }
0x26: {  	[smem:$0x3F9F] =	sst s1;
	(tag) =	ssettag s2;
	_ =	strace s9  }
0x27: {  	s1 =	sld [smem:$0x3FAF]  }
0x28: {  	s2 =	sld [smem:$0x3FB0]  }
0x29: {  	s4 =	sld [smem:$0x3FB2]  }
0x2a: {  	p0 =	seq.s32 s5, $0x0;
	s5 =	sld [smem:$0x3FB3]  }
0x2b: {  	s6 =	sld [smem:$0x3FB4]  }
0x2c: {  	s7 =	sld [smem:$0x3FB5]  }
0x2d: {  	s3 =	simm.s32 $0x108;
	s8 =	sld [smem:$0x3FB6]  }
0x2e: {  	s3 =	simm.s32 @!p0 $0x1082;
	s9 =	sld [smem:$0x3FB7]  }
0x2f: {  	lr =	sadd.s32 s0, s3;
	s0 =	sld [smem:$0x3FAE]  }
0x30: {  	s3 =	sld [smem:$0x3FB1]  }
0x31: {  	[smem:$0x3FBA] =	sst s10  }
0x32: {  	s10 =	sld [smem:$0x3FB8];
	_ =	sdelay $0x3  }
0x33: {  	p0 =	seq.s32 s10, $0x1;
	s10 =	sld [smem:$0x3FBA];
	_ =	sdelay $0x3  }
0x34: {  	[smem:$0x3FBA] =	sst s10  }
0x35: {  	s10 =	sld [smem:$0x3FB9];
	_ =	sdelay $0x3  }
0x36: {  	p1 =	seq.s32 s10, $0x1;
	s10 =	sld [smem:$0x3FBA];
	_ =	sdelay $0x3  }
0x37: {  	[smem:$0x3FBA] =	sst s10  }
0x38: {  	s10 =	sld [smem:$0x3FBB]  }
0x39: {  	_ = 	snop;
	(pc) =	sbr.ind lr, $3  }
0x3a: {  	_ = 	snop  }
0x3b: {  	_ = 	snop  }
0x3c: {  	p2 =	seq.s32 s10, $0x1;
	s10 =	sld [smem:$0x3FBA]  }
0x3d: {  	_ =	shalt  }
0x3e: {  	_ =	shalt  }
0x3f: {  	_ =	shalt  }
0x40: {  	_ =	shalt  }
0x41: {  	_ =	shalt  }
0x42: {  	_ =	shalt  }
0x43: {  	_ =	shalt  }
0x44: {  	_ =	shalt  }
0x45: {  	_ =	shalt  }
0x46: {  	_ =	shalt  }
0x47: {  	_ =	shalt  }
0x48: {  	_ =	shalt  }
0x49: {  	_ =	shalt  }
0x4a: {  	_ =	shalt  }
0x4b: {  	_ =	shalt  }
0x4c: {  	_ =	shalt  }
0x4d: {  	_ =	shalt  }
0x4e: {  	_ =	shalt  }
0x4f: {  	_ =	shalt  }
0x50: {  	_ =	shalt  }
0x51: {  	_ =	shalt  }
0x52: {  	_ =	shalt  }
0x53: {  	_ =	shalt  }
0x54: {  	_ =	shalt  }
0x55: {  	_ =	shalt  }
0x56: {  	_ =	shalt  }
0x57: {  	_ =	shalt  }
0x58: {  	_ =	shalt  }
0x59: {  	_ =	shalt  }
0x5a: {  	_ =	shalt  }
0x5b: {  	_ =	shalt  }
0x5c: {  	_ =	shalt  }
0x5d: {  	_ =	shalt  }
0x5e: {  	_ =	shalt  }
0x5f: {  	_ =	shalt  }
0x60: {  	_ =	shalt  }
0x61: {  	_ =	shalt  }
0x62: {  	_ =	shalt  }
0x63: {  	_ =	shalt  }
0x64: {  	_ =	shalt  }
0x65: {  	_ =	shalt  }
0x66: {  	_ =	shalt  }
0x67: {  	_ =	shalt  }
0x68: {  	_ =	shalt  }
0x69: {  	_ =	shalt  }
0x6a: {  	_ =	shalt  }
0x6b: {  	_ =	shalt  }
0x6c: {  	_ =	shalt  }
0x6d: {  	_ =	shalt  }
0x6e: {  	_ =	shalt  }
0x6f: {  	_ =	shalt  }
0x70: {  	_ =	shalt  }
0x71: {  	_ =	shalt  }
0x72: {  	_ =	shalt  }
0x73: {  	_ =	shalt  }
0x74: {  	_ =	shalt  }
0x75: {  	_ =	shalt  }
0x76: {  	_ =	shalt  }
0x77: {  	_ =	shalt  }
0x78: {  	_ =	shalt  }
0x79: {  	_ =	shalt  }
0x7a: {  	_ =	shalt  }
0x7b: {  	_ =	shalt  }
0x7c: {  	_ =	shalt  }
0x7d: {  	_ =	shalt  }
0x7e: {  	_ =	shalt  }
0x7f: {  	_ =	shalt  }
0x80: {  	_ =	shalt  }
0x81: {  	_ =	shalt  }
0x82: {  	_ =	shalt  }
0x83: {  	_ =	shalt  }
0x84: {  	_ =	shalt  }
0x85: {  	_ =	shalt  }
0x86: {  	_ =	shalt  }
0x87: {  	_ =	shalt  }
.Lfunc_end0:
.L_simem_size_0:
called_computation_lowered:
.L_overlay_start_0:
0x88: {  	s2 =	sld [smem:$0x3FD9]  }
0x89: {  	s3 =	sld [smem:$0x3FFE];
	_ =	sdelay $0x1  }
0x8a: {  	s1 =	srdreg.scid  }
0x8b: {  	s0 =	sand.u32 $0x1, s1  }
0x8c: {  	s17 =	sshll.u32 s0, $0xA;
	s2 =	sadd.s32 s3, s2  }
0x8d: {  	s2 =	sadd.s32 s2, s17  }
0x8e: {  	[smem:$0x3FC6] =	sst s2  }
0x8f: {  	_ = 	snop  }
0x90: {  	s2 =	sld [smem:$0x3FC8]  }
0x91: {  	s18 =	sld [smem:$0x3FD0];
	(tm) =	ssettm $0x1  }
0x92: {  	s4 =	sld [smem:$0x3FFB];
	_ =	sdelay $0x3  }
0x93: {  	_ =	strace s4  }
0x94: {  	s4 =	sld [smem:$0x3FFC];
	_ =	sdelay $0x3  }
0x95: {  	_ =	strace s4  }
0x96: {  	s4 =	sld [smem:$0x3FFD];
	_ =	sdelay $0x3  }
0x97: {  	_ =	strace s4  }
0x98: {  	_ =	strace $0x8FFFFFFF  }
0x99: {  	s19 =	sld [smem:$0x3FDB];
	_ =	sdelay $0x1  }
0x9a: {  	s5 =	simm.s32 $_scs_section_size  }
0x9b: {  	s6 =	simm.s32 $_size__tile_overlayer_lowered;
	s7 =	simm.s32 $_tile_overlayer_lowered  }
0x9c: {  	s22 =	simm.s32 $0x1BFF;
	s21 =	sshll.u32 s7, $0x1;
	s4 =	sadd.s32 s5, s19  }
0x9d: {  	s8 =	simm.s32 $0x0;
	s20 =	sshll.u32 s6, $0x1;
	s6 =	sadd.s32 s21, s4  }
0x9e: {  	[timem:s8], [sflag:s22] =	dma.local [hbm:s6], s20  }
0x9f: {  	_ =	swait.ge [sflag:s22], s20  }
0xa0: {  	s5 =	ssub.s32 $0x0, s20;
	[sflag:s22] =	ssyncset.done $0x0  }
0xa1: {  	[sflag:s22] =	ssyncadd.s32 s5;
	_ =	sdelay $0x1  }
0xa2: {  	s23 =	simm.s32 $0x1B8B  }
0xa3: {  	_ =	swait.ge [sflag:s23], $0x1  }
0xa4: {  	[sflag:s23] =	ssyncset.done $0x0  }
0xa5: {  	s25 =	simm.s32 $0x1B8E;
	s24 =	sld [smem:$0x3FFE];
	[sflag:s23] =	ssyncadd.s32 $0xFFFFFFFF  }
0xa6: {  	s26 =	simm.s32 $execute0_lowered;
	[smem:$0x3FD2] =	sst s25  }
0xa7: {  	s6 =	sshll.u32 s26, $0x1;
	_ =	strace $0x80000046;
	[dreg:$0x1] =	wrdreg $0xFFFFFFFF  }
0xa8: {  	s28 =	simm.s32 $_size_execute0_lowered;
	s4 =	sadd.s32 s4, s6;
	[dreg:$0x0] =	wrdreg $0x0  }
0xa9: {  	s6 =	sshll.u32 s28, $0x1;
	[dreg:$0x2] =	wrdreg s4  }
0xaa: {  	[dreg:$0x3] =	wrdreg s6  }
0xab: {  	[dreg:$0x4] =	wrdreg $0xC0  }
0xac: {  	_ =	task [dreg:s8], $0x5FFFF  }
0xad: {  	[dreg:$0x1] =	wrdreg $0xFFFFFFFF  }
0xae: {  	[dreg:$0x0] =	wrdreg $0x60  }
0xaf: {  	[dreg:$0x2] =	wrdreg s24  }
0xb0: {  	[dreg:$0x3] =	wrdreg s2  }
0xb1: {  	[dreg:$0x4] =	wrdreg s18  }
0xb2: {  	[dreg:$0x5] =	wrdreg $0x9  }
0xb3: {  	_ =	task.clear_ibuf [dreg:s8], $0x6FFFF;
	_ =	strace $0x90000046  }
0xb4: {  	s29 =	simm.s32 $0x9;
	_ =	strace $0x80000048  }
0xb5: {  	_ =	swait.ge [sflag:s29], $0x1  }
0xb6: {  	[sflag:s29] =	ssyncadd.s32 $0xFFFFFFFF  }
0xb7: {  	_ =	strace $0x90000048  }
0xb8: {  	_ =	sfence  }
0xb9: {  	s30 =	sld [smem:$0x0];
	_ =	sdelay $0x2  }
0xba: {  	s31 =	sshll.u32 s1, $0xD;
	s1 =	sshrl.u32 s1, $0x2  }
0xbb: {  	s3 =	sand.u32 $0x4000, s31;
	s1 =	sadd.s32 s1, s30  }
0xbc: {  	s0 =	sor.u32 s3, s0;
	s1 =	sshll.u32 s1, $0x11  }
0xbd: {  	s0 =	sor.u32 s1, s0  }
0xbe: {  	s0 =	sadd.s32 $0x8F2B, s0  }
0xbf: {  	[sflag:s0] =	ssyncadd.remote.s32 $0x1  }
0xc0: {  	_ =	sfence.sel $0xFFFF  }
0xc1: {  	[dreg:$0x0] =	wrdreg $0xFFFFFFFF;
	(pc) =	sbr.abs _section_cstart, $3  }
0xc2: {  	[dreg:$0x1] =	wrdreg $0xFFFFFFFF  }
0xc3: {  	_ =	task.clear_ibuf [dreg:s8], $0x2FFFF;
	_ =	strace $0x9FFFFFFF  }
0xc4: {  	(tm) =	ssettm $0x7FFFFFFF  }
0xc5: {  	_ =	shalt  }
tec
execute0_lowered:
.L_overlay_start_1:
0x0: {  	(tag) =	ssettag $0x1  }
0x1: {  	s0 =	rddreg [dreg:$0x0]  }
0x2: {  	s2 =	rddreg [dreg:$0x1];
	s1 =	srdreg.scid  }
0x3: {  	s7 =	stileid.u32;
	s8 =	rddreg [dreg:$0x2];
	s4 =	simm.s32 $0x0  }
0x4: {  	s1 =	sand.u32 $0x1, s1;
	s3 =	sshll.u32 s7, $0x1;
	[smem:$0x7FF] =	sst s4  }
0x5: {  	s31 =	sshll.u32 s7, $0xF;
	s3 =	sor.u32 s1, s3;
	_ =	strace $0x80000047  }
0x6: {  	s6 =	ssub.s32 $0x2, s1;
	s1 =	sshll.u32 s1, $0xE;
	s5 =	smul.u32 $0x380, s3  }
0x7: {  	s26 =	sshrl.u32 s6, $0x1;
	s3 =	sshll.u32 s3, $0xB;
	s1 =	sor.u32 s1, s31  }
0x8: {  	s13 =	sor.u32 $0x200000, s1;
	s15 =	sor.u32 $0x182000, s1;
	s31 =	sshrl.u32 s1, $0x3  }
0x9: {  	s17 =	sor.u32 $0x180000, s1;
	s14 =	sshrl.u32 s13, $0x3;
	[dreg:$0xd] =	wrdreg s31  }
0xa: {  	s19 =	sor.u32 $0x102000, s1;
	s16 =	sshrl.u32 s15, $0x3;
	[dreg:$0x5] =	wrdreg s14  }
0xb: {  	s21 =	sor.u32 $0x100000, s1;
	s18 =	sshrl.u32 s17, $0x3;
	[dreg:$0x6] =	wrdreg s16  }
0xc: {  	s23 =	sor.u32 $0x82000, s1;
	s20 =	sshrl.u32 s19, $0x3;
	[dreg:$0x7] =	wrdreg s18  }
0xd: {  	s25 =	sor.u32 $0x80000, s1;
	s22 =	sshrl.u32 s21, $0x3;
	[dreg:$0x8] =	wrdreg s20  }
0xe: {  	s0 =	sadd.s32 s5, s0;
	s24 =	sshrl.u32 s23, $0x3;
	[dreg:$0x9] =	wrdreg s22  }
0xf: {  	s5 =	ssub.s32 s6, s26;
	s0 =	sadd.s32 $0x400, s0;
	[dreg:$0xa] =	wrdreg s24  }
0x10: {  	s26 =	sshrl.u32 s25, $0x3;
	[dreg:$0xe] =	wrdreg s0;
	s0 =	sadd.s32 s3, s8  }
0x11: {  	s11 =	sor.u32 $0x202000, s1;
	[dreg:$0xb] =	wrdreg s26;
	s3 =	sadd.s32 $0x2D0000, s0  }
0x12: {  	s13 =	simm.s32 $0xD;
	s28 =	sadd.s32 $0x2D0400, s0;
	[dreg:$0xf] =	wrdreg s3  }
0x13: {  	s15 =	simm.s32 $0xF;
	s29 =	sadd.s32 $0x2E0000, s0;
	[dreg:$0x10] =	wrdreg s28  }
0x14: {  	s17 =	simm.s32 $0x11;
	s30 =	sadd.s32 $0x2E0400, s0;
	[dreg:$0x11] =	wrdreg s29  }
0x15: {  	s19 =	simm.s32 $0x13;
	s7 =	sadd.s32 $0x2F0000, s0;
	[dreg:$0x12] =	wrdreg s30  }
0x16: {  	s18 =	simm.s32 $0x40;
	s8 =	sadd.s32 $0x2F0400, s0;
	[dreg:$0x13] =	wrdreg s7  }
0x17: {  	s14 =	simm.s32 $0xE;
	s9 =	sadd.s32 $0x300000, s0;
	[dreg:$0x14] =	wrdreg s8  }
0x18: {  	s16 =	simm.s32 $0x10;
	s10 =	sadd.s32 $0x300400, s0;
	[dreg:$0x15] =	wrdreg s9  }
0x19: {  	s20 =	simm.s32 $0x14;
	s12 =	sadd.s32 $0x310000, s0;
	[dreg:$0x16] =	wrdreg s10  }
0x1a: {  	s0 =	sadd.s32 $0x310400, s0;
	[dreg:$0x17] =	wrdreg s12;
	s3 =	sshrl.u32 s11, $0x3  }
0x1b: {  	s28 =	sor.u32 $0x2000, s1;
	[dreg:$0x18] =	wrdreg s0;
	s30 =	smax.u32 s5, $0x1  }
0x1c: {  	s7 =	simm.s32 $0x7;
	s8 =	simm.s32 $0x8;
	s9 =	simm.s32 $0x9  }
0x1d: {  	s10 =	simm.s32 $0xA;
	s11 =	simm.s32 $0xB;
	[dreg:$0x4] =	wrdreg s3  }
0x1e: {  	s12 =	simm.s32 $0xC;
	s29 =	sshrl.u32 s28, $0x3;
	[dreg:$0x19] =	wrdreg s30  }
0x1f: {  	s0 =	simm.s32 $0x0;
	s3 =	simm.s32 $0x12;
	[dreg:$0xc] =	wrdreg s29  }
.LBB2_1:
0x20: {  	[dreg:$0x1a] =	wrdreg s0  }
0x21: {  	s22 =	rddreg [dreg:$0xe];
	s26 =	simm.s32 $0x15  }
0x22: {  	[tilespmem:s4], [sflag:$0x15] =	stream.linear.gather [hbm4b:s22+s4], $0x1900, $0x38;
	[tilespmem:$0x15C00] =	vst v63  }
0x23: {  	_ =	swait.ge [sflag:s26], $0x1900  }
0x24: {  	[sflag:s26] =	ssyncset.done $0x0  }
0x25: {  	s0 =	simm.s32 $0x1C00;
	[sflag:s26] =	ssyncadd.s32 $0xFFFFE700  }
0x26: {  	[tilespmem:s0], [sflag:$0x1] =	stream.indirect.gather [hbm4b:s2+s18], $0x80, s4, s18, $0xb8;
	[tilespmem:$0x15C00] =	vst v63  }
0x27: {  	s23 =	simm.s32 $0x3C00  }
0x28: {  	[tilespmem:s23], [sflag:$0x2] =	stream.indirect.gather [hbm4b:s2+s18], $0x80, s18, s18, $0xb8;
	[tilespmem:$0x15C00] =	vst v63  }
0x29: {  	s28 =	simm.s32 $0x80;
	s26 =	simm.s32 $0x5C00  }
0x2a: {  	[tilespmem:s26], [sflag:$0x3] =	stream.indirect.gather [hbm4b:s2+s18], $0x80, s28, s18, $0xb8;
	[tilespmem:$0x15C00] =	vst v63  }
0x2b: {  	s29 =	simm.s32 $0xC0;
	s28 =	simm.s32 $0x7C00  }
0x2c: {  	[tilespmem:s28], [sflag:$0x4] =	stream.indirect.gather [hbm4b:s2+s18], $0x80, s29, s18, $0xb8;
	[tilespmem:$0x15C00] =	vst v63  }
0x2d: {  	s30 =	simm.s32 $0x100;
	s1 =	simm.s32 $0x9C00  }
0x2e: {  	[tilespmem:s1], [sflag:$0x5] =	stream.indirect.gather [hbm4b:s2+s18], $0x80, s30, s18, $0xb8;
	[tilespmem:$0x15C00] =	vst v63  }
0x2f: {  	s31 =	simm.s32 $0x140;
	s21 =	simm.s32 $0xBC00  }
0x30: {  	[tilespmem:s21], [sflag:$0x6] =	stream.indirect.gather [hbm4b:s2+s18], $0x80, s31, s18, $0xb8;
	[tilespmem:$0x15C00] =	vst v63  }
0x31: {  	s5 =	simm.s32 $0x180;
	s25 =	simm.s32 $0xDC00  }
0x32: {  	[tilespmem:s25], [sflag:$0x7] =	stream.indirect.gather [hbm4b:s2+s18], $0x80, s5, s18, $0xb8;
	[tilespmem:$0x15C00] =	vst v63  }
0x33: {  	s6 =	simm.s32 $0x1C0;
	s29 =	simm.s32 $0xFC00  }
0x34: {  	[tilespmem:s29], [sflag:$0x8] =	stream.indirect.gather [hbm4b:s2+s18], $0x80, s6, s18, $0xb8;
	[tilespmem:$0x15C00] =	vst v63  }
0x35: {  	s30 =	simm.s32 $0x11C00;
	s5 =	simm.s32 $0x200  }
0x36: {  	[tilespmem:s30], [sflag:$0x9] =	stream.indirect.gather [hbm4b:s2+s18], $0x80, s5, s18, $0xb8;
	[tilespmem:$0x15C00] =	vst v63  }
0x37: {  	s24 =	simm.s32 $0x1;
	s22 =	simm.s32 $0x240;
	s6 =	simm.s32 $0x13C00  }
0x38: {  	[tilespmem:s6], [sflag:$0xA] =	stream.indirect.gather [hbm4b:s2+s18], $0x80, s22, s18, $0xb8;
	[tilespmem:$0x15C00] =	vst v63  }
0x39: {  	_ =	swait.ge [sflag:s24], $0x2000  }
0x3a: {  	[sflag:s24] =	ssyncset.done $0x0  }
0x3b: {  	s31 =	rddreg [dreg:$0xd];
	[sflag:s24] =	ssyncadd.s32 $0xFFFFE000  }
0x3c: {  	s24 =	rddreg [dreg:$0x2]  }
0x3d: {  	s22 =	sadd.s32 s24, s31  }
0x3e: {  	[hbm4b:s22+s4] =	stream.linear.scatter [tilespmem:s0], [sflag:$0xB], $0x2000, $0x38;
	[tilespmem:$0x15C00] =	vst v63  }
0x3f: {  	s22 =	simm.s32 $0x2  }
0x40: {  	_ =	swait.ge [sflag:s22], $0x2000  }
0x41: {  	s31 =	rddreg [dreg:$0xc];
	[sflag:s22] =	ssyncset.done $0x0  }
0x42: {  	[sflag:s22] =	ssyncadd.s32 $0xFFFFE000;
	s22 =	sadd.s32 s24, s31  }
0x43: {  	[hbm4b:s22+s4] =	stream.linear.scatter [tilespmem:s23], [sflag:$0xC], $0x2000, $0x38;
	[tilespmem:$0x15C00] =	vst v63  }
0x44: {  	s22 =	simm.s32 $0x3  }
0x45: {  	_ =	swait.ge [sflag:s22], $0x2000  }
0x46: {  	s31 =	rddreg [dreg:$0xb];
	[sflag:s22] =	ssyncset.done $0x0  }
0x47: {  	[sflag:s22] =	ssyncadd.s32 $0xFFFFE000;
	s22 =	sadd.s32 s24, s31  }
0x48: {  	[hbm4b:s22+s4] =	stream.linear.scatter [tilespmem:s26], [sflag:$0xD], $0x2000, $0x38;
	[tilespmem:$0x15C00] =	vst v63  }
0x49: {  	s22 =	simm.s32 $0x4  }
0x4a: {  	_ =	swait.ge [sflag:s22], $0x2000  }
0x4b: {  	s31 =	rddreg [dreg:$0xa];
	[sflag:s22] =	ssyncset.done $0x0  }
0x4c: {  	[sflag:s22] =	ssyncadd.s32 $0xFFFFE000;
	s22 =	sadd.s32 s24, s31  }
0x4d: {  	[hbm4b:s22+s4] =	stream.linear.scatter [tilespmem:s28], [sflag:$0xE], $0x2000, $0x38;
	[tilespmem:$0x15C00] =	vst v63  }
0x4e: {  	s22 =	simm.s32 $0x5  }
0x4f: {  	_ =	swait.ge [sflag:s22], $0x2000  }
0x50: {  	s31 =	rddreg [dreg:$0x9];
	[sflag:s22] =	ssyncset.done $0x0  }
0x51: {  	[sflag:s22] =	ssyncadd.s32 $0xFFFFE000;
	s22 =	sadd.s32 s24, s31  }
0x52: {  	[hbm4b:s22+s4] =	stream.linear.scatter [tilespmem:s1], [sflag:$0xF], $0x2000, $0x38;
	[tilespmem:$0x15C00] =	vst v63  }
0x53: {  	s22 =	simm.s32 $0x6  }
0x54: {  	_ =	swait.ge [sflag:s22], $0x2000  }
0x55: {  	s31 =	rddreg [dreg:$0x8];
	[sflag:s22] =	ssyncset.done $0x0  }
0x56: {  	[sflag:s22] =	ssyncadd.s32 $0xFFFFE000;
	s22 =	sadd.s32 s24, s31  }
0x57: {  	[hbm4b:s22+s4] =	stream.linear.scatter [tilespmem:s21], [sflag:$0x10], $0x2000, $0x38;
	[tilespmem:$0x15C00] =	vst v63  }
0x58: {  	_ =	swait.ge [sflag:s7], $0x2000  }
0x59: {  	s31 =	rddreg [dreg:$0x7];
	[sflag:s7] =	ssyncset.done $0x0  }
0x5a: {  	[sflag:s7] =	ssyncadd.s32 $0xFFFFE000;
	s22 =	sadd.s32 s24, s31  }
0x5b: {  	[hbm4b:s22+s4] =	stream.linear.scatter [tilespmem:s25], [sflag:$0x11], $0x2000, $0x38;
	[tilespmem:$0x15C00] =	vst v63  }
0x5c: {  	_ =	swait.ge [sflag:s8], $0x2000  }
0x5d: {  	s5 =	rddreg [dreg:$0x6];
	[sflag:s8] =	ssyncset.done $0x0  }
0x5e: {  	[sflag:s8] =	ssyncadd.s32 $0xFFFFE000;
	s22 =	sadd.s32 s24, s5  }
0x5f: {  	[hbm4b:s22+s4] =	stream.linear.scatter [tilespmem:s29], [sflag:$0x12], $0x2000, $0x38;
	[tilespmem:$0x15C00] =	vst v63  }
0x60: {  	_ =	swait.ge [sflag:s9], $0x2000  }
0x61: {  	s31 =	rddreg [dreg:$0x5];
	[sflag:s9] =	ssyncset.done $0x0  }
0x62: {  	[sflag:s9] =	ssyncadd.s32 $0xFFFFE000;
	s22 =	sadd.s32 s24, s31  }
0x63: {  	[hbm4b:s22+s4] =	stream.linear.scatter [tilespmem:s30], [sflag:$0x13], $0x2000, $0x38;
	[tilespmem:$0x15C00] =	vst v63  }
0x64: {  	_ =	swait.ge [sflag:s10], $0x2000  }
0x65: {  	s5 =	rddreg [dreg:$0x4];
	[sflag:s10] =	ssyncset.done $0x0  }
0x66: {  	[sflag:s10] =	ssyncadd.s32 $0xFFFFE000;
	s22 =	sadd.s32 s24, s5  }
0x67: {  	[hbm4b:s22+s4] =	stream.linear.scatter [tilespmem:s6], [sflag:$0x14], $0x2000, $0x38;
	[tilespmem:$0x15C00] =	vst v63  }
0x68: {  	_ =	swait.ge [sflag:s11], $0x2000  }
0x69: {  	[sflag:s11] =	ssyncset.done $0x0  }
0x6a: {  	s6 =	simm.s32 $0x280;
	[sflag:s11] =	ssyncadd.s32 $0xFFFFE000  }
0x6b: {  	[tilespmem:s0], [sflag:$0x1] =	stream.indirect.gather [hbm4b:s2+s18], $0x80, s6, s18, $0xb8;
	[tilespmem:$0x15C00] =	vst v63  }
0x6c: {  	_ =	swait.ge [sflag:s12], $0x2000  }
0x6d: {  	[sflag:s12] =	ssyncset.done $0x0  }
0x6e: {  	s31 =	simm.s32 $0x2C0;
	[sflag:s12] =	ssyncadd.s32 $0xFFFFE000  }
0x6f: {  	[tilespmem:s23], [sflag:$0x2] =	stream.indirect.gather [hbm4b:s2+s18], $0x80, s31, s18, $0xb8;
	[tilespmem:$0x15C00] =	vst v63  }
0x70: {  	_ =	swait.ge [sflag:s13], $0x2000  }
0x71: {  	[sflag:s13] =	ssyncset.done $0x0  }
0x72: {  	s0 =	simm.s32 $0x300;
	[sflag:s13] =	ssyncadd.s32 $0xFFFFE000  }
0x73: {  	[tilespmem:s26], [sflag:$0x3] =	stream.indirect.gather [hbm4b:s2+s18], $0x80, s0, s18, $0xb8;
	[tilespmem:$0x15C00] =	vst v63  }
0x74: {  	_ =	swait.ge [sflag:s14], $0x2000  }
0x75: {  	[sflag:s14] =	ssyncset.done $0x0  }
0x76: {  	s5 =	simm.s32 $0x340;
	[sflag:s14] =	ssyncadd.s32 $0xFFFFE000  }
0x77: {  	[tilespmem:s28], [sflag:$0x4] =	stream.indirect.gather [hbm4b:s2+s18], $0x80, s5, s18, $0xb8;
	[tilespmem:$0x15C00] =	vst v63  }
0x78: {  	_ =	swait.ge [sflag:s15], $0x2000  }
0x79: {  	[sflag:s15] =	ssyncset.done $0x0  }
0x7a: {  	s6 =	simm.s32 $0x380;
	[sflag:s15] =	ssyncadd.s32 $0xFFFFE000  }
0x7b: {  	[tilespmem:s1], [sflag:$0x5] =	stream.indirect.gather [hbm4b:s2+s18], $0x80, s6, s18, $0xb8;
	[tilespmem:$0x15C00] =	vst v63  }
0x7c: {  	_ =	swait.ge [sflag:s16], $0x2000  }
0x7d: {  	[sflag:s16] =	ssyncset.done $0x0  }
0x7e: {  	s23 =	simm.s32 $0x3C0;
	[sflag:s16] =	ssyncadd.s32 $0xFFFFE000  }
0x7f: {  	[tilespmem:s21], [sflag:$0x6] =	stream.indirect.gather [hbm4b:s2+s18], $0x80, s23, s18, $0xb8;
	[tilespmem:$0x15C00] =	vst v63  }
0x80: {  	_ =	swait.ge [sflag:s17], $0x2000  }
0x81: {  	[sflag:s17] =	ssyncset.done $0x0  }
0x82: {  	s26 =	simm.s32 $0x400;
	[sflag:s17] =	ssyncadd.s32 $0xFFFFE000  }
0x83: {  	[tilespmem:s25], [sflag:$0x7] =	stream.indirect.gather [hbm4b:s2+s18], $0x80, s26, s18, $0xb8;
	[tilespmem:$0x15C00] =	vst v63  }
0x84: {  	_ =	swait.ge [sflag:s3], $0x2000  }
0x85: {  	[sflag:s3] =	ssyncset.done $0x0  }
0x86: {  	s28 =	simm.s32 $0x440;
	[sflag:s3] =	ssyncadd.s32 $0xFFFFE000  }
0x87: {  	[tilespmem:s29], [sflag:$0x8] =	stream.indirect.gather [hbm4b:s2+s18], $0x80, s28, s18, $0xb8;
	[tilespmem:$0x15C00] =	vst v63  }
0x88: {  	_ =	swait.ge [sflag:s19], $0x2000  }
0x89: {  	[sflag:s19] =	ssyncset.done $0x0  }
0x8a: {  	s31 =	simm.s32 $0x480;
	[sflag:s19] =	ssyncadd.s32 $0xFFFFE000  }
0x8b: {  	[tilespmem:s30], [sflag:$0x9] =	stream.indirect.gather [hbm4b:s2+s18], $0x80, s31, s18, $0xb8;
	[tilespmem:$0x15C00] =	vst v63  }
0x8c: {  	_ =	swait.ge [sflag:s20], $0x2000  }
0x8d: {  	s24 =	sadd.s32 $0x50000, s24;
	[sflag:s20] =	ssyncset.done $0x0  }
0x8e: {  	s22 =	simm.s32 $0xA00;
	s26 =	simm.s32 $0x4C0;
	[sflag:s20] =	ssyncadd.s32 $0xFFFFE000  }
.LBB2_2:
0x8f: {  	s0 =	simm.s32 $0x13C00;
	s1 =	simm.s32 $0x1  }
0x90: {  	[tilespmem:s0], [sflag:$0xA] =	stream.indirect.gather [hbm4b:s2+s18], $0x80, s26, s18, $0xb8;
	[tilespmem:$0x15C00] =	vst v63  }
0x91: {  	_ =	swait.ge [sflag:s1], $0x2000  }
0x92: {  	s31 =	simm.s32 $0x1C00;
	s29 =	rddreg [dreg:$0xd];
	[sflag:s1] =	ssyncset.done $0x0  }
0x93: {  	s23 =	simm.s32 $0x2;
	[sflag:s1] =	ssyncadd.s32 $0xFFFFE000;
	s29 =	sadd.s32 s24, s29  }
0x94: {  	[hbm4b:s29+s4] =	stream.linear.scatter [tilespmem:s31], [sflag:$0xB], $0x2000, $0x38;
	[tilespmem:$0x15C00] =	vst v63  }
0x95: {  	_ =	swait.ge [sflag:s23], $0x2000  }
0x96: {  	s5 =	simm.s32 $0x3;
	s25 =	rddreg [dreg:$0xc];
	[sflag:s23] =	ssyncset.done $0x0  }
0x97: {  	[sflag:s23] =	ssyncadd.s32 $0xFFFFE000;
	s29 =	sadd.s32 s24, s25;
	s23 =	simm.s32 $0x3C00  }
0x98: {  	[hbm4b:s29+s4] =	stream.linear.scatter [tilespmem:s23], [sflag:$0xC], $0x2000, $0x38;
	[tilespmem:$0x15C00] =	vst v63  }
0x99: {  	_ =	swait.ge [sflag:s5], $0x2000  }
0x9a: {  	s28 =	simm.s32 $0x5C00;
	s6 =	rddreg [dreg:$0xb];
	[sflag:s5] =	ssyncset.done $0x0  }
0x9b: {  	s21 =	simm.s32 $0x4;
	[sflag:s5] =	ssyncadd.s32 $0xFFFFE000;
	s29 =	sadd.s32 s24, s6  }
0x9c: {  	[hbm4b:s29+s4] =	stream.linear.scatter [tilespmem:s28], [sflag:$0xD], $0x2000, $0x38;
	[tilespmem:$0x15C00] =	vst v63  }
0x9d: {  	_ =	swait.ge [sflag:s21], $0x2000  }
0x9e: {  	s30 =	simm.s32 $0x7C00;
	s25 =	rddreg [dreg:$0xa];
	[sflag:s21] =	ssyncset.done $0x0  }
0x9f: {  	s5 =	simm.s32 $0x5;
	[sflag:s21] =	ssyncadd.s32 $0xFFFFE000;
	s29 =	sadd.s32 s24, s25  }
0xa0: {  	[hbm4b:s29+s4] =	stream.linear.scatter [tilespmem:s30], [sflag:$0xE], $0x2000, $0x38;
	[tilespmem:$0x15C00] =	vst v63  }
0xa1: {  	_ =	swait.ge [sflag:s5], $0x2000  }
0xa2: {  	s1 =	simm.s32 $0x9C00;
	s6 =	rddreg [dreg:$0x9];
	[sflag:s5] =	ssyncset.done $0x0  }
0xa3: {  	[sflag:s5] =	ssyncadd.s32 $0xFFFFE000;
	s29 =	sadd.s32 s24, s6;
	s5 =	simm.s32 $0x6  }
0xa4: {  	[hbm4b:s29+s4] =	stream.linear.scatter [tilespmem:s1], [sflag:$0xF], $0x2000, $0x38;
	[tilespmem:$0x15C00] =	vst v63  }
0xa5: {  	_ =	swait.ge [sflag:s5], $0x2000  }
0xa6: {  	s21 =	rddreg [dreg:$0x8];
	[sflag:s5] =	ssyncset.done $0x0  }
0xa7: {  	[sflag:s5] =	ssyncadd.s32 $0xFFFFE000;
	s29 =	sadd.s32 s24, s21;
	s21 =	simm.s32 $0xBC00  }
0xa8: {  	[hbm4b:s29+s4] =	stream.linear.scatter [tilespmem:s21], [sflag:$0x10], $0x2000, $0x38;
	[tilespmem:$0x15C00] =	vst v63  }
0xa9: {  	_ =	swait.ge [sflag:s7], $0x2000  }
0xaa: {  	s25 =	rddreg [dreg:$0x7];
	[sflag:s7] =	ssyncset.done $0x0  }
0xab: {  	[sflag:s7] =	ssyncadd.s32 $0xFFFFE000;
	s29 =	sadd.s32 s24, s25;
	s25 =	simm.s32 $0xDC00  }
0xac: {  	[hbm4b:s29+s4] =	stream.linear.scatter [tilespmem:s25], [sflag:$0x11], $0x2000, $0x38;
	[tilespmem:$0x15C00] =	vst v63  }
0xad: {  	_ =	swait.ge [sflag:s8], $0x2000  }
0xae: {  	s5 =	rddreg [dreg:$0x6];
	[sflag:s8] =	ssyncset.done $0x0  }
0xaf: {  	[sflag:s8] =	ssyncadd.s32 $0xFFFFE000;
	s29 =	sadd.s32 s24, s5;
	s5 =	simm.s32 $0xFC00  }
0xb0: {  	[hbm4b:s29+s4] =	stream.linear.scatter [tilespmem:s5], [sflag:$0x12], $0x2000, $0x38;
	[tilespmem:$0x15C00] =	vst v63  }
0xb1: {  	_ =	swait.ge [sflag:s9], $0x2000  }
0xb2: {  	s6 =	rddreg [dreg:$0x5];
	[sflag:s9] =	ssyncset.done $0x0  }
0xb3: {  	[sflag:s9] =	ssyncadd.s32 $0xFFFFE000;
	s29 =	sadd.s32 s24, s6;
	s6 =	simm.s32 $0x11C00  }
0xb4: {  	[hbm4b:s29+s4] =	stream.linear.scatter [tilespmem:s6], [sflag:$0x13], $0x2000, $0x38;
	[tilespmem:$0x15C00] =	vst v63  }
0xb5: {  	_ =	swait.ge [sflag:s10], $0x2000  }
0xb6: {  	s29 =	rddreg [dreg:$0x4];
	[sflag:s10] =	ssyncset.done $0x0  }
0xb7: {  	[sflag:s10] =	ssyncadd.s32 $0xFFFFE000;
	s29 =	sadd.s32 s24, s29  }
0xb8: {  	[hbm4b:s29+s4] =	stream.linear.scatter [tilespmem:s0], [sflag:$0x14], $0x2000, $0x38;
	[tilespmem:$0x15C00] =	vst v63  }
0xb9: {  	s26 =	smov.u32 s22;
	_ =	swait.ge [sflag:s11], $0x2000  }
0xba: {  	s26 =	sshra.s32 s26, $0x2;
	[sflag:s11] =	ssyncset.done $0x0  }
0xbb: {  	s29 =	sadd.s32 $0x280, s26;
	[sflag:s11] =	ssyncadd.s32 $0xFFFFE000  }
0xbc: {  	[tilespmem:s31], [sflag:$0x1] =	stream.indirect.gather [hbm4b:s2+s18], $0x80, s29, s18, $0xb8;
	[tilespmem:$0x15C00] =	vst v63  }
0xbd: {  	_ =	swait.ge [sflag:s12], $0x2000  }
0xbe: {  	[sflag:s12] =	ssyncset.done $0x0  }
0xbf: {  	s29 =	sadd.s32 $0x2C0, s26;
	[sflag:s12] =	ssyncadd.s32 $0xFFFFE000  }
0xc0: {  	[tilespmem:s23], [sflag:$0x2] =	stream.indirect.gather [hbm4b:s2+s18], $0x80, s29, s18, $0xb8;
	[tilespmem:$0x15C00] =	vst v63  }
0xc1: {  	_ =	swait.ge [sflag:s13], $0x2000  }
0xc2: {  	[sflag:s13] =	ssyncset.done $0x0  }
0xc3: {  	s29 =	sadd.s32 $0x300, s26;
	[sflag:s13] =	ssyncadd.s32 $0xFFFFE000  }
0xc4: {  	[tilespmem:s28], [sflag:$0x3] =	stream.indirect.gather [hbm4b:s2+s18], $0x80, s29, s18, $0xb8;
	[tilespmem:$0x15C00] =	vst v63  }
0xc5: {  	_ =	swait.ge [sflag:s14], $0x2000  }
0xc6: {  	[sflag:s14] =	ssyncset.done $0x0  }
0xc7: {  	s29 =	sadd.s32 $0x340, s26;
	[sflag:s14] =	ssyncadd.s32 $0xFFFFE000  }
0xc8: {  	[tilespmem:s30], [sflag:$0x4] =	stream.indirect.gather [hbm4b:s2+s18], $0x80, s29, s18, $0xb8;
	[tilespmem:$0x15C00] =	vst v63  }
0xc9: {  	_ =	swait.ge [sflag:s15], $0x2000  }
0xca: {  	[sflag:s15] =	ssyncset.done $0x0  }
0xcb: {  	s29 =	sadd.s32 $0x380, s26;
	[sflag:s15] =	ssyncadd.s32 $0xFFFFE000  }
0xcc: {  	[tilespmem:s1], [sflag:$0x5] =	stream.indirect.gather [hbm4b:s2+s18], $0x80, s29, s18, $0xb8;
	[tilespmem:$0x15C00] =	vst v63  }
0xcd: {  	_ =	swait.ge [sflag:s16], $0x2000  }
0xce: {  	[sflag:s16] =	ssyncset.done $0x0  }
0xcf: {  	s29 =	sadd.s32 $0x3C0, s26;
	[sflag:s16] =	ssyncadd.s32 $0xFFFFE000  }
0xd0: {  	[tilespmem:s21], [sflag:$0x6] =	stream.indirect.gather [hbm4b:s2+s18], $0x80, s29, s18, $0xb8;
	[tilespmem:$0x15C00] =	vst v63  }
0xd1: {  	_ =	swait.ge [sflag:s17], $0x2000  }
0xd2: {  	[sflag:s17] =	ssyncset.done $0x0  }
0xd3: {  	s29 =	sadd.s32 $0x400, s26;
	[sflag:s17] =	ssyncadd.s32 $0xFFFFE000  }
0xd4: {  	[tilespmem:s25], [sflag:$0x7] =	stream.indirect.gather [hbm4b:s2+s18], $0x80, s29, s18, $0xb8;
	[tilespmem:$0x15C00] =	vst v63  }
0xd5: {  	_ =	swait.ge [sflag:s3], $0x2000  }
0xd6: {  	p0 =	sne.s32 s22, $0x5000;
	s22 =	sadd.s32 $0xA00, s22;
	[sflag:s3] =	ssyncset.done $0x0  }
0xd7: {  	s24 =	sadd.s32 $0x50000, s24;
	s29 =	sadd.s32 $0x440, s26;
	[sflag:s3] =	ssyncadd.s32 $0xFFFFE000  }
0xd8: {  	[tilespmem:s5], [sflag:$0x8] =	stream.indirect.gather [hbm4b:s2+s18], $0x80, s29, s18, $0xb8;
	[tilespmem:$0x15C00] =	vst v63  }
0xd9: {  	s0 =	simm.s32 $0x1C00;
	s31 =	simm.s32 $0x3C00;
	_ =	swait.ge [sflag:s19], $0x2000  }
0xda: {  	s23 =	simm.s32 $0x5C00;
	s28 =	simm.s32 $0x7C00;
	[sflag:s19] =	ssyncset.done $0x0  }
.Ltmp0:
0xdb: {  	s29 =	sadd.s32 $0x480, s26;
	[sflag:s19] =	ssyncadd.s32 $0xFFFFE000;
	(pc) =	sbr.rel @p0 .LBB2_2-.Ltmp0, $4  }
0xdc: {  	[tilespmem:s6], [sflag:$0x9] =	stream.indirect.gather [hbm4b:s2+s18], $0x80, s29, s18, $0xb8;
	[tilespmem:$0x15C00] =	vst v63  }
0xdd: {  	s30 =	simm.s32 $0x9C00;
	s1 =	simm.s32 $0xBC00;
	_ =	swait.ge [sflag:s20], $0x2000  }
0xde: {  	s21 =	simm.s32 $0xDC00;
	s25 =	simm.s32 $0xFC00;
	[sflag:s20] =	ssyncset.done $0x0  }
0xdf: {  	s5 =	simm.s32 $0x11C00;
	s26 =	sadd.s32 $0x4C0, s26;
	[sflag:s20] =	ssyncadd.s32 $0xFFFFE000  }
0xe0: {  	s6 =	simm.s32 $0x13C00;
	s22 =	simm.s32 $0x1  }
0xe1: {  	[tilespmem:s6], [sflag:$0xA] =	stream.indirect.gather [hbm4b:s2+s18], $0x80, s26, s18, $0xb8;
	[tilespmem:$0x15C00] =	vst v63  }
0xe2: {  	_ =	swait.ge [sflag:s22], $0x2000  }
0xe3: {  	[sflag:s22] =	ssyncset.done $0x0  }
0xe4: {  	s29 =	simm.s32 $0x2;
	s26 =	rddreg [dreg:$0xf];
	[sflag:s22] =	ssyncadd.s32 $0xFFFFE000  }
0xe5: {  	[hbm4b:s26+s4] =	stream.linear.scatter [tilespmem:s0], [sflag:$0xB], $0x2000, $0x38;
	[tilespmem:$0x15C00] =	vst v63  }
0xe6: {  	_ =	swait.ge [sflag:s29], $0x2000  }
0xe7: {  	[sflag:s29] =	ssyncset.done $0x0  }
0xe8: {  	s22 =	simm.s32 $0x3;
	s0 =	rddreg [dreg:$0x10];
	[sflag:s29] =	ssyncadd.s32 $0xFFFFE000  }
0xe9: {  	[hbm4b:s0+s4] =	stream.linear.scatter [tilespmem:s31], [sflag:$0xC], $0x2000, $0x38;
	[tilespmem:$0x15C00] =	vst v63  }
0xea: {  	_ =	swait.ge [sflag:s22], $0x2000  }
0xeb: {  	[sflag:s22] =	ssyncset.done $0x0  }
0xec: {  	s26 =	simm.s32 $0x4;
	s24 =	rddreg [dreg:$0x11];
	[sflag:s22] =	ssyncadd.s32 $0xFFFFE000  }
0xed: {  	[hbm4b:s24+s4] =	stream.linear.scatter [tilespmem:s23], [sflag:$0xD], $0x2000, $0x38;
	[tilespmem:$0x15C00] =	vst v63  }
0xee: {  	_ =	swait.ge [sflag:s26], $0x2000  }
0xef: {  	[sflag:s26] =	ssyncset.done $0x0  }
0xf0: {  	s31 =	simm.s32 $0x5;
	s29 =	rddreg [dreg:$0x12];
	[sflag:s26] =	ssyncadd.s32 $0xFFFFE000  }
0xf1: {  	[hbm4b:s29+s4] =	stream.linear.scatter [tilespmem:s28], [sflag:$0xE], $0x2000, $0x38;
	[tilespmem:$0x15C00] =	vst v63  }
0xf2: {  	_ =	swait.ge [sflag:s31], $0x2000  }
0xf3: {  	[sflag:s31] =	ssyncset.done $0x0  }
0xf4: {  	s22 =	simm.s32 $0x6;
	s0 =	rddreg [dreg:$0x13];
	[sflag:s31] =	ssyncadd.s32 $0xFFFFE000  }
0xf5: {  	[hbm4b:s0+s4] =	stream.linear.scatter [tilespmem:s30], [sflag:$0xF], $0x2000, $0x38;
	[tilespmem:$0x15C00] =	vst v63  }
0xf6: {  	_ =	swait.ge [sflag:s22], $0x2000  }
0xf7: {  	[sflag:s22] =	ssyncset.done $0x0  }
0xf8: {  	s23 =	rddreg [dreg:$0x14];
	[sflag:s22] =	ssyncadd.s32 $0xFFFFE000  }
0xf9: {  	[hbm4b:s23+s4] =	stream.linear.scatter [tilespmem:s1], [sflag:$0x10], $0x2000, $0x38;
	[tilespmem:$0x15C00] =	vst v63  }
0xfa: {  	_ =	swait.ge [sflag:s7], $0x2000  }
0xfb: {  	[sflag:s7] =	ssyncset.done $0x0  }
0xfc: {  	s24 =	rddreg [dreg:$0x15];
	[sflag:s7] =	ssyncadd.s32 $0xFFFFE000  }
0xfd: {  	[hbm4b:s24+s4] =	stream.linear.scatter [tilespmem:s21], [sflag:$0x11], $0x2000, $0x38;
	[tilespmem:$0x15C00] =	vst v63  }
0xfe: {  	_ =	swait.ge [sflag:s8], $0x2000  }
0xff: {  	[sflag:s8] =	ssyncset.done $0x0  }
0x100: {  	s26 =	rddreg [dreg:$0x16];
	[sflag:s8] =	ssyncadd.s32 $0xFFFFE000  }
0x101: {  	[hbm4b:s26+s4] =	stream.linear.scatter [tilespmem:s25], [sflag:$0x12], $0x2000, $0x38;
	[tilespmem:$0x15C00] =	vst v63  }
0x102: {  	_ =	swait.ge [sflag:s9], $0x2000  }
0x103: {  	[sflag:s9] =	ssyncset.done $0x0  }
0x104: {  	s28 =	rddreg [dreg:$0x17];
	[sflag:s9] =	ssyncadd.s32 $0xFFFFE000  }
0x105: {  	[hbm4b:s28+s4] =	stream.linear.scatter [tilespmem:s5], [sflag:$0x13], $0x2000, $0x38;
	[tilespmem:$0x15C00] =	vst v63  }
0x106: {  	_ =	swait.ge [sflag:s10], $0x2000  }
0x107: {  	[sflag:s10] =	ssyncset.done $0x0  }
0x108: {  	s29 =	rddreg [dreg:$0x18];
	[sflag:s10] =	ssyncadd.s32 $0xFFFFE000  }
0x109: {  	[hbm4b:s29+s4] =	stream.linear.scatter [tilespmem:s6], [sflag:$0x14], $0x2000, $0x38;
	[tilespmem:$0x15C00] =	vst v63  }
0x10a: {  	_ =	swait.ge [sflag:s11], $0x2000  }
0x10b: {  	[sflag:s11] =	ssyncset.done $0x0  }
0x10c: {  	[sflag:s11] =	ssyncadd.s32 $0xFFFFE000  }
0x10d: {  	_ =	swait.ge [sflag:s12], $0x2000  }
0x10e: {  	[sflag:s12] =	ssyncset.done $0x0  }
0x10f: {  	[sflag:s12] =	ssyncadd.s32 $0xFFFFE000  }
0x110: {  	_ =	swait.ge [sflag:s13], $0x2000  }
0x111: {  	[sflag:s13] =	ssyncset.done $0x0  }
0x112: {  	[sflag:s13] =	ssyncadd.s32 $0xFFFFE000  }
0x113: {  	_ =	swait.ge [sflag:s14], $0x2000  }
0x114: {  	[sflag:s14] =	ssyncset.done $0x0  }
0x115: {  	[sflag:s14] =	ssyncadd.s32 $0xFFFFE000  }
0x116: {  	_ =	swait.ge [sflag:s15], $0x2000  }
0x117: {  	[sflag:s15] =	ssyncset.done $0x0  }
0x118: {  	[sflag:s15] =	ssyncadd.s32 $0xFFFFE000  }
0x119: {  	_ =	swait.ge [sflag:s16], $0x2000  }
0x11a: {  	[sflag:s16] =	ssyncset.done $0x0  }
0x11b: {  	[sflag:s16] =	ssyncadd.s32 $0xFFFFE000  }
0x11c: {  	_ =	swait.ge [sflag:s17], $0x2000  }
0x11d: {  	[sflag:s17] =	ssyncset.done $0x0  }
0x11e: {  	[sflag:s17] =	ssyncadd.s32 $0xFFFFE000  }
0x11f: {  	_ =	swait.ge [sflag:s3], $0x2000  }
0x120: {  	[sflag:s3] =	ssyncset.done $0x0  }
0x121: {  	[sflag:s3] =	ssyncadd.s32 $0xFFFFE000  }
0x122: {  	_ =	swait.ge [sflag:s19], $0x2000  }
0x123: {  	[sflag:s19] =	ssyncset.done $0x0  }
0x124: {  	[sflag:s19] =	ssyncadd.s32 $0xFFFFE000  }
0x125: {  	_ =	swait.ge [sflag:s20], $0x2000  }
0x126: {  	s30 =	rddreg [dreg:$0x1a]  }
0x127: {  	s31 =	rddreg [dreg:$0x19];
	s0 =	sadd.s32 $0x1, s30  }
0x128: {  	p0 =	sne.s32 s0, s31  }
.Ltmp1:
0x129: {  	_ = 	snop;
	(pc) =	sbr.rel @p0 .LBB2_1-.Ltmp1, $3  }
0x12a: {  	_ =	sdelay $0x1  }
0x12b: {  	[sflag:s20] =	ssyncset.done $0x0  }
0x12c: {  	[sflag:s20] =	ssyncadd.s32 $0xFFFFE000  }
0x12d: {  	_ =	sfence.sel $0x180000  }
0x12e: {  	[bflag:$0x0] =	sbarrier.arrive $0xFFFF  }
0x12f: {  	_ =	strace $0x90000047  }
0x130: {  	s0 =	stileid.u32;
	[bflag:$0x2] =	sbarrier.arrive $0xFFFF  }
0x131: {  	p0 =	sne.s32 s0, $0x0;
	s0 =	rddreg [dreg:$0x3]  }
0x132: {  	s0 =	sadd.s32 @!p0 $0x100000, s0  }
0x133: {  	[sflag:s0] =	ssyncadd.tile.s32 @!p0 $0x1;
	_ =	shalt  }
.Lfunc_end2:
_tile_overlayer_lowered:
.L_overlay_start_2:
0x134: {  	(tag) =	ssettag $0x2  }
0x135: {  	s0 =	rddreg [dreg:$0x0];
	s2 =	stileid.u32  }
0x136: {  	s1 =	rddreg [dreg:$0x1];
	p0 =	sne.s32 s2, $0x0  }
0x137: {  	s3 =	rddreg [dreg:$0x2];
	[bflag:$0x3] =	sbarrier.arrive $0xFFFF;
	s2 =	simm.s32 @!p0 $0x1C15  }
0x138: {  	[timem:s3], [sflag:s2] =	dma.local @!p0 [hbm:s0], s1  }
0x139: {  	s0 =	simm.s32 @!p0 $0x15  }
0x13a: {  	_ =	swait.ge @!p0 [sflag:s0], s1  }
0x13b: {  	s1 =	ssub.s32 @!p0 $0x0, s1;
	[sflag:s0] =	ssyncset.done @!p0 $0x0  }
0x13c: {  	[sflag:s0] =	ssyncadd.s32 @!p0 s1  }
0x13d: {  	[bflag:$0x3] =	sbarrier.arrive $0xFFFF  }
0x13e: {  	_ =	shalt  }

</sc_bundles>
